<compile_context>
chip_gen: v7x
topology: tpu7x:2x2x1
jax: 0.10.2.dev20260603
libtpu: 0.0.44.dev20260713+nightly
codegen_flags: <defaults>
</compile_context>

<pallas_src>
import functools

import jax
import jax.numpy as jnp
from jax import lax
from jax.experimental import pallas as pl
from jax.experimental.pallas import tpu as pltpu
from jax.experimental.pallas import tpu_sc as plsc

MAX_SEQ_LEN = 20480
D = 1024
MAX_LEN = 2048
B = 4

_INFO = plsc.get_sparse_core_info()
NC = _INFO.num_cores
NS = _INFO.num_subcores
L = _INFO.num_lanes
NW = NC * NS

ROWS = B * MAX_LEN
RPT = ROWS // NW
TPB = MAX_LEN // RPT
CH = 32
NCH = RPT // CH
NBUF = 3
ZR = 8


def _pe_body(len_hbm, tabs_hbm, table_hbm, out_hbm, len_v, idx_v,
             buf0, buf1, buf2, zbuf, gsem0, gsem1, gsem2, psem0, psem1, psem2,
             zsem):
    wid = lax.axis_index("s") * NC + lax.axis_index("c")
    b = wid // TPB
    pos0 = (wid % TPB) * RPT

    pltpu.sync_copy(len_hbm.at[b], len_v)
    lenb = len_v[...]

    zv = jnp.zeros((L,), jnp.float32)
    for r in range(ZR):
        for k in range(D // L):
            zbuf[r, pl.ds(k * L, L)] = zv

    full = []
    empty = []
    bnd = []
    for c in range(NCH):
        s = pos0 + c * CH
        f = jnp.all(lenb >= s + CH)
        e = jnp.all(lenb <= s)
        full.append(f)
        empty.append(e)
        bnd.append(jnp.logical_not(f) & jnp.logical_not(e))

    lane = lax.iota(jnp.int32, L)
    for c in range(NCH):
        for i in range(CH // L):
            vals = lane + (pos0 + c * CH + i * L + 1)
            idx_v[c, pl.ds(i * L, L)] = jnp.where(vals <= lenb, vals, 0)

    bufs = (buf0, buf1, buf2)
    gsems = (gsem0, gsem1, gsem2)
    psems = (psem0, psem1, psem2)

    def lin_fill(c):
        return pltpu.make_async_copy(
            tabs_hbm.at[pl.ds(pos0 + c * CH, CH)], bufs[c % NBUF],
            gsems[c % NBUF])

    def ind_fill(c):
        return pltpu.make_async_copy(
            table_hbm.at[idx_v.at[c]], bufs[c % NBUF], gsems[c % NBUF])

    def put_data(c):
        return pltpu.make_async_copy(
            bufs[c % NBUF], out_hbm.at[b, pl.ds(pos0 + c * CH, CH)],
            psems[c % NBUF])

    def put_zero(c, h):
        return pltpu.make_async_copy(
            zbuf, out_hbm.at[b, pl.ds(pos0 + c * CH + h * ZR, ZR)], zsem)

    def fill(c):
        @pl.when(full[c])
        def _():
            lin_fill(c).start()

        @pl.when(bnd[c])
        def _():
            ind_fill(c).start()

    def wait_fill(c):
        @pl.when(jnp.logical_not(empty[c]))
        def _():
            lin_fill(c).wait()

    def put(c):
        @pl.when(jnp.logical_not(empty[c]))
        def _():
            put_data(c).start()

        @pl.when(empty[c])
        def _():
            for h in range(CH // ZR):
                put_zero(c, h).start()

    def wait_put(c):
        @pl.when(jnp.logical_not(empty[c]))
        def _():
            put_data(c).wait()

    fill(0)
    fill(1)
    for c in range(NCH):
        if c + 2 < NCH:
            if c >= 1:
                wait_put(c - 1)
            fill(c + 2)
        wait_fill(c)
        put(c)
    wait_put(NCH - 3)
    wait_put(NCH - 2)
    wait_put(NCH - 1)
    for c in range(NCH):
        @pl.when(empty[c])
        def _():
            for h in range(CH // ZR):
                put_zero(c, h).wait()


def kernel(input_len, pos_enc):
    len_bcast = jnp.broadcast_to(input_len.astype(jnp.int32)[:, None], (B, L))
    tab_shift = lax.slice(pos_enc, (1, 0), (MAX_LEN + 1, D))
    mesh = plsc.VectorSubcoreMesh(core_axis_name="c", subcore_axis_name="s")
    run = functools.partial(
        pl.kernel,
        mesh=mesh,
        out_type=jax.ShapeDtypeStruct((B, MAX_LEN, D), jnp.float32),
        compiler_params=pltpu.CompilerParams(needs_layout_passes=False),
        scratch_types=[
            pltpu.VMEM((L,), jnp.int32),
            pltpu.VMEM((NCH, CH), jnp.int32),
            pltpu.VMEM((CH, D), jnp.float32),
            pltpu.VMEM((CH, D), jnp.float32),
            pltpu.VMEM((CH, D), jnp.float32),
            pltpu.VMEM((ZR, D), jnp.float32),
            pltpu.SemaphoreType.DMA,
            pltpu.SemaphoreType.DMA,
            pltpu.SemaphoreType.DMA,
            pltpu.SemaphoreType.DMA,
            pltpu.SemaphoreType.DMA,
            pltpu.SemaphoreType.DMA,
            pltpu.SemaphoreType.DMA,
        ],
    )(_pe_body)
    return run(len_bcast, tab_shift, pos_enc)

# --- scband reference (transcript-rebuilt; emitter-appended) ---
"""Pipeline reference for scband-pos-encoding-45999099740325 (READ-ONLY COPY).

The authoritative reference and input builder live on the scoring server;
editing this copy changes nothing except your own understanding.
"""

import jax, jax.numpy as jnp
import numpy as np

MAX_SEQ_LEN = 20480
D = 1024
MAX_LEN = MAX_SEQ_LEN // 10  # 2048
B = 4


def _build_table():
    pos = np.arange(MAX_SEQ_LEN, dtype=np.float64)[:, None]
    j = np.arange(D, dtype=np.float64)[None, :]
    pos_enc = pos / np.power(10000.0, 2.0 * np.floor(j / 2.0) / D)
    pos_enc[:, 0::2] = np.sin(pos_enc[:, 0::2])
    pos_enc[:, 1::2] = np.cos(pos_enc[:, 1::2])
    pad_row = np.zeros([1, D])
    pos_enc = np.concatenate([pad_row, pos_enc], axis=0).astype(np.float32)
    return jnp.asarray(pos_enc)  # [MAX_SEQ_LEN + 1, D]


def setup_inputs(seed: int = 0) -> dict:
    key = jax.random.key(seed)
    k1, _ = jax.random.split(key)
    input_len = jax.random.randint(k1, (B,), 0, 2048, dtype=jnp.int32)
    pos_enc = _build_table()
    return {"input_len": input_len, "pos_enc": pos_enc}


def reference(input_len, pos_enc):
    # Vectorized faithful translation of the per-sample loop:
    # positions 1..l followed by zero padding up to MAX_LEN, then table gather.
    pos = jnp.arange(1, MAX_LEN + 1, dtype=jnp.int32)  # [MAX_LEN]
    input_pos = jnp.where(pos[None, :] <= input_len[:, None], pos[None, :], 0)  # [B, MAX_LEN]
    out = jnp.take(pos_enc, input_pos, axis=0)  # [B, MAX_LEN, D]
    return out

if __name__ == "__main__":
    import jax
    _d = setup_inputs()
    print(jax.jit(kernel)(*tuple(_d.values())))

</pallas_src>

<mosaic_0001>
#map = affine_map<(d0, d1) -> (0, 0)>
#map1 = affine_map<(d0, d1) -> (0, 0, 0)>
module attributes {stable_mosaic.version = 14 : i64} {
  func.func @_pe_body(%arg0: i32, %arg1: i32, %arg2: memref<4x16xi32, #tpu.memory_space<hbm>>, %arg3: memref<2048x1024xf32, #tpu.memory_space<hbm>>, %arg4: memref<20481x1024xf32, #tpu.memory_space<hbm>>, %arg5: memref<4x2048x1024xf32, #tpu.memory_space<hbm>>, %arg6: memref<16xi32, #tpu.memory_space<vmem>>, %arg7: memref<8x32xi32, #tpu.memory_space<vmem>>, %arg8: memref<32x1024xf32, #tpu.memory_space<vmem>>, %arg9: memref<32x1024xf32, #tpu.memory_space<vmem>>, %arg10: memref<32x1024xf32, #tpu.memory_space<vmem>>, %arg11: memref<8x1024xf32, #tpu.memory_space<vmem>>, %arg12: memref<!tpu.dma_semaphore, #tpu.memory_space<semaphore_mem>>, %arg13: memref<!tpu.dma_semaphore, #tpu.memory_space<semaphore_mem>>, %arg14: memref<!tpu.dma_semaphore, #tpu.memory_space<semaphore_mem>>, %arg15: memref<!tpu.dma_semaphore, #tpu.memory_space<semaphore_mem>>, %arg16: memref<!tpu.dma_semaphore, #tpu.memory_space<semaphore_mem>>, %arg17: memref<!tpu.dma_semaphore, #tpu.memory_space<semaphore_mem>>, %arg18: memref<!tpu.dma_semaphore, #tpu.memory_space<semaphore_mem>>) attributes {dimension_semantics = [#tpu.dimension_semantics<core_parallel>, #tpu.dimension_semantics<subcore_parallel>], iteration_bounds = array<i64: 2, 16>, scalar_prefetch = 0 : i64, scratch_operands = 13 : i64, tpu.core_type = #tpu.core_type<sc_vector_subcore>, window_params = [{transform_indices = #map}, {transform_indices = #map}, {transform_indices = #map}, {transform_indices = #map1}]} {
    %mul3A = arith.constant 2 : i32
    %mul3A_0 = arith.muli %arg1, %mul3A : i32
    %add3A = arith.addi %mul3A_0, %arg0 : i32
    %jit3A = arith.constant 8 : i32
    %div3A = arith.divsi %add3A, %jit3A : i32
    %sign3A = arith.constant 0 : i32
    %sign3A_1 = arith.cmpi sgt, %add3A, %sign3A : i32
    %sign3A_2 = arith.extui %sign3A_1 : i1 to i32
    %sign3A_3 = arith.constant 0 : i32
    %sign3A_4 = arith.cmpi slt, %add3A, %sign3A_3 : i32
    %sign3A_5 = arith.extui %sign3A_4 : i1 to i32
    %sign3A_6 = arith.subi %sign3A_2, %sign3A_5 : i32
    %sign3A_7 = arith.constant 0 : i32
    %sign3A_8 = arith.cmpi sgt, %jit3A, %sign3A_7 : i32
    %sign3A_9 = arith.extui %sign3A_8 : i1 to i32
    %sign3A_10 = arith.constant 0 : i32
    %sign3A_11 = arith.cmpi slt, %jit3A, %sign3A_10 : i32
    %sign3A_12 = arith.extui %sign3A_11 : i1 to i32
    %sign3A_13 = arith.subi %sign3A_9, %sign3A_12 : i32
    %ne3A = arith.cmpi ne, %sign3A_6, %sign3A_13 : i32
    %rem3A = arith.remsi %add3A, %jit3A : i32
    %ne3A_14 = arith.constant 0 : i32
    %ne3A_15 = arith.cmpi ne, %rem3A, %ne3A_14 : i32
    %and3A = arith.andi %ne3A, %ne3A_15 : i1
    %sub3A = arith.constant 1 : i32
    %sub3A_16 = arith.subi %div3A, %sub3A : i32
    %select_n3A = arith.select %and3A, %sub3A_16, %div3A : i32
    %jit3A_17 = arith.constant 8 : i32
    %eq3A = arith.constant 0 : i32
    %eq3A_18 = arith.cmpi eq, %jit3A_17, %eq3A : i32
    %jit3A_19 = arith.constant 1 : i32
    %select_n3A_20 = arith.select %eq3A_18, %jit3A_19, %jit3A_17 : i32
    %rem3A_21 = arith.remsi %add3A, %select_n3A_20 : i32
    %ne3A_22 = arith.constant 0 : i32
    %ne3A_23 = arith.cmpi ne, %rem3A_21, %ne3A_22 : i32
    %lt3A = arith.constant 0 : i32
    %lt3A_24 = arith.cmpi slt, %rem3A_21, %lt3A : i32
    %lt3A_25 = arith.constant 0 : i32
    %lt3A_26 = arith.cmpi slt, %select_n3A_20, %lt3A_25 : i32
    %ne3A_27 = arith.xori %lt3A_24, %lt3A_26 : i1
    %and3A_28 = arith.andi %ne3A_27, %ne3A_23 : i1
    %add3A_29 = arith.addi %rem3A_21, %select_n3A_20 : i32
    %select_n3A_30 = arith.select %and3A_28, %add3A_29, %rem3A_21 : i32
    %mul3A_31 = arith.constant 256 : i32
    %mul3A_32 = arith.muli %select_n3A_30, %mul3A_31 : i32
    "tpu.region"() ({
      %run_scoped3A = tpu.sem_alloc : memref<!tpu.dma_semaphore, #tpu.memory_space<semaphore_mem>>
      %dma_start3A = arith.constant 0 : i32
      %dma_start3A_2828 = tpu.memref_slice %arg2[%select_n3A, %dma_start3A] : memref<4x16xi32, #tpu.memory_space<hbm>> -> memref<1x16xi32, #tpu.memory_space<hbm>>
      %dma_start3A_2829 = tpu.memref_squeeze %dma_start3A_2828 : memref<1x16xi32, #tpu.memory_space<hbm>> -> memref<16xi32, #tpu.memory_space<hbm>>
      %dma_start3A_2830 = arith.constant 0 : i32
      %dma_start3A_2831 = tpu.memref_slice %arg2[%select_n3A, %dma_start3A_2830] : memref<4x16xi32, #tpu.memory_space<hbm>> -> memref<1x16xi32, #tpu.memory_space<hbm>>
      %dma_start3A_2832 = tpu.memref_squeeze %dma_start3A_2831 : memref<1x16xi32, #tpu.memory_space<hbm>> -> memref<16xi32, #tpu.memory_space<hbm>>
      tpu.enqueue_dma source(%dma_start3A_2832 : memref<16xi32, #tpu.memory_space<hbm>>) target(%arg6 : memref<16xi32, #tpu.memory_space<vmem>>) target_semaphore(%run_scoped3A : memref<!tpu.dma_semaphore, #tpu.memory_space<semaphore_mem>>)
      %dma_wait3A = arith.constant 0 : i32
      %dma_wait3A_2833 = tpu.memref_slice %arg2[%select_n3A, %dma_wait3A] : memref<4x16xi32, #tpu.memory_space<hbm>> -> memref<1x16xi32, #tpu.memory_space<hbm>>
      %dma_wait3A_2834 = tpu.memref_squeeze %dma_wait3A_2833 : memref<1x16xi32, #tpu.memory_space<hbm>> -> memref<16xi32, #tpu.memory_space<hbm>>
      %dma_wait3A_2835 = arith.constant 0 : i32
      %dma_wait3A_2836 = tpu.memref_slice %arg2[%select_n3A, %dma_wait3A_2835] : memref<4x16xi32, #tpu.memory_space<hbm>> -> memref<1x16xi32, #tpu.memory_space<hbm>>
      %dma_wait3A_2837 = tpu.memref_squeeze %dma_wait3A_2836 : memref<1x16xi32, #tpu.memory_space<hbm>> -> memref<16xi32, #tpu.memory_space<hbm>>
      tpu.wait_dma2 semaphore(%run_scoped3A : memref<!tpu.dma_semaphore, #tpu.memory_space<semaphore_mem>>) src(%dma_wait3A_2837 : memref<16xi32, #tpu.memory_space<hbm>>) dst(%arg6 : memref<16xi32, #tpu.memory_space<vmem>>)
      tpu.yield
    }) : () -> ()
    %get3A = arith.constant 0 : index
    %get3A_33 = tpu.vector_load %arg6[%get3A] {strides = array<i32>} : memref<16xi32, #tpu.memory_space<vmem>>, vector<16xi32>,
    %broadcast_in_dim3A = arith.constant 0.000000e+00 : f32
    %broadcast_in_dim3A_34 = vector.broadcast %broadcast_in_dim3A : f32 to vector<16xf32>
    %swap3A = arith.constant 0 : i32
    %swap3A_35 = arith.index_cast %swap3A : i32 to index
    %swap3A_36 = arith.constant 0 : index
    %swap3A_37 = tpu.vector_load %arg11[%swap3A_35, %swap3A_36] {strides = array<i32>} : memref<8x1024xf32, #tpu.memory_space<vmem>>, vector<16xf32>,
    tpu.vector_store %arg11[%swap3A_35, %swap3A_36], %broadcast_in_dim3A_34 {strides = array<i32>} : memref<8x1024xf32, #tpu.memory_space<vmem>>, vector<16xf32>,
    %swap3A_38 = arith.constant 0 : i32
    %swap3A_39 = arith.index_cast %swap3A_38 : i32 to index
    %swap3A_40 = arith.constant 16 : index
    %swap3A_41 = tpu.vector_load %arg11[%swap3A_39, %swap3A_40] {strides = array<i32>} : memref<8x1024xf32, #tpu.memory_space<vmem>>, vector<16xf32>,
    tpu.vector_store %arg11[%swap3A_39, %swap3A_40], %broadcast_in_dim3A_34 {strides = array<i32>} : memref<8x1024xf32, #tpu.memory_space<vmem>>, vector<16xf32>,
    %swap3A_42 = arith.constant 0 : i32
    %swap3A_43 = arith.index_cast %swap3A_42 : i32 to index
    %swap3A_44 = arith.constant 32 : index
    %swap3A_45 = tpu.vector_load %arg11[%swap3A_43, %swap3A_44] {strides = array<i32>} : memref<8x1024xf32, #tpu.memory_space<vmem>>, vector<16xf32>,
    tpu.vector_store %arg11[%swap3A_43, %swap3A_44], %broadcast_in_dim3A_34 {strides = array<i32>} : memref<8x1024xf32, #tpu.memory_space<vmem>>, vector<16xf32>,
    %swap3A_46 = arith.constant 0 : i32
    %swap3A_47 = arith.index_cast %swap3A_46 : i32 to index
    %swap3A_48 = arith.constant 48 : index
    %swap3A_49 = tpu.vector_load %arg11[%swap3A_47, %swap3A_48] {strides = array<i32>} : memref<8x1024xf32, #tpu.memory_space<vmem>>, vector<16xf32>,
    tpu.vector_store %arg11[%swap3A_47, %swap3A_48], %broadcast_in_dim3A_34 {strides = array<i32>} : memref<8x1024xf32, #tpu.memory_space<vmem>>, vector<16xf32>,
    %swap3A_50 = arith.constant 0 : i32
    %swap3A_51 = arith.index_cast %swap3A_50 : i32 to index
    %swap3A_52 = arith.constant 64 : index
    %swap3A_53 = tpu.vector_load %arg11[%swap3A_51, %swap3A_52] {strides = array<i32>} : memref<8x1024xf32, #tpu.memory_space<vmem>>, vector<16xf32>,
    tpu.vector_store %arg11[%swap3A_51, %swap3A_52], %broadcast_in_dim3A_34 {strides = array<i32>} : memref<8x1024xf32, #tpu.memory_space<vmem>>, vector<16xf32>,
    %swap3A_54 = arith.constant 0 : i32
    %swap3A_55 = arith.index_cast %swap3A_54 : i32 to index
    %swap3A_56 = arith.constant 80 : index
    %swap3A_57 = tpu.vector_load %arg11[%swap3A_55, %swap3A_56] {strides = array<i32>} : memref<8x1024xf32, #tpu.memory_space<vmem>>, vector<16xf32>,
    tpu.vector_store %arg11[%swap3A_55, %swap3A_56], %broadcast_in_dim3A_34 {strides = array<i32>} : memref<8x1024xf32, #tpu.memory_space<vmem>>, vector<16xf32>,
    %swap3A_58 = arith.constant 0 : i32
    %swap3A_59 = arith.index_cast %swap3A_58 : i32 to index
    %swap3A_60 = arith.constant 96 : index
    %swap3A_61 = tpu.vector_load %arg11[%swap3A_59, %swap3A_60] {strides = array<i32>} : memref<8x1024xf32, #tpu.memory_space<vmem>>, vector<16xf32>,
    tpu.vector_store %arg11[%swap3A_59, %swap3A_60], %broadcast_in_dim3A_34 {strides = array<i32>} : memref<8x1024xf32, #tpu.memory_space<vmem>>, vector<16xf32>,
    %swap3A_62 = arith.constant 0 : i32
    %swap3A_63 = arith.index_cast %swap3A_62 : i32 to index
    %swap3A_64 = arith.constant 112 : index
    %swap3A_65 = tpu.vector_load %arg11[%swap3A_63, %swap3A_64] {strides = array<i32>} : memref<8x1024xf32, #tpu.memory_space<vmem>>, vector<16xf32>,
    tpu.vector_store %arg11[%swap3A_63, %swap3A_64], %broadcast_in_dim3A_34 {strides = array<i32>} : memref<8x1024xf32, #tpu.memory_space<vmem>>, vector<16xf32>,
    %swap3A_66 = arith.constant 0 : i32
    %swap3A_67 = arith.index_cast %swap3A_66 : i32 to index
    %swap3A_68 = arith.constant 128 : index
    %swap3A_69 = tpu.vector_load %arg11[%swap3A_67, %swap3A_68] {strides = array<i32>} : memref<8x1024xf32, #tpu.memory_space<vmem>>, vector<16xf32>,
    tpu.vector_store %arg11[%swap3A_67, %swap3A_68], %broadcast_in_dim3A_34 {strides = array<i32>} : memref<8x1024xf32, #tpu.memory_space<vmem>>, vector<16xf32>,
    %swap3A_70 = arith.constant 0 : i32
    %swap3A_71 = arith.index_cast %swap3A_70 : i32 to index
    %swap3A_72 = arith.constant 144 : index
    %swap3A_73 = tpu.vector_load %arg11[%swap3A_71, %swap3A_72] {strides = array<i32>} : memref<8x1024xf32, #tpu.memory_space<vmem>>, vector<16xf32>,
    tpu.vector_store %arg11[%swap3A_71, %swap3A_72], %broadcast_in_dim3A_34 {strides = array<i32>} : memref<8x1024xf32, #tpu.memory_space<vmem>>, vector<16xf32>,
    %swap3A_74 = arith.constant 0 : i32
    %swap3A_75 = arith.index_cast %swap3A_74 : i32 to index
    %swap3A_76 = arith.constant 160 : index
    %swap3A_77 = tpu.vector_load %arg11[%swap3A_75, %swap3A_76] {strides = array<i32>} : memref<8x1024xf32, #tpu.memory_space<vmem>>, vector<16xf32>,
    tpu.vector_store %arg11[%swap3A_75, %swap3A_76], %broadcast_in_dim3A_34 {strides = array<i32>} : memref<8x1024xf32, #tpu.memory_space<vmem>>, vector<16xf32>,
    %swap3A_78 = arith.constant 0 : i32
    %swap3A_79 = arith.index_cast %swap3A_78 : i32 to index
    %swap3A_80 = arith.constant 176 : index
    %swap3A_81 = tpu.vector_load %arg11[%swap3A_79, %swap3A_80] {strides = array<i32>} : memref<8x1024xf32, #tpu.memory_space<vmem>>, vector<16xf32>,
    tpu.vector_store %arg11[%swap3A_79, %swap3A_80], %broadcast_in_dim3A_34 {strides = array<i32>} : memref<8x1024xf32, #tpu.memory_space<vmem>>, vector<16xf32>,
    %swap3A_82 = arith.constant 0 : i32
    %swap3A_83 = arith.index_cast %swap3A_82 : i32 to index
    %swap3A_84 = arith.constant 192 : index
    %swap3A_85 = tpu.vector_load %arg11[%swap3A_83, %swap3A_84] {strides = array<i32>} : memref<8x1024xf32, #tpu.memory_space<vmem>>, vector<16xf32>,
    tpu.vector_store %arg11[%swap3A_83, %swap3A_84], %broadcast_in_dim3A_34 {strides = array<i32>} : memref<8x1024xf32, #tpu.memory_space<vmem>>, vector<16xf32>,
    %swap3A_86 = arith.constant 0 : i32
    %swap3A_87 = arith.index_cast %swap3A_86 : i32 to index
    %swap3A_88 = arith.constant 208 : index
    %swap3A_89 = tpu.vector_load %arg11[%swap3A_87, %swap3A_88] {strides = array<i32>} : memref<8x1024xf32, #tpu.memory_space<vmem>>, vector<16xf32>,
    tpu.vector_store %arg11[%swap3A_87, %swap3A_88], %broadcast_in_dim3A_34 {strides = array<i32>} : memref<8x1024xf32, #tpu.memory_space<vmem>>, vector<16xf32>,
    %swap3A_90 = arith.constant 0 : i32
    %swap3A_91 = arith.index_cast %swap3A_90 : i32 to index
    %swap3A_92 = arith.constant 224 : index
    %swap3A_93 = tpu.vector_load %arg11[%swap3A_91, %swap3A_92] {strides = array<i32>} : memref<8x1024xf32, #tpu.memory_space<vmem>>, vector<16xf32>,
    tpu.vector_store %arg11[%swap3A_91, %swap3A_92], %broadcast_in_dim3A_34 {strides = array<i32>} : memref<8x1024xf32, #tpu.memory_space<vmem>>, vector<16xf32>,
    %swap3A_94 = arith.constant 0 : i32
    %swap3A_95 = arith.index_cast %swap3A_94 : i32 to index
    %swap3A_96 = arith.constant 240 : index
    %swap3A_97 = tpu.vector_load %arg11[%swap3A_95, %swap3A_96] {strides = array<i32>} : memref<8x1024xf32, #tpu.memory_space<vmem>>, vector<16xf32>,
    tpu.vector_store %arg11[%swap3A_95, %swap3A_96], %broadcast_in_dim3A_34 {strides = array<i32>} : memref<8x1024xf32, #tpu.memory_space<vmem>>, vector<16xf32>,
    %swap3A_98 = arith.constant 0 : i32
    %swap3A_99 = arith.index_cast %swap3A_98 : i32 to index
    %swap3A_100 = arith.constant 256 : index
    %swap3A_101 = tpu.vector_load %arg11[%swap3A_99, %swap3A_100] {strides = array<i32>} : memref<8x1024xf32, #tpu.memory_space<vmem>>, vector<16xf32>,
    tpu.vector_store %arg11[%swap3A_99, %swap3A_100], %broadcast_in_dim3A_34 {strides = array<i32>} : memref<8x1024xf32, #tpu.memory_space<vmem>>, vector<16xf32>,
    %swap3A_102 = arith.constant 0 : i32
    %swap3A_103 = arith.index_cast %swap3A_102 : i32 to index
    %swap3A_104 = arith.constant 272 : index
    %swap3A_105 = tpu.vector_load %arg11[%swap3A_103, %swap3A_104] {strides = array<i32>} : memref<8x1024xf32, #tpu.memory_space<vmem>>, vector<16xf32>,
    tpu.vector_store %arg11[%swap3A_103, %swap3A_104], %broadcast_in_dim3A_34 {strides = array<i32>} : memref<8x1024xf32, #tpu.memory_space<vmem>>, vector<16xf32>,
    %swap3A_106 = arith.constant 0 : i32
    %swap3A_107 = arith.index_cast %swap3A_106 : i32 to index
    %swap3A_108 = arith.constant 288 : index
    %swap3A_109 = tpu.vector_load %arg11[%swap3A_107, %swap3A_108] {strides = array<i32>} : memref<8x1024xf32, #tpu.memory_space<vmem>>, vector<16xf32>,
    tpu.vector_store %arg11[%swap3A_107, %swap3A_108], %broadcast_in_dim3A_34 {strides = array<i32>} : memref<8x1024xf32, #tpu.memory_space<vmem>>, vector<16xf32>,
    %swap3A_110 = arith.constant 0 : i32
    %swap3A_111 = arith.index_cast %swap3A_110 : i32 to index
    %swap3A_112 = arith.constant 304 : index
    %swap3A_113 = tpu.vector_load %arg11[%swap3A_111, %swap3A_112] {strides = array<i32>} : memref<8x1024xf32, #tpu.memory_space<vmem>>, vector<16xf32>,
    tpu.vector_store %arg11[%swap3A_111, %swap3A_112], %broadcast_in_dim3A_34 {strides = array<i32>} : memref<8x1024xf32, #tpu.memory_space<vmem>>, vector<16xf32>,
    %swap3A_114 = arith.constant 0 : i32
    %swap3A_115 = arith.index_cast %swap3A_114 : i32 to index
    %swap3A_116 = arith.constant 320 : index
    %swap3A_117 = tpu.vector_load %arg11[%swap3A_115, %swap3A_116] {strides = array<i32>} : memref<8x1024xf32, #tpu.memory_space<vmem>>, vector<16xf32>,
    tpu.vector_store %arg11[%swap3A_115, %swap3A_116], %broadcast_in_dim3A_34 {strides = array<i32>} : memref<8x1024xf32, #tpu.memory_space<vmem>>, vector<16xf32>,
    %swap3A_118 = arith.constant 0 : i32
    %swap3A_119 = arith.index_cast %swap3A_118 : i32 to index
    %swap3A_120 = arith.constant 336 : index
    %swap3A_121 = tpu.vector_load %arg11[%swap3A_119, %swap3A_120] {strides = array<i32>} : memref<8x1024xf32, #tpu.memory_space<vmem>>, vector<16xf32>,
    tpu.vector_store %arg11[%swap3A_119, %swap3A_120], %broadcast_in_dim3A_34 {strides = array<i32>} : memref<8x1024xf32, #tpu.memory_space<vmem>>, vector<16xf32>,
    %swap3A_122 = arith.constant 0 : i32
    %swap3A_123 = arith.index_cast %swap3A_122 : i32 to index
    %swap3A_124 = arith.constant 352 : index
    %swap3A_125 = tpu.vector_load %arg11[%swap3A_123, %swap3A_124] {strides = array<i32>} : memref<8x1024xf32, #tpu.memory_space<vmem>>, vector<16xf32>,
    tpu.vector_store %arg11[%swap3A_123, %swap3A_124], %broadcast_in_dim3A_34 {strides = array<i32>} : memref<8x1024xf32, #tpu.memory_space<vmem>>, vector<16xf32>,
    %swap3A_126 = arith.constant 0 : i32
    %swap3A_127 = arith.index_cast %swap3A_126 : i32 to index
    %swap3A_128 = arith.constant 368 : index
    %swap3A_129 = tpu.vector_load %arg11[%swap3A_127, %swap3A_128] {strides = array<i32>} : memref<8x1024xf32, #tpu.memory_space<vmem>>, vector<16xf32>,
    tpu.vector_store %arg11[%swap3A_127, %swap3A_128], %broadcast_in_dim3A_34 {strides = array<i32>} : memref<8x1024xf32, #tpu.memory_space<vmem>>, vector<16xf32>,
    %swap3A_130 = arith.constant 0 : i32
    %swap3A_131 = arith.index_cast %swap3A_130 : i32 to index
    %swap3A_132 = arith.constant 384 : index
    %swap3A_133 = tpu.vector_load %arg11[%swap3A_131, %swap3A_132] {strides = array<i32>} : memref<8x1024xf32, #tpu.memory_space<vmem>>, vector<16xf32>,
    tpu.vector_store %arg11[%swap3A_131, %swap3A_132], %broadcast_in_dim3A_34 {strides = array<i32>} : memref<8x1024xf32, #tpu.memory_space<vmem>>, vector<16xf32>,
    %swap3A_134 = arith.constant 0 : i32
    %swap3A_135 = arith.index_cast %swap3A_134 : i32 to index
    %swap3A_136 = arith.constant 400 : index
    %swap3A_137 = tpu.vector_load %arg11[%swap3A_135, %swap3A_136] {strides = array<i32>} : memref<8x1024xf32, #tpu.memory_space<vmem>>, vector<16xf32>,
    tpu.vector_store %arg11[%swap3A_135, %swap3A_136], %broadcast_in_dim3A_34 {strides = array<i32>} : memref<8x1024xf32, #tpu.memory_space<vmem>>, vector<16xf32>,
    %swap3A_138 = arith.constant 0 : i32
    %swap3A_139 = arith.index_cast %swap3A_138 : i32 to index
    %swap3A_140 = arith.constant 416 : index
    %swap3A_141 = tpu.vector_load %arg11[%swap3A_139, %swap3A_140] {strides = array<i32>} : memref<8x1024xf32, #tpu.memory_space<vmem>>, vector<16xf32>,
    tpu.vector_store %arg11[%swap3A_139, %swap3A_140], %broadcast_in_dim3A_34 {strides = array<i32>} : memref<8x1024xf32, #tpu.memory_space<vmem>>, vector<16xf32>,
    %swap3A_142 = arith.constant 0 : i32
    %swap3A_143 = arith.index_cast %swap3A_142 : i32 to index
    %swap3A_144 = arith.constant 432 : index
    %swap3A_145 = tpu.vector_load %arg11[%swap3A_143, %swap3A_144] {strides = array<i32>} : memref<8x1024xf32, #tpu.memory_space<vmem>>, vector<16xf32>,
    tpu.vector_store %arg11[%swap3A_143, %swap3A_144], %broadcast_in_dim3A_34 {strides = array<i32>} : memref<8x1024xf32, #tpu.memory_space<vmem>>, vector<16xf32>,
    %swap3A_146 = arith.constant 0 : i32
    %swap3A_147 = arith.index_cast %swap3A_146 : i32 to index
    %swap3A_148 = arith.constant 448 : index
    %swap3A_149 = tpu.vector_load %arg11[%swap3A_147, %swap3A_148] {strides = array<i32>} : memref<8x1024xf32, #tpu.memory_space<vmem>>, vector<16xf32>,
    tpu.vector_store %arg11[%swap3A_147, %swap3A_148], %broadcast_in_dim3A_34 {strides = array<i32>} : memref<8x1024xf32, #tpu.memory_space<vmem>>, vector<16xf32>,
    %swap3A_150 = arith.constant 0 : i32
    %swap3A_151 = arith.index_cast %swap3A_150 : i32 to index
    %swap3A_152 = arith.constant 464 : index
    %swap3A_153 = tpu.vector_load %arg11[%swap3A_151, %swap3A_152] {strides = array<i32>} : memref<8x1024xf32, #tpu.memory_space<vmem>>, vector<16xf32>,
    tpu.vector_store %arg11[%swap3A_151, %swap3A_152], %broadcast_in_dim3A_34 {strides = array<i32>} : memref<8x1024xf32, #tpu.memory_space<vmem>>, vector<16xf32>,
    %swap3A_154 = arith.constant 0 : i32
    %swap3A_155 = arith.index_cast %swap3A_154 : i32 to index
    %swap3A_156 = arith.constant 480 : index
    %swap3A_157 = tpu.vector_load %arg11[%swap3A_155, %swap3A_156] {strides = array<i32>} : memref<8x1024xf32, #tpu.memory_space<vmem>>, vector<16xf32>,
    tpu.vector_store %arg11[%swap3A_155, %swap3A_156], %broadcast_in_dim3A_34 {strides = array<i32>} : memref<8x1024xf32, #tpu.memory_space<vmem>>, vector<16xf32>,
    %swap3A_158 = arith.constant 0 : i32
    %swap3A_159 = arith.index_cast %swap3A_158 : i32 to index
    %swap3A_160 = arith.constant 496 : index
    %swap3A_161 = tpu.vector_load %arg11[%swap3A_159, %swap3A_160] {strides = array<i32>} : memref<8x1024xf32, #tpu.memory_space<vmem>>, vector<16xf32>,
    tpu.vector_store %arg11[%swap3A_159, %swap3A_160], %broadcast_in_dim3A_34 {strides = array<i32>} : memref<8x1024xf32, #tpu.memory_space<vmem>>, vector<16xf32>,
    %swap3A_162 = arith.constant 0 : i32
    %swap3A_163 = arith.index_cast %swap3A_162 : i32 to index
    %swap3A_164 = arith.constant 512 : index
    %swap3A_165 = tpu.vector_load %arg11[%swap3A_163, %swap3A_164] {strides = array<i32>} : memref<8x1024xf32, #tpu.memory_space<vmem>>, vector<16xf32>,
    tpu.vector_store %arg11[%swap3A_163, %swap3A_164], %broadcast_in_dim3A_34 {strides = array<i32>} : memref<8x1024xf32, #tpu.memory_space<vmem>>, vector<16xf32>,
    %swap3A_166 = arith.constant 0 : i32
    %swap3A_167 = arith.index_cast %swap3A_166 : i32 to index
    %swap3A_168 = arith.constant 528 : index
    %swap3A_169 = tpu.vector_load %arg11[%swap3A_167, %swap3A_168] {strides = array<i32>} : memref<8x1024xf32, #tpu.memory_space<vmem>>, vector<16xf32>,
    tpu.vector_store %arg11[%swap3A_167, %swap3A_168], %broadcast_in_dim3A_34 {strides = array<i32>} : memref<8x1024xf32, #tpu.memory_space<vmem>>, vector<16xf32>,
    %swap3A_170 = arith.constant 0 : i32
    %swap3A_171 = arith.index_cast %swap3A_170 : i32 to index
    %swap3A_172 = arith.constant 544 : index
    %swap3A_173 = tpu.vector_load %arg11[%swap3A_171, %swap3A_172] {strides = array<i32>} : memref<8x1024xf32, #tpu.memory_space<vmem>>, vector<16xf32>,
    tpu.vector_store %arg11[%swap3A_171, %swap3A_172], %broadcast_in_dim3A_34 {strides = array<i32>} : memref<8x1024xf32, #tpu.memory_space<vmem>>, vector<16xf32>,
    %swap3A_174 = arith.constant 0 : i32
    %swap3A_175 = arith.index_cast %swap3A_174 : i32 to index
    %swap3A_176 = arith.constant 560 : index
    %swap3A_177 = tpu.vector_load %arg11[%swap3A_175, %swap3A_176] {strides = array<i32>} : memref<8x1024xf32, #tpu.memory_space<vmem>>, vector<16xf32>,
    tpu.vector_store %arg11[%swap3A_175, %swap3A_176], %broadcast_in_dim3A_34 {strides = array<i32>} : memref<8x1024xf32, #tpu.memory_space<vmem>>, vector<16xf32>,
    %swap3A_178 = arith.constant 0 : i32
    %swap3A_179 = arith.index_cast %swap3A_178 : i32 to index
    %swap3A_180 = arith.constant 576 : index
    %swap3A_181 = tpu.vector_load %arg11[%swap3A_179, %swap3A_180] {strides = array<i32>} : memref<8x1024xf32, #tpu.memory_space<vmem>>, vector<16xf32>,
    tpu.vector_store %arg11[%swap3A_179, %swap3A_180], %broadcast_in_dim3A_34 {strides = array<i32>} : memref<8x1024xf32, #tpu.memory_space<vmem>>, vector<16xf32>,
    %swap3A_182 = arith.constant 0 : i32
    %swap3A_183 = arith.index_cast %swap3A_182 : i32 to index
    %swap3A_184 = arith.constant 592 : index
    %swap3A_185 = tpu.vector_load %arg11[%swap3A_183, %swap3A_184] {strides = array<i32>} : memref<8x1024xf32, #tpu.memory_space<vmem>>, vector<16xf32>,
    tpu.vector_store %arg11[%swap3A_183, %swap3A_184], %broadcast_in_dim3A_34 {strides = array<i32>} : memref<8x1024xf32, #tpu.memory_space<vmem>>, vector<16xf32>,
    %swap3A_186 = arith.constant 0 : i32
    %swap3A_187 = arith.index_cast %swap3A_186 : i32 to index
    %swap3A_188 = arith.constant 608 : index
    %swap3A_189 = tpu.vector_load %arg11[%swap3A_187, %swap3A_188] {strides = array<i32>} : memref<8x1024xf32, #tpu.memory_space<vmem>>, vector<16xf32>,
    tpu.vector_store %arg11[%swap3A_187, %swap3A_188], %broadcast_in_dim3A_34 {strides = array<i32>} : memref<8x1024xf32, #tpu.memory_space<vmem>>, vector<16xf32>,
    %swap3A_190 = arith.constant 0 : i32
    %swap3A_191 = arith.index_cast %swap3A_190 : i32 to index
    %swap3A_192 = arith.constant 624 : index
    %swap3A_193 = tpu.vector_load %arg11[%swap3A_191, %swap3A_192] {strides = array<i32>} : memref<8x1024xf32, #tpu.memory_space<vmem>>, vector<16xf32>,
    tpu.vector_store %arg11[%swap3A_191, %swap3A_192], %broadcast_in_dim3A_34 {strides = array<i32>} : memref<8x1024xf32, #tpu.memory_space<vmem>>, vector<16xf32>,
    %swap3A_194 = arith.constant 0 : i32
    %swap3A_195 = arith.index_cast %swap3A_194 : i32 to index
    %swap3A_196 = arith.constant 640 : index
    %swap3A_197 = tpu.vector_load %arg11[%swap3A_195, %swap3A_196] {strides = array<i32>} : memref<8x1024xf32, #tpu.memory_space<vmem>>, vector<16xf32>,
    tpu.vector_store %arg11[%swap3A_195, %swap3A_196], %broadcast_in_dim3A_34 {strides = array<i32>} : memref<8x1024xf32, #tpu.memory_space<vmem>>, vector<16xf32>,
    %swap3A_198 = arith.constant 0 : i32
    %swap3A_199 = arith.index_cast %swap3A_198 : i32 to index
    %swap3A_200 = arith.constant 656 : index
    %swap3A_201 = tpu.vector_load %arg11[%swap3A_199, %swap3A_200] {strides = array<i32>} : memref<8x1024xf32, #tpu.memory_space<vmem>>, vector<16xf32>,
    tpu.vector_store %arg11[%swap3A_199, %swap3A_200], %broadcast_in_dim3A_34 {strides = array<i32>} : memref<8x1024xf32, #tpu.memory_space<vmem>>, vector<16xf32>,
    %swap3A_202 = arith.constant 0 : i32
    %swap3A_203 = arith.index_cast %swap3A_202 : i32 to index
    %swap3A_204 = arith.constant 672 : index
    %swap3A_205 = tpu.vector_load %arg11[%swap3A_203, %swap3A_204] {strides = array<i32>} : memref<8x1024xf32, #tpu.memory_space<vmem>>, vector<16xf32>,
    tpu.vector_store %arg11[%swap3A_203, %swap3A_204], %broadcast_in_dim3A_34 {strides = array<i32>} : memref<8x1024xf32, #tpu.memory_space<vmem>>, vector<16xf32>,
    %swap3A_206 = arith.constant 0 : i32
    %swap3A_207 = arith.index_cast %swap3A_206 : i32 to index
    %swap3A_208 = arith.constant 688 : index
    %swap3A_209 = tpu.vector_load %arg11[%swap3A_207, %swap3A_208] {strides = array<i32>} : memref<8x1024xf32, #tpu.memory_space<vmem>>, vector<16xf32>,
    tpu.vector_store %arg11[%swap3A_207, %swap3A_208], %broadcast_in_dim3A_34 {strides = array<i32>} : memref<8x1024xf32, #tpu.memory_space<vmem>>, vector<16xf32>,
    %swap3A_210 = arith.constant 0 : i32
    %swap3A_211 = arith.index_cast %swap3A_210 : i32 to index
    %swap3A_212 = arith.constant 704 : index
    %swap3A_213 = tpu.vector_load %arg11[%swap3A_211, %swap3A_212] {strides = array<i32>} : memref<8x1024xf32, #tpu.memory_space<vmem>>, vector<16xf32>,
    tpu.vector_store %arg11[%swap3A_211, %swap3A_212], %broadcast_in_dim3A_34 {strides = array<i32>} : memref<8x1024xf32, #tpu.memory_space<vmem>>, vector<16xf32>,
    %swap3A_214 = arith.constant 0 : i32
    %swap3A_215 = arith.index_cast %swap3A_214 : i32 to index
    %swap3A_216 = arith.constant 720 : index
    %swap3A_217 = tpu.vector_load %arg11[%swap3A_215, %swap3A_216] {strides = array<i32>} : memref<8x1024xf32, #tpu.memory_space<vmem>>, vector<16xf32>,
    tpu.vector_store %arg11[%swap3A_215, %swap3A_216], %broadcast_in_dim3A_34 {strides = array<i32>} : memref<8x1024xf32, #tpu.memory_space<vmem>>, vector<16xf32>,
    %swap3A_218 = arith.constant 0 : i32
    %swap3A_219 = arith.index_cast %swap3A_218 : i32 to index
    %swap3A_220 = arith.constant 736 : index
    %swap3A_221 = tpu.vector_load %arg11[%swap3A_219, %swap3A_220] {strides = array<i32>} : memref<8x1024xf32, #tpu.memory_space<vmem>>, vector<16xf32>,
    tpu.vector_store %arg11[%swap3A_219, %swap3A_220], %broadcast_in_dim3A_34 {strides = array<i32>} : memref<8x1024xf32, #tpu.memory_space<vmem>>, vector<16xf32>,
    %swap3A_222 = arith.constant 0 : i32
    %swap3A_223 = arith.index_cast %swap3A_222 : i32 to index
    %swap3A_224 = arith.constant 752 : index
    %swap3A_225 = tpu.vector_load %arg11[%swap3A_223, %swap3A_224] {strides = array<i32>} : memref<8x1024xf32, #tpu.memory_space<vmem>>, vector<16xf32>,
    tpu.vector_store %arg11[%swap3A_223, %swap3A_224], %broadcast_in_dim3A_34 {strides = array<i32>} : memref<8x1024xf32, #tpu.memory_space<vmem>>, vector<16xf32>,
    %swap3A_226 = arith.constant 0 : i32
    %swap3A_227 = arith.index_cast %swap3A_226 : i32 to index
    %swap3A_228 = arith.constant 768 : index
    %swap3A_229 = tpu.vector_load %arg11[%swap3A_227, %swap3A_228] {strides = array<i32>} : memref<8x1024xf32, #tpu.memory_space<vmem>>, vector<16xf32>,
    tpu.vector_store %arg11[%swap3A_227, %swap3A_228], %broadcast_in_dim3A_34 {strides = array<i32>} : memref<8x1024xf32, #tpu.memory_space<vmem>>, vector<16xf32>,
    %swap3A_230 = arith.constant 0 : i32
    %swap3A_231 = arith.index_cast %swap3A_230 : i32 to index
    %swap3A_232 = arith.constant 784 : index
    %swap3A_233 = tpu.vector_load %arg11[%swap3A_231, %swap3A_232] {strides = array<i32>} : memref<8x1024xf32, #tpu.memory_space<vmem>>, vector<16xf32>,
    tpu.vector_store %arg11[%swap3A_231, %swap3A_232], %broadcast_in_dim3A_34 {strides = array<i32>} : memref<8x1024xf32, #tpu.memory_space<vmem>>, vector<16xf32>,
    %swap3A_234 = arith.constant 0 : i32
    %swap3A_235 = arith.index_cast %swap3A_234 : i32 to index
    %swap3A_236 = arith.constant 800 : index
    %swap3A_237 = tpu.vector_load %arg11[%swap3A_235, %swap3A_236] {strides = array<i32>} : memref<8x1024xf32, #tpu.memory_space<vmem>>, vector<16xf32>,
    tpu.vector_store %arg11[%swap3A_235, %swap3A_236], %broadcast_in_dim3A_34 {strides = array<i32>} : memref<8x1024xf32, #tpu.memory_space<vmem>>, vector<16xf32>,
    %swap3A_238 = arith.constant 0 : i32
    %swap3A_239 = arith.index_cast %swap3A_238 : i32 to index
    %swap3A_240 = arith.constant 816 : index
    %swap3A_241 = tpu.vector_load %arg11[%swap3A_239, %swap3A_240] {strides = array<i32>} : memref<8x1024xf32, #tpu.memory_space<vmem>>, vector<16xf32>,
    tpu.vector_store %arg11[%swap3A_239, %swap3A_240], %broadcast_in_dim3A_34 {strides = array<i32>} : memref<8x1024xf32, #tpu.memory_space<vmem>>, vector<16xf32>,
    %swap3A_242 = arith.constant 0 : i32
    %swap3A_243 = arith.index_cast %swap3A_242 : i32 to index
    %swap3A_244 = arith.constant 832 : index
    %swap3A_245 = tpu.vector_load %arg11[%swap3A_243, %swap3A_244] {strides = array<i32>} : memref<8x1024xf32, #tpu.memory_space<vmem>>, vector<16xf32>,
    tpu.vector_store %arg11[%swap3A_243, %swap3A_244], %broadcast_in_dim3A_34 {strides = array<i32>} : memref<8x1024xf32, #tpu.memory_space<vmem>>, vector<16xf32>,
    %swap3A_246 = arith.constant 0 : i32
    %swap3A_247 = arith.index_cast %swap3A_246 : i32 to index
    %swap3A_248 = arith.constant 848 : index
    %swap3A_249 = tpu.vector_load %arg11[%swap3A_247, %swap3A_248] {strides = array<i32>} : memref<8x1024xf32, #tpu.memory_space<vmem>>, vector<16xf32>,
    tpu.vector_store %arg11[%swap3A_247, %swap3A_248], %broadcast_in_dim3A_34 {strides = array<i32>} : memref<8x1024xf32, #tpu.memory_space<vmem>>, vector<16xf32>,
    %swap3A_250 = arith.constant 0 : i32
    %swap3A_251 = arith.index_cast %swap3A_250 : i32 to index
    %swap3A_252 = arith.constant 864 : index
    %swap3A_253 = tpu.vector_load %arg11[%swap3A_251, %swap3A_252] {strides = array<i32>} : memref<8x1024xf32, #tpu.memory_space<vmem>>, vector<16xf32>,
    tpu.vector_store %arg11[%swap3A_251, %swap3A_252], %broadcast_in_dim3A_34 {strides = array<i32>} : memref<8x1024xf32, #tpu.memory_space<vmem>>, vector<16xf32>,
    %swap3A_254 = arith.constant 0 : i32
    %swap3A_255 = arith.index_cast %swap3A_254 : i32 to index
    %swap3A_256 = arith.constant 880 : index
    %swap3A_257 = tpu.vector_load %arg11[%swap3A_255, %swap3A_256] {strides = array<i32>} : memref<8x1024xf32, #tpu.memory_space<vmem>>, vector<16xf32>,
    tpu.vector_store %arg11[%swap3A_255, %swap3A_256], %broadcast_in_dim3A_34 {strides = array<i32>} : memref<8x1024xf32, #tpu.memory_space<vmem>>, vector<16xf32>,
    %swap3A_258 = arith.constant 0 : i32
    %swap3A_259 = arith.index_cast %swap3A_258 : i32 to index
    %swap3A_260 = arith.constant 896 : index
    %swap3A_261 = tpu.vector_load %arg11[%swap3A_259, %swap3A_260] {strides = array<i32>} : memref<8x1024xf32, #tpu.memory_space<vmem>>, vector<16xf32>,
    tpu.vector_store %arg11[%swap3A_259, %swap3A_260], %broadcast_in_dim3A_34 {strides = array<i32>} : memref<8x1024xf32, #tpu.memory_space<vmem>>, vector<16xf32>,
    %swap3A_262 = arith.constant 0 : i32
    %swap3A_263 = arith.index_cast %swap3A_262 : i32 to index
    %swap3A_264 = arith.constant 912 : index
    %swap3A_265 = tpu.vector_load %arg11[%swap3A_263, %swap3A_264] {strides = array<i32>} : memref<8x1024xf32, #tpu.memory_space<vmem>>, vector<16xf32>,
    tpu.vector_store %arg11[%swap3A_263, %swap3A_264], %broadcast_in_dim3A_34 {strides = array<i32>} : memref<8x1024xf32, #tpu.memory_space<vmem>>, vector<16xf32>,
    %swap3A_266 = arith.constant 0 : i32
    %swap3A_267 = arith.index_cast %swap3A_266 : i32 to index
    %swap3A_268 = arith.constant 928 : index
    %swap3A_269 = tpu.vector_load %arg11[%swap3A_267, %swap3A_268] {strides = array<i32>} : memref<8x1024xf32, #tpu.memory_space<vmem>>, vector<16xf32>,
    tpu.vector_store %arg11[%swap3A_267, %swap3A_268], %broadcast_in_dim3A_34 {strides = array<i32>} : memref<8x1024xf32, #tpu.memory_space<vmem>>, vector<16xf32>,
    %swap3A_270 = arith.constant 0 : i32
    %swap3A_271 = arith.index_cast %swap3A_270 : i32 to index
    %swap3A_272 = arith.constant 944 : index
    %swap3A_273 = tpu.vector_load %arg11[%swap3A_271, %swap3A_272] {strides = array<i32>} : memref<8x1024xf32, #tpu.memory_space<vmem>>, vector<16xf32>,
    tpu.vector_store %arg11[%swap3A_271, %swap3A_272], %broadcast_in_dim3A_34 {strides = array<i32>} : memref<8x1024xf32, #tpu.memory_space<vmem>>, vector<16xf32>,
    %swap3A_274 = arith.constant 0 : i32
    %swap3A_275 = arith.index_cast %swap3A_274 : i32 to index
    %swap3A_276 = arith.constant 960 : index
    %swap3A_277 = tpu.vector_load %arg11[%swap3A_275, %swap3A_276] {strides = array<i32>} : memref<8x1024xf32, #tpu.memory_space<vmem>>, vector<16xf32>,
    tpu.vector_store %arg11[%swap3A_275, %swap3A_276], %broadcast_in_dim3A_34 {strides = array<i32>} : memref<8x1024xf32, #tpu.memory_space<vmem>>, vector<16xf32>,
    %swap3A_278 = arith.constant 0 : i32
    %swap3A_279 = arith.index_cast %swap3A_278 : i32 to index
    %swap3A_280 = arith.constant 976 : index
    %swap3A_281 = tpu.vector_load %arg11[%swap3A_279, %swap3A_280] {strides = array<i32>} : memref<8x1024xf32, #tpu.memory_space<vmem>>, vector<16xf32>,
    tpu.vector_store %arg11[%swap3A_279, %swap3A_280], %broadcast_in_dim3A_34 {strides = array<i32>} : memref<8x1024xf32, #tpu.memory_space<vmem>>, vector<16xf32>,
    %swap3A_282 = arith.constant 0 : i32
    %swap3A_283 = arith.index_cast %swap3A_282 : i32 to index
    %swap3A_284 = arith.constant 992 : index
    %swap3A_285 = tpu.vector_load %arg11[%swap3A_283, %swap3A_284] {strides = array<i32>} : memref<8x1024xf32, #tpu.memory_space<vmem>>, vector<16xf32>,
    tpu.vector_store %arg11[%swap3A_283, %swap3A_284], %broadcast_in_dim3A_34 {strides = array<i32>} : memref<8x1024xf32, #tpu.memory_space<vmem>>, vector<16xf32>,
    %swap3A_286 = arith.constant 0 : i32
    %swap3A_287 = arith.index_cast %swap3A_286 : i32 to index
    %swap3A_288 = arith.constant 1008 : index
    %swap3A_289 = tpu.vector_load %arg11[%swap3A_287, %swap3A_288] {strides = array<i32>} : memref<8x1024xf32, #tpu.memory_space<vmem>>, vector<16xf32>,
    tpu.vector_store %arg11[%swap3A_287, %swap3A_288], %broadcast_in_dim3A_34 {strides = array<i32>} : memref<8x1024xf32, #tpu.memory_space<vmem>>, vector<16xf32>,
    %swap3A_290 = arith.constant 1 : i32
    %swap3A_291 = arith.index_cast %swap3A_290 : i32 to index
    %swap3A_292 = arith.constant 0 : index
    %swap3A_293 = tpu.vector_load %arg11[%swap3A_291, %swap3A_292] {strides = array<i32>} : memref<8x1024xf32, #tpu.memory_space<vmem>>, vector<16xf32>,
    tpu.vector_store %arg11[%swap3A_291, %swap3A_292], %broadcast_in_dim3A_34 {strides = array<i32>} : memref<8x1024xf32, #tpu.memory_space<vmem>>, vector<16xf32>,
    %swap3A_294 = arith.constant 1 : i32
    %swap3A_295 = arith.index_cast %swap3A_294 : i32 to index
    %swap3A_296 = arith.constant 16 : index
    %swap3A_297 = tpu.vector_load %arg11[%swap3A_295, %swap3A_296] {strides = array<i32>} : memref<8x1024xf32, #tpu.memory_space<vmem>>, vector<16xf32>,
    tpu.vector_store %arg11[%swap3A_295, %swap3A_296], %broadcast_in_dim3A_34 {strides = array<i32>} : memref<8x1024xf32, #tpu.memory_space<vmem>>, vector<16xf32>,
    %swap3A_298 = arith.constant 1 : i32
    %swap3A_299 = arith.index_cast %swap3A_298 : i32 to index
    %swap3A_300 = arith.constant 32 : index
    %swap3A_301 = tpu.vector_load %arg11[%swap3A_299, %swap3A_300] {strides = array<i32>} : memref<8x1024xf32, #tpu.memory_space<vmem>>, vector<16xf32>,
    tpu.vector_store %arg11[%swap3A_299, %swap3A_300], %broadcast_in_dim3A_34 {strides = array<i32>} : memref<8x1024xf32, #tpu.memory_space<vmem>>, vector<16xf32>,
    %swap3A_302 = arith.constant 1 : i32
    %swap3A_303 = arith.index_cast %swap3A_302 : i32 to index
    %swap3A_304 = arith.constant 48 : index
    %swap3A_305 = tpu.vector_load %arg11[%swap3A_303, %swap3A_304] {strides = array<i32>} : memref<8x1024xf32, #tpu.memory_space<vmem>>, vector<16xf32>,
    tpu.vector_store %arg11[%swap3A_303, %swap3A_304], %broadcast_in_dim3A_34 {strides = array<i32>} : memref<8x1024xf32, #tpu.memory_space<vmem>>, vector<16xf32>,
    %swap3A_306 = arith.constant 1 : i32
    %swap3A_307 = arith.index_cast %swap3A_306 : i32 to index
    %swap3A_308 = arith.constant 64 : index
    %swap3A_309 = tpu.vector_load %arg11[%swap3A_307, %swap3A_308] {strides = array<i32>} : memref<8x1024xf32, #tpu.memory_space<vmem>>, vector<16xf32>,
    tpu.vector_store %arg11[%swap3A_307, %swap3A_308], %broadcast_in_dim3A_34 {strides = array<i32>} : memref<8x1024xf32, #tpu.memory_space<vmem>>, vector<16xf32>,
    %swap3A_310 = arith.constant 1 : i32
    %swap3A_311 = arith.index_cast %swap3A_310 : i32 to index
    %swap3A_312 = arith.constant 80 : index
    %swap3A_313 = tpu.vector_load %arg11[%swap3A_311, %swap3A_312] {strides = array<i32>} : memref<8x1024xf32, #tpu.memory_space<vmem>>, vector<16xf32>,
    tpu.vector_store %arg11[%swap3A_311, %swap3A_312], %broadcast_in_dim3A_34 {strides = array<i32>} : memref<8x1024xf32, #tpu.memory_space<vmem>>, vector<16xf32>,
    %swap3A_314 = arith.constant 1 : i32
    %swap3A_315 = arith.index_cast %swap3A_314 : i32 to index
    %swap3A_316 = arith.constant 96 : index
    %swap3A_317 = tpu.vector_load %arg11[%swap3A_315, %swap3A_316] {strides = array<i32>} : memref<8x1024xf32, #tpu.memory_space<vmem>>, vector<16xf32>,
    tpu.vector_store %arg11[%swap3A_315, %swap3A_316], %broadcast_in_dim3A_34 {strides = array<i32>} : memref<8x1024xf32, #tpu.memory_space<vmem>>, vector<16xf32>,
    %swap3A_318 = arith.constant 1 : i32
    %swap3A_319 = arith.index_cast %swap3A_318 : i32 to index
    %swap3A_320 = arith.constant 112 : index
    %swap3A_321 = tpu.vector_load %arg11[%swap3A_319, %swap3A_320] {strides = array<i32>} : memref<8x1024xf32, #tpu.memory_space<vmem>>, vector<16xf32>,
    tpu.vector_store %arg11[%swap3A_319, %swap3A_320], %broadcast_in_dim3A_34 {strides = array<i32>} : memref<8x1024xf32, #tpu.memory_space<vmem>>, vector<16xf32>,
    %swap3A_322 = arith.constant 1 : i32
    %swap3A_323 = arith.index_cast %swap3A_322 : i32 to index
    %swap3A_324 = arith.constant 128 : index
    %swap3A_325 = tpu.vector_load %arg11[%swap3A_323, %swap3A_324] {strides = array<i32>} : memref<8x1024xf32, #tpu.memory_space<vmem>>, vector<16xf32>,
    tpu.vector_store %arg11[%swap3A_323, %swap3A_324], %broadcast_in_dim3A_34 {strides = array<i32>} : memref<8x1024xf32, #tpu.memory_space<vmem>>, vector<16xf32>,
    %swap3A_326 = arith.constant 1 : i32
    %swap3A_327 = arith.index_cast %swap3A_326 : i32 to index
    %swap3A_328 = arith.constant 144 : index
    %swap3A_329 = tpu.vector_load %arg11[%swap3A_327, %swap3A_328] {strides = array<i32>} : memref<8x1024xf32, #tpu.memory_space<vmem>>, vector<16xf32>,
    tpu.vector_store %arg11[%swap3A_327, %swap3A_328], %broadcast_in_dim3A_34 {strides = array<i32>} : memref<8x1024xf32, #tpu.memory_space<vmem>>, vector<16xf32>,
    %swap3A_330 = arith.constant 1 : i32
    %swap3A_331 = arith.index_cast %swap3A_330 : i32 to index
    %swap3A_332 = arith.constant 160 : index
    %swap3A_333 = tpu.vector_load %arg11[%swap3A_331, %swap3A_332] {strides = array<i32>} : memref<8x1024xf32, #tpu.memory_space<vmem>>, vector<16xf32>,
    tpu.vector_store %arg11[%swap3A_331, %swap3A_332], %broadcast_in_dim3A_34 {strides = array<i32>} : memref<8x1024xf32, #tpu.memory_space<vmem>>, vector<16xf32>,
    %swap3A_334 = arith.constant 1 : i32
    %swap3A_335 = arith.index_cast %swap3A_334 : i32 to index
    %swap3A_336 = arith.constant 176 : index
    %swap3A_337 = tpu.vector_load %arg11[%swap3A_335, %swap3A_336] {strides = array<i32>} : memref<8x1024xf32, #tpu.memory_space<vmem>>, vector<16xf32>,
    tpu.vector_store %arg11[%swap3A_335, %swap3A_336], %broadcast_in_dim3A_34 {strides = array<i32>} : memref<8x1024xf32, #tpu.memory_space<vmem>>, vector<16xf32>,
    %swap3A_338 = arith.constant 1 : i32
    %swap3A_339 = arith.index_cast %swap3A_338 : i32 to index
    %swap3A_340 = arith.constant 192 : index
    %swap3A_341 = tpu.vector_load %arg11[%swap3A_339, %swap3A_340] {strides = array<i32>} : memref<8x1024xf32, #tpu.memory_space<vmem>>, vector<16xf32>,
    tpu.vector_store %arg11[%swap3A_339, %swap3A_340], %broadcast_in_dim3A_34 {strides = array<i32>} : memref<8x1024xf32, #tpu.memory_space<vmem>>, vector<16xf32>,
    %swap3A_342 = arith.constant 1 : i32
    %swap3A_343 = arith.index_cast %swap3A_342 : i32 to index
    %swap3A_344 = arith.constant 208 : index
    %swap3A_345 = tpu.vector_load %arg11[%swap3A_343, %swap3A_344] {strides = array<i32>} : memref<8x1024xf32, #tpu.memory_space<vmem>>, vector<16xf32>,
    tpu.vector_store %arg11[%swap3A_343, %swap3A_344], %broadcast_in_dim3A_34 {strides = array<i32>} : memref<8x1024xf32, #tpu.memory_space<vmem>>, vector<16xf32>,
    %swap3A_346 = arith.constant 1 : i32
    %swap3A_347 = arith.index_cast %swap3A_346 : i32 to index
    %swap3A_348 = arith.constant 224 : index
    %swap3A_349 = tpu.vector_load %arg11[%swap3A_347, %swap3A_348] {strides = array<i32>} : memref<8x1024xf32, #tpu.memory_space<vmem>>, vector<16xf32>,
    tpu.vector_store %arg11[%swap3A_347, %swap3A_348], %broadcast_in_dim3A_34 {strides = array<i32>} : memref<8x1024xf32, #tpu.memory_space<vmem>>, vector<16xf32>,
    %swap3A_350 = arith.constant 1 : i32
    %swap3A_351 = arith.index_cast %swap3A_350 : i32 to index
    %swap3A_352 = arith.constant 240 : index
    %swap3A_353 = tpu.vector_load %arg11[%swap3A_351, %swap3A_352] {strides = array<i32>} : memref<8x1024xf32, #tpu.memory_space<vmem>>, vector<16xf32>,
    tpu.vector_store %arg11[%swap3A_351, %swap3A_352], %broadcast_in_dim3A_34 {strides = array<i32>} : memref<8x1024xf32, #tpu.memory_space<vmem>>, vector<16xf32>,
    %swap3A_354 = arith.constant 1 : i32
    %swap3A_355 = arith.index_cast %swap3A_354 : i32 to index
    %swap3A_356 = arith.constant 256 : index
    %swap3A_357 = tpu.vector_load %arg11[%swap3A_355, %swap3A_356] {strides = array<i32>} : memref<8x1024xf32, #tpu.memory_space<vmem>>, vector<16xf32>,
    tpu.vector_store %arg11[%swap3A_355, %swap3A_356], %broadcast_in_dim3A_34 {strides = array<i32>} : memref<8x1024xf32, #tpu.memory_space<vmem>>, vector<16xf32>,
    %swap3A_358 = arith.constant 1 : i32
    %swap3A_359 = arith.index_cast %swap3A_358 : i32 to index
    %swap3A_360 = arith.constant 272 : index
    %swap3A_361 = tpu.vector_load %arg11[%swap3A_359, %swap3A_360] {strides = array<i32>} : memref<8x1024xf32, #tpu.memory_space<vmem>>, vector<16xf32>,
    tpu.vector_store %arg11[%swap3A_359, %swap3A_360], %broadcast_in_dim3A_34 {strides = array<i32>} : memref<8x1024xf32, #tpu.memory_space<vmem>>, vector<16xf32>,
    %swap3A_362 = arith.constant 1 : i32
    %swap3A_363 = arith.index_cast %swap3A_362 : i32 to index
    %swap3A_364 = arith.constant 288 : index
    %swap3A_365 = tpu.vector_load %arg11[%swap3A_363, %swap3A_364] {strides = array<i32>} : memref<8x1024xf32, #tpu.memory_space<vmem>>, vector<16xf32>,
    tpu.vector_store %arg11[%swap3A_363, %swap3A_364], %broadcast_in_dim3A_34 {strides = array<i32>} : memref<8x1024xf32, #tpu.memory_space<vmem>>, vector<16xf32>,
    %swap3A_366 = arith.constant 1 : i32
    %swap3A_367 = arith.index_cast %swap3A_366 : i32 to index
    %swap3A_368 = arith.constant 304 : index
    %swap3A_369 = tpu.vector_load %arg11[%swap3A_367, %swap3A_368] {strides = array<i32>} : memref<8x1024xf32, #tpu.memory_space<vmem>>, vector<16xf32>,
    tpu.vector_store %arg11[%swap3A_367, %swap3A_368], %broadcast_in_dim3A_34 {strides = array<i32>} : memref<8x1024xf32, #tpu.memory_space<vmem>>, vector<16xf32>,
    %swap3A_370 = arith.constant 1 : i32
    %swap3A_371 = arith.index_cast %swap3A_370 : i32 to index
    %swap3A_372 = arith.constant 320 : index
    %swap3A_373 = tpu.vector_load %arg11[%swap3A_371, %swap3A_372] {strides = array<i32>} : memref<8x1024xf32, #tpu.memory_space<vmem>>, vector<16xf32>,
    tpu.vector_store %arg11[%swap3A_371, %swap3A_372], %broadcast_in_dim3A_34 {strides = array<i32>} : memref<8x1024xf32, #tpu.memory_space<vmem>>, vector<16xf32>,
    %swap3A_374 = arith.constant 1 : i32
    %swap3A_375 = arith.index_cast %swap3A_374 : i32 to index
    %swap3A_376 = arith.constant 336 : index
    %swap3A_377 = tpu.vector_load %arg11[%swap3A_375, %swap3A_376] {strides = array<i32>} : memref<8x1024xf32, #tpu.memory_space<vmem>>, vector<16xf32>,
    tpu.vector_store %arg11[%swap3A_375, %swap3A_376], %broadcast_in_dim3A_34 {strides = array<i32>} : memref<8x1024xf32, #tpu.memory_space<vmem>>, vector<16xf32>,
    %swap3A_378 = arith.constant 1 : i32
    %swap3A_379 = arith.index_cast %swap3A_378 : i32 to index
    %swap3A_380 = arith.constant 352 : index
    %swap3A_381 = tpu.vector_load %arg11[%swap3A_379, %swap3A_380] {strides = array<i32>} : memref<8x1024xf32, #tpu.memory_space<vmem>>, vector<16xf32>,
    tpu.vector_store %arg11[%swap3A_379, %swap3A_380], %broadcast_in_dim3A_34 {strides = array<i32>} : memref<8x1024xf32, #tpu.memory_space<vmem>>, vector<16xf32>,
    %swap3A_382 = arith.constant 1 : i32
    %swap3A_383 = arith.index_cast %swap3A_382 : i32 to index
    %swap3A_384 = arith.constant 368 : index
    %swap3A_385 = tpu.vector_load %arg11[%swap3A_383, %swap3A_384] {strides = array<i32>} : memref<8x1024xf32, #tpu.memory_space<vmem>>, vector<16xf32>,
    tpu.vector_store %arg11[%swap3A_383, %swap3A_384], %broadcast_in_dim3A_34 {strides = array<i32>} : memref<8x1024xf32, #tpu.memory_space<vmem>>, vector<16xf32>,
    %swap3A_386 = arith.constant 1 : i32
    %swap3A_387 = arith.index_cast %swap3A_386 : i32 to index
    %swap3A_388 = arith.constant 384 : index
    %swap3A_389 = tpu.vector_load %arg11[%swap3A_387, %swap3A_388] {strides = array<i32>} : memref<8x1024xf32, #tpu.memory_space<vmem>>, vector<16xf32>,
    tpu.vector_store %arg11[%swap3A_387, %swap3A_388], %broadcast_in_dim3A_34 {strides = array<i32>} : memref<8x1024xf32, #tpu.memory_space<vmem>>, vector<16xf32>,
    %swap3A_390 = arith.constant 1 : i32
    %swap3A_391 = arith.index_cast %swap3A_390 : i32 to index
    %swap3A_392 = arith.constant 400 : index
    %swap3A_393 = tpu.vector_load %arg11[%swap3A_391, %swap3A_392] {strides = array<i32>} : memref<8x1024xf32, #tpu.memory_space<vmem>>, vector<16xf32>,
    tpu.vector_store %arg11[%swap3A_391, %swap3A_392], %broadcast_in_dim3A_34 {strides = array<i32>} : memref<8x1024xf32, #tpu.memory_space<vmem>>, vector<16xf32>,
    %swap3A_394 = arith.constant 1 : i32
    %swap3A_395 = arith.index_cast %swap3A_394 : i32 to index
    %swap3A_396 = arith.constant 416 : index
    %swap3A_397 = tpu.vector_load %arg11[%swap3A_395, %swap3A_396] {strides = array<i32>} : memref<8x1024xf32, #tpu.memory_space<vmem>>, vector<16xf32>,
    tpu.vector_store %arg11[%swap3A_395, %swap3A_396], %broadcast_in_dim3A_34 {strides = array<i32>} : memref<8x1024xf32, #tpu.memory_space<vmem>>, vector<16xf32>,
    %swap3A_398 = arith.constant 1 : i32
    %swap3A_399 = arith.index_cast %swap3A_398 : i32 to index
    %swap3A_400 = arith.constant 432 : index
    %swap3A_401 = tpu.vector_load %arg11[%swap3A_399, %swap3A_400] {strides = array<i32>} : memref<8x1024xf32, #tpu.memory_space<vmem>>, vector<16xf32>,
    tpu.vector_store %arg11[%swap3A_399, %swap3A_400], %broadcast_in_dim3A_34 {strides = array<i32>} : memref<8x1024xf32, #tpu.memory_space<vmem>>, vector<16xf32>,
    %swap3A_402 = arith.constant 1 : i32
    %swap3A_403 = arith.index_cast %swap3A_402 : i32 to index
    %swap3A_404 = arith.constant 448 : index
    %swap3A_405 = tpu.vector_load %arg11[%swap3A_403, %swap3A_404] {strides = array<i32>} : memref<8x1024xf32, #tpu.memory_space<vmem>>, vector<16xf32>,
    tpu.vector_store %arg11[%swap3A_403, %swap3A_404], %broadcast_in_dim3A_34 {strides = array<i32>} : memref<8x1024xf32, #tpu.memory_space<vmem>>, vector<16xf32>,
    %swap3A_406 = arith.constant 1 : i32
    %swap3A_407 = arith.index_cast %swap3A_406 : i32 to index
    %swap3A_408 = arith.constant 464 : index
    %swap3A_409 = tpu.vector_load %arg11[%swap3A_407, %swap3A_408] {strides = array<i32>} : memref<8x1024xf32, #tpu.memory_space<vmem>>, vector<16xf32>,
    tpu.vector_store %arg11[%swap3A_407, %swap3A_408], %broadcast_in_dim3A_34 {strides = array<i32>} : memref<8x1024xf32, #tpu.memory_space<vmem>>, vector<16xf32>,
    %swap3A_410 = arith.constant 1 : i32
    %swap3A_411 = arith.index_cast %swap3A_410 : i32 to index
    %swap3A_412 = arith.constant 480 : index
    %swap3A_413 = tpu.vector_load %arg11[%swap3A_411, %swap3A_412] {strides = array<i32>} : memref<8x1024xf32, #tpu.memory_space<vmem>>, vector<16xf32>,
    tpu.vector_store %arg11[%swap3A_411, %swap3A_412], %broadcast_in_dim3A_34 {strides = array<i32>} : memref<8x1024xf32, #tpu.memory_space<vmem>>, vector<16xf32>,
    %swap3A_414 = arith.constant 1 : i32
    %swap3A_415 = arith.index_cast %swap3A_414 : i32 to index
    %swap3A_416 = arith.constant 496 : index
    %swap3A_417 = tpu.vector_load %arg11[%swap3A_415, %swap3A_416] {strides = array<i32>} : memref<8x1024xf32, #tpu.memory_space<vmem>>, vector<16xf32>,
    tpu.vector_store %arg11[%swap3A_415, %swap3A_416], %broadcast_in_dim3A_34 {strides = array<i32>} : memref<8x1024xf32, #tpu.memory_space<vmem>>, vector<16xf32>,
    %swap3A_418 = arith.constant 1 : i32
    %swap3A_419 = arith.index_cast %swap3A_418 : i32 to index
    %swap3A_420 = arith.constant 512 : index
    %swap3A_421 = tpu.vector_load %arg11[%swap3A_419, %swap3A_420] {strides = array<i32>} : memref<8x1024xf32, #tpu.memory_space<vmem>>, vector<16xf32>,
    tpu.vector_store %arg11[%swap3A_419, %swap3A_420], %broadcast_in_dim3A_34 {strides = array<i32>} : memref<8x1024xf32, #tpu.memory_space<vmem>>, vector<16xf32>,
    %swap3A_422 = arith.constant 1 : i32
    %swap3A_423 = arith.index_cast %swap3A_422 : i32 to index
    %swap3A_424 = arith.constant 528 : index
    %swap3A_425 = tpu.vector_load %arg11[%swap3A_423, %swap3A_424] {strides = array<i32>} : memref<8x1024xf32, #tpu.memory_space<vmem>>, vector<16xf32>,
    tpu.vector_store %arg11[%swap3A_423, %swap3A_424], %broadcast_in_dim3A_34 {strides = array<i32>} : memref<8x1024xf32, #tpu.memory_space<vmem>>, vector<16xf32>,
    %swap3A_426 = arith.constant 1 : i32
    %swap3A_427 = arith.index_cast %swap3A_426 : i32 to index
    %swap3A_428 = arith.constant 544 : index
    %swap3A_429 = tpu.vector_load %arg11[%swap3A_427, %swap3A_428] {strides = array<i32>} : memref<8x1024xf32, #tpu.memory_space<vmem>>, vector<16xf32>,
    tpu.vector_store %arg11[%swap3A_427, %swap3A_428], %broadcast_in_dim3A_34 {strides = array<i32>} : memref<8x1024xf32, #tpu.memory_space<vmem>>, vector<16xf32>,
    %swap3A_430 = arith.constant 1 : i32
    %swap3A_431 = arith.index_cast %swap3A_430 : i32 to index
    %swap3A_432 = arith.constant 560 : index
    %swap3A_433 = tpu.vector_load %arg11[%swap3A_431, %swap3A_432] {strides = array<i32>} : memref<8x1024xf32, #tpu.memory_space<vmem>>, vector<16xf32>,
    tpu.vector_store %arg11[%swap3A_431, %swap3A_432], %broadcast_in_dim3A_34 {strides = array<i32>} : memref<8x1024xf32, #tpu.memory_space<vmem>>, vector<16xf32>,
    %swap3A_434 = arith.constant 1 : i32
    %swap3A_435 = arith.index_cast %swap3A_434 : i32 to index
    %swap3A_436 = arith.constant 576 : index
    %swap3A_437 = tpu.vector_load %arg11[%swap3A_435, %swap3A_436] {strides = array<i32>} : memref<8x1024xf32, #tpu.memory_space<vmem>>, vector<16xf32>,
    tpu.vector_store %arg11[%swap3A_435, %swap3A_436], %broadcast_in_dim3A_34 {strides = array<i32>} : memref<8x1024xf32, #tpu.memory_space<vmem>>, vector<16xf32>,
    %swap3A_438 = arith.constant 1 : i32
    %swap3A_439 = arith.index_cast %swap3A_438 : i32 to index
    %swap3A_440 = arith.constant 592 : index
    %swap3A_441 = tpu.vector_load %arg11[%swap3A_439, %swap3A_440] {strides = array<i32>} : memref<8x1024xf32, #tpu.memory_space<vmem>>, vector<16xf32>,
    tpu.vector_store %arg11[%swap3A_439, %swap3A_440], %broadcast_in_dim3A_34 {strides = array<i32>} : memref<8x1024xf32, #tpu.memory_space<vmem>>, vector<16xf32>,
    %swap3A_442 = arith.constant 1 : i32
    %swap3A_443 = arith.index_cast %swap3A_442 : i32 to index
    %swap3A_444 = arith.constant 608 : index
    %swap3A_445 = tpu.vector_load %arg11[%swap3A_443, %swap3A_444] {strides = array<i32>} : memref<8x1024xf32, #tpu.memory_space<vmem>>, vector<16xf32>,
    tpu.vector_store %arg11[%swap3A_443, %swap3A_444], %broadcast_in_dim3A_34 {strides = array<i32>} : memref<8x1024xf32, #tpu.memory_space<vmem>>, vector<16xf32>,
    %swap3A_446 = arith.constant 1 : i32
    %swap3A_447 = arith.index_cast %swap3A_446 : i32 to index
    %swap3A_448 = arith.constant 624 : index
    %swap3A_449 = tpu.vector_load %arg11[%swap3A_447, %swap3A_448] {strides = array<i32>} : memref<8x1024xf32, #tpu.memory_space<vmem>>, vector<16xf32>,
    tpu.vector_store %arg11[%swap3A_447, %swap3A_448], %broadcast_in_dim3A_34 {strides = array<i32>} : memref<8x1024xf32, #tpu.memory_space<vmem>>, vector<16xf32>,
    %swap3A_450 = arith.constant 1 : i32
    %swap3A_451 = arith.index_cast %swap3A_450 : i32 to index
    %swap3A_452 = arith.constant 640 : index
    %swap3A_453 = tpu.vector_load %arg11[%swap3A_451, %swap3A_452] {strides = array<i32>} : memref<8x1024xf32, #tpu.memory_space<vmem>>, vector<16xf32>,
    tpu.vector_store %arg11[%swap3A_451, %swap3A_452], %broadcast_in_dim3A_34 {strides = array<i32>} : memref<8x1024xf32, #tpu.memory_space<vmem>>, vector<16xf32>,
    %swap3A_454 = arith.constant 1 : i32
    %swap3A_455 = arith.index_cast %swap3A_454 : i32 to index
    %swap3A_456 = arith.constant 656 : index
    %swap3A_457 = tpu.vector_load %arg11[%swap3A_455, %swap3A_456] {strides = array<i32>} : memref<8x1024xf32, #tpu.memory_space<vmem>>, vector<16xf32>,
    tpu.vector_store %arg11[%swap3A_455, %swap3A_456], %broadcast_in_dim3A_34 {strides = array<i32>} : memref<8x1024xf32, #tpu.memory_space<vmem>>, vector<16xf32>,
    %swap3A_458 = arith.constant 1 : i32
    %swap3A_459 = arith.index_cast %swap3A_458 : i32 to index
    %swap3A_460 = arith.constant 672 : index
    %swap3A_461 = tpu.vector_load %arg11[%swap3A_459, %swap3A_460] {strides = array<i32>} : memref<8x1024xf32, #tpu.memory_space<vmem>>, vector<16xf32>,
    tpu.vector_store %arg11[%swap3A_459, %swap3A_460], %broadcast_in_dim3A_34 {strides = array<i32>} : memref<8x1024xf32, #tpu.memory_space<vmem>>, vector<16xf32>,
    %swap3A_462 = arith.constant 1 : i32
    %swap3A_463 = arith.index_cast %swap3A_462 : i32 to index
    %swap3A_464 = arith.constant 688 : index
    %swap3A_465 = tpu.vector_load %arg11[%swap3A_463, %swap3A_464] {strides = array<i32>} : memref<8x1024xf32, #tpu.memory_space<vmem>>, vector<16xf32>,
    tpu.vector_store %arg11[%swap3A_463, %swap3A_464], %broadcast_in_dim3A_34 {strides = array<i32>} : memref<8x1024xf32, #tpu.memory_space<vmem>>, vector<16xf32>,
    %swap3A_466 = arith.constant 1 : i32
    %swap3A_467 = arith.index_cast %swap3A_466 : i32 to index
    %swap3A_468 = arith.constant 704 : index
    %swap3A_469 = tpu.vector_load %arg11[%swap3A_467, %swap3A_468] {strides = array<i32>} : memref<8x1024xf32, #tpu.memory_space<vmem>>, vector<16xf32>,
    tpu.vector_store %arg11[%swap3A_467, %swap3A_468], %broadcast_in_dim3A_34 {strides = array<i32>} : memref<8x1024xf32, #tpu.memory_space<vmem>>, vector<16xf32>,
    %swap3A_470 = arith.constant 1 : i32
    %swap3A_471 = arith.index_cast %swap3A_470 : i32 to index
    %swap3A_472 = arith.constant 720 : index
    %swap3A_473 = tpu.vector_load %arg11[%swap3A_471, %swap3A_472] {strides = array<i32>} : memref<8x1024xf32, #tpu.memory_space<vmem>>, vector<16xf32>,
    tpu.vector_store %arg11[%swap3A_471, %swap3A_472], %broadcast_in_dim3A_34 {strides = array<i32>} : memref<8x1024xf32, #tpu.memory_space<vmem>>, vector<16xf32>,
    %swap3A_474 = arith.constant 1 : i32
    %swap3A_475 = arith.index_cast %swap3A_474 : i32 to index
    %swap3A_476 = arith.constant 736 : index
    %swap3A_477 = tpu.vector_load %arg11[%swap3A_475, %swap3A_476] {strides = array<i32>} : memref<8x1024xf32, #tpu.memory_space<vmem>>, vector<16xf32>,
    tpu.vector_store %arg11[%swap3A_475, %swap3A_476], %broadcast_in_dim3A_34 {strides = array<i32>} : memref<8x1024xf32, #tpu.memory_space<vmem>>, vector<16xf32>,
    %swap3A_478 = arith.constant 1 : i32
    %swap3A_479 = arith.index_cast %swap3A_478 : i32 to index
    %swap3A_480 = arith.constant 752 : index
    %swap3A_481 = tpu.vector_load %arg11[%swap3A_479, %swap3A_480] {strides = array<i32>} : memref<8x1024xf32, #tpu.memory_space<vmem>>, vector<16xf32>,
    tpu.vector_store %arg11[%swap3A_479, %swap3A_480], %broadcast_in_dim3A_34 {strides = array<i32>} : memref<8x1024xf32, #tpu.memory_space<vmem>>, vector<16xf32>,
    %swap3A_482 = arith.constant 1 : i32
    %swap3A_483 = arith.index_cast %swap3A_482 : i32 to index
    %swap3A_484 = arith.constant 768 : index
    %swap3A_485 = tpu.vector_load %arg11[%swap3A_483, %swap3A_484] {strides = array<i32>} : memref<8x1024xf32, #tpu.memory_space<vmem>>, vector<16xf32>,
    tpu.vector_store %arg11[%swap3A_483, %swap3A_484], %broadcast_in_dim3A_34 {strides = array<i32>} : memref<8x1024xf32, #tpu.memory_space<vmem>>, vector<16xf32>,
    %swap3A_486 = arith.constant 1 : i32
    %swap3A_487 = arith.index_cast %swap3A_486 : i32 to index
    %swap3A_488 = arith.constant 784 : index
    %swap3A_489 = tpu.vector_load %arg11[%swap3A_487, %swap3A_488] {strides = array<i32>} : memref<8x1024xf32, #tpu.memory_space<vmem>>, vector<16xf32>,
    tpu.vector_store %arg11[%swap3A_487, %swap3A_488], %broadcast_in_dim3A_34 {strides = array<i32>} : memref<8x1024xf32, #tpu.memory_space<vmem>>, vector<16xf32>,
    %swap3A_490 = arith.constant 1 : i32
    %swap3A_491 = arith.index_cast %swap3A_490 : i32 to index
    %swap3A_492 = arith.constant 800 : index
    %swap3A_493 = tpu.vector_load %arg11[%swap3A_491, %swap3A_492] {strides = array<i32>} : memref<8x1024xf32, #tpu.memory_space<vmem>>, vector<16xf32>,
    tpu.vector_store %arg11[%swap3A_491, %swap3A_492], %broadcast_in_dim3A_34 {strides = array<i32>} : memref<8x1024xf32, #tpu.memory_space<vmem>>, vector<16xf32>,
    %swap3A_494 = arith.constant 1 : i32
    %swap3A_495 = arith.index_cast %swap3A_494 : i32 to index
    %swap3A_496 = arith.constant 816 : index
    %swap3A_497 = tpu.vector_load %arg11[%swap3A_495, %swap3A_496] {strides = array<i32>} : memref<8x1024xf32, #tpu.memory_space<vmem>>, vector<16xf32>,
    tpu.vector_store %arg11[%swap3A_495, %swap3A_496], %broadcast_in_dim3A_34 {strides = array<i32>} : memref<8x1024xf32, #tpu.memory_space<vmem>>, vector<16xf32>,
    %swap3A_498 = arith.constant 1 : i32
    %swap3A_499 = arith.index_cast %swap3A_498 : i32 to index
    %swap3A_500 = arith.constant 832 : index
    %swap3A_501 = tpu.vector_load %arg11[%swap3A_499, %swap3A_500] {strides = array<i32>} : memref<8x1024xf32, #tpu.memory_space<vmem>>, vector<16xf32>,
    tpu.vector_store %arg11[%swap3A_499, %swap3A_500], %broadcast_in_dim3A_34 {strides = array<i32>} : memref<8x1024xf32, #tpu.memory_space<vmem>>, vector<16xf32>,
    %swap3A_502 = arith.constant 1 : i32
    %swap3A_503 = arith.index_cast %swap3A_502 : i32 to index
    %swap3A_504 = arith.constant 848 : index
    %swap3A_505 = tpu.vector_load %arg11[%swap3A_503, %swap3A_504] {strides = array<i32>} : memref<8x1024xf32, #tpu.memory_space<vmem>>, vector<16xf32>,
    tpu.vector_store %arg11[%swap3A_503, %swap3A_504], %broadcast_in_dim3A_34 {strides = array<i32>} : memref<8x1024xf32, #tpu.memory_space<vmem>>, vector<16xf32>,
    %swap3A_506 = arith.constant 1 : i32
    %swap3A_507 = arith.index_cast %swap3A_506 : i32 to index
    %swap3A_508 = arith.constant 864 : index
    %swap3A_509 = tpu.vector_load %arg11[%swap3A_507, %swap3A_508] {strides = array<i32>} : memref<8x1024xf32, #tpu.memory_space<vmem>>, vector<16xf32>,
    tpu.vector_store %arg11[%swap3A_507, %swap3A_508], %broadcast_in_dim3A_34 {strides = array<i32>} : memref<8x1024xf32, #tpu.memory_space<vmem>>, vector<16xf32>,
    %swap3A_510 = arith.constant 1 : i32
    %swap3A_511 = arith.index_cast %swap3A_510 : i32 to index
    %swap3A_512 = arith.constant 880 : index
    %swap3A_513 = tpu.vector_load %arg11[%swap3A_511, %swap3A_512] {strides = array<i32>} : memref<8x1024xf32, #tpu.memory_space<vmem>>, vector<16xf32>,
    tpu.vector_store %arg11[%swap3A_511, %swap3A_512], %broadcast_in_dim3A_34 {strides = array<i32>} : memref<8x1024xf32, #tpu.memory_space<vmem>>, vector<16xf32>,
    %swap3A_514 = arith.constant 1 : i32
    %swap3A_515 = arith.index_cast %swap3A_514 : i32 to index
    %swap3A_516 = arith.constant 896 : index
    %swap3A_517 = tpu.vector_load %arg11[%swap3A_515, %swap3A_516] {strides = array<i32>} : memref<8x1024xf32, #tpu.memory_space<vmem>>, vector<16xf32>,
    tpu.vector_store %arg11[%swap3A_515, %swap3A_516], %broadcast_in_dim3A_34 {strides = array<i32>} : memref<8x1024xf32, #tpu.memory_space<vmem>>, vector<16xf32>,
    %swap3A_518 = arith.constant 1 : i32
    %swap3A_519 = arith.index_cast %swap3A_518 : i32 to index
    %swap3A_520 = arith.constant 912 : index
    %swap3A_521 = tpu.vector_load %arg11[%swap3A_519, %swap3A_520] {strides = array<i32>} : memref<8x1024xf32, #tpu.memory_space<vmem>>, vector<16xf32>,
    tpu.vector_store %arg11[%swap3A_519, %swap3A_520], %broadcast_in_dim3A_34 {strides = array<i32>} : memref<8x1024xf32, #tpu.memory_space<vmem>>, vector<16xf32>,
    %swap3A_522 = arith.constant 1 : i32
    %swap3A_523 = arith.index_cast %swap3A_522 : i32 to index
    %swap3A_524 = arith.constant 928 : index
    %swap3A_525 = tpu.vector_load %arg11[%swap3A_523, %swap3A_524] {strides = array<i32>} : memref<8x1024xf32, #tpu.memory_space<vmem>>, vector<16xf32>,
    tpu.vector_store %arg11[%swap3A_523, %swap3A_524], %broadcast_in_dim3A_34 {strides = array<i32>} : memref<8x1024xf32, #tpu.memory_space<vmem>>, vector<16xf32>,
    %swap3A_526 = arith.constant 1 : i32
    %swap3A_527 = arith.index_cast %swap3A_526 : i32 to index
    %swap3A_528 = arith.constant 944 : index
    %swap3A_529 = tpu.vector_load %arg11[%swap3A_527, %swap3A_528] {strides = array<i32>} : memref<8x1024xf32, #tpu.memory_space<vmem>>, vector<16xf32>,
    tpu.vector_store %arg11[%swap3A_527, %swap3A_528], %broadcast_in_dim3A_34 {strides = array<i32>} : memref<8x1024xf32, #tpu.memory_space<vmem>>, vector<16xf32>,
    %swap3A_530 = arith.constant 1 : i32
    %swap3A_531 = arith.index_cast %swap3A_530 : i32 to index
    %swap3A_532 = arith.constant 960 : index
    %swap3A_533 = tpu.vector_load %arg11[%swap3A_531, %swap3A_532] {strides = array<i32>} : memref<8x1024xf32, #tpu.memory_space<vmem>>, vector<16xf32>,
    tpu.vector_store %arg11[%swap3A_531, %swap3A_532], %broadcast_in_dim3A_34 {strides = array<i32>} : memref<8x1024xf32, #tpu.memory_space<vmem>>, vector<16xf32>,
    %swap3A_534 = arith.constant 1 : i32
    %swap3A_535 = arith.index_cast %swap3A_534 : i32 to index
    %swap3A_536 = arith.constant 976 : index
    %swap3A_537 = tpu.vector_load %arg11[%swap3A_535, %swap3A_536] {strides = array<i32>} : memref<8x1024xf32, #tpu.memory_space<vmem>>, vector<16xf32>,
    tpu.vector_store %arg11[%swap3A_535, %swap3A_536], %broadcast_in_dim3A_34 {strides = array<i32>} : memref<8x1024xf32, #tpu.memory_space<vmem>>, vector<16xf32>,
    %swap3A_538 = arith.constant 1 : i32
    %swap3A_539 = arith.index_cast %swap3A_538 : i32 to index
    %swap3A_540 = arith.constant 992 : index
    %swap3A_541 = tpu.vector_load %arg11[%swap3A_539, %swap3A_540] {strides = array<i32>} : memref<8x1024xf32, #tpu.memory_space<vmem>>, vector<16xf32>,
    tpu.vector_store %arg11[%swap3A_539, %swap3A_540], %broadcast_in_dim3A_34 {strides = array<i32>} : memref<8x1024xf32, #tpu.memory_space<vmem>>, vector<16xf32>,
    %swap3A_542 = arith.constant 1 : i32
    %swap3A_543 = arith.index_cast %swap3A_542 : i32 to index
    %swap3A_544 = arith.constant 1008 : index
    %swap3A_545 = tpu.vector_load %arg11[%swap3A_543, %swap3A_544] {strides = array<i32>} : memref<8x1024xf32, #tpu.memory_space<vmem>>, vector<16xf32>,
    tpu.vector_store %arg11[%swap3A_543, %swap3A_544], %broadcast_in_dim3A_34 {strides = array<i32>} : memref<8x1024xf32, #tpu.memory_space<vmem>>, vector<16xf32>,
    %swap3A_546 = arith.constant 2 : i32
    %swap3A_547 = arith.index_cast %swap3A_546 : i32 to index
    %swap3A_548 = arith.constant 0 : index
    %swap3A_549 = tpu.vector_load %arg11[%swap3A_547, %swap3A_548] {strides = array<i32>} : memref<8x1024xf32, #tpu.memory_space<vmem>>, vector<16xf32>,
    tpu.vector_store %arg11[%swap3A_547, %swap3A_548], %broadcast_in_dim3A_34 {strides = array<i32>} : memref<8x1024xf32, #tpu.memory_space<vmem>>, vector<16xf32>,
    %swap3A_550 = arith.constant 2 : i32
    %swap3A_551 = arith.index_cast %swap3A_550 : i32 to index
    %swap3A_552 = arith.constant 16 : index
    %swap3A_553 = tpu.vector_load %arg11[%swap3A_551, %swap3A_552] {strides = array<i32>} : memref<8x1024xf32, #tpu.memory_space<vmem>>, vector<16xf32>,
    tpu.vector_store %arg11[%swap3A_551, %swap3A_552], %broadcast_in_dim3A_34 {strides = array<i32>} : memref<8x1024xf32, #tpu.memory_space<vmem>>, vector<16xf32>,
    %swap3A_554 = arith.constant 2 : i32
    %swap3A_555 = arith.index_cast %swap3A_554 : i32 to index
    %swap3A_556 = arith.constant 32 : index
    %swap3A_557 = tpu.vector_load %arg11[%swap3A_555, %swap3A_556] {strides = array<i32>} : memref<8x1024xf32, #tpu.memory_space<vmem>>, vector<16xf32>,
    tpu.vector_store %arg11[%swap3A_555, %swap3A_556], %broadcast_in_dim3A_34 {strides = array<i32>} : memref<8x1024xf32, #tpu.memory_space<vmem>>, vector<16xf32>,
    %swap3A_558 = arith.constant 2 : i32
    %swap3A_559 = arith.index_cast %swap3A_558 : i32 to index
    %swap3A_560 = arith.constant 48 : index
    %swap3A_561 = tpu.vector_load %arg11[%swap3A_559, %swap3A_560] {strides = array<i32>} : memref<8x1024xf32, #tpu.memory_space<vmem>>, vector<16xf32>,
    tpu.vector_store %arg11[%swap3A_559, %swap3A_560], %broadcast_in_dim3A_34 {strides = array<i32>} : memref<8x1024xf32, #tpu.memory_space<vmem>>, vector<16xf32>,
    %swap3A_562 = arith.constant 2 : i32
    %swap3A_563 = arith.index_cast %swap3A_562 : i32 to index
    %swap3A_564 = arith.constant 64 : index
    %swap3A_565 = tpu.vector_load %arg11[%swap3A_563, %swap3A_564] {strides = array<i32>} : memref<8x1024xf32, #tpu.memory_space<vmem>>, vector<16xf32>,
    tpu.vector_store %arg11[%swap3A_563, %swap3A_564], %broadcast_in_dim3A_34 {strides = array<i32>} : memref<8x1024xf32, #tpu.memory_space<vmem>>, vector<16xf32>,
    %swap3A_566 = arith.constant 2 : i32
    %swap3A_567 = arith.index_cast %swap3A_566 : i32 to index
    %swap3A_568 = arith.constant 80 : index
    %swap3A_569 = tpu.vector_load %arg11[%swap3A_567, %swap3A_568] {strides = array<i32>} : memref<8x1024xf32, #tpu.memory_space<vmem>>, vector<16xf32>,
    tpu.vector_store %arg11[%swap3A_567, %swap3A_568], %broadcast_in_dim3A_34 {strides = array<i32>} : memref<8x1024xf32, #tpu.memory_space<vmem>>, vector<16xf32>,
    %swap3A_570 = arith.constant 2 : i32
    %swap3A_571 = arith.index_cast %swap3A_570 : i32 to index
    %swap3A_572 = arith.constant 96 : index
    %swap3A_573 = tpu.vector_load %arg11[%swap3A_571, %swap3A_572] {strides = array<i32>} : memref<8x1024xf32, #tpu.memory_space<vmem>>, vector<16xf32>,
    tpu.vector_store %arg11[%swap3A_571, %swap3A_572], %broadcast_in_dim3A_34 {strides = array<i32>} : memref<8x1024xf32, #tpu.memory_space<vmem>>, vector<16xf32>,
    %swap3A_574 = arith.constant 2 : i32
    %swap3A_575 = arith.index_cast %swap3A_574 : i32 to index
    %swap3A_576 = arith.constant 112 : index
    %swap3A_577 = tpu.vector_load %arg11[%swap3A_575, %swap3A_576] {strides = array<i32>} : memref<8x1024xf32, #tpu.memory_space<vmem>>, vector<16xf32>,
    tpu.vector_store %arg11[%swap3A_575, %swap3A_576], %broadcast_in_dim3A_34 {strides = array<i32>} : memref<8x1024xf32, #tpu.memory_space<vmem>>, vector<16xf32>,
    %swap3A_578 = arith.constant 2 : i32
    %swap3A_579 = arith.index_cast %swap3A_578 : i32 to index
    %swap3A_580 = arith.constant 128 : index
    %swap3A_581 = tpu.vector_load %arg11[%swap3A_579, %swap3A_580] {strides = array<i32>} : memref<8x1024xf32, #tpu.memory_space<vmem>>, vector<16xf32>,
    tpu.vector_store %arg11[%swap3A_579, %swap3A_580], %broadcast_in_dim3A_34 {strides = array<i32>} : memref<8x1024xf32, #tpu.memory_space<vmem>>, vector<16xf32>,
    %swap3A_582 = arith.constant 2 : i32
    %swap3A_583 = arith.index_cast %swap3A_582 : i32 to index
    %swap3A_584 = arith.constant 144 : index
    %swap3A_585 = tpu.vector_load %arg11[%swap3A_583, %swap3A_584] {strides = array<i32>} : memref<8x1024xf32, #tpu.memory_space<vmem>>, vector<16xf32>,
    tpu.vector_store %arg11[%swap3A_583, %swap3A_584], %broadcast_in_dim3A_34 {strides = array<i32>} : memref<8x1024xf32, #tpu.memory_space<vmem>>, vector<16xf32>,
    %swap3A_586 = arith.constant 2 : i32
    %swap3A_587 = arith.index_cast %swap3A_586 : i32 to index
    %swap3A_588 = arith.constant 160 : index
    %swap3A_589 = tpu.vector_load %arg11[%swap3A_587, %swap3A_588] {strides = array<i32>} : memref<8x1024xf32, #tpu.memory_space<vmem>>, vector<16xf32>,
    tpu.vector_store %arg11[%swap3A_587, %swap3A_588], %broadcast_in_dim3A_34 {strides = array<i32>} : memref<8x1024xf32, #tpu.memory_space<vmem>>, vector<16xf32>,
    %swap3A_590 = arith.constant 2 : i32
    %swap3A_591 = arith.index_cast %swap3A_590 : i32 to index
    %swap3A_592 = arith.constant 176 : index
    %swap3A_593 = tpu.vector_load %arg11[%swap3A_591, %swap3A_592] {strides = array<i32>} : memref<8x1024xf32, #tpu.memory_space<vmem>>, vector<16xf32>,
    tpu.vector_store %arg11[%swap3A_591, %swap3A_592], %broadcast_in_dim3A_34 {strides = array<i32>} : memref<8x1024xf32, #tpu.memory_space<vmem>>, vector<16xf32>,
    %swap3A_594 = arith.constant 2 : i32
    %swap3A_595 = arith.index_cast %swap3A_594 : i32 to index
    %swap3A_596 = arith.constant 192 : index
    %swap3A_597 = tpu.vector_load %arg11[%swap3A_595, %swap3A_596] {strides = array<i32>} : memref<8x1024xf32, #tpu.memory_space<vmem>>, vector<16xf32>,
    tpu.vector_store %arg11[%swap3A_595, %swap3A_596], %broadcast_in_dim3A_34 {strides = array<i32>} : memref<8x1024xf32, #tpu.memory_space<vmem>>, vector<16xf32>,
    %swap3A_598 = arith.constant 2 : i32
    %swap3A_599 = arith.index_cast %swap3A_598 : i32 to index
    %swap3A_600 = arith.constant 208 : index
    %swap3A_601 = tpu.vector_load %arg11[%swap3A_599, %swap3A_600] {strides = array<i32>} : memref<8x1024xf32, #tpu.memory_space<vmem>>, vector<16xf32>,
    tpu.vector_store %arg11[%swap3A_599, %swap3A_600], %broadcast_in_dim3A_34 {strides = array<i32>} : memref<8x1024xf32, #tpu.memory_space<vmem>>, vector<16xf32>,
    %swap3A_602 = arith.constant 2 : i32
    %swap3A_603 = arith.index_cast %swap3A_602 : i32 to index
    %swap3A_604 = arith.constant 224 : index
    %swap3A_605 = tpu.vector_load %arg11[%swap3A_603, %swap3A_604] {strides = array<i32>} : memref<8x1024xf32, #tpu.memory_space<vmem>>, vector<16xf32>,
    tpu.vector_store %arg11[%swap3A_603, %swap3A_604], %broadcast_in_dim3A_34 {strides = array<i32>} : memref<8x1024xf32, #tpu.memory_space<vmem>>, vector<16xf32>,
    %swap3A_606 = arith.constant 2 : i32
    %swap3A_607 = arith.index_cast %swap3A_606 : i32 to index
    %swap3A_608 = arith.constant 240 : index
    %swap3A_609 = tpu.vector_load %arg11[%swap3A_607, %swap3A_608] {strides = array<i32>} : memref<8x1024xf32, #tpu.memory_space<vmem>>, vector<16xf32>,
    tpu.vector_store %arg11[%swap3A_607, %swap3A_608], %broadcast_in_dim3A_34 {strides = array<i32>} : memref<8x1024xf32, #tpu.memory_space<vmem>>, vector<16xf32>,
    %swap3A_610 = arith.constant 2 : i32
    %swap3A_611 = arith.index_cast %swap3A_610 : i32 to index
    %swap3A_612 = arith.constant 256 : index
    %swap3A_613 = tpu.vector_load %arg11[%swap3A_611, %swap3A_612] {strides = array<i32>} : memref<8x1024xf32, #tpu.memory_space<vmem>>, vector<16xf32>,
    tpu.vector_store %arg11[%swap3A_611, %swap3A_612], %broadcast_in_dim3A_34 {strides = array<i32>} : memref<8x1024xf32, #tpu.memory_space<vmem>>, vector<16xf32>,
    %swap3A_614 = arith.constant 2 : i32
    %swap3A_615 = arith.index_cast %swap3A_614 : i32 to index
    %swap3A_616 = arith.constant 272 : index
    %swap3A_617 = tpu.vector_load %arg11[%swap3A_615, %swap3A_616] {strides = array<i32>} : memref<8x1024xf32, #tpu.memory_space<vmem>>, vector<16xf32>,
    tpu.vector_store %arg11[%swap3A_615, %swap3A_616], %broadcast_in_dim3A_34 {strides = array<i32>} : memref<8x1024xf32, #tpu.memory_space<vmem>>, vector<16xf32>,
    %swap3A_618 = arith.constant 2 : i32
    %swap3A_619 = arith.index_cast %swap3A_618 : i32 to index
    %swap3A_620 = arith.constant 288 : index
    %swap3A_621 = tpu.vector_load %arg11[%swap3A_619, %swap3A_620] {strides = array<i32>} : memref<8x1024xf32, #tpu.memory_space<vmem>>, vector<16xf32>,
    tpu.vector_store %arg11[%swap3A_619, %swap3A_620], %broadcast_in_dim3A_34 {strides = array<i32>} : memref<8x1024xf32, #tpu.memory_space<vmem>>, vector<16xf32>,
    %swap3A_622 = arith.constant 2 : i32
    %swap3A_623 = arith.index_cast %swap3A_622 : i32 to index
    %swap3A_624 = arith.constant 304 : index
    %swap3A_625 = tpu.vector_load %arg11[%swap3A_623, %swap3A_624] {strides = array<i32>} : memref<8x1024xf32, #tpu.memory_space<vmem>>, vector<16xf32>,
    tpu.vector_store %arg11[%swap3A_623, %swap3A_624], %broadcast_in_dim3A_34 {strides = array<i32>} : memref<8x1024xf32, #tpu.memory_space<vmem>>, vector<16xf32>,
    %swap3A_626 = arith.constant 2 : i32
    %swap3A_627 = arith.index_cast %swap3A_626 : i32 to index
    %swap3A_628 = arith.constant 320 : index
    %swap3A_629 = tpu.vector_load %arg11[%swap3A_627, %swap3A_628] {strides = array<i32>} : memref<8x1024xf32, #tpu.memory_space<vmem>>, vector<16xf32>,
    tpu.vector_store %arg11[%swap3A_627, %swap3A_628], %broadcast_in_dim3A_34 {strides = array<i32>} : memref<8x1024xf32, #tpu.memory_space<vmem>>, vector<16xf32>,
    %swap3A_630 = arith.constant 2 : i32
    %swap3A_631 = arith.index_cast %swap3A_630 : i32 to index
    %swap3A_632 = arith.constant 336 : index
    %swap3A_633 = tpu.vector_load %arg11[%swap3A_631, %swap3A_632] {strides = array<i32>} : memref<8x1024xf32, #tpu.memory_space<vmem>>, vector<16xf32>,
    tpu.vector_store %arg11[%swap3A_631, %swap3A_632], %broadcast_in_dim3A_34 {strides = array<i32>} : memref<8x1024xf32, #tpu.memory_space<vmem>>, vector<16xf32>,
    %swap3A_634 = arith.constant 2 : i32
    %swap3A_635 = arith.index_cast %swap3A_634 : i32 to index
    %swap3A_636 = arith.constant 352 : index
    %swap3A_637 = tpu.vector_load %arg11[%swap3A_635, %swap3A_636] {strides = array<i32>} : memref<8x1024xf32, #tpu.memory_space<vmem>>, vector<16xf32>,
    tpu.vector_store %arg11[%swap3A_635, %swap3A_636], %broadcast_in_dim3A_34 {strides = array<i32>} : memref<8x1024xf32, #tpu.memory_space<vmem>>, vector<16xf32>,
    %swap3A_638 = arith.constant 2 : i32
    %swap3A_639 = arith.index_cast %swap3A_638 : i32 to index
    %swap3A_640 = arith.constant 368 : index
    %swap3A_641 = tpu.vector_load %arg11[%swap3A_639, %swap3A_640] {strides = array<i32>} : memref<8x1024xf32, #tpu.memory_space<vmem>>, vector<16xf32>,
    tpu.vector_store %arg11[%swap3A_639, %swap3A_640], %broadcast_in_dim3A_34 {strides = array<i32>} : memref<8x1024xf32, #tpu.memory_space<vmem>>, vector<16xf32>,
    %swap3A_642 = arith.constant 2 : i32
    %swap3A_643 = arith.index_cast %swap3A_642 : i32 to index
    %swap3A_644 = arith.constant 384 : index
    %swap3A_645 = tpu.vector_load %arg11[%swap3A_643, %swap3A_644] {strides = array<i32>} : memref<8x1024xf32, #tpu.memory_space<vmem>>, vector<16xf32>,
    tpu.vector_store %arg11[%swap3A_643, %swap3A_644], %broadcast_in_dim3A_34 {strides = array<i32>} : memref<8x1024xf32, #tpu.memory_space<vmem>>, vector<16xf32>,
    %swap3A_646 = arith.constant 2 : i32
    %swap3A_647 = arith.index_cast %swap3A_646 : i32 to index
    %swap3A_648 = arith.constant 400 : index
    %swap3A_649 = tpu.vector_load %arg11[%swap3A_647, %swap3A_648] {strides = array<i32>} : memref<8x1024xf32, #tpu.memory_space<vmem>>, vector<16xf32>,
    tpu.vector_store %arg11[%swap3A_647, %swap3A_648], %broadcast_in_dim3A_34 {strides = array<i32>} : memref<8x1024xf32, #tpu.memory_space<vmem>>, vector<16xf32>,
    %swap3A_650 = arith.constant 2 : i32
    %swap3A_651 = arith.index_cast %swap3A_650 : i32 to index
    %swap3A_652 = arith.constant 416 : index
    %swap3A_653 = tpu.vector_load %arg11[%swap3A_651, %swap3A_652] {strides = array<i32>} : memref<8x1024xf32, #tpu.memory_space<vmem>>, vector<16xf32>,
    tpu.vector_store %arg11[%swap3A_651, %swap3A_652], %broadcast_in_dim3A_34 {strides = array<i32>} : memref<8x1024xf32, #tpu.memory_space<vmem>>, vector<16xf32>,
    %swap3A_654 = arith.constant 2 : i32
    %swap3A_655 = arith.index_cast %swap3A_654 : i32 to index
    %swap3A_656 = arith.constant 432 : index
    %swap3A_657 = tpu.vector_load %arg11[%swap3A_655, %swap3A_656] {strides = array<i32>} : memref<8x1024xf32, #tpu.memory_space<vmem>>, vector<16xf32>,
    tpu.vector_store %arg11[%swap3A_655, %swap3A_656], %broadcast_in_dim3A_34 {strides = array<i32>} : memref<8x1024xf32, #tpu.memory_space<vmem>>, vector<16xf32>,
    %swap3A_658 = arith.constant 2 : i32
    %swap3A_659 = arith.index_cast %swap3A_658 : i32 to index
    %swap3A_660 = arith.constant 448 : index
    %swap3A_661 = tpu.vector_load %arg11[%swap3A_659, %swap3A_660] {strides = array<i32>} : memref<8x1024xf32, #tpu.memory_space<vmem>>, vector<16xf32>,
    tpu.vector_store %arg11[%swap3A_659, %swap3A_660], %broadcast_in_dim3A_34 {strides = array<i32>} : memref<8x1024xf32, #tpu.memory_space<vmem>>, vector<16xf32>,
    %swap3A_662 = arith.constant 2 : i32
    %swap3A_663 = arith.index_cast %swap3A_662 : i32 to index
    %swap3A_664 = arith.constant 464 : index
    %swap3A_665 = tpu.vector_load %arg11[%swap3A_663, %swap3A_664] {strides = array<i32>} : memref<8x1024xf32, #tpu.memory_space<vmem>>, vector<16xf32>,
    tpu.vector_store %arg11[%swap3A_663, %swap3A_664], %broadcast_in_dim3A_34 {strides = array<i32>} : memref<8x1024xf32, #tpu.memory_space<vmem>>, vector<16xf32>,
    %swap3A_666 = arith.constant 2 : i32
    %swap3A_667 = arith.index_cast %swap3A_666 : i32 to index
    %swap3A_668 = arith.constant 480 : index
    %swap3A_669 = tpu.vector_load %arg11[%swap3A_667, %swap3A_668] {strides = array<i32>} : memref<8x1024xf32, #tpu.memory_space<vmem>>, vector<16xf32>,
    tpu.vector_store %arg11[%swap3A_667, %swap3A_668], %broadcast_in_dim3A_34 {strides = array<i32>} : memref<8x1024xf32, #tpu.memory_space<vmem>>, vector<16xf32>,
    %swap3A_670 = arith.constant 2 : i32
    %swap3A_671 = arith.index_cast %swap3A_670 : i32 to index
    %swap3A_672 = arith.constant 496 : index
    %swap3A_673 = tpu.vector_load %arg11[%swap3A_671, %swap3A_672] {strides = array<i32>} : memref<8x1024xf32, #tpu.memory_space<vmem>>, vector<16xf32>,
    tpu.vector_store %arg11[%swap3A_671, %swap3A_672], %broadcast_in_dim3A_34 {strides = array<i32>} : memref<8x1024xf32, #tpu.memory_space<vmem>>, vector<16xf32>,
    %swap3A_674 = arith.constant 2 : i32
    %swap3A_675 = arith.index_cast %swap3A_674 : i32 to index
    %swap3A_676 = arith.constant 512 : index
    %swap3A_677 = tpu.vector_load %arg11[%swap3A_675, %swap3A_676] {strides = array<i32>} : memref<8x1024xf32, #tpu.memory_space<vmem>>, vector<16xf32>,
    tpu.vector_store %arg11[%swap3A_675, %swap3A_676], %broadcast_in_dim3A_34 {strides = array<i32>} : memref<8x1024xf32, #tpu.memory_space<vmem>>, vector<16xf32>,
    %swap3A_678 = arith.constant 2 : i32
    %swap3A_679 = arith.index_cast %swap3A_678 : i32 to index
    %swap3A_680 = arith.constant 528 : index
    %swap3A_681 = tpu.vector_load %arg11[%swap3A_679, %swap3A_680] {strides = array<i32>} : memref<8x1024xf32, #tpu.memory_space<vmem>>, vector<16xf32>,
    tpu.vector_store %arg11[%swap3A_679, %swap3A_680], %broadcast_in_dim3A_34 {strides = array<i32>} : memref<8x1024xf32, #tpu.memory_space<vmem>>, vector<16xf32>,
    %swap3A_682 = arith.constant 2 : i32
    %swap3A_683 = arith.index_cast %swap3A_682 : i32 to index
    %swap3A_684 = arith.constant 544 : index
    %swap3A_685 = tpu.vector_load %arg11[%swap3A_683, %swap3A_684] {strides = array<i32>} : memref<8x1024xf32, #tpu.memory_space<vmem>>, vector<16xf32>,
    tpu.vector_store %arg11[%swap3A_683, %swap3A_684], %broadcast_in_dim3A_34 {strides = array<i32>} : memref<8x1024xf32, #tpu.memory_space<vmem>>, vector<16xf32>,
    %swap3A_686 = arith.constant 2 : i32
    %swap3A_687 = arith.index_cast %swap3A_686 : i32 to index
    %swap3A_688 = arith.constant 560 : index
    %swap3A_689 = tpu.vector_load %arg11[%swap3A_687, %swap3A_688] {strides = array<i32>} : memref<8x1024xf32, #tpu.memory_space<vmem>>, vector<16xf32>,
    tpu.vector_store %arg11[%swap3A_687, %swap3A_688], %broadcast_in_dim3A_34 {strides = array<i32>} : memref<8x1024xf32, #tpu.memory_space<vmem>>, vector<16xf32>,
    %swap3A_690 = arith.constant 2 : i32
    %swap3A_691 = arith.index_cast %swap3A_690 : i32 to index
    %swap3A_692 = arith.constant 576 : index
    %swap3A_693 = tpu.vector_load %arg11[%swap3A_691, %swap3A_692] {strides = array<i32>} : memref<8x1024xf32, #tpu.memory_space<vmem>>, vector<16xf32>,
    tpu.vector_store %arg11[%swap3A_691, %swap3A_692], %broadcast_in_dim3A_34 {strides = array<i32>} : memref<8x1024xf32, #tpu.memory_space<vmem>>, vector<16xf32>,
    %swap3A_694 = arith.constant 2 : i32
    %swap3A_695 = arith.index_cast %swap3A_694 : i32 to index
    %swap3A_696 = arith.constant 592 : index
    %swap3A_697 = tpu.vector_load %arg11[%swap3A_695, %swap3A_696] {strides = array<i32>} : memref<8x1024xf32, #tpu.memory_space<vmem>>, vector<16xf32>,
    tpu.vector_store %arg11[%swap3A_695, %swap3A_696], %broadcast_in_dim3A_34 {strides = array<i32>} : memref<8x1024xf32, #tpu.memory_space<vmem>>, vector<16xf32>,
    %swap3A_698 = arith.constant 2 : i32
    %swap3A_699 = arith.index_cast %swap3A_698 : i32 to index
    %swap3A_700 = arith.constant 608 : index
    %swap3A_701 = tpu.vector_load %arg11[%swap3A_699, %swap3A_700] {strides = array<i32>} : memref<8x1024xf32, #tpu.memory_space<vmem>>, vector<16xf32>,
    tpu.vector_store %arg11[%swap3A_699, %swap3A_700], %broadcast_in_dim3A_34 {strides = array<i32>} : memref<8x1024xf32, #tpu.memory_space<vmem>>, vector<16xf32>,
    %swap3A_702 = arith.constant 2 : i32
    %swap3A_703 = arith.index_cast %swap3A_702 : i32 to index
    %swap3A_704 = arith.constant 624 : index
    %swap3A_705 = tpu.vector_load %arg11[%swap3A_703, %swap3A_704] {strides = array<i32>} : memref<8x1024xf32, #tpu.memory_space<vmem>>, vector<16xf32>,
    tpu.vector_store %arg11[%swap3A_703, %swap3A_704], %broadcast_in_dim3A_34 {strides = array<i32>} : memref<8x1024xf32, #tpu.memory_space<vmem>>, vector<16xf32>,
    %swap3A_706 = arith.constant 2 : i32
    %swap3A_707 = arith.index_cast %swap3A_706 : i32 to index
    %swap3A_708 = arith.constant 640 : index
    %swap3A_709 = tpu.vector_load %arg11[%swap3A_707, %swap3A_708] {strides = array<i32>} : memref<8x1024xf32, #tpu.memory_space<vmem>>, vector<16xf32>,
    tpu.vector_store %arg11[%swap3A_707, %swap3A_708], %broadcast_in_dim3A_34 {strides = array<i32>} : memref<8x1024xf32, #tpu.memory_space<vmem>>, vector<16xf32>,
    %swap3A_710 = arith.constant 2 : i32
    %swap3A_711 = arith.index_cast %swap3A_710 : i32 to index
    %swap3A_712 = arith.constant 656 : index
    %swap3A_713 = tpu.vector_load %arg11[%swap3A_711, %swap3A_712] {strides = array<i32>} : memref<8x1024xf32, #tpu.memory_space<vmem>>, vector<16xf32>,
    tpu.vector_store %arg11[%swap3A_711, %swap3A_712], %broadcast_in_dim3A_34 {strides = array<i32>} : memref<8x1024xf32, #tpu.memory_space<vmem>>, vector<16xf32>,
    %swap3A_714 = arith.constant 2 : i32
    %swap3A_715 = arith.index_cast %swap3A_714 : i32 to index
    %swap3A_716 = arith.constant 672 : index
    %swap3A_717 = tpu.vector_load %arg11[%swap3A_715, %swap3A_716] {strides = array<i32>} : memref<8x1024xf32, #tpu.memory_space<vmem>>, vector<16xf32>,
    tpu.vector_store %arg11[%swap3A_715, %swap3A_716], %broadcast_in_dim3A_34 {strides = array<i32>} : memref<8x1024xf32, #tpu.memory_space<vmem>>, vector<16xf32>,
    %swap3A_718 = arith.constant 2 : i32
    %swap3A_719 = arith.index_cast %swap3A_718 : i32 to index
    %swap3A_720 = arith.constant 688 : index
    %swap3A_721 = tpu.vector_load %arg11[%swap3A_719, %swap3A_720] {strides = array<i32>} : memref<8x1024xf32, #tpu.memory_space<vmem>>, vector<16xf32>,
    tpu.vector_store %arg11[%swap3A_719, %swap3A_720], %broadcast_in_dim3A_34 {strides = array<i32>} : memref<8x1024xf32, #tpu.memory_space<vmem>>, vector<16xf32>,
    %swap3A_722 = arith.constant 2 : i32
    %swap3A_723 = arith.index_cast %swap3A_722 : i32 to index
    %swap3A_724 = arith.constant 704 : index
    %swap3A_725 = tpu.vector_load %arg11[%swap3A_723, %swap3A_724] {strides = array<i32>} : memref<8x1024xf32, #tpu.memory_space<vmem>>, vector<16xf32>,
    tpu.vector_store %arg11[%swap3A_723, %swap3A_724], %broadcast_in_dim3A_34 {strides = array<i32>} : memref<8x1024xf32, #tpu.memory_space<vmem>>, vector<16xf32>,
    %swap3A_726 = arith.constant 2 : i32
    %swap3A_727 = arith.index_cast %swap3A_726 : i32 to index
    %swap3A_728 = arith.constant 720 : index
    %swap3A_729 = tpu.vector_load %arg11[%swap3A_727, %swap3A_728] {strides = array<i32>} : memref<8x1024xf32, #tpu.memory_space<vmem>>, vector<16xf32>,
    tpu.vector_store %arg11[%swap3A_727, %swap3A_728], %broadcast_in_dim3A_34 {strides = array<i32>} : memref<8x1024xf32, #tpu.memory_space<vmem>>, vector<16xf32>,
    %swap3A_730 = arith.constant 2 : i32
    %swap3A_731 = arith.index_cast %swap3A_730 : i32 to index
    %swap3A_732 = arith.constant 736 : index
    %swap3A_733 = tpu.vector_load %arg11[%swap3A_731, %swap3A_732] {strides = array<i32>} : memref<8x1024xf32, #tpu.memory_space<vmem>>, vector<16xf32>,
    tpu.vector_store %arg11[%swap3A_731, %swap3A_732], %broadcast_in_dim3A_34 {strides = array<i32>} : memref<8x1024xf32, #tpu.memory_space<vmem>>, vector<16xf32>,
    %swap3A_734 = arith.constant 2 : i32
    %swap3A_735 = arith.index_cast %swap3A_734 : i32 to index
    %swap3A_736 = arith.constant 752 : index
    %swap3A_737 = tpu.vector_load %arg11[%swap3A_735, %swap3A_736] {strides = array<i32>} : memref<8x1024xf32, #tpu.memory_space<vmem>>, vector<16xf32>,
    tpu.vector_store %arg11[%swap3A_735, %swap3A_736], %broadcast_in_dim3A_34 {strides = array<i32>} : memref<8x1024xf32, #tpu.memory_space<vmem>>, vector<16xf32>,
    %swap3A_738 = arith.constant 2 : i32
    %swap3A_739 = arith.index_cast %swap3A_738 : i32 to index
    %swap3A_740 = arith.constant 768 : index
    %swap3A_741 = tpu.vector_load %arg11[%swap3A_739, %swap3A_740] {strides = array<i32>} : memref<8x1024xf32, #tpu.memory_space<vmem>>, vector<16xf32>,
    tpu.vector_store %arg11[%swap3A_739, %swap3A_740], %broadcast_in_dim3A_34 {strides = array<i32>} : memref<8x1024xf32, #tpu.memory_space<vmem>>, vector<16xf32>,
    %swap3A_742 = arith.constant 2 : i32
    %swap3A_743 = arith.index_cast %swap3A_742 : i32 to index
    %swap3A_744 = arith.constant 784 : index
    %swap3A_745 = tpu.vector_load %arg11[%swap3A_743, %swap3A_744] {strides = array<i32>} : memref<8x1024xf32, #tpu.memory_space<vmem>>, vector<16xf32>,
    tpu.vector_store %arg11[%swap3A_743, %swap3A_744], %broadcast_in_dim3A_34 {strides = array<i32>} : memref<8x1024xf32, #tpu.memory_space<vmem>>, vector<16xf32>,
    %swap3A_746 = arith.constant 2 : i32
    %swap3A_747 = arith.index_cast %swap3A_746 : i32 to index
    %swap3A_748 = arith.constant 800 : index
    %swap3A_749 = tpu.vector_load %arg11[%swap3A_747, %swap3A_748] {strides = array<i32>} : memref<8x1024xf32, #tpu.memory_space<vmem>>, vector<16xf32>,
    tpu.vector_store %arg11[%swap3A_747, %swap3A_748], %broadcast_in_dim3A_34 {strides = array<i32>} : memref<8x1024xf32, #tpu.memory_space<vmem>>, vector<16xf32>,
    %swap3A_750 = arith.constant 2 : i32
    %swap3A_751 = arith.index_cast %swap3A_750 : i32 to index
    %swap3A_752 = arith.constant 816 : index
    %swap3A_753 = tpu.vector_load %arg11[%swap3A_751, %swap3A_752] {strides = array<i32>} : memref<8x1024xf32, #tpu.memory_space<vmem>>, vector<16xf32>,
    tpu.vector_store %arg11[%swap3A_751, %swap3A_752], %broadcast_in_dim3A_34 {strides = array<i32>} : memref<8x1024xf32, #tpu.memory_space<vmem>>, vector<16xf32>,
    %swap3A_754 = arith.constant 2 : i32
    %swap3A_755 = arith.index_cast %swap3A_754 : i32 to index
    %swap3A_756 = arith.constant 832 : index
    %swap3A_757 = tpu.vector_load %arg11[%swap3A_755, %swap3A_756] {strides = array<i32>} : memref<8x1024xf32, #tpu.memory_space<vmem>>, vector<16xf32>,
    tpu.vector_store %arg11[%swap3A_755, %swap3A_756], %broadcast_in_dim3A_34 {strides = array<i32>} : memref<8x1024xf32, #tpu.memory_space<vmem>>, vector<16xf32>,
    %swap3A_758 = arith.constant 2 : i32
    %swap3A_759 = arith.index_cast %swap3A_758 : i32 to index
    %swap3A_760 = arith.constant 848 : index
    %swap3A_761 = tpu.vector_load %arg11[%swap3A_759, %swap3A_760] {strides = array<i32>} : memref<8x1024xf32, #tpu.memory_space<vmem>>, vector<16xf32>,
    tpu.vector_store %arg11[%swap3A_759, %swap3A_760], %broadcast_in_dim3A_34 {strides = array<i32>} : memref<8x1024xf32, #tpu.memory_space<vmem>>, vector<16xf32>,
    %swap3A_762 = arith.constant 2 : i32
    %swap3A_763 = arith.index_cast %swap3A_762 : i32 to index
    %swap3A_764 = arith.constant 864 : index
    %swap3A_765 = tpu.vector_load %arg11[%swap3A_763, %swap3A_764] {strides = array<i32>} : memref<8x1024xf32, #tpu.memory_space<vmem>>, vector<16xf32>,
    tpu.vector_store %arg11[%swap3A_763, %swap3A_764], %broadcast_in_dim3A_34 {strides = array<i32>} : memref<8x1024xf32, #tpu.memory_space<vmem>>, vector<16xf32>,
    %swap3A_766 = arith.constant 2 : i32
    %swap3A_767 = arith.index_cast %swap3A_766 : i32 to index
    %swap3A_768 = arith.constant 880 : index
    %swap3A_769 = tpu.vector_load %arg11[%swap3A_767, %swap3A_768] {strides = array<i32>} : memref<8x1024xf32, #tpu.memory_space<vmem>>, vector<16xf32>,
    tpu.vector_store %arg11[%swap3A_767, %swap3A_768], %broadcast_in_dim3A_34 {strides = array<i32>} : memref<8x1024xf32, #tpu.memory_space<vmem>>, vector<16xf32>,
    %swap3A_770 = arith.constant 2 : i32
    %swap3A_771 = arith.index_cast %swap3A_770 : i32 to index
    %swap3A_772 = arith.constant 896 : index
    %swap3A_773 = tpu.vector_load %arg11[%swap3A_771, %swap3A_772] {strides = array<i32>} : memref<8x1024xf32, #tpu.memory_space<vmem>>, vector<16xf32>,
    tpu.vector_store %arg11[%swap3A_771, %swap3A_772], %broadcast_in_dim3A_34 {strides = array<i32>} : memref<8x1024xf32, #tpu.memory_space<vmem>>, vector<16xf32>,
    %swap3A_774 = arith.constant 2 : i32
    %swap3A_775 = arith.index_cast %swap3A_774 : i32 to index
    %swap3A_776 = arith.constant 912 : index
    %swap3A_777 = tpu.vector_load %arg11[%swap3A_775, %swap3A_776] {strides = array<i32>} : memref<8x1024xf32, #tpu.memory_space<vmem>>, vector<16xf32>,
    tpu.vector_store %arg11[%swap3A_775, %swap3A_776], %broadcast_in_dim3A_34 {strides = array<i32>} : memref<8x1024xf32, #tpu.memory_space<vmem>>, vector<16xf32>,
    %swap3A_778 = arith.constant 2 : i32
    %swap3A_779 = arith.index_cast %swap3A_778 : i32 to index
    %swap3A_780 = arith.constant 928 : index
    %swap3A_781 = tpu.vector_load %arg11[%swap3A_779, %swap3A_780] {strides = array<i32>} : memref<8x1024xf32, #tpu.memory_space<vmem>>, vector<16xf32>,
    tpu.vector_store %arg11[%swap3A_779, %swap3A_780], %broadcast_in_dim3A_34 {strides = array<i32>} : memref<8x1024xf32, #tpu.memory_space<vmem>>, vector<16xf32>,
    %swap3A_782 = arith.constant 2 : i32
    %swap3A_783 = arith.index_cast %swap3A_782 : i32 to index
    %swap3A_784 = arith.constant 944 : index
    %swap3A_785 = tpu.vector_load %arg11[%swap3A_783, %swap3A_784] {strides = array<i32>} : memref<8x1024xf32, #tpu.memory_space<vmem>>, vector<16xf32>,
    tpu.vector_store %arg11[%swap3A_783, %swap3A_784], %broadcast_in_dim3A_34 {strides = array<i32>} : memref<8x1024xf32, #tpu.memory_space<vmem>>, vector<16xf32>,
    %swap3A_786 = arith.constant 2 : i32
    %swap3A_787 = arith.index_cast %swap3A_786 : i32 to index
    %swap3A_788 = arith.constant 960 : index
    %swap3A_789 = tpu.vector_load %arg11[%swap3A_787, %swap3A_788] {strides = array<i32>} : memref<8x1024xf32, #tpu.memory_space<vmem>>, vector<16xf32>,
    tpu.vector_store %arg11[%swap3A_787, %swap3A_788], %broadcast_in_dim3A_34 {strides = array<i32>} : memref<8x1024xf32, #tpu.memory_space<vmem>>, vector<16xf32>,
    %swap3A_790 = arith.constant 2 : i32
    %swap3A_791 = arith.index_cast %swap3A_790 : i32 to index
    %swap3A_792 = arith.constant 976 : index
    %swap3A_793 = tpu.vector_load %arg11[%swap3A_791, %swap3A_792] {strides = array<i32>} : memref<8x1024xf32, #tpu.memory_space<vmem>>, vector<16xf32>,
    tpu.vector_store %arg11[%swap3A_791, %swap3A_792], %broadcast_in_dim3A_34 {strides = array<i32>} : memref<8x1024xf32, #tpu.memory_space<vmem>>, vector<16xf32>,
    %swap3A_794 = arith.constant 2 : i32
    %swap3A_795 = arith.index_cast %swap3A_794 : i32 to index
    %swap3A_796 = arith.constant 992 : index
    %swap3A_797 = tpu.vector_load %arg11[%swap3A_795, %swap3A_796] {strides = array<i32>} : memref<8x1024xf32, #tpu.memory_space<vmem>>, vector<16xf32>,
    tpu.vector_store %arg11[%swap3A_795, %swap3A_796], %broadcast_in_dim3A_34 {strides = array<i32>} : memref<8x1024xf32, #tpu.memory_space<vmem>>, vector<16xf32>,
    %swap3A_798 = arith.constant 2 : i32
    %swap3A_799 = arith.index_cast %swap3A_798 : i32 to index
    %swap3A_800 = arith.constant 1008 : index
    %swap3A_801 = tpu.vector_load %arg11[%swap3A_799, %swap3A_800] {strides = array<i32>} : memref<8x1024xf32, #tpu.memory_space<vmem>>, vector<16xf32>,
    tpu.vector_store %arg11[%swap3A_799, %swap3A_800], %broadcast_in_dim3A_34 {strides = array<i32>} : memref<8x1024xf32, #tpu.memory_space<vmem>>, vector<16xf32>,
    %swap3A_802 = arith.constant 3 : i32
    %swap3A_803 = arith.index_cast %swap3A_802 : i32 to index
    %swap3A_804 = arith.constant 0 : index
    %swap3A_805 = tpu.vector_load %arg11[%swap3A_803, %swap3A_804] {strides = array<i32>} : memref<8x1024xf32, #tpu.memory_space<vmem>>, vector<16xf32>,
    tpu.vector_store %arg11[%swap3A_803, %swap3A_804], %broadcast_in_dim3A_34 {strides = array<i32>} : memref<8x1024xf32, #tpu.memory_space<vmem>>, vector<16xf32>,
    %swap3A_806 = arith.constant 3 : i32
    %swap3A_807 = arith.index_cast %swap3A_806 : i32 to index
    %swap3A_808 = arith.constant 16 : index
    %swap3A_809 = tpu.vector_load %arg11[%swap3A_807, %swap3A_808] {strides = array<i32>} : memref<8x1024xf32, #tpu.memory_space<vmem>>, vector<16xf32>,
    tpu.vector_store %arg11[%swap3A_807, %swap3A_808], %broadcast_in_dim3A_34 {strides = array<i32>} : memref<8x1024xf32, #tpu.memory_space<vmem>>, vector<16xf32>,
    %swap3A_810 = arith.constant 3 : i32
    %swap3A_811 = arith.index_cast %swap3A_810 : i32 to index
    %swap3A_812 = arith.constant 32 : index
    %swap3A_813 = tpu.vector_load %arg11[%swap3A_811, %swap3A_812] {strides = array<i32>} : memref<8x1024xf32, #tpu.memory_space<vmem>>, vector<16xf32>,
    tpu.vector_store %arg11[%swap3A_811, %swap3A_812], %broadcast_in_dim3A_34 {strides = array<i32>} : memref<8x1024xf32, #tpu.memory_space<vmem>>, vector<16xf32>,
    %swap3A_814 = arith.constant 3 : i32
    %swap3A_815 = arith.index_cast %swap3A_814 : i32 to index
    %swap3A_816 = arith.constant 48 : index
    %swap3A_817 = tpu.vector_load %arg11[%swap3A_815, %swap3A_816] {strides = array<i32>} : memref<8x1024xf32, #tpu.memory_space<vmem>>, vector<16xf32>,
    tpu.vector_store %arg11[%swap3A_815, %swap3A_816], %broadcast_in_dim3A_34 {strides = array<i32>} : memref<8x1024xf32, #tpu.memory_space<vmem>>, vector<16xf32>,
    %swap3A_818 = arith.constant 3 : i32
    %swap3A_819 = arith.index_cast %swap3A_818 : i32 to index
    %swap3A_820 = arith.constant 64 : index
    %swap3A_821 = tpu.vector_load %arg11[%swap3A_819, %swap3A_820] {strides = array<i32>} : memref<8x1024xf32, #tpu.memory_space<vmem>>, vector<16xf32>,
    tpu.vector_store %arg11[%swap3A_819, %swap3A_820], %broadcast_in_dim3A_34 {strides = array<i32>} : memref<8x1024xf32, #tpu.memory_space<vmem>>, vector<16xf32>,
    %swap3A_822 = arith.constant 3 : i32
    %swap3A_823 = arith.index_cast %swap3A_822 : i32 to index
    %swap3A_824 = arith.constant 80 : index
    %swap3A_825 = tpu.vector_load %arg11[%swap3A_823, %swap3A_824] {strides = array<i32>} : memref<8x1024xf32, #tpu.memory_space<vmem>>, vector<16xf32>,
    tpu.vector_store %arg11[%swap3A_823, %swap3A_824], %broadcast_in_dim3A_34 {strides = array<i32>} : memref<8x1024xf32, #tpu.memory_space<vmem>>, vector<16xf32>,
    %swap3A_826 = arith.constant 3 : i32
    %swap3A_827 = arith.index_cast %swap3A_826 : i32 to index
    %swap3A_828 = arith.constant 96 : index
    %swap3A_829 = tpu.vector_load %arg11[%swap3A_827, %swap3A_828] {strides = array<i32>} : memref<8x1024xf32, #tpu.memory_space<vmem>>, vector<16xf32>,
    tpu.vector_store %arg11[%swap3A_827, %swap3A_828], %broadcast_in_dim3A_34 {strides = array<i32>} : memref<8x1024xf32, #tpu.memory_space<vmem>>, vector<16xf32>,
    %swap3A_830 = arith.constant 3 : i32
    %swap3A_831 = arith.index_cast %swap3A_830 : i32 to index
    %swap3A_832 = arith.constant 112 : index
    %swap3A_833 = tpu.vector_load %arg11[%swap3A_831, %swap3A_832] {strides = array<i32>} : memref<8x1024xf32, #tpu.memory_space<vmem>>, vector<16xf32>,
    tpu.vector_store %arg11[%swap3A_831, %swap3A_832], %broadcast_in_dim3A_34 {strides = array<i32>} : memref<8x1024xf32, #tpu.memory_space<vmem>>, vector<16xf32>,
    %swap3A_834 = arith.constant 3 : i32
    %swap3A_835 = arith.index_cast %swap3A_834 : i32 to index
    %swap3A_836 = arith.constant 128 : index
    %swap3A_837 = tpu.vector_load %arg11[%swap3A_835, %swap3A_836] {strides = array<i32>} : memref<8x1024xf32, #tpu.memory_space<vmem>>, vector<16xf32>,
    tpu.vector_store %arg11[%swap3A_835, %swap3A_836], %broadcast_in_dim3A_34 {strides = array<i32>} : memref<8x1024xf32, #tpu.memory_space<vmem>>, vector<16xf32>,
    %swap3A_838 = arith.constant 3 : i32
    %swap3A_839 = arith.index_cast %swap3A_838 : i32 to index
    %swap3A_840 = arith.constant 144 : index
    %swap3A_841 = tpu.vector_load %arg11[%swap3A_839, %swap3A_840] {strides = array<i32>} : memref<8x1024xf32, #tpu.memory_space<vmem>>, vector<16xf32>,
    tpu.vector_store %arg11[%swap3A_839, %swap3A_840], %broadcast_in_dim3A_34 {strides = array<i32>} : memref<8x1024xf32, #tpu.memory_space<vmem>>, vector<16xf32>,
    %swap3A_842 = arith.constant 3 : i32
    %swap3A_843 = arith.index_cast %swap3A_842 : i32 to index
    %swap3A_844 = arith.constant 160 : index
    %swap3A_845 = tpu.vector_load %arg11[%swap3A_843, %swap3A_844] {strides = array<i32>} : memref<8x1024xf32, #tpu.memory_space<vmem>>, vector<16xf32>,
    tpu.vector_store %arg11[%swap3A_843, %swap3A_844], %broadcast_in_dim3A_34 {strides = array<i32>} : memref<8x1024xf32, #tpu.memory_space<vmem>>, vector<16xf32>,
    %swap3A_846 = arith.constant 3 : i32
    %swap3A_847 = arith.index_cast %swap3A_846 : i32 to index
    %swap3A_848 = arith.constant 176 : index
    %swap3A_849 = tpu.vector_load %arg11[%swap3A_847, %swap3A_848] {strides = array<i32>} : memref<8x1024xf32, #tpu.memory_space<vmem>>, vector<16xf32>,
    tpu.vector_store %arg11[%swap3A_847, %swap3A_848], %broadcast_in_dim3A_34 {strides = array<i32>} : memref<8x1024xf32, #tpu.memory_space<vmem>>, vector<16xf32>,
    %swap3A_850 = arith.constant 3 : i32
    %swap3A_851 = arith.index_cast %swap3A_850 : i32 to index
    %swap3A_852 = arith.constant 192 : index
    %swap3A_853 = tpu.vector_load %arg11[%swap3A_851, %swap3A_852] {strides = array<i32>} : memref<8x1024xf32, #tpu.memory_space<vmem>>, vector<16xf32>,
    tpu.vector_store %arg11[%swap3A_851, %swap3A_852], %broadcast_in_dim3A_34 {strides = array<i32>} : memref<8x1024xf32, #tpu.memory_space<vmem>>, vector<16xf32>,
    %swap3A_854 = arith.constant 3 : i32
    %swap3A_855 = arith.index_cast %swap3A_854 : i32 to index
    %swap3A_856 = arith.constant 208 : index
    %swap3A_857 = tpu.vector_load %arg11[%swap3A_855, %swap3A_856] {strides = array<i32>} : memref<8x1024xf32, #tpu.memory_space<vmem>>, vector<16xf32>,
    tpu.vector_store %arg11[%swap3A_855, %swap3A_856], %broadcast_in_dim3A_34 {strides = array<i32>} : memref<8x1024xf32, #tpu.memory_space<vmem>>, vector<16xf32>,
    %swap3A_858 = arith.constant 3 : i32
    %swap3A_859 = arith.index_cast %swap3A_858 : i32 to index
    %swap3A_860 = arith.constant 224 : index
    %swap3A_861 = tpu.vector_load %arg11[%swap3A_859, %swap3A_860] {strides = array<i32>} : memref<8x1024xf32, #tpu.memory_space<vmem>>, vector<16xf32>,
    tpu.vector_store %arg11[%swap3A_859, %swap3A_860], %broadcast_in_dim3A_34 {strides = array<i32>} : memref<8x1024xf32, #tpu.memory_space<vmem>>, vector<16xf32>,
    %swap3A_862 = arith.constant 3 : i32
    %swap3A_863 = arith.index_cast %swap3A_862 : i32 to index
    %swap3A_864 = arith.constant 240 : index
    %swap3A_865 = tpu.vector_load %arg11[%swap3A_863, %swap3A_864] {strides = array<i32>} : memref<8x1024xf32, #tpu.memory_space<vmem>>, vector<16xf32>,
    tpu.vector_store %arg11[%swap3A_863, %swap3A_864], %broadcast_in_dim3A_34 {strides = array<i32>} : memref<8x1024xf32, #tpu.memory_space<vmem>>, vector<16xf32>,
    %swap3A_866 = arith.constant 3 : i32
    %swap3A_867 = arith.index_cast %swap3A_866 : i32 to index
    %swap3A_868 = arith.constant 256 : index
    %swap3A_869 = tpu.vector_load %arg11[%swap3A_867, %swap3A_868] {strides = array<i32>} : memref<8x1024xf32, #tpu.memory_space<vmem>>, vector<16xf32>,
    tpu.vector_store %arg11[%swap3A_867, %swap3A_868], %broadcast_in_dim3A_34 {strides = array<i32>} : memref<8x1024xf32, #tpu.memory_space<vmem>>, vector<16xf32>,
    %swap3A_870 = arith.constant 3 : i32
    %swap3A_871 = arith.index_cast %swap3A_870 : i32 to index
    %swap3A_872 = arith.constant 272 : index
    %swap3A_873 = tpu.vector_load %arg11[%swap3A_871, %swap3A_872] {strides = array<i32>} : memref<8x1024xf32, #tpu.memory_space<vmem>>, vector<16xf32>,
    tpu.vector_store %arg11[%swap3A_871, %swap3A_872], %broadcast_in_dim3A_34 {strides = array<i32>} : memref<8x1024xf32, #tpu.memory_space<vmem>>, vector<16xf32>,
    %swap3A_874 = arith.constant 3 : i32
    %swap3A_875 = arith.index_cast %swap3A_874 : i32 to index
    %swap3A_876 = arith.constant 288 : index
    %swap3A_877 = tpu.vector_load %arg11[%swap3A_875, %swap3A_876] {strides = array<i32>} : memref<8x1024xf32, #tpu.memory_space<vmem>>, vector<16xf32>,
    tpu.vector_store %arg11[%swap3A_875, %swap3A_876], %broadcast_in_dim3A_34 {strides = array<i32>} : memref<8x1024xf32, #tpu.memory_space<vmem>>, vector<16xf32>,
    %swap3A_878 = arith.constant 3 : i32
    %swap3A_879 = arith.index_cast %swap3A_878 : i32 to index
    %swap3A_880 = arith.constant 304 : index
    %swap3A_881 = tpu.vector_load %arg11[%swap3A_879, %swap3A_880] {strides = array<i32>} : memref<8x1024xf32, #tpu.memory_space<vmem>>, vector<16xf32>,
    tpu.vector_store %arg11[%swap3A_879, %swap3A_880], %broadcast_in_dim3A_34 {strides = array<i32>} : memref<8x1024xf32, #tpu.memory_space<vmem>>, vector<16xf32>,
    %swap3A_882 = arith.constant 3 : i32
    %swap3A_883 = arith.index_cast %swap3A_882 : i32 to index
    %swap3A_884 = arith.constant 320 : index
    %swap3A_885 = tpu.vector_load %arg11[%swap3A_883, %swap3A_884] {strides = array<i32>} : memref<8x1024xf32, #tpu.memory_space<vmem>>, vector<16xf32>,
    tpu.vector_store %arg11[%swap3A_883, %swap3A_884], %broadcast_in_dim3A_34 {strides = array<i32>} : memref<8x1024xf32, #tpu.memory_space<vmem>>, vector<16xf32>,
    %swap3A_886 = arith.constant 3 : i32
    %swap3A_887 = arith.index_cast %swap3A_886 : i32 to index
    %swap3A_888 = arith.constant 336 : index
    %swap3A_889 = tpu.vector_load %arg11[%swap3A_887, %swap3A_888] {strides = array<i32>} : memref<8x1024xf32, #tpu.memory_space<vmem>>, vector<16xf32>,
    tpu.vector_store %arg11[%swap3A_887, %swap3A_888], %broadcast_in_dim3A_34 {strides = array<i32>} : memref<8x1024xf32, #tpu.memory_space<vmem>>, vector<16xf32>,
    %swap3A_890 = arith.constant 3 : i32
    %swap3A_891 = arith.index_cast %swap3A_890 : i32 to index
    %swap3A_892 = arith.constant 352 : index
    %swap3A_893 = tpu.vector_load %arg11[%swap3A_891, %swap3A_892] {strides = array<i32>} : memref<8x1024xf32, #tpu.memory_space<vmem>>, vector<16xf32>,
    tpu.vector_store %arg11[%swap3A_891, %swap3A_892], %broadcast_in_dim3A_34 {strides = array<i32>} : memref<8x1024xf32, #tpu.memory_space<vmem>>, vector<16xf32>,
    %swap3A_894 = arith.constant 3 : i32
    %swap3A_895 = arith.index_cast %swap3A_894 : i32 to index
    %swap3A_896 = arith.constant 368 : index
    %swap3A_897 = tpu.vector_load %arg11[%swap3A_895, %swap3A_896] {strides = array<i32>} : memref<8x1024xf32, #tpu.memory_space<vmem>>, vector<16xf32>,
    tpu.vector_store %arg11[%swap3A_895, %swap3A_896], %broadcast_in_dim3A_34 {strides = array<i32>} : memref<8x1024xf32, #tpu.memory_space<vmem>>, vector<16xf32>,
    %swap3A_898 = arith.constant 3 : i32
    %swap3A_899 = arith.index_cast %swap3A_898 : i32 to index
    %swap3A_900 = arith.constant 384 : index
    %swap3A_901 = tpu.vector_load %arg11[%swap3A_899, %swap3A_900] {strides = array<i32>} : memref<8x1024xf32, #tpu.memory_space<vmem>>, vector<16xf32>,
    tpu.vector_store %arg11[%swap3A_899, %swap3A_900], %broadcast_in_dim3A_34 {strides = array<i32>} : memref<8x1024xf32, #tpu.memory_space<vmem>>, vector<16xf32>,
    %swap3A_902 = arith.constant 3 : i32
    %swap3A_903 = arith.index_cast %swap3A_902 : i32 to index
    %swap3A_904 = arith.constant 400 : index
    %swap3A_905 = tpu.vector_load %arg11[%swap3A_903, %swap3A_904] {strides = array<i32>} : memref<8x1024xf32, #tpu.memory_space<vmem>>, vector<16xf32>,
    tpu.vector_store %arg11[%swap3A_903, %swap3A_904], %broadcast_in_dim3A_34 {strides = array<i32>} : memref<8x1024xf32, #tpu.memory_space<vmem>>, vector<16xf32>,
    %swap3A_906 = arith.constant 3 : i32
    %swap3A_907 = arith.index_cast %swap3A_906 : i32 to index
    %swap3A_908 = arith.constant 416 : index
    %swap3A_909 = tpu.vector_load %arg11[%swap3A_907, %swap3A_908] {strides = array<i32>} : memref<8x1024xf32, #tpu.memory_space<vmem>>, vector<16xf32>,
    tpu.vector_store %arg11[%swap3A_907, %swap3A_908], %broadcast_in_dim3A_34 {strides = array<i32>} : memref<8x1024xf32, #tpu.memory_space<vmem>>, vector<16xf32>,
    %swap3A_910 = arith.constant 3 : i32
    %swap3A_911 = arith.index_cast %swap3A_910 : i32 to index
    %swap3A_912 = arith.constant 432 : index
    %swap3A_913 = tpu.vector_load %arg11[%swap3A_911, %swap3A_912] {strides = array<i32>} : memref<8x1024xf32, #tpu.memory_space<vmem>>, vector<16xf32>,
    tpu.vector_store %arg11[%swap3A_911, %swap3A_912], %broadcast_in_dim3A_34 {strides = array<i32>} : memref<8x1024xf32, #tpu.memory_space<vmem>>, vector<16xf32>,
    %swap3A_914 = arith.constant 3 : i32
    %swap3A_915 = arith.index_cast %swap3A_914 : i32 to index
    %swap3A_916 = arith.constant 448 : index
    %swap3A_917 = tpu.vector_load %arg11[%swap3A_915, %swap3A_916] {strides = array<i32>} : memref<8x1024xf32, #tpu.memory_space<vmem>>, vector<16xf32>,
    tpu.vector_store %arg11[%swap3A_915, %swap3A_916], %broadcast_in_dim3A_34 {strides = array<i32>} : memref<8x1024xf32, #tpu.memory_space<vmem>>, vector<16xf32>,
    %swap3A_918 = arith.constant 3 : i32
    %swap3A_919 = arith.index_cast %swap3A_918 : i32 to index
    %swap3A_920 = arith.constant 464 : index
    %swap3A_921 = tpu.vector_load %arg11[%swap3A_919, %swap3A_920] {strides = array<i32>} : memref<8x1024xf32, #tpu.memory_space<vmem>>, vector<16xf32>,
    tpu.vector_store %arg11[%swap3A_919, %swap3A_920], %broadcast_in_dim3A_34 {strides = array<i32>} : memref<8x1024xf32, #tpu.memory_space<vmem>>, vector<16xf32>,
    %swap3A_922 = arith.constant 3 : i32
    %swap3A_923 = arith.index_cast %swap3A_922 : i32 to index
    %swap3A_924 = arith.constant 480 : index
    %swap3A_925 = tpu.vector_load %arg11[%swap3A_923, %swap3A_924] {strides = array<i32>} : memref<8x1024xf32, #tpu.memory_space<vmem>>, vector<16xf32>,
    tpu.vector_store %arg11[%swap3A_923, %swap3A_924], %broadcast_in_dim3A_34 {strides = array<i32>} : memref<8x1024xf32, #tpu.memory_space<vmem>>, vector<16xf32>,
    %swap3A_926 = arith.constant 3 : i32
    %swap3A_927 = arith.index_cast %swap3A_926 : i32 to index
    %swap3A_928 = arith.constant 496 : index
    %swap3A_929 = tpu.vector_load %arg11[%swap3A_927, %swap3A_928] {strides = array<i32>} : memref<8x1024xf32, #tpu.memory_space<vmem>>, vector<16xf32>,
    tpu.vector_store %arg11[%swap3A_927, %swap3A_928], %broadcast_in_dim3A_34 {strides = array<i32>} : memref<8x1024xf32, #tpu.memory_space<vmem>>, vector<16xf32>,
    %swap3A_930 = arith.constant 3 : i32
    %swap3A_931 = arith.index_cast %swap3A_930 : i32 to index
    %swap3A_932 = arith.constant 512 : index
    %swap3A_933 = tpu.vector_load %arg11[%swap3A_931, %swap3A_932] {strides = array<i32>} : memref<8x1024xf32, #tpu.memory_space<vmem>>, vector<16xf32>,
    tpu.vector_store %arg11[%swap3A_931, %swap3A_932], %broadcast_in_dim3A_34 {strides = array<i32>} : memref<8x1024xf32, #tpu.memory_space<vmem>>, vector<16xf32>,
    %swap3A_934 = arith.constant 3 : i32
    %swap3A_935 = arith.index_cast %swap3A_934 : i32 to index
    %swap3A_936 = arith.constant 528 : index
    %swap3A_937 = tpu.vector_load %arg11[%swap3A_935, %swap3A_936] {strides = array<i32>} : memref<8x1024xf32, #tpu.memory_space<vmem>>, vector<16xf32>,
    tpu.vector_store %arg11[%swap3A_935, %swap3A_936], %broadcast_in_dim3A_34 {strides = array<i32>} : memref<8x1024xf32, #tpu.memory_space<vmem>>, vector<16xf32>,
    %swap3A_938 = arith.constant 3 : i32
    %swap3A_939 = arith.index_cast %swap3A_938 : i32 to index
    %swap3A_940 = arith.constant 544 : index
    %swap3A_941 = tpu.vector_load %arg11[%swap3A_939, %swap3A_940] {strides = array<i32>} : memref<8x1024xf32, #tpu.memory_space<vmem>>, vector<16xf32>,
    tpu.vector_store %arg11[%swap3A_939, %swap3A_940], %broadcast_in_dim3A_34 {strides = array<i32>} : memref<8x1024xf32, #tpu.memory_space<vmem>>, vector<16xf32>,
    %swap3A_942 = arith.constant 3 : i32
    %swap3A_943 = arith.index_cast %swap3A_942 : i32 to index
    %swap3A_944 = arith.constant 560 : index
    %swap3A_945 = tpu.vector_load %arg11[%swap3A_943, %swap3A_944] {strides = array<i32>} : memref<8x1024xf32, #tpu.memory_space<vmem>>, vector<16xf32>,
    tpu.vector_store %arg11[%swap3A_943, %swap3A_944], %broadcast_in_dim3A_34 {strides = array<i32>} : memref<8x1024xf32, #tpu.memory_space<vmem>>, vector<16xf32>,
    %swap3A_946 = arith.constant 3 : i32
    %swap3A_947 = arith.index_cast %swap3A_946 : i32 to index
    %swap3A_948 = arith.constant 576 : index
    %swap3A_949 = tpu.vector_load %arg11[%swap3A_947, %swap3A_948] {strides = array<i32>} : memref<8x1024xf32, #tpu.memory_space<vmem>>, vector<16xf32>,
    tpu.vector_store %arg11[%swap3A_947, %swap3A_948], %broadcast_in_dim3A_34 {strides = array<i32>} : memref<8x1024xf32, #tpu.memory_space<vmem>>, vector<16xf32>,
    %swap3A_950 = arith.constant 3 : i32
    %swap3A_951 = arith.index_cast %swap3A_950 : i32 to index
    %swap3A_952 = arith.constant 592 : index
    %swap3A_953 = tpu.vector_load %arg11[%swap3A_951, %swap3A_952] {strides = array<i32>} : memref<8x1024xf32, #tpu.memory_space<vmem>>, vector<16xf32>,
    tpu.vector_store %arg11[%swap3A_951, %swap3A_952], %broadcast_in_dim3A_34 {strides = array<i32>} : memref<8x1024xf32, #tpu.memory_space<vmem>>, vector<16xf32>,
    %swap3A_954 = arith.constant 3 : i32
    %swap3A_955 = arith.index_cast %swap3A_954 : i32 to index
    %swap3A_956 = arith.constant 608 : index
    %swap3A_957 = tpu.vector_load %arg11[%swap3A_955, %swap3A_956] {strides = array<i32>} : memref<8x1024xf32, #tpu.memory_space<vmem>>, vector<16xf32>,
    tpu.vector_store %arg11[%swap3A_955, %swap3A_956], %broadcast_in_dim3A_34 {strides = array<i32>} : memref<8x1024xf32, #tpu.memory_space<vmem>>, vector<16xf32>,
    %swap3A_958 = arith.constant 3 : i32
    %swap3A_959 = arith.index_cast %swap3A_958 : i32 to index
    %swap3A_960 = arith.constant 624 : index
    %swap3A_961 = tpu.vector_load %arg11[%swap3A_959, %swap3A_960] {strides = array<i32>} : memref<8x1024xf32, #tpu.memory_space<vmem>>, vector<16xf32>,
    tpu.vector_store %arg11[%swap3A_959, %swap3A_960], %broadcast_in_dim3A_34 {strides = array<i32>} : memref<8x1024xf32, #tpu.memory_space<vmem>>, vector<16xf32>,
    %swap3A_962 = arith.constant 3 : i32
    %swap3A_963 = arith.index_cast %swap3A_962 : i32 to index
    %swap3A_964 = arith.constant 640 : index
    %swap3A_965 = tpu.vector_load %arg11[%swap3A_963, %swap3A_964] {strides = array<i32>} : memref<8x1024xf32, #tpu.memory_space<vmem>>, vector<16xf32>,
    tpu.vector_store %arg11[%swap3A_963, %swap3A_964], %broadcast_in_dim3A_34 {strides = array<i32>} : memref<8x1024xf32, #tpu.memory_space<vmem>>, vector<16xf32>,
    %swap3A_966 = arith.constant 3 : i32
    %swap3A_967 = arith.index_cast %swap3A_966 : i32 to index
    %swap3A_968 = arith.constant 656 : index
    %swap3A_969 = tpu.vector_load %arg11[%swap3A_967, %swap3A_968] {strides = array<i32>} : memref<8x1024xf32, #tpu.memory_space<vmem>>, vector<16xf32>,
    tpu.vector_store %arg11[%swap3A_967, %swap3A_968], %broadcast_in_dim3A_34 {strides = array<i32>} : memref<8x1024xf32, #tpu.memory_space<vmem>>, vector<16xf32>,
    %swap3A_970 = arith.constant 3 : i32
    %swap3A_971 = arith.index_cast %swap3A_970 : i32 to index
    %swap3A_972 = arith.constant 672 : index
    %swap3A_973 = tpu.vector_load %arg11[%swap3A_971, %swap3A_972] {strides = array<i32>} : memref<8x1024xf32, #tpu.memory_space<vmem>>, vector<16xf32>,
    tpu.vector_store %arg11[%swap3A_971, %swap3A_972], %broadcast_in_dim3A_34 {strides = array<i32>} : memref<8x1024xf32, #tpu.memory_space<vmem>>, vector<16xf32>,
    %swap3A_974 = arith.constant 3 : i32
    %swap3A_975 = arith.index_cast %swap3A_974 : i32 to index
    %swap3A_976 = arith.constant 688 : index
    %swap3A_977 = tpu.vector_load %arg11[%swap3A_975, %swap3A_976] {strides = array<i32>} : memref<8x1024xf32, #tpu.memory_space<vmem>>, vector<16xf32>,
    tpu.vector_store %arg11[%swap3A_975, %swap3A_976], %broadcast_in_dim3A_34 {strides = array<i32>} : memref<8x1024xf32, #tpu.memory_space<vmem>>, vector<16xf32>,
    %swap3A_978 = arith.constant 3 : i32
    %swap3A_979 = arith.index_cast %swap3A_978 : i32 to index
    %swap3A_980 = arith.constant 704 : index
    %swap3A_981 = tpu.vector_load %arg11[%swap3A_979, %swap3A_980] {strides = array<i32>} : memref<8x1024xf32, #tpu.memory_space<vmem>>, vector<16xf32>,
    tpu.vector_store %arg11[%swap3A_979, %swap3A_980], %broadcast_in_dim3A_34 {strides = array<i32>} : memref<8x1024xf32, #tpu.memory_space<vmem>>, vector<16xf32>,
    %swap3A_982 = arith.constant 3 : i32
    %swap3A_983 = arith.index_cast %swap3A_982 : i32 to index
    %swap3A_984 = arith.constant 720 : index
    %swap3A_985 = tpu.vector_load %arg11[%swap3A_983, %swap3A_984] {strides = array<i32>} : memref<8x1024xf32, #tpu.memory_space<vmem>>, vector<16xf32>,
    tpu.vector_store %arg11[%swap3A_983, %swap3A_984], %broadcast_in_dim3A_34 {strides = array<i32>} : memref<8x1024xf32, #tpu.memory_space<vmem>>, vector<16xf32>,
    %swap3A_986 = arith.constant 3 : i32
    %swap3A_987 = arith.index_cast %swap3A_986 : i32 to index
    %swap3A_988 = arith.constant 736 : index
    %swap3A_989 = tpu.vector_load %arg11[%swap3A_987, %swap3A_988] {strides = array<i32>} : memref<8x1024xf32, #tpu.memory_space<vmem>>, vector<16xf32>,
    tpu.vector_store %arg11[%swap3A_987, %swap3A_988], %broadcast_in_dim3A_34 {strides = array<i32>} : memref<8x1024xf32, #tpu.memory_space<vmem>>, vector<16xf32>,
    %swap3A_990 = arith.constant 3 : i32
    %swap3A_991 = arith.index_cast %swap3A_990 : i32 to index
    %swap3A_992 = arith.constant 752 : index
    %swap3A_993 = tpu.vector_load %arg11[%swap3A_991, %swap3A_992] {strides = array<i32>} : memref<8x1024xf32, #tpu.memory_space<vmem>>, vector<16xf32>,
    tpu.vector_store %arg11[%swap3A_991, %swap3A_992], %broadcast_in_dim3A_34 {strides = array<i32>} : memref<8x1024xf32, #tpu.memory_space<vmem>>, vector<16xf32>,
    %swap3A_994 = arith.constant 3 : i32
    %swap3A_995 = arith.index_cast %swap3A_994 : i32 to index
    %swap3A_996 = arith.constant 768 : index
    %swap3A_997 = tpu.vector_load %arg11[%swap3A_995, %swap3A_996] {strides = array<i32>} : memref<8x1024xf32, #tpu.memory_space<vmem>>, vector<16xf32>,
    tpu.vector_store %arg11[%swap3A_995, %swap3A_996], %broadcast_in_dim3A_34 {strides = array<i32>} : memref<8x1024xf32, #tpu.memory_space<vmem>>, vector<16xf32>,
    %swap3A_998 = arith.constant 3 : i32
    %swap3A_999 = arith.index_cast %swap3A_998 : i32 to index
    %swap3A_1000 = arith.constant 784 : index
    %swap3A_1001 = tpu.vector_load %arg11[%swap3A_999, %swap3A_1000] {strides = array<i32>} : memref<8x1024xf32, #tpu.memory_space<vmem>>, vector<16xf32>,
    tpu.vector_store %arg11[%swap3A_999, %swap3A_1000], %broadcast_in_dim3A_34 {strides = array<i32>} : memref<8x1024xf32, #tpu.memory_space<vmem>>, vector<16xf32>,
    %swap3A_1002 = arith.constant 3 : i32
    %swap3A_1003 = arith.index_cast %swap3A_1002 : i32 to index
    %swap3A_1004 = arith.constant 800 : index
    %swap3A_1005 = tpu.vector_load %arg11[%swap3A_1003, %swap3A_1004] {strides = array<i32>} : memref<8x1024xf32, #tpu.memory_space<vmem>>, vector<16xf32>,
    tpu.vector_store %arg11[%swap3A_1003, %swap3A_1004], %broadcast_in_dim3A_34 {strides = array<i32>} : memref<8x1024xf32, #tpu.memory_space<vmem>>, vector<16xf32>,
    %swap3A_1006 = arith.constant 3 : i32
    %swap3A_1007 = arith.index_cast %swap3A_1006 : i32 to index
    %swap3A_1008 = arith.constant 816 : index
    %swap3A_1009 = tpu.vector_load %arg11[%swap3A_1007, %swap3A_1008] {strides = array<i32>} : memref<8x1024xf32, #tpu.memory_space<vmem>>, vector<16xf32>,
    tpu.vector_store %arg11[%swap3A_1007, %swap3A_1008], %broadcast_in_dim3A_34 {strides = array<i32>} : memref<8x1024xf32, #tpu.memory_space<vmem>>, vector<16xf32>,
    %swap3A_1010 = arith.constant 3 : i32
    %swap3A_1011 = arith.index_cast %swap3A_1010 : i32 to index
    %swap3A_1012 = arith.constant 832 : index
    %swap3A_1013 = tpu.vector_load %arg11[%swap3A_1011, %swap3A_1012] {strides = array<i32>} : memref<8x1024xf32, #tpu.memory_space<vmem>>, vector<16xf32>,
    tpu.vector_store %arg11[%swap3A_1011, %swap3A_1012], %broadcast_in_dim3A_34 {strides = array<i32>} : memref<8x1024xf32, #tpu.memory_space<vmem>>, vector<16xf32>,
    %swap3A_1014 = arith.constant 3 : i32
    %swap3A_1015 = arith.index_cast %swap3A_1014 : i32 to index
    %swap3A_1016 = arith.constant 848 : index
    %swap3A_1017 = tpu.vector_load %arg11[%swap3A_1015, %swap3A_1016] {strides = array<i32>} : memref<8x1024xf32, #tpu.memory_space<vmem>>, vector<16xf32>,
    tpu.vector_store %arg11[%swap3A_1015, %swap3A_1016], %broadcast_in_dim3A_34 {strides = array<i32>} : memref<8x1024xf32, #tpu.memory_space<vmem>>, vector<16xf32>,
    %swap3A_1018 = arith.constant 3 : i32
    %swap3A_1019 = arith.index_cast %swap3A_1018 : i32 to index
    %swap3A_1020 = arith.constant 864 : index
    %swap3A_1021 = tpu.vector_load %arg11[%swap3A_1019, %swap3A_1020] {strides = array<i32>} : memref<8x1024xf32, #tpu.memory_space<vmem>>, vector<16xf32>,
    tpu.vector_store %arg11[%swap3A_1019, %swap3A_1020], %broadcast_in_dim3A_34 {strides = array<i32>} : memref<8x1024xf32, #tpu.memory_space<vmem>>, vector<16xf32>,
    %swap3A_1022 = arith.constant 3 : i32
    %swap3A_1023 = arith.index_cast %swap3A_1022 : i32 to index
    %swap3A_1024 = arith.constant 880 : index
    %swap3A_1025 = tpu.vector_load %arg11[%swap3A_1023, %swap3A_1024] {strides = array<i32>} : memref<8x1024xf32, #tpu.memory_space<vmem>>, vector<16xf32>,
    tpu.vector_store %arg11[%swap3A_1023, %swap3A_1024], %broadcast_in_dim3A_34 {strides = array<i32>} : memref<8x1024xf32, #tpu.memory_space<vmem>>, vector<16xf32>,
    %swap3A_1026 = arith.constant 3 : i32
    %swap3A_1027 = arith.index_cast %swap3A_1026 : i32 to index
    %swap3A_1028 = arith.constant 896 : index
    %swap3A_1029 = tpu.vector_load %arg11[%swap3A_1027, %swap3A_1028] {strides = array<i32>} : memref<8x1024xf32, #tpu.memory_space<vmem>>, vector<16xf32>,
    tpu.vector_store %arg11[%swap3A_1027, %swap3A_1028], %broadcast_in_dim3A_34 {strides = array<i32>} : memref<8x1024xf32, #tpu.memory_space<vmem>>, vector<16xf32>,
    %swap3A_1030 = arith.constant 3 : i32
    %swap3A_1031 = arith.index_cast %swap3A_1030 : i32 to index
    %swap3A_1032 = arith.constant 912 : index
    %swap3A_1033 = tpu.vector_load %arg11[%swap3A_1031, %swap3A_1032] {strides = array<i32>} : memref<8x1024xf32, #tpu.memory_space<vmem>>, vector<16xf32>,
    tpu.vector_store %arg11[%swap3A_1031, %swap3A_1032], %broadcast_in_dim3A_34 {strides = array<i32>} : memref<8x1024xf32, #tpu.memory_space<vmem>>, vector<16xf32>,
    %swap3A_1034 = arith.constant 3 : i32
    %swap3A_1035 = arith.index_cast %swap3A_1034 : i32 to index
    %swap3A_1036 = arith.constant 928 : index
    %swap3A_1037 = tpu.vector_load %arg11[%swap3A_1035, %swap3A_1036] {strides = array<i32>} : memref<8x1024xf32, #tpu.memory_space<vmem>>, vector<16xf32>,
    tpu.vector_store %arg11[%swap3A_1035, %swap3A_1036], %broadcast_in_dim3A_34 {strides = array<i32>} : memref<8x1024xf32, #tpu.memory_space<vmem>>, vector<16xf32>,
    %swap3A_1038 = arith.constant 3 : i32
    %swap3A_1039 = arith.index_cast %swap3A_1038 : i32 to index
    %swap3A_1040 = arith.constant 944 : index
    %swap3A_1041 = tpu.vector_load %arg11[%swap3A_1039, %swap3A_1040] {strides = array<i32>} : memref<8x1024xf32, #tpu.memory_space<vmem>>, vector<16xf32>,
    tpu.vector_store %arg11[%swap3A_1039, %swap3A_1040], %broadcast_in_dim3A_34 {strides = array<i32>} : memref<8x1024xf32, #tpu.memory_space<vmem>>, vector<16xf32>,
    %swap3A_1042 = arith.constant 3 : i32
    %swap3A_1043 = arith.index_cast %swap3A_1042 : i32 to index
    %swap3A_1044 = arith.constant 960 : index
    %swap3A_1045 = tpu.vector_load %arg11[%swap3A_1043, %swap3A_1044] {strides = array<i32>} : memref<8x1024xf32, #tpu.memory_space<vmem>>, vector<16xf32>,
    tpu.vector_store %arg11[%swap3A_1043, %swap3A_1044], %broadcast_in_dim3A_34 {strides = array<i32>} : memref<8x1024xf32, #tpu.memory_space<vmem>>, vector<16xf32>,
    %swap3A_1046 = arith.constant 3 : i32
    %swap3A_1047 = arith.index_cast %swap3A_1046 : i32 to index
    %swap3A_1048 = arith.constant 976 : index
    %swap3A_1049 = tpu.vector_load %arg11[%swap3A_1047, %swap3A_1048] {strides = array<i32>} : memref<8x1024xf32, #tpu.memory_space<vmem>>, vector<16xf32>,
    tpu.vector_store %arg11[%swap3A_1047, %swap3A_1048], %broadcast_in_dim3A_34 {strides = array<i32>} : memref<8x1024xf32, #tpu.memory_space<vmem>>, vector<16xf32>,
    %swap3A_1050 = arith.constant 3 : i32
    %swap3A_1051 = arith.index_cast %swap3A_1050 : i32 to index
    %swap3A_1052 = arith.constant 992 : index
    %swap3A_1053 = tpu.vector_load %arg11[%swap3A_1051, %swap3A_1052] {strides = array<i32>} : memref<8x1024xf32, #tpu.memory_space<vmem>>, vector<16xf32>,
    tpu.vector_store %arg11[%swap3A_1051, %swap3A_1052], %broadcast_in_dim3A_34 {strides = array<i32>} : memref<8x1024xf32, #tpu.memory_space<vmem>>, vector<16xf32>,
    %swap3A_1054 = arith.constant 3 : i32
    %swap3A_1055 = arith.index_cast %swap3A_1054 : i32 to index
    %swap3A_1056 = arith.constant 1008 : index
    %swap3A_1057 = tpu.vector_load %arg11[%swap3A_1055, %swap3A_1056] {strides = array<i32>} : memref<8x1024xf32, #tpu.memory_space<vmem>>, vector<16xf32>,
    tpu.vector_store %arg11[%swap3A_1055, %swap3A_1056], %broadcast_in_dim3A_34 {strides = array<i32>} : memref<8x1024xf32, #tpu.memory_space<vmem>>, vector<16xf32>,
    %swap3A_1058 = arith.constant 4 : i32
    %swap3A_1059 = arith.index_cast %swap3A_1058 : i32 to index
    %swap3A_1060 = arith.constant 0 : index
    %swap3A_1061 = tpu.vector_load %arg11[%swap3A_1059, %swap3A_1060] {strides = array<i32>} : memref<8x1024xf32, #tpu.memory_space<vmem>>, vector<16xf32>,
    tpu.vector_store %arg11[%swap3A_1059, %swap3A_1060], %broadcast_in_dim3A_34 {strides = array<i32>} : memref<8x1024xf32, #tpu.memory_space<vmem>>, vector<16xf32>,
    %swap3A_1062 = arith.constant 4 : i32
    %swap3A_1063 = arith.index_cast %swap3A_1062 : i32 to index
    %swap3A_1064 = arith.constant 16 : index
    %swap3A_1065 = tpu.vector_load %arg11[%swap3A_1063, %swap3A_1064] {strides = array<i32>} : memref<8x1024xf32, #tpu.memory_space<vmem>>, vector<16xf32>,
    tpu.vector_store %arg11[%swap3A_1063, %swap3A_1064], %broadcast_in_dim3A_34 {strides = array<i32>} : memref<8x1024xf32, #tpu.memory_space<vmem>>, vector<16xf32>,
    %swap3A_1066 = arith.constant 4 : i32
    %swap3A_1067 = arith.index_cast %swap3A_1066 : i32 to index
    %swap3A_1068 = arith.constant 32 : index
    %swap3A_1069 = tpu.vector_load %arg11[%swap3A_1067, %swap3A_1068] {strides = array<i32>} : memref<8x1024xf32, #tpu.memory_space<vmem>>, vector<16xf32>,
    tpu.vector_store %arg11[%swap3A_1067, %swap3A_1068], %broadcast_in_dim3A_34 {strides = array<i32>} : memref<8x1024xf32, #tpu.memory_space<vmem>>, vector<16xf32>,
    %swap3A_1070 = arith.constant 4 : i32
    %swap3A_1071 = arith.index_cast %swap3A_1070 : i32 to index
    %swap3A_1072 = arith.constant 48 : index
    %swap3A_1073 = tpu.vector_load %arg11[%swap3A_1071, %swap3A_1072] {strides = array<i32>} : memref<8x1024xf32, #tpu.memory_space<vmem>>, vector<16xf32>,
    tpu.vector_store %arg11[%swap3A_1071, %swap3A_1072], %broadcast_in_dim3A_34 {strides = array<i32>} : memref<8x1024xf32, #tpu.memory_space<vmem>>, vector<16xf32>,
    %swap3A_1074 = arith.constant 4 : i32
    %swap3A_1075 = arith.index_cast %swap3A_1074 : i32 to index
    %swap3A_1076 = arith.constant 64 : index
    %swap3A_1077 = tpu.vector_load %arg11[%swap3A_1075, %swap3A_1076] {strides = array<i32>} : memref<8x1024xf32, #tpu.memory_space<vmem>>, vector<16xf32>,
    tpu.vector_store %arg11[%swap3A_1075, %swap3A_1076], %broadcast_in_dim3A_34 {strides = array<i32>} : memref<8x1024xf32, #tpu.memory_space<vmem>>, vector<16xf32>,
    %swap3A_1078 = arith.constant 4 : i32
    %swap3A_1079 = arith.index_cast %swap3A_1078 : i32 to index
    %swap3A_1080 = arith.constant 80 : index
    %swap3A_1081 = tpu.vector_load %arg11[%swap3A_1079, %swap3A_1080] {strides = array<i32>} : memref<8x1024xf32, #tpu.memory_space<vmem>>, vector<16xf32>,
    tpu.vector_store %arg11[%swap3A_1079, %swap3A_1080], %broadcast_in_dim3A_34 {strides = array<i32>} : memref<8x1024xf32, #tpu.memory_space<vmem>>, vector<16xf32>,
    %swap3A_1082 = arith.constant 4 : i32
    %swap3A_1083 = arith.index_cast %swap3A_1082 : i32 to index
    %swap3A_1084 = arith.constant 96 : index
    %swap3A_1085 = tpu.vector_load %arg11[%swap3A_1083, %swap3A_1084] {strides = array<i32>} : memref<8x1024xf32, #tpu.memory_space<vmem>>, vector<16xf32>,
    tpu.vector_store %arg11[%swap3A_1083, %swap3A_1084], %broadcast_in_dim3A_34 {strides = array<i32>} : memref<8x1024xf32, #tpu.memory_space<vmem>>, vector<16xf32>,
    %swap3A_1086 = arith.constant 4 : i32
    %swap3A_1087 = arith.index_cast %swap3A_1086 : i32 to index
    %swap3A_1088 = arith.constant 112 : index
    %swap3A_1089 = tpu.vector_load %arg11[%swap3A_1087, %swap3A_1088] {strides = array<i32>} : memref<8x1024xf32, #tpu.memory_space<vmem>>, vector<16xf32>,
    tpu.vector_store %arg11[%swap3A_1087, %swap3A_1088], %broadcast_in_dim3A_34 {strides = array<i32>} : memref<8x1024xf32, #tpu.memory_space<vmem>>, vector<16xf32>,
    %swap3A_1090 = arith.constant 4 : i32
    %swap3A_1091 = arith.index_cast %swap3A_1090 : i32 to index
    %swap3A_1092 = arith.constant 128 : index
    %swap3A_1093 = tpu.vector_load %arg11[%swap3A_1091, %swap3A_1092] {strides = array<i32>} : memref<8x1024xf32, #tpu.memory_space<vmem>>, vector<16xf32>,
    tpu.vector_store %arg11[%swap3A_1091, %swap3A_1092], %broadcast_in_dim3A_34 {strides = array<i32>} : memref<8x1024xf32, #tpu.memory_space<vmem>>, vector<16xf32>,
    %swap3A_1094 = arith.constant 4 : i32
    %swap3A_1095 = arith.index_cast %swap3A_1094 : i32 to index
    %swap3A_1096 = arith.constant 144 : index
    %swap3A_1097 = tpu.vector_load %arg11[%swap3A_1095, %swap3A_1096] {strides = array<i32>} : memref<8x1024xf32, #tpu.memory_space<vmem>>, vector<16xf32>,
    tpu.vector_store %arg11[%swap3A_1095, %swap3A_1096], %broadcast_in_dim3A_34 {strides = array<i32>} : memref<8x1024xf32, #tpu.memory_space<vmem>>, vector<16xf32>,
    %swap3A_1098 = arith.constant 4 : i32
    %swap3A_1099 = arith.index_cast %swap3A_1098 : i32 to index
    %swap3A_1100 = arith.constant 160 : index
    %swap3A_1101 = tpu.vector_load %arg11[%swap3A_1099, %swap3A_1100] {strides = array<i32>} : memref<8x1024xf32, #tpu.memory_space<vmem>>, vector<16xf32>,
    tpu.vector_store %arg11[%swap3A_1099, %swap3A_1100], %broadcast_in_dim3A_34 {strides = array<i32>} : memref<8x1024xf32, #tpu.memory_space<vmem>>, vector<16xf32>,
    %swap3A_1102 = arith.constant 4 : i32
    %swap3A_1103 = arith.index_cast %swap3A_1102 : i32 to index
    %swap3A_1104 = arith.constant 176 : index
    %swap3A_1105 = tpu.vector_load %arg11[%swap3A_1103, %swap3A_1104] {strides = array<i32>} : memref<8x1024xf32, #tpu.memory_space<vmem>>, vector<16xf32>,
    tpu.vector_store %arg11[%swap3A_1103, %swap3A_1104], %broadcast_in_dim3A_34 {strides = array<i32>} : memref<8x1024xf32, #tpu.memory_space<vmem>>, vector<16xf32>,
    %swap3A_1106 = arith.constant 4 : i32
    %swap3A_1107 = arith.index_cast %swap3A_1106 : i32 to index
    %swap3A_1108 = arith.constant 192 : index
    %swap3A_1109 = tpu.vector_load %arg11[%swap3A_1107, %swap3A_1108] {strides = array<i32>} : memref<8x1024xf32, #tpu.memory_space<vmem>>, vector<16xf32>,
    tpu.vector_store %arg11[%swap3A_1107, %swap3A_1108], %broadcast_in_dim3A_34 {strides = array<i32>} : memref<8x1024xf32, #tpu.memory_space<vmem>>, vector<16xf32>,
    %swap3A_1110 = arith.constant 4 : i32
    %swap3A_1111 = arith.index_cast %swap3A_1110 : i32 to index
    %swap3A_1112 = arith.constant 208 : index
    %swap3A_1113 = tpu.vector_load %arg11[%swap3A_1111, %swap3A_1112] {strides = array<i32>} : memref<8x1024xf32, #tpu.memory_space<vmem>>, vector<16xf32>,
    tpu.vector_store %arg11[%swap3A_1111, %swap3A_1112], %broadcast_in_dim3A_34 {strides = array<i32>} : memref<8x1024xf32, #tpu.memory_space<vmem>>, vector<16xf32>,
    %swap3A_1114 = arith.constant 4 : i32
    %swap3A_1115 = arith.index_cast %swap3A_1114 : i32 to index
    %swap3A_1116 = arith.constant 224 : index
    %swap3A_1117 = tpu.vector_load %arg11[%swap3A_1115, %swap3A_1116] {strides = array<i32>} : memref<8x1024xf32, #tpu.memory_space<vmem>>, vector<16xf32>,
    tpu.vector_store %arg11[%swap3A_1115, %swap3A_1116], %broadcast_in_dim3A_34 {strides = array<i32>} : memref<8x1024xf32, #tpu.memory_space<vmem>>, vector<16xf32>,
    %swap3A_1118 = arith.constant 4 : i32
    %swap3A_1119 = arith.index_cast %swap3A_1118 : i32 to index
    %swap3A_1120 = arith.constant 240 : index
    %swap3A_1121 = tpu.vector_load %arg11[%swap3A_1119, %swap3A_1120] {strides = array<i32>} : memref<8x1024xf32, #tpu.memory_space<vmem>>, vector<16xf32>,
    tpu.vector_store %arg11[%swap3A_1119, %swap3A_1120], %broadcast_in_dim3A_34 {strides = array<i32>} : memref<8x1024xf32, #tpu.memory_space<vmem>>, vector<16xf32>,
    %swap3A_1122 = arith.constant 4 : i32
    %swap3A_1123 = arith.index_cast %swap3A_1122 : i32 to index
    %swap3A_1124 = arith.constant 256 : index
    %swap3A_1125 = tpu.vector_load %arg11[%swap3A_1123, %swap3A_1124] {strides = array<i32>} : memref<8x1024xf32, #tpu.memory_space<vmem>>, vector<16xf32>,
    tpu.vector_store %arg11[%swap3A_1123, %swap3A_1124], %broadcast_in_dim3A_34 {strides = array<i32>} : memref<8x1024xf32, #tpu.memory_space<vmem>>, vector<16xf32>,
    %swap3A_1126 = arith.constant 4 : i32
    %swap3A_1127 = arith.index_cast %swap3A_1126 : i32 to index
    %swap3A_1128 = arith.constant 272 : index
    %swap3A_1129 = tpu.vector_load %arg11[%swap3A_1127, %swap3A_1128] {strides = array<i32>} : memref<8x1024xf32, #tpu.memory_space<vmem>>, vector<16xf32>,
    tpu.vector_store %arg11[%swap3A_1127, %swap3A_1128], %broadcast_in_dim3A_34 {strides = array<i32>} : memref<8x1024xf32, #tpu.memory_space<vmem>>, vector<16xf32>,
    %swap3A_1130 = arith.constant 4 : i32
    %swap3A_1131 = arith.index_cast %swap3A_1130 : i32 to index
    %swap3A_1132 = arith.constant 288 : index
    %swap3A_1133 = tpu.vector_load %arg11[%swap3A_1131, %swap3A_1132] {strides = array<i32>} : memref<8x1024xf32, #tpu.memory_space<vmem>>, vector<16xf32>,
    tpu.vector_store %arg11[%swap3A_1131, %swap3A_1132], %broadcast_in_dim3A_34 {strides = array<i32>} : memref<8x1024xf32, #tpu.memory_space<vmem>>, vector<16xf32>,
    %swap3A_1134 = arith.constant 4 : i32
    %swap3A_1135 = arith.index_cast %swap3A_1134 : i32 to index
    %swap3A_1136 = arith.constant 304 : index
    %swap3A_1137 = tpu.vector_load %arg11[%swap3A_1135, %swap3A_1136] {strides = array<i32>} : memref<8x1024xf32, #tpu.memory_space<vmem>>, vector<16xf32>,
    tpu.vector_store %arg11[%swap3A_1135, %swap3A_1136], %broadcast_in_dim3A_34 {strides = array<i32>} : memref<8x1024xf32, #tpu.memory_space<vmem>>, vector<16xf32>,
    %swap3A_1138 = arith.constant 4 : i32
    %swap3A_1139 = arith.index_cast %swap3A_1138 : i32 to index
    %swap3A_1140 = arith.constant 320 : index
    %swap3A_1141 = tpu.vector_load %arg11[%swap3A_1139, %swap3A_1140] {strides = array<i32>} : memref<8x1024xf32, #tpu.memory_space<vmem>>, vector<16xf32>,
    tpu.vector_store %arg11[%swap3A_1139, %swap3A_1140], %broadcast_in_dim3A_34 {strides = array<i32>} : memref<8x1024xf32, #tpu.memory_space<vmem>>, vector<16xf32>,
    %swap3A_1142 = arith.constant 4 : i32
    %swap3A_1143 = arith.index_cast %swap3A_1142 : i32 to index
    %swap3A_1144 = arith.constant 336 : index
    %swap3A_1145 = tpu.vector_load %arg11[%swap3A_1143, %swap3A_1144] {strides = array<i32>} : memref<8x1024xf32, #tpu.memory_space<vmem>>, vector<16xf32>,
    tpu.vector_store %arg11[%swap3A_1143, %swap3A_1144], %broadcast_in_dim3A_34 {strides = array<i32>} : memref<8x1024xf32, #tpu.memory_space<vmem>>, vector<16xf32>,
    %swap3A_1146 = arith.constant 4 : i32
    %swap3A_1147 = arith.index_cast %swap3A_1146 : i32 to index
    %swap3A_1148 = arith.constant 352 : index
    %swap3A_1149 = tpu.vector_load %arg11[%swap3A_1147, %swap3A_1148] {strides = array<i32>} : memref<8x1024xf32, #tpu.memory_space<vmem>>, vector<16xf32>,
    tpu.vector_store %arg11[%swap3A_1147, %swap3A_1148], %broadcast_in_dim3A_34 {strides = array<i32>} : memref<8x1024xf32, #tpu.memory_space<vmem>>, vector<16xf32>,
    %swap3A_1150 = arith.constant 4 : i32
    %swap3A_1151 = arith.index_cast %swap3A_1150 : i32 to index
    %swap3A_1152 = arith.constant 368 : index
    %swap3A_1153 = tpu.vector_load %arg11[%swap3A_1151, %swap3A_1152] {strides = array<i32>} : memref<8x1024xf32, #tpu.memory_space<vmem>>, vector<16xf32>,
    tpu.vector_store %arg11[%swap3A_1151, %swap3A_1152], %broadcast_in_dim3A_34 {strides = array<i32>} : memref<8x1024xf32, #tpu.memory_space<vmem>>, vector<16xf32>,
    %swap3A_1154 = arith.constant 4 : i32
    %swap3A_1155 = arith.index_cast %swap3A_1154 : i32 to index
    %swap3A_1156 = arith.constant 384 : index
    %swap3A_1157 = tpu.vector_load %arg11[%swap3A_1155, %swap3A_1156] {strides = array<i32>} : memref<8x1024xf32, #tpu.memory_space<vmem>>, vector<16xf32>,
    tpu.vector_store %arg11[%swap3A_1155, %swap3A_1156], %broadcast_in_dim3A_34 {strides = array<i32>} : memref<8x1024xf32, #tpu.memory_space<vmem>>, vector<16xf32>,
    %swap3A_1158 = arith.constant 4 : i32
    %swap3A_1159 = arith.index_cast %swap3A_1158 : i32 to index
    %swap3A_1160 = arith.constant 400 : index
    %swap3A_1161 = tpu.vector_load %arg11[%swap3A_1159, %swap3A_1160] {strides = array<i32>} : memref<8x1024xf32, #tpu.memory_space<vmem>>, vector<16xf32>,
    tpu.vector_store %arg11[%swap3A_1159, %swap3A_1160], %broadcast_in_dim3A_34 {strides = array<i32>} : memref<8x1024xf32, #tpu.memory_space<vmem>>, vector<16xf32>,
    %swap3A_1162 = arith.constant 4 : i32
    %swap3A_1163 = arith.index_cast %swap3A_1162 : i32 to index
    %swap3A_1164 = arith.constant 416 : index
    %swap3A_1165 = tpu.vector_load %arg11[%swap3A_1163, %swap3A_1164] {strides = array<i32>} : memref<8x1024xf32, #tpu.memory_space<vmem>>, vector<16xf32>,
    tpu.vector_store %arg11[%swap3A_1163, %swap3A_1164], %broadcast_in_dim3A_34 {strides = array<i32>} : memref<8x1024xf32, #tpu.memory_space<vmem>>, vector<16xf32>,
    %swap3A_1166 = arith.constant 4 : i32
    %swap3A_1167 = arith.index_cast %swap3A_1166 : i32 to index
    %swap3A_1168 = arith.constant 432 : index
    %swap3A_1169 = tpu.vector_load %arg11[%swap3A_1167, %swap3A_1168] {strides = array<i32>} : memref<8x1024xf32, #tpu.memory_space<vmem>>, vector<16xf32>,
    tpu.vector_store %arg11[%swap3A_1167, %swap3A_1168], %broadcast_in_dim3A_34 {strides = array<i32>} : memref<8x1024xf32, #tpu.memory_space<vmem>>, vector<16xf32>,
    %swap3A_1170 = arith.constant 4 : i32
    %swap3A_1171 = arith.index_cast %swap3A_1170 : i32 to index
    %swap3A_1172 = arith.constant 448 : index
    %swap3A_1173 = tpu.vector_load %arg11[%swap3A_1171, %swap3A_1172] {strides = array<i32>} : memref<8x1024xf32, #tpu.memory_space<vmem>>, vector<16xf32>,
    tpu.vector_store %arg11[%swap3A_1171, %swap3A_1172], %broadcast_in_dim3A_34 {strides = array<i32>} : memref<8x1024xf32, #tpu.memory_space<vmem>>, vector<16xf32>,
    %swap3A_1174 = arith.constant 4 : i32
    %swap3A_1175 = arith.index_cast %swap3A_1174 : i32 to index
    %swap3A_1176 = arith.constant 464 : index
    %swap3A_1177 = tpu.vector_load %arg11[%swap3A_1175, %swap3A_1176] {strides = array<i32>} : memref<8x1024xf32, #tpu.memory_space<vmem>>, vector<16xf32>,
    tpu.vector_store %arg11[%swap3A_1175, %swap3A_1176], %broadcast_in_dim3A_34 {strides = array<i32>} : memref<8x1024xf32, #tpu.memory_space<vmem>>, vector<16xf32>,
    %swap3A_1178 = arith.constant 4 : i32
    %swap3A_1179 = arith.index_cast %swap3A_1178 : i32 to index
    %swap3A_1180 = arith.constant 480 : index
    %swap3A_1181 = tpu.vector_load %arg11[%swap3A_1179, %swap3A_1180] {strides = array<i32>} : memref<8x1024xf32, #tpu.memory_space<vmem>>, vector<16xf32>,
    tpu.vector_store %arg11[%swap3A_1179, %swap3A_1180], %broadcast_in_dim3A_34 {strides = array<i32>} : memref<8x1024xf32, #tpu.memory_space<vmem>>, vector<16xf32>,
    %swap3A_1182 = arith.constant 4 : i32
    %swap3A_1183 = arith.index_cast %swap3A_1182 : i32 to index
    %swap3A_1184 = arith.constant 496 : index
    %swap3A_1185 = tpu.vector_load %arg11[%swap3A_1183, %swap3A_1184] {strides = array<i32>} : memref<8x1024xf32, #tpu.memory_space<vmem>>, vector<16xf32>,
    tpu.vector_store %arg11[%swap3A_1183, %swap3A_1184], %broadcast_in_dim3A_34 {strides = array<i32>} : memref<8x1024xf32, #tpu.memory_space<vmem>>, vector<16xf32>,
    %swap3A_1186 = arith.constant 4 : i32
    %swap3A_1187 = arith.index_cast %swap3A_1186 : i32 to index
    %swap3A_1188 = arith.constant 512 : index
    %swap3A_1189 = tpu.vector_load %arg11[%swap3A_1187, %swap3A_1188] {strides = array<i32>} : memref<8x1024xf32, #tpu.memory_space<vmem>>, vector<16xf32>,
    tpu.vector_store %arg11[%swap3A_1187, %swap3A_1188], %broadcast_in_dim3A_34 {strides = array<i32>} : memref<8x1024xf32, #tpu.memory_space<vmem>>, vector<16xf32>,
    %swap3A_1190 = arith.constant 4 : i32
    %swap3A_1191 = arith.index_cast %swap3A_1190 : i32 to index
    %swap3A_1192 = arith.constant 528 : index
    %swap3A_1193 = tpu.vector_load %arg11[%swap3A_1191, %swap3A_1192] {strides = array<i32>} : memref<8x1024xf32, #tpu.memory_space<vmem>>, vector<16xf32>,
    tpu.vector_store %arg11[%swap3A_1191, %swap3A_1192], %broadcast_in_dim3A_34 {strides = array<i32>} : memref<8x1024xf32, #tpu.memory_space<vmem>>, vector<16xf32>,
    %swap3A_1194 = arith.constant 4 : i32
    %swap3A_1195 = arith.index_cast %swap3A_1194 : i32 to index
    %swap3A_1196 = arith.constant 544 : index
    %swap3A_1197 = tpu.vector_load %arg11[%swap3A_1195, %swap3A_1196] {strides = array<i32>} : memref<8x1024xf32, #tpu.memory_space<vmem>>, vector<16xf32>,
    tpu.vector_store %arg11[%swap3A_1195, %swap3A_1196], %broadcast_in_dim3A_34 {strides = array<i32>} : memref<8x1024xf32, #tpu.memory_space<vmem>>, vector<16xf32>,
    %swap3A_1198 = arith.constant 4 : i32
    %swap3A_1199 = arith.index_cast %swap3A_1198 : i32 to index
    %swap3A_1200 = arith.constant 560 : index
    %swap3A_1201 = tpu.vector_load %arg11[%swap3A_1199, %swap3A_1200] {strides = array<i32>} : memref<8x1024xf32, #tpu.memory_space<vmem>>, vector<16xf32>,
    tpu.vector_store %arg11[%swap3A_1199, %swap3A_1200], %broadcast_in_dim3A_34 {strides = array<i32>} : memref<8x1024xf32, #tpu.memory_space<vmem>>, vector<16xf32>,
    %swap3A_1202 = arith.constant 4 : i32
    %swap3A_1203 = arith.index_cast %swap3A_1202 : i32 to index
    %swap3A_1204 = arith.constant 576 : index
    %swap3A_1205 = tpu.vector_load %arg11[%swap3A_1203, %swap3A_1204] {strides = array<i32>} : memref<8x1024xf32, #tpu.memory_space<vmem>>, vector<16xf32>,
    tpu.vector_store %arg11[%swap3A_1203, %swap3A_1204], %broadcast_in_dim3A_34 {strides = array<i32>} : memref<8x1024xf32, #tpu.memory_space<vmem>>, vector<16xf32>,
    %swap3A_1206 = arith.constant 4 : i32
    %swap3A_1207 = arith.index_cast %swap3A_1206 : i32 to index
    %swap3A_1208 = arith.constant 592 : index
    %swap3A_1209 = tpu.vector_load %arg11[%swap3A_1207, %swap3A_1208] {strides = array<i32>} : memref<8x1024xf32, #tpu.memory_space<vmem>>, vector<16xf32>,
    tpu.vector_store %arg11[%swap3A_1207, %swap3A_1208], %broadcast_in_dim3A_34 {strides = array<i32>} : memref<8x1024xf32, #tpu.memory_space<vmem>>, vector<16xf32>,
    %swap3A_1210 = arith.constant 4 : i32
    %swap3A_1211 = arith.index_cast %swap3A_1210 : i32 to index
    %swap3A_1212 = arith.constant 608 : index
    %swap3A_1213 = tpu.vector_load %arg11[%swap3A_1211, %swap3A_1212] {strides = array<i32>} : memref<8x1024xf32, #tpu.memory_space<vmem>>, vector<16xf32>,
    tpu.vector_store %arg11[%swap3A_1211, %swap3A_1212], %broadcast_in_dim3A_34 {strides = array<i32>} : memref<8x1024xf32, #tpu.memory_space<vmem>>, vector<16xf32>,
    %swap3A_1214 = arith.constant 4 : i32
    %swap3A_1215 = arith.index_cast %swap3A_1214 : i32 to index
    %swap3A_1216 = arith.constant 624 : index
    %swap3A_1217 = tpu.vector_load %arg11[%swap3A_1215, %swap3A_1216] {strides = array<i32>} : memref<8x1024xf32, #tpu.memory_space<vmem>>, vector<16xf32>,
    tpu.vector_store %arg11[%swap3A_1215, %swap3A_1216], %broadcast_in_dim3A_34 {strides = array<i32>} : memref<8x1024xf32, #tpu.memory_space<vmem>>, vector<16xf32>,
    %swap3A_1218 = arith.constant 4 : i32
    %swap3A_1219 = arith.index_cast %swap3A_1218 : i32 to index
    %swap3A_1220 = arith.constant 640 : index
    %swap3A_1221 = tpu.vector_load %arg11[%swap3A_1219, %swap3A_1220] {strides = array<i32>} : memref<8x1024xf32, #tpu.memory_space<vmem>>, vector<16xf32>,
    tpu.vector_store %arg11[%swap3A_1219, %swap3A_1220], %broadcast_in_dim3A_34 {strides = array<i32>} : memref<8x1024xf32, #tpu.memory_space<vmem>>, vector<16xf32>,
    %swap3A_1222 = arith.constant 4 : i32
    %swap3A_1223 = arith.index_cast %swap3A_1222 : i32 to index
    %swap3A_1224 = arith.constant 656 : index
    %swap3A_1225 = tpu.vector_load %arg11[%swap3A_1223, %swap3A_1224] {strides = array<i32>} : memref<8x1024xf32, #tpu.memory_space<vmem>>, vector<16xf32>,
    tpu.vector_store %arg11[%swap3A_1223, %swap3A_1224], %broadcast_in_dim3A_34 {strides = array<i32>} : memref<8x1024xf32, #tpu.memory_space<vmem>>, vector<16xf32>,
    %swap3A_1226 = arith.constant 4 : i32
    %swap3A_1227 = arith.index_cast %swap3A_1226 : i32 to index
    %swap3A_1228 = arith.constant 672 : index
    %swap3A_1229 = tpu.vector_load %arg11[%swap3A_1227, %swap3A_1228] {strides = array<i32>} : memref<8x1024xf32, #tpu.memory_space<vmem>>, vector<16xf32>,
    tpu.vector_store %arg11[%swap3A_1227, %swap3A_1228], %broadcast_in_dim3A_34 {strides = array<i32>} : memref<8x1024xf32, #tpu.memory_space<vmem>>, vector<16xf32>,
    %swap3A_1230 = arith.constant 4 : i32
    %swap3A_1231 = arith.index_cast %swap3A_1230 : i32 to index
    %swap3A_1232 = arith.constant 688 : index
    %swap3A_1233 = tpu.vector_load %arg11[%swap3A_1231, %swap3A_1232] {strides = array<i32>} : memref<8x1024xf32, #tpu.memory_space<vmem>>, vector<16xf32>,
    tpu.vector_store %arg11[%swap3A_1231, %swap3A_1232], %broadcast_in_dim3A_34 {strides = array<i32>} : memref<8x1024xf32, #tpu.memory_space<vmem>>, vector<16xf32>,
    %swap3A_1234 = arith.constant 4 : i32
    %swap3A_1235 = arith.index_cast %swap3A_1234 : i32 to index
    %swap3A_1236 = arith.constant 704 : index
    %swap3A_1237 = tpu.vector_load %arg11[%swap3A_1235, %swap3A_1236] {strides = array<i32>} : memref<8x1024xf32, #tpu.memory_space<vmem>>, vector<16xf32>,
    tpu.vector_store %arg11[%swap3A_1235, %swap3A_1236], %broadcast_in_dim3A_34 {strides = array<i32>} : memref<8x1024xf32, #tpu.memory_space<vmem>>, vector<16xf32>,
    %swap3A_1238 = arith.constant 4 : i32
    %swap3A_1239 = arith.index_cast %swap3A_1238 : i32 to index
    %swap3A_1240 = arith.constant 720 : index
    %swap3A_1241 = tpu.vector_load %arg11[%swap3A_1239, %swap3A_1240] {strides = array<i32>} : memref<8x1024xf32, #tpu.memory_space<vmem>>, vector<16xf32>,
    tpu.vector_store %arg11[%swap3A_1239, %swap3A_1240], %broadcast_in_dim3A_34 {strides = array<i32>} : memref<8x1024xf32, #tpu.memory_space<vmem>>, vector<16xf32>,
    %swap3A_1242 = arith.constant 4 : i32
    %swap3A_1243 = arith.index_cast %swap3A_1242 : i32 to index
    %swap3A_1244 = arith.constant 736 : index
    %swap3A_1245 = tpu.vector_load %arg11[%swap3A_1243, %swap3A_1244] {strides = array<i32>} : memref<8x1024xf32, #tpu.memory_space<vmem>>, vector<16xf32>,
    tpu.vector_store %arg11[%swap3A_1243, %swap3A_1244], %broadcast_in_dim3A_34 {strides = array<i32>} : memref<8x1024xf32, #tpu.memory_space<vmem>>, vector<16xf32>,
    %swap3A_1246 = arith.constant 4 : i32
    %swap3A_1247 = arith.index_cast %swap3A_1246 : i32 to index
    %swap3A_1248 = arith.constant 752 : index
    %swap3A_1249 = tpu.vector_load %arg11[%swap3A_1247, %swap3A_1248] {strides = array<i32>} : memref<8x1024xf32, #tpu.memory_space<vmem>>, vector<16xf32>,
    tpu.vector_store %arg11[%swap3A_1247, %swap3A_1248], %broadcast_in_dim3A_34 {strides = array<i32>} : memref<8x1024xf32, #tpu.memory_space<vmem>>, vector<16xf32>,
    %swap3A_1250 = arith.constant 4 : i32
    %swap3A_1251 = arith.index_cast %swap3A_1250 : i32 to index
    %swap3A_1252 = arith.constant 768 : index
    %swap3A_1253 = tpu.vector_load %arg11[%swap3A_1251, %swap3A_1252] {strides = array<i32>} : memref<8x1024xf32, #tpu.memory_space<vmem>>, vector<16xf32>,
    tpu.vector_store %arg11[%swap3A_1251, %swap3A_1252], %broadcast_in_dim3A_34 {strides = array<i32>} : memref<8x1024xf32, #tpu.memory_space<vmem>>, vector<16xf32>,
    %swap3A_1254 = arith.constant 4 : i32
    %swap3A_1255 = arith.index_cast %swap3A_1254 : i32 to index
    %swap3A_1256 = arith.constant 784 : index
    %swap3A_1257 = tpu.vector_load %arg11[%swap3A_1255, %swap3A_1256] {strides = array<i32>} : memref<8x1024xf32, #tpu.memory_space<vmem>>, vector<16xf32>,
    tpu.vector_store %arg11[%swap3A_1255, %swap3A_1256], %broadcast_in_dim3A_34 {strides = array<i32>} : memref<8x1024xf32, #tpu.memory_space<vmem>>, vector<16xf32>,
    %swap3A_1258 = arith.constant 4 : i32
    %swap3A_1259 = arith.index_cast %swap3A_1258 : i32 to index
    %swap3A_1260 = arith.constant 800 : index
    %swap3A_1261 = tpu.vector_load %arg11[%swap3A_1259, %swap3A_1260] {strides = array<i32>} : memref<8x1024xf32, #tpu.memory_space<vmem>>, vector<16xf32>,
    tpu.vector_store %arg11[%swap3A_1259, %swap3A_1260], %broadcast_in_dim3A_34 {strides = array<i32>} : memref<8x1024xf32, #tpu.memory_space<vmem>>, vector<16xf32>,
    %swap3A_1262 = arith.constant 4 : i32
    %swap3A_1263 = arith.index_cast %swap3A_1262 : i32 to index
    %swap3A_1264 = arith.constant 816 : index
    %swap3A_1265 = tpu.vector_load %arg11[%swap3A_1263, %swap3A_1264] {strides = array<i32>} : memref<8x1024xf32, #tpu.memory_space<vmem>>, vector<16xf32>,
    tpu.vector_store %arg11[%swap3A_1263, %swap3A_1264], %broadcast_in_dim3A_34 {strides = array<i32>} : memref<8x1024xf32, #tpu.memory_space<vmem>>, vector<16xf32>,
    %swap3A_1266 = arith.constant 4 : i32
    %swap3A_1267 = arith.index_cast %swap3A_1266 : i32 to index
    %swap3A_1268 = arith.constant 832 : index
    %swap3A_1269 = tpu.vector_load %arg11[%swap3A_1267, %swap3A_1268] {strides = array<i32>} : memref<8x1024xf32, #tpu.memory_space<vmem>>, vector<16xf32>,
    tpu.vector_store %arg11[%swap3A_1267, %swap3A_1268], %broadcast_in_dim3A_34 {strides = array<i32>} : memref<8x1024xf32, #tpu.memory_space<vmem>>, vector<16xf32>,
    %swap3A_1270 = arith.constant 4 : i32
    %swap3A_1271 = arith.index_cast %swap3A_1270 : i32 to index
    %swap3A_1272 = arith.constant 848 : index
    %swap3A_1273 = tpu.vector_load %arg11[%swap3A_1271, %swap3A_1272] {strides = array<i32>} : memref<8x1024xf32, #tpu.memory_space<vmem>>, vector<16xf32>,
    tpu.vector_store %arg11[%swap3A_1271, %swap3A_1272], %broadcast_in_dim3A_34 {strides = array<i32>} : memref<8x1024xf32, #tpu.memory_space<vmem>>, vector<16xf32>,
    %swap3A_1274 = arith.constant 4 : i32
    %swap3A_1275 = arith.index_cast %swap3A_1274 : i32 to index
    %swap3A_1276 = arith.constant 864 : index
    %swap3A_1277 = tpu.vector_load %arg11[%swap3A_1275, %swap3A_1276] {strides = array<i32>} : memref<8x1024xf32, #tpu.memory_space<vmem>>, vector<16xf32>,
    tpu.vector_store %arg11[%swap3A_1275, %swap3A_1276], %broadcast_in_dim3A_34 {strides = array<i32>} : memref<8x1024xf32, #tpu.memory_space<vmem>>, vector<16xf32>,
    %swap3A_1278 = arith.constant 4 : i32
    %swap3A_1279 = arith.index_cast %swap3A_1278 : i32 to index
    %swap3A_1280 = arith.constant 880 : index
    %swap3A_1281 = tpu.vector_load %arg11[%swap3A_1279, %swap3A_1280] {strides = array<i32>} : memref<8x1024xf32, #tpu.memory_space<vmem>>, vector<16xf32>,
    tpu.vector_store %arg11[%swap3A_1279, %swap3A_1280], %broadcast_in_dim3A_34 {strides = array<i32>} : memref<8x1024xf32, #tpu.memory_space<vmem>>, vector<16xf32>,
    %swap3A_1282 = arith.constant 4 : i32
    %swap3A_1283 = arith.index_cast %swap3A_1282 : i32 to index
    %swap3A_1284 = arith.constant 896 : index
    %swap3A_1285 = tpu.vector_load %arg11[%swap3A_1283, %swap3A_1284] {strides = array<i32>} : memref<8x1024xf32, #tpu.memory_space<vmem>>, vector<16xf32>,
    tpu.vector_store %arg11[%swap3A_1283, %swap3A_1284], %broadcast_in_dim3A_34 {strides = array<i32>} : memref<8x1024xf32, #tpu.memory_space<vmem>>, vector<16xf32>,
    %swap3A_1286 = arith.constant 4 : i32
    %swap3A_1287 = arith.index_cast %swap3A_1286 : i32 to index
    %swap3A_1288 = arith.constant 912 : index
    %swap3A_1289 = tpu.vector_load %arg11[%swap3A_1287, %swap3A_1288] {strides = array<i32>} : memref<8x1024xf32, #tpu.memory_space<vmem>>, vector<16xf32>,
    tpu.vector_store %arg11[%swap3A_1287, %swap3A_1288], %broadcast_in_dim3A_34 {strides = array<i32>} : memref<8x1024xf32, #tpu.memory_space<vmem>>, vector<16xf32>,
    %swap3A_1290 = arith.constant 4 : i32
    %swap3A_1291 = arith.index_cast %swap3A_1290 : i32 to index
    %swap3A_1292 = arith.constant 928 : index
    %swap3A_1293 = tpu.vector_load %arg11[%swap3A_1291, %swap3A_1292] {strides = array<i32>} : memref<8x1024xf32, #tpu.memory_space<vmem>>, vector<16xf32>,
    tpu.vector_store %arg11[%swap3A_1291, %swap3A_1292], %broadcast_in_dim3A_34 {strides = array<i32>} : memref<8x1024xf32, #tpu.memory_space<vmem>>, vector<16xf32>,
    %swap3A_1294 = arith.constant 4 : i32
    %swap3A_1295 = arith.index_cast %swap3A_1294 : i32 to index
    %swap3A_1296 = arith.constant 944 : index
    %swap3A_1297 = tpu.vector_load %arg11[%swap3A_1295, %swap3A_1296] {strides = array<i32>} : memref<8x1024xf32, #tpu.memory_space<vmem>>, vector<16xf32>,
    tpu.vector_store %arg11[%swap3A_1295, %swap3A_1296], %broadcast_in_dim3A_34 {strides = array<i32>} : memref<8x1024xf32, #tpu.memory_space<vmem>>, vector<16xf32>,
    %swap3A_1298 = arith.constant 4 : i32
    %swap3A_1299 = arith.index_cast %swap3A_1298 : i32 to index
    %swap3A_1300 = arith.constant 960 : index
    %swap3A_1301 = tpu.vector_load %arg11[%swap3A_1299, %swap3A_1300] {strides = array<i32>} : memref<8x1024xf32, #tpu.memory_space<vmem>>, vector<16xf32>,
    tpu.vector_store %arg11[%swap3A_1299, %swap3A_1300], %broadcast_in_dim3A_34 {strides = array<i32>} : memref<8x1024xf32, #tpu.memory_space<vmem>>, vector<16xf32>,
    %swap3A_1302 = arith.constant 4 : i32
    %swap3A_1303 = arith.index_cast %swap3A_1302 : i32 to index
    %swap3A_1304 = arith.constant 976 : index
    %swap3A_1305 = tpu.vector_load %arg11[%swap3A_1303, %swap3A_1304] {strides = array<i32>} : memref<8x1024xf32, #tpu.memory_space<vmem>>, vector<16xf32>,
    tpu.vector_store %arg11[%swap3A_1303, %swap3A_1304], %broadcast_in_dim3A_34 {strides = array<i32>} : memref<8x1024xf32, #tpu.memory_space<vmem>>, vector<16xf32>,
    %swap3A_1306 = arith.constant 4 : i32
    %swap3A_1307 = arith.index_cast %swap3A_1306 : i32 to index
    %swap3A_1308 = arith.constant 992 : index
    %swap3A_1309 = tpu.vector_load %arg11[%swap3A_1307, %swap3A_1308] {strides = array<i32>} : memref<8x1024xf32, #tpu.memory_space<vmem>>, vector<16xf32>,
    tpu.vector_store %arg11[%swap3A_1307, %swap3A_1308], %broadcast_in_dim3A_34 {strides = array<i32>} : memref<8x1024xf32, #tpu.memory_space<vmem>>, vector<16xf32>,
    %swap3A_1310 = arith.constant 4 : i32
    %swap3A_1311 = arith.index_cast %swap3A_1310 : i32 to index
    %swap3A_1312 = arith.constant 1008 : index
    %swap3A_1313 = tpu.vector_load %arg11[%swap3A_1311, %swap3A_1312] {strides = array<i32>} : memref<8x1024xf32, #tpu.memory_space<vmem>>, vector<16xf32>,
    tpu.vector_store %arg11[%swap3A_1311, %swap3A_1312], %broadcast_in_dim3A_34 {strides = array<i32>} : memref<8x1024xf32, #tpu.memory_space<vmem>>, vector<16xf32>,
    %swap3A_1314 = arith.constant 5 : i32
    %swap3A_1315 = arith.index_cast %swap3A_1314 : i32 to index
    %swap3A_1316 = arith.constant 0 : index
    %swap3A_1317 = tpu.vector_load %arg11[%swap3A_1315, %swap3A_1316] {strides = array<i32>} : memref<8x1024xf32, #tpu.memory_space<vmem>>, vector<16xf32>,
    tpu.vector_store %arg11[%swap3A_1315, %swap3A_1316], %broadcast_in_dim3A_34 {strides = array<i32>} : memref<8x1024xf32, #tpu.memory_space<vmem>>, vector<16xf32>,
    %swap3A_1318 = arith.constant 5 : i32
    %swap3A_1319 = arith.index_cast %swap3A_1318 : i32 to index
    %swap3A_1320 = arith.constant 16 : index
    %swap3A_1321 = tpu.vector_load %arg11[%swap3A_1319, %swap3A_1320] {strides = array<i32>} : memref<8x1024xf32, #tpu.memory_space<vmem>>, vector<16xf32>,
    tpu.vector_store %arg11[%swap3A_1319, %swap3A_1320], %broadcast_in_dim3A_34 {strides = array<i32>} : memref<8x1024xf32, #tpu.memory_space<vmem>>, vector<16xf32>,
    %swap3A_1322 = arith.constant 5 : i32
    %swap3A_1323 = arith.index_cast %swap3A_1322 : i32 to index
    %swap3A_1324 = arith.constant 32 : index
    %swap3A_1325 = tpu.vector_load %arg11[%swap3A_1323, %swap3A_1324] {strides = array<i32>} : memref<8x1024xf32, #tpu.memory_space<vmem>>, vector<16xf32>,
    tpu.vector_store %arg11[%swap3A_1323, %swap3A_1324], %broadcast_in_dim3A_34 {strides = array<i32>} : memref<8x1024xf32, #tpu.memory_space<vmem>>, vector<16xf32>,
    %swap3A_1326 = arith.constant 5 : i32
    %swap3A_1327 = arith.index_cast %swap3A_1326 : i32 to index
    %swap3A_1328 = arith.constant 48 : index
    %swap3A_1329 = tpu.vector_load %arg11[%swap3A_1327, %swap3A_1328] {strides = array<i32>} : memref<8x1024xf32, #tpu.memory_space<vmem>>, vector<16xf32>,
    tpu.vector_store %arg11[%swap3A_1327, %swap3A_1328], %broadcast_in_dim3A_34 {strides = array<i32>} : memref<8x1024xf32, #tpu.memory_space<vmem>>, vector<16xf32>,
    %swap3A_1330 = arith.constant 5 : i32
    %swap3A_1331 = arith.index_cast %swap3A_1330 : i32 to index
    %swap3A_1332 = arith.constant 64 : index
    %swap3A_1333 = tpu.vector_load %arg11[%swap3A_1331, %swap3A_1332] {strides = array<i32>} : memref<8x1024xf32, #tpu.memory_space<vmem>>, vector<16xf32>,
    tpu.vector_store %arg11[%swap3A_1331, %swap3A_1332], %broadcast_in_dim3A_34 {strides = array<i32>} : memref<8x1024xf32, #tpu.memory_space<vmem>>, vector<16xf32>,
    %swap3A_1334 = arith.constant 5 : i32
    %swap3A_1335 = arith.index_cast %swap3A_1334 : i32 to index
    %swap3A_1336 = arith.constant 80 : index
    %swap3A_1337 = tpu.vector_load %arg11[%swap3A_1335, %swap3A_1336] {strides = array<i32>} : memref<8x1024xf32, #tpu.memory_space<vmem>>, vector<16xf32>,
    tpu.vector_store %arg11[%swap3A_1335, %swap3A_1336], %broadcast_in_dim3A_34 {strides = array<i32>} : memref<8x1024xf32, #tpu.memory_space<vmem>>, vector<16xf32>,
    %swap3A_1338 = arith.constant 5 : i32
    %swap3A_1339 = arith.index_cast %swap3A_1338 : i32 to index
    %swap3A_1340 = arith.constant 96 : index
    %swap3A_1341 = tpu.vector_load %arg11[%swap3A_1339, %swap3A_1340] {strides = array<i32>} : memref<8x1024xf32, #tpu.memory_space<vmem>>, vector<16xf32>,
    tpu.vector_store %arg11[%swap3A_1339, %swap3A_1340], %broadcast_in_dim3A_34 {strides = array<i32>} : memref<8x1024xf32, #tpu.memory_space<vmem>>, vector<16xf32>,
    %swap3A_1342 = arith.constant 5 : i32
    %swap3A_1343 = arith.index_cast %swap3A_1342 : i32 to index
    %swap3A_1344 = arith.constant 112 : index
    %swap3A_1345 = tpu.vector_load %arg11[%swap3A_1343, %swap3A_1344] {strides = array<i32>} : memref<8x1024xf32, #tpu.memory_space<vmem>>, vector<16xf32>,
    tpu.vector_store %arg11[%swap3A_1343, %swap3A_1344], %broadcast_in_dim3A_34 {strides = array<i32>} : memref<8x1024xf32, #tpu.memory_space<vmem>>, vector<16xf32>,
    %swap3A_1346 = arith.constant 5 : i32
    %swap3A_1347 = arith.index_cast %swap3A_1346 : i32 to index
    %swap3A_1348 = arith.constant 128 : index
    %swap3A_1349 = tpu.vector_load %arg11[%swap3A_1347, %swap3A_1348] {strides = array<i32>} : memref<8x1024xf32, #tpu.memory_space<vmem>>, vector<16xf32>,
    tpu.vector_store %arg11[%swap3A_1347, %swap3A_1348], %broadcast_in_dim3A_34 {strides = array<i32>} : memref<8x1024xf32, #tpu.memory_space<vmem>>, vector<16xf32>,
    %swap3A_1350 = arith.constant 5 : i32
    %swap3A_1351 = arith.index_cast %swap3A_1350 : i32 to index
    %swap3A_1352 = arith.constant 144 : index
    %swap3A_1353 = tpu.vector_load %arg11[%swap3A_1351, %swap3A_1352] {strides = array<i32>} : memref<8x1024xf32, #tpu.memory_space<vmem>>, vector<16xf32>,
    tpu.vector_store %arg11[%swap3A_1351, %swap3A_1352], %broadcast_in_dim3A_34 {strides = array<i32>} : memref<8x1024xf32, #tpu.memory_space<vmem>>, vector<16xf32>,
    %swap3A_1354 = arith.constant 5 : i32
    %swap3A_1355 = arith.index_cast %swap3A_1354 : i32 to index
    %swap3A_1356 = arith.constant 160 : index
    %swap3A_1357 = tpu.vector_load %arg11[%swap3A_1355, %swap3A_1356] {strides = array<i32>} : memref<8x1024xf32, #tpu.memory_space<vmem>>, vector<16xf32>,
    tpu.vector_store %arg11[%swap3A_1355, %swap3A_1356], %broadcast_in_dim3A_34 {strides = array<i32>} : memref<8x1024xf32, #tpu.memory_space<vmem>>, vector<16xf32>,
    %swap3A_1358 = arith.constant 5 : i32
    %swap3A_1359 = arith.index_cast %swap3A_1358 : i32 to index
    %swap3A_1360 = arith.constant 176 : index
    %swap3A_1361 = tpu.vector_load %arg11[%swap3A_1359, %swap3A_1360] {strides = array<i32>} : memref<8x1024xf32, #tpu.memory_space<vmem>>, vector<16xf32>,
    tpu.vector_store %arg11[%swap3A_1359, %swap3A_1360], %broadcast_in_dim3A_34 {strides = array<i32>} : memref<8x1024xf32, #tpu.memory_space<vmem>>, vector<16xf32>,
    %swap3A_1362 = arith.constant 5 : i32
    %swap3A_1363 = arith.index_cast %swap3A_1362 : i32 to index
    %swap3A_1364 = arith.constant 192 : index
    %swap3A_1365 = tpu.vector_load %arg11[%swap3A_1363, %swap3A_1364] {strides = array<i32>} : memref<8x1024xf32, #tpu.memory_space<vmem>>, vector<16xf32>,
    tpu.vector_store %arg11[%swap3A_1363, %swap3A_1364], %broadcast_in_dim3A_34 {strides = array<i32>} : memref<8x1024xf32, #tpu.memory_space<vmem>>, vector<16xf32>,
    %swap3A_1366 = arith.constant 5 : i32
    %swap3A_1367 = arith.index_cast %swap3A_1366 : i32 to index
    %swap3A_1368 = arith.constant 208 : index
    %swap3A_1369 = tpu.vector_load %arg11[%swap3A_1367, %swap3A_1368] {strides = array<i32>} : memref<8x1024xf32, #tpu.memory_space<vmem>>, vector<16xf32>,
    tpu.vector_store %arg11[%swap3A_1367, %swap3A_1368], %broadcast_in_dim3A_34 {strides = array<i32>} : memref<8x1024xf32, #tpu.memory_space<vmem>>, vector<16xf32>,
    %swap3A_1370 = arith.constant 5 : i32
    %swap3A_1371 = arith.index_cast %swap3A_1370 : i32 to index
    %swap3A_1372 = arith.constant 224 : index
    %swap3A_1373 = tpu.vector_load %arg11[%swap3A_1371, %swap3A_1372] {strides = array<i32>} : memref<8x1024xf32, #tpu.memory_space<vmem>>, vector<16xf32>,
    tpu.vector_store %arg11[%swap3A_1371, %swap3A_1372], %broadcast_in_dim3A_34 {strides = array<i32>} : memref<8x1024xf32, #tpu.memory_space<vmem>>, vector<16xf32>,
    %swap3A_1374 = arith.constant 5 : i32
    %swap3A_1375 = arith.index_cast %swap3A_1374 : i32 to index
    %swap3A_1376 = arith.constant 240 : index
    %swap3A_1377 = tpu.vector_load %arg11[%swap3A_1375, %swap3A_1376] {strides = array<i32>} : memref<8x1024xf32, #tpu.memory_space<vmem>>, vector<16xf32>,
    tpu.vector_store %arg11[%swap3A_1375, %swap3A_1376], %broadcast_in_dim3A_34 {strides = array<i32>} : memref<8x1024xf32, #tpu.memory_space<vmem>>, vector<16xf32>,
    %swap3A_1378 = arith.constant 5 : i32
    %swap3A_1379 = arith.index_cast %swap3A_1378 : i32 to index
    %swap3A_1380 = arith.constant 256 : index
    %swap3A_1381 = tpu.vector_load %arg11[%swap3A_1379, %swap3A_1380] {strides = array<i32>} : memref<8x1024xf32, #tpu.memory_space<vmem>>, vector<16xf32>,
    tpu.vector_store %arg11[%swap3A_1379, %swap3A_1380], %broadcast_in_dim3A_34 {strides = array<i32>} : memref<8x1024xf32, #tpu.memory_space<vmem>>, vector<16xf32>,
    %swap3A_1382 = arith.constant 5 : i32
    %swap3A_1383 = arith.index_cast %swap3A_1382 : i32 to index
    %swap3A_1384 = arith.constant 272 : index
    %swap3A_1385 = tpu.vector_load %arg11[%swap3A_1383, %swap3A_1384] {strides = array<i32>} : memref<8x1024xf32, #tpu.memory_space<vmem>>, vector<16xf32>,
    tpu.vector_store %arg11[%swap3A_1383, %swap3A_1384], %broadcast_in_dim3A_34 {strides = array<i32>} : memref<8x1024xf32, #tpu.memory_space<vmem>>, vector<16xf32>,
    %swap3A_1386 = arith.constant 5 : i32
    %swap3A_1387 = arith.index_cast %swap3A_1386 : i32 to index
    %swap3A_1388 = arith.constant 288 : index
    %swap3A_1389 = tpu.vector_load %arg11[%swap3A_1387, %swap3A_1388] {strides = array<i32>} : memref<8x1024xf32, #tpu.memory_space<vmem>>, vector<16xf32>,
    tpu.vector_store %arg11[%swap3A_1387, %swap3A_1388], %broadcast_in_dim3A_34 {strides = array<i32>} : memref<8x1024xf32, #tpu.memory_space<vmem>>, vector<16xf32>,
    %swap3A_1390 = arith.constant 5 : i32
    %swap3A_1391 = arith.index_cast %swap3A_1390 : i32 to index
    %swap3A_1392 = arith.constant 304 : index
    %swap3A_1393 = tpu.vector_load %arg11[%swap3A_1391, %swap3A_1392] {strides = array<i32>} : memref<8x1024xf32, #tpu.memory_space<vmem>>, vector<16xf32>,
    tpu.vector_store %arg11[%swap3A_1391, %swap3A_1392], %broadcast_in_dim3A_34 {strides = array<i32>} : memref<8x1024xf32, #tpu.memory_space<vmem>>, vector<16xf32>,
    %swap3A_1394 = arith.constant 5 : i32
    %swap3A_1395 = arith.index_cast %swap3A_1394 : i32 to index
    %swap3A_1396 = arith.constant 320 : index
    %swap3A_1397 = tpu.vector_load %arg11[%swap3A_1395, %swap3A_1396] {strides = array<i32>} : memref<8x1024xf32, #tpu.memory_space<vmem>>, vector<16xf32>,
    tpu.vector_store %arg11[%swap3A_1395, %swap3A_1396], %broadcast_in_dim3A_34 {strides = array<i32>} : memref<8x1024xf32, #tpu.memory_space<vmem>>, vector<16xf32>,
    %swap3A_1398 = arith.constant 5 : i32
    %swap3A_1399 = arith.index_cast %swap3A_1398 : i32 to index
    %swap3A_1400 = arith.constant 336 : index
    %swap3A_1401 = tpu.vector_load %arg11[%swap3A_1399, %swap3A_1400] {strides = array<i32>} : memref<8x1024xf32, #tpu.memory_space<vmem>>, vector<16xf32>,
    tpu.vector_store %arg11[%swap3A_1399, %swap3A_1400], %broadcast_in_dim3A_34 {strides = array<i32>} : memref<8x1024xf32, #tpu.memory_space<vmem>>, vector<16xf32>,
    %swap3A_1402 = arith.constant 5 : i32
    %swap3A_1403 = arith.index_cast %swap3A_1402 : i32 to index
    %swap3A_1404 = arith.constant 352 : index
    %swap3A_1405 = tpu.vector_load %arg11[%swap3A_1403, %swap3A_1404] {strides = array<i32>} : memref<8x1024xf32, #tpu.memory_space<vmem>>, vector<16xf32>,
    tpu.vector_store %arg11[%swap3A_1403, %swap3A_1404], %broadcast_in_dim3A_34 {strides = array<i32>} : memref<8x1024xf32, #tpu.memory_space<vmem>>, vector<16xf32>,
    %swap3A_1406 = arith.constant 5 : i32
    %swap3A_1407 = arith.index_cast %swap3A_1406 : i32 to index
    %swap3A_1408 = arith.constant 368 : index
    %swap3A_1409 = tpu.vector_load %arg11[%swap3A_1407, %swap3A_1408] {strides = array<i32>} : memref<8x1024xf32, #tpu.memory_space<vmem>>, vector<16xf32>,
    tpu.vector_store %arg11[%swap3A_1407, %swap3A_1408], %broadcast_in_dim3A_34 {strides = array<i32>} : memref<8x1024xf32, #tpu.memory_space<vmem>>, vector<16xf32>,
    %swap3A_1410 = arith.constant 5 : i32
    %swap3A_1411 = arith.index_cast %swap3A_1410 : i32 to index
    %swap3A_1412 = arith.constant 384 : index
    %swap3A_1413 = tpu.vector_load %arg11[%swap3A_1411, %swap3A_1412] {strides = array<i32>} : memref<8x1024xf32, #tpu.memory_space<vmem>>, vector<16xf32>,
    tpu.vector_store %arg11[%swap3A_1411, %swap3A_1412], %broadcast_in_dim3A_34 {strides = array<i32>} : memref<8x1024xf32, #tpu.memory_space<vmem>>, vector<16xf32>,
    %swap3A_1414 = arith.constant 5 : i32
    %swap3A_1415 = arith.index_cast %swap3A_1414 : i32 to index
    %swap3A_1416 = arith.constant 400 : index
    %swap3A_1417 = tpu.vector_load %arg11[%swap3A_1415, %swap3A_1416] {strides = array<i32>} : memref<8x1024xf32, #tpu.memory_space<vmem>>, vector<16xf32>,
    tpu.vector_store %arg11[%swap3A_1415, %swap3A_1416], %broadcast_in_dim3A_34 {strides = array<i32>} : memref<8x1024xf32, #tpu.memory_space<vmem>>, vector<16xf32>,
    %swap3A_1418 = arith.constant 5 : i32
    %swap3A_1419 = arith.index_cast %swap3A_1418 : i32 to index
    %swap3A_1420 = arith.constant 416 : index
    %swap3A_1421 = tpu.vector_load %arg11[%swap3A_1419, %swap3A_1420] {strides = array<i32>} : memref<8x1024xf32, #tpu.memory_space<vmem>>, vector<16xf32>,
    tpu.vector_store %arg11[%swap3A_1419, %swap3A_1420], %broadcast_in_dim3A_34 {strides = array<i32>} : memref<8x1024xf32, #tpu.memory_space<vmem>>, vector<16xf32>,
    %swap3A_1422 = arith.constant 5 : i32
    %swap3A_1423 = arith.index_cast %swap3A_1422 : i32 to index
    %swap3A_1424 = arith.constant 432 : index
    %swap3A_1425 = tpu.vector_load %arg11[%swap3A_1423, %swap3A_1424] {strides = array<i32>} : memref<8x1024xf32, #tpu.memory_space<vmem>>, vector<16xf32>,
    tpu.vector_store %arg11[%swap3A_1423, %swap3A_1424], %broadcast_in_dim3A_34 {strides = array<i32>} : memref<8x1024xf32, #tpu.memory_space<vmem>>, vector<16xf32>,
    %swap3A_1426 = arith.constant 5 : i32
    %swap3A_1427 = arith.index_cast %swap3A_1426 : i32 to index
    %swap3A_1428 = arith.constant 448 : index
    %swap3A_1429 = tpu.vector_load %arg11[%swap3A_1427, %swap3A_1428] {strides = array<i32>} : memref<8x1024xf32, #tpu.memory_space<vmem>>, vector<16xf32>,
    tpu.vector_store %arg11[%swap3A_1427, %swap3A_1428], %broadcast_in_dim3A_34 {strides = array<i32>} : memref<8x1024xf32, #tpu.memory_space<vmem>>, vector<16xf32>,
    %swap3A_1430 = arith.constant 5 : i32
    %swap3A_1431 = arith.index_cast %swap3A_1430 : i32 to index
    %swap3A_1432 = arith.constant 464 : index
    %swap3A_1433 = tpu.vector_load %arg11[%swap3A_1431, %swap3A_1432] {strides = array<i32>} : memref<8x1024xf32, #tpu.memory_space<vmem>>, vector<16xf32>,
    tpu.vector_store %arg11[%swap3A_1431, %swap3A_1432], %broadcast_in_dim3A_34 {strides = array<i32>} : memref<8x1024xf32, #tpu.memory_space<vmem>>, vector<16xf32>,
    %swap3A_1434 = arith.constant 5 : i32
    %swap3A_1435 = arith.index_cast %swap3A_1434 : i32 to index
    %swap3A_1436 = arith.constant 480 : index
    %swap3A_1437 = tpu.vector_load %arg11[%swap3A_1435, %swap3A_1436] {strides = array<i32>} : memref<8x1024xf32, #tpu.memory_space<vmem>>, vector<16xf32>,
    tpu.vector_store %arg11[%swap3A_1435, %swap3A_1436], %broadcast_in_dim3A_34 {strides = array<i32>} : memref<8x1024xf32, #tpu.memory_space<vmem>>, vector<16xf32>,
    %swap3A_1438 = arith.constant 5 : i32
    %swap3A_1439 = arith.index_cast %swap3A_1438 : i32 to index
    %swap3A_1440 = arith.constant 496 : index
    %swap3A_1441 = tpu.vector_load %arg11[%swap3A_1439, %swap3A_1440] {strides = array<i32>} : memref<8x1024xf32, #tpu.memory_space<vmem>>, vector<16xf32>,
    tpu.vector_store %arg11[%swap3A_1439, %swap3A_1440], %broadcast_in_dim3A_34 {strides = array<i32>} : memref<8x1024xf32, #tpu.memory_space<vmem>>, vector<16xf32>,
    %swap3A_1442 = arith.constant 5 : i32
    %swap3A_1443 = arith.index_cast %swap3A_1442 : i32 to index
    %swap3A_1444 = arith.constant 512 : index
    %swap3A_1445 = tpu.vector_load %arg11[%swap3A_1443, %swap3A_1444] {strides = array<i32>} : memref<8x1024xf32, #tpu.memory_space<vmem>>, vector<16xf32>,
    tpu.vector_store %arg11[%swap3A_1443, %swap3A_1444], %broadcast_in_dim3A_34 {strides = array<i32>} : memref<8x1024xf32, #tpu.memory_space<vmem>>, vector<16xf32>,
    %swap3A_1446 = arith.constant 5 : i32
    %swap3A_1447 = arith.index_cast %swap3A_1446 : i32 to index
    %swap3A_1448 = arith.constant 528 : index
    %swap3A_1449 = tpu.vector_load %arg11[%swap3A_1447, %swap3A_1448] {strides = array<i32>} : memref<8x1024xf32, #tpu.memory_space<vmem>>, vector<16xf32>,
    tpu.vector_store %arg11[%swap3A_1447, %swap3A_1448], %broadcast_in_dim3A_34 {strides = array<i32>} : memref<8x1024xf32, #tpu.memory_space<vmem>>, vector<16xf32>,
    %swap3A_1450 = arith.constant 5 : i32
    %swap3A_1451 = arith.index_cast %swap3A_1450 : i32 to index
    %swap3A_1452 = arith.constant 544 : index
    %swap3A_1453 = tpu.vector_load %arg11[%swap3A_1451, %swap3A_1452] {strides = array<i32>} : memref<8x1024xf32, #tpu.memory_space<vmem>>, vector<16xf32>,
    tpu.vector_store %arg11[%swap3A_1451, %swap3A_1452], %broadcast_in_dim3A_34 {strides = array<i32>} : memref<8x1024xf32, #tpu.memory_space<vmem>>, vector<16xf32>,
    %swap3A_1454 = arith.constant 5 : i32
    %swap3A_1455 = arith.index_cast %swap3A_1454 : i32 to index
    %swap3A_1456 = arith.constant 560 : index
    %swap3A_1457 = tpu.vector_load %arg11[%swap3A_1455, %swap3A_1456] {strides = array<i32>} : memref<8x1024xf32, #tpu.memory_space<vmem>>, vector<16xf32>,
    tpu.vector_store %arg11[%swap3A_1455, %swap3A_1456], %broadcast_in_dim3A_34 {strides = array<i32>} : memref<8x1024xf32, #tpu.memory_space<vmem>>, vector<16xf32>,
    %swap3A_1458 = arith.constant 5 : i32
    %swap3A_1459 = arith.index_cast %swap3A_1458 : i32 to index
    %swap3A_1460 = arith.constant 576 : index
    %swap3A_1461 = tpu.vector_load %arg11[%swap3A_1459, %swap3A_1460] {strides = array<i32>} : memref<8x1024xf32, #tpu.memory_space<vmem>>, vector<16xf32>,
    tpu.vector_store %arg11[%swap3A_1459, %swap3A_1460], %broadcast_in_dim3A_34 {strides = array<i32>} : memref<8x1024xf32, #tpu.memory_space<vmem>>, vector<16xf32>,
    %swap3A_1462 = arith.constant 5 : i32
    %swap3A_1463 = arith.index_cast %swap3A_1462 : i32 to index
    %swap3A_1464 = arith.constant 592 : index
    %swap3A_1465 = tpu.vector_load %arg11[%swap3A_1463, %swap3A_1464] {strides = array<i32>} : memref<8x1024xf32, #tpu.memory_space<vmem>>, vector<16xf32>,
    tpu.vector_store %arg11[%swap3A_1463, %swap3A_1464], %broadcast_in_dim3A_34 {strides = array<i32>} : memref<8x1024xf32, #tpu.memory_space<vmem>>, vector<16xf32>,
    %swap3A_1466 = arith.constant 5 : i32
    %swap3A_1467 = arith.index_cast %swap3A_1466 : i32 to index
    %swap3A_1468 = arith.constant 608 : index
    %swap3A_1469 = tpu.vector_load %arg11[%swap3A_1467, %swap3A_1468] {strides = array<i32>} : memref<8x1024xf32, #tpu.memory_space<vmem>>, vector<16xf32>,
    tpu.vector_store %arg11[%swap3A_1467, %swap3A_1468], %broadcast_in_dim3A_34 {strides = array<i32>} : memref<8x1024xf32, #tpu.memory_space<vmem>>, vector<16xf32>,
    %swap3A_1470 = arith.constant 5 : i32
    %swap3A_1471 = arith.index_cast %swap3A_1470 : i32 to index
    %swap3A_1472 = arith.constant 624 : index
    %swap3A_1473 = tpu.vector_load %arg11[%swap3A_1471, %swap3A_1472] {strides = array<i32>} : memref<8x1024xf32, #tpu.memory_space<vmem>>, vector<16xf32>,
    tpu.vector_store %arg11[%swap3A_1471, %swap3A_1472], %broadcast_in_dim3A_34 {strides = array<i32>} : memref<8x1024xf32, #tpu.memory_space<vmem>>, vector<16xf32>,
    %swap3A_1474 = arith.constant 5 : i32
    %swap3A_1475 = arith.index_cast %swap3A_1474 : i32 to index
    %swap3A_1476 = arith.constant 640 : index
    %swap3A_1477 = tpu.vector_load %arg11[%swap3A_1475, %swap3A_1476] {strides = array<i32>} : memref<8x1024xf32, #tpu.memory_space<vmem>>, vector<16xf32>,
    tpu.vector_store %arg11[%swap3A_1475, %swap3A_1476], %broadcast_in_dim3A_34 {strides = array<i32>} : memref<8x1024xf32, #tpu.memory_space<vmem>>, vector<16xf32>,
    %swap3A_1478 = arith.constant 5 : i32
    %swap3A_1479 = arith.index_cast %swap3A_1478 : i32 to index
    %swap3A_1480 = arith.constant 656 : index
    %swap3A_1481 = tpu.vector_load %arg11[%swap3A_1479, %swap3A_1480] {strides = array<i32>} : memref<8x1024xf32, #tpu.memory_space<vmem>>, vector<16xf32>,
    tpu.vector_store %arg11[%swap3A_1479, %swap3A_1480], %broadcast_in_dim3A_34 {strides = array<i32>} : memref<8x1024xf32, #tpu.memory_space<vmem>>, vector<16xf32>,
    %swap3A_1482 = arith.constant 5 : i32
    %swap3A_1483 = arith.index_cast %swap3A_1482 : i32 to index
    %swap3A_1484 = arith.constant 672 : index
    %swap3A_1485 = tpu.vector_load %arg11[%swap3A_1483, %swap3A_1484] {strides = array<i32>} : memref<8x1024xf32, #tpu.memory_space<vmem>>, vector<16xf32>,
    tpu.vector_store %arg11[%swap3A_1483, %swap3A_1484], %broadcast_in_dim3A_34 {strides = array<i32>} : memref<8x1024xf32, #tpu.memory_space<vmem>>, vector<16xf32>,
    %swap3A_1486 = arith.constant 5 : i32
    %swap3A_1487 = arith.index_cast %swap3A_1486 : i32 to index
    %swap3A_1488 = arith.constant 688 : index
    %swap3A_1489 = tpu.vector_load %arg11[%swap3A_1487, %swap3A_1488] {strides = array<i32>} : memref<8x1024xf32, #tpu.memory_space<vmem>>, vector<16xf32>,
    tpu.vector_store %arg11[%swap3A_1487, %swap3A_1488], %broadcast_in_dim3A_34 {strides = array<i32>} : memref<8x1024xf32, #tpu.memory_space<vmem>>, vector<16xf32>,
    %swap3A_1490 = arith.constant 5 : i32
    %swap3A_1491 = arith.index_cast %swap3A_1490 : i32 to index
    %swap3A_1492 = arith.constant 704 : index
    %swap3A_1493 = tpu.vector_load %arg11[%swap3A_1491, %swap3A_1492] {strides = array<i32>} : memref<8x1024xf32, #tpu.memory_space<vmem>>, vector<16xf32>,
    tpu.vector_store %arg11[%swap3A_1491, %swap3A_1492], %broadcast_in_dim3A_34 {strides = array<i32>} : memref<8x1024xf32, #tpu.memory_space<vmem>>, vector<16xf32>,
    %swap3A_1494 = arith.constant 5 : i32
    %swap3A_1495 = arith.index_cast %swap3A_1494 : i32 to index
    %swap3A_1496 = arith.constant 720 : index
    %swap3A_1497 = tpu.vector_load %arg11[%swap3A_1495, %swap3A_1496] {strides = array<i32>} : memref<8x1024xf32, #tpu.memory_space<vmem>>, vector<16xf32>,
    tpu.vector_store %arg11[%swap3A_1495, %swap3A_1496], %broadcast_in_dim3A_34 {strides = array<i32>} : memref<8x1024xf32, #tpu.memory_space<vmem>>, vector<16xf32>,
    %swap3A_1498 = arith.constant 5 : i32
    %swap3A_1499 = arith.index_cast %swap3A_1498 : i32 to index
    %swap3A_1500 = arith.constant 736 : index
    %swap3A_1501 = tpu.vector_load %arg11[%swap3A_1499, %swap3A_1500] {strides = array<i32>} : memref<8x1024xf32, #tpu.memory_space<vmem>>, vector<16xf32>,
    tpu.vector_store %arg11[%swap3A_1499, %swap3A_1500], %broadcast_in_dim3A_34 {strides = array<i32>} : memref<8x1024xf32, #tpu.memory_space<vmem>>, vector<16xf32>,
    %swap3A_1502 = arith.constant 5 : i32
    %swap3A_1503 = arith.index_cast %swap3A_1502 : i32 to index
    %swap3A_1504 = arith.constant 752 : index
    %swap3A_1505 = tpu.vector_load %arg11[%swap3A_1503, %swap3A_1504] {strides = array<i32>} : memref<8x1024xf32, #tpu.memory_space<vmem>>, vector<16xf32>,
    tpu.vector_store %arg11[%swap3A_1503, %swap3A_1504], %broadcast_in_dim3A_34 {strides = array<i32>} : memref<8x1024xf32, #tpu.memory_space<vmem>>, vector<16xf32>,
    %swap3A_1506 = arith.constant 5 : i32
    %swap3A_1507 = arith.index_cast %swap3A_1506 : i32 to index
    %swap3A_1508 = arith.constant 768 : index
    %swap3A_1509 = tpu.vector_load %arg11[%swap3A_1507, %swap3A_1508] {strides = array<i32>} : memref<8x1024xf32, #tpu.memory_space<vmem>>, vector<16xf32>,
    tpu.vector_store %arg11[%swap3A_1507, %swap3A_1508], %broadcast_in_dim3A_34 {strides = array<i32>} : memref<8x1024xf32, #tpu.memory_space<vmem>>, vector<16xf32>,
    %swap3A_1510 = arith.constant 5 : i32
    %swap3A_1511 = arith.index_cast %swap3A_1510 : i32 to index
    %swap3A_1512 = arith.constant 784 : index
    %swap3A_1513 = tpu.vector_load %arg11[%swap3A_1511, %swap3A_1512] {strides = array<i32>} : memref<8x1024xf32, #tpu.memory_space<vmem>>, vector<16xf32>,
    tpu.vector_store %arg11[%swap3A_1511, %swap3A_1512], %broadcast_in_dim3A_34 {strides = array<i32>} : memref<8x1024xf32, #tpu.memory_space<vmem>>, vector<16xf32>,
    %swap3A_1514 = arith.constant 5 : i32
    %swap3A_1515 = arith.index_cast %swap3A_1514 : i32 to index
    %swap3A_1516 = arith.constant 800 : index
    %swap3A_1517 = tpu.vector_load %arg11[%swap3A_1515, %swap3A_1516] {strides = array<i32>} : memref<8x1024xf32, #tpu.memory_space<vmem>>, vector<16xf32>,
    tpu.vector_store %arg11[%swap3A_1515, %swap3A_1516], %broadcast_in_dim3A_34 {strides = array<i32>} : memref<8x1024xf32, #tpu.memory_space<vmem>>, vector<16xf32>,
    %swap3A_1518 = arith.constant 5 : i32
    %swap3A_1519 = arith.index_cast %swap3A_1518 : i32 to index
    %swap3A_1520 = arith.constant 816 : index
    %swap3A_1521 = tpu.vector_load %arg11[%swap3A_1519, %swap3A_1520] {strides = array<i32>} : memref<8x1024xf32, #tpu.memory_space<vmem>>, vector<16xf32>,
    tpu.vector_store %arg11[%swap3A_1519, %swap3A_1520], %broadcast_in_dim3A_34 {strides = array<i32>} : memref<8x1024xf32, #tpu.memory_space<vmem>>, vector<16xf32>,
    %swap3A_1522 = arith.constant 5 : i32
    %swap3A_1523 = arith.index_cast %swap3A_1522 : i32 to index
    %swap3A_1524 = arith.constant 832 : index
    %swap3A_1525 = tpu.vector_load %arg11[%swap3A_1523, %swap3A_1524] {strides = array<i32>} : memref<8x1024xf32, #tpu.memory_space<vmem>>, vector<16xf32>,
    tpu.vector_store %arg11[%swap3A_1523, %swap3A_1524], %broadcast_in_dim3A_34 {strides = array<i32>} : memref<8x1024xf32, #tpu.memory_space<vmem>>, vector<16xf32>,
    %swap3A_1526 = arith.constant 5 : i32
    %swap3A_1527 = arith.index_cast %swap3A_1526 : i32 to index
    %swap3A_1528 = arith.constant 848 : index
    %swap3A_1529 = tpu.vector_load %arg11[%swap3A_1527, %swap3A_1528] {strides = array<i32>} : memref<8x1024xf32, #tpu.memory_space<vmem>>, vector<16xf32>,
    tpu.vector_store %arg11[%swap3A_1527, %swap3A_1528], %broadcast_in_dim3A_34 {strides = array<i32>} : memref<8x1024xf32, #tpu.memory_space<vmem>>, vector<16xf32>,
    %swap3A_1530 = arith.constant 5 : i32
    %swap3A_1531 = arith.index_cast %swap3A_1530 : i32 to index
    %swap3A_1532 = arith.constant 864 : index
    %swap3A_1533 = tpu.vector_load %arg11[%swap3A_1531, %swap3A_1532] {strides = array<i32>} : memref<8x1024xf32, #tpu.memory_space<vmem>>, vector<16xf32>,
    tpu.vector_store %arg11[%swap3A_1531, %swap3A_1532], %broadcast_in_dim3A_34 {strides = array<i32>} : memref<8x1024xf32, #tpu.memory_space<vmem>>, vector<16xf32>,
    %swap3A_1534 = arith.constant 5 : i32
    %swap3A_1535 = arith.index_cast %swap3A_1534 : i32 to index
    %swap3A_1536 = arith.constant 880 : index
    %swap3A_1537 = tpu.vector_load %arg11[%swap3A_1535, %swap3A_1536] {strides = array<i32>} : memref<8x1024xf32, #tpu.memory_space<vmem>>, vector<16xf32>,
    tpu.vector_store %arg11[%swap3A_1535, %swap3A_1536], %broadcast_in_dim3A_34 {strides = array<i32>} : memref<8x1024xf32, #tpu.memory_space<vmem>>, vector<16xf32>,
    %swap3A_1538 = arith.constant 5 : i32
    %swap3A_1539 = arith.index_cast %swap3A_1538 : i32 to index
    %swap3A_1540 = arith.constant 896 : index
    %swap3A_1541 = tpu.vector_load %arg11[%swap3A_1539, %swap3A_1540] {strides = array<i32>} : memref<8x1024xf32, #tpu.memory_space<vmem>>, vector<16xf32>,
    tpu.vector_store %arg11[%swap3A_1539, %swap3A_1540], %broadcast_in_dim3A_34 {strides = array<i32>} : memref<8x1024xf32, #tpu.memory_space<vmem>>, vector<16xf32>,
    %swap3A_1542 = arith.constant 5 : i32
    %swap3A_1543 = arith.index_cast %swap3A_1542 : i32 to index
    %swap3A_1544 = arith.constant 912 : index
    %swap3A_1545 = tpu.vector_load %arg11[%swap3A_1543, %swap3A_1544] {strides = array<i32>} : memref<8x1024xf32, #tpu.memory_space<vmem>>, vector<16xf32>,
    tpu.vector_store %arg11[%swap3A_1543, %swap3A_1544], %broadcast_in_dim3A_34 {strides = array<i32>} : memref<8x1024xf32, #tpu.memory_space<vmem>>, vector<16xf32>,
    %swap3A_1546 = arith.constant 5 : i32
    %swap3A_1547 = arith.index_cast %swap3A_1546 : i32 to index
    %swap3A_1548 = arith.constant 928 : index
    %swap3A_1549 = tpu.vector_load %arg11[%swap3A_1547, %swap3A_1548] {strides = array<i32>} : memref<8x1024xf32, #tpu.memory_space<vmem>>, vector<16xf32>,
    tpu.vector_store %arg11[%swap3A_1547, %swap3A_1548], %broadcast_in_dim3A_34 {strides = array<i32>} : memref<8x1024xf32, #tpu.memory_space<vmem>>, vector<16xf32>,
    %swap3A_1550 = arith.constant 5 : i32
    %swap3A_1551 = arith.index_cast %swap3A_1550 : i32 to index
    %swap3A_1552 = arith.constant 944 : index
    %swap3A_1553 = tpu.vector_load %arg11[%swap3A_1551, %swap3A_1552] {strides = array<i32>} : memref<8x1024xf32, #tpu.memory_space<vmem>>, vector<16xf32>,
    tpu.vector_store %arg11[%swap3A_1551, %swap3A_1552], %broadcast_in_dim3A_34 {strides = array<i32>} : memref<8x1024xf32, #tpu.memory_space<vmem>>, vector<16xf32>,
    %swap3A_1554 = arith.constant 5 : i32
    %swap3A_1555 = arith.index_cast %swap3A_1554 : i32 to index
    %swap3A_1556 = arith.constant 960 : index
    %swap3A_1557 = tpu.vector_load %arg11[%swap3A_1555, %swap3A_1556] {strides = array<i32>} : memref<8x1024xf32, #tpu.memory_space<vmem>>, vector<16xf32>,
    tpu.vector_store %arg11[%swap3A_1555, %swap3A_1556], %broadcast_in_dim3A_34 {strides = array<i32>} : memref<8x1024xf32, #tpu.memory_space<vmem>>, vector<16xf32>,
    %swap3A_1558 = arith.constant 5 : i32
    %swap3A_1559 = arith.index_cast %swap3A_1558 : i32 to index
    %swap3A_1560 = arith.constant 976 : index
    %swap3A_1561 = tpu.vector_load %arg11[%swap3A_1559, %swap3A_1560] {strides = array<i32>} : memref<8x1024xf32, #tpu.memory_space<vmem>>, vector<16xf32>,
    tpu.vector_store %arg11[%swap3A_1559, %swap3A_1560], %broadcast_in_dim3A_34 {strides = array<i32>} : memref<8x1024xf32, #tpu.memory_space<vmem>>, vector<16xf32>,
    %swap3A_1562 = arith.constant 5 : i32
    %swap3A_1563 = arith.index_cast %swap3A_1562 : i32 to index
    %swap3A_1564 = arith.constant 992 : index
    %swap3A_1565 = tpu.vector_load %arg11[%swap3A_1563, %swap3A_1564] {strides = array<i32>} : memref<8x1024xf32, #tpu.memory_space<vmem>>, vector<16xf32>,
    tpu.vector_store %arg11[%swap3A_1563, %swap3A_1564], %broadcast_in_dim3A_34 {strides = array<i32>} : memref<8x1024xf32, #tpu.memory_space<vmem>>, vector<16xf32>,
    %swap3A_1566 = arith.constant 5 : i32
    %swap3A_1567 = arith.index_cast %swap3A_1566 : i32 to index
    %swap3A_1568 = arith.constant 1008 : index
    %swap3A_1569 = tpu.vector_load %arg11[%swap3A_1567, %swap3A_1568] {strides = array<i32>} : memref<8x1024xf32, #tpu.memory_space<vmem>>, vector<16xf32>,
    tpu.vector_store %arg11[%swap3A_1567, %swap3A_1568], %broadcast_in_dim3A_34 {strides = array<i32>} : memref<8x1024xf32, #tpu.memory_space<vmem>>, vector<16xf32>,
    %swap3A_1570 = arith.constant 6 : i32
    %swap3A_1571 = arith.index_cast %swap3A_1570 : i32 to index
    %swap3A_1572 = arith.constant 0 : index
    %swap3A_1573 = tpu.vector_load %arg11[%swap3A_1571, %swap3A_1572] {strides = array<i32>} : memref<8x1024xf32, #tpu.memory_space<vmem>>, vector<16xf32>,
    tpu.vector_store %arg11[%swap3A_1571, %swap3A_1572], %broadcast_in_dim3A_34 {strides = array<i32>} : memref<8x1024xf32, #tpu.memory_space<vmem>>, vector<16xf32>,
    %swap3A_1574 = arith.constant 6 : i32
    %swap3A_1575 = arith.index_cast %swap3A_1574 : i32 to index
    %swap3A_1576 = arith.constant 16 : index
    %swap3A_1577 = tpu.vector_load %arg11[%swap3A_1575, %swap3A_1576] {strides = array<i32>} : memref<8x1024xf32, #tpu.memory_space<vmem>>, vector<16xf32>,
    tpu.vector_store %arg11[%swap3A_1575, %swap3A_1576], %broadcast_in_dim3A_34 {strides = array<i32>} : memref<8x1024xf32, #tpu.memory_space<vmem>>, vector<16xf32>,
    %swap3A_1578 = arith.constant 6 : i32
    %swap3A_1579 = arith.index_cast %swap3A_1578 : i32 to index
    %swap3A_1580 = arith.constant 32 : index
    %swap3A_1581 = tpu.vector_load %arg11[%swap3A_1579, %swap3A_1580] {strides = array<i32>} : memref<8x1024xf32, #tpu.memory_space<vmem>>, vector<16xf32>,
    tpu.vector_store %arg11[%swap3A_1579, %swap3A_1580], %broadcast_in_dim3A_34 {strides = array<i32>} : memref<8x1024xf32, #tpu.memory_space<vmem>>, vector<16xf32>,
    %swap3A_1582 = arith.constant 6 : i32
    %swap3A_1583 = arith.index_cast %swap3A_1582 : i32 to index
    %swap3A_1584 = arith.constant 48 : index
    %swap3A_1585 = tpu.vector_load %arg11[%swap3A_1583, %swap3A_1584] {strides = array<i32>} : memref<8x1024xf32, #tpu.memory_space<vmem>>, vector<16xf32>,
    tpu.vector_store %arg11[%swap3A_1583, %swap3A_1584], %broadcast_in_dim3A_34 {strides = array<i32>} : memref<8x1024xf32, #tpu.memory_space<vmem>>, vector<16xf32>,
    %swap3A_1586 = arith.constant 6 : i32
    %swap3A_1587 = arith.index_cast %swap3A_1586 : i32 to index
    %swap3A_1588 = arith.constant 64 : index
    %swap3A_1589 = tpu.vector_load %arg11[%swap3A_1587, %swap3A_1588] {strides = array<i32>} : memref<8x1024xf32, #tpu.memory_space<vmem>>, vector<16xf32>,
    tpu.vector_store %arg11[%swap3A_1587, %swap3A_1588], %broadcast_in_dim3A_34 {strides = array<i32>} : memref<8x1024xf32, #tpu.memory_space<vmem>>, vector<16xf32>,
    %swap3A_1590 = arith.constant 6 : i32
    %swap3A_1591 = arith.index_cast %swap3A_1590 : i32 to index
    %swap3A_1592 = arith.constant 80 : index
    %swap3A_1593 = tpu.vector_load %arg11[%swap3A_1591, %swap3A_1592] {strides = array<i32>} : memref<8x1024xf32, #tpu.memory_space<vmem>>, vector<16xf32>,
    tpu.vector_store %arg11[%swap3A_1591, %swap3A_1592], %broadcast_in_dim3A_34 {strides = array<i32>} : memref<8x1024xf32, #tpu.memory_space<vmem>>, vector<16xf32>,
    %swap3A_1594 = arith.constant 6 : i32
    %swap3A_1595 = arith.index_cast %swap3A_1594 : i32 to index
    %swap3A_1596 = arith.constant 96 : index
    %swap3A_1597 = tpu.vector_load %arg11[%swap3A_1595, %swap3A_1596] {strides = array<i32>} : memref<8x1024xf32, #tpu.memory_space<vmem>>, vector<16xf32>,
    tpu.vector_store %arg11[%swap3A_1595, %swap3A_1596], %broadcast_in_dim3A_34 {strides = array<i32>} : memref<8x1024xf32, #tpu.memory_space<vmem>>, vector<16xf32>,
    %swap3A_1598 = arith.constant 6 : i32
    %swap3A_1599 = arith.index_cast %swap3A_1598 : i32 to index
    %swap3A_1600 = arith.constant 112 : index
    %swap3A_1601 = tpu.vector_load %arg11[%swap3A_1599, %swap3A_1600] {strides = array<i32>} : memref<8x1024xf32, #tpu.memory_space<vmem>>, vector<16xf32>,
    tpu.vector_store %arg11[%swap3A_1599, %swap3A_1600], %broadcast_in_dim3A_34 {strides = array<i32>} : memref<8x1024xf32, #tpu.memory_space<vmem>>, vector<16xf32>,
    %swap3A_1602 = arith.constant 6 : i32
    %swap3A_1603 = arith.index_cast %swap3A_1602 : i32 to index
    %swap3A_1604 = arith.constant 128 : index
    %swap3A_1605 = tpu.vector_load %arg11[%swap3A_1603, %swap3A_1604] {strides = array<i32>} : memref<8x1024xf32, #tpu.memory_space<vmem>>, vector<16xf32>,
    tpu.vector_store %arg11[%swap3A_1603, %swap3A_1604], %broadcast_in_dim3A_34 {strides = array<i32>} : memref<8x1024xf32, #tpu.memory_space<vmem>>, vector<16xf32>,
    %swap3A_1606 = arith.constant 6 : i32
    %swap3A_1607 = arith.index_cast %swap3A_1606 : i32 to index
    %swap3A_1608 = arith.constant 144 : index
    %swap3A_1609 = tpu.vector_load %arg11[%swap3A_1607, %swap3A_1608] {strides = array<i32>} : memref<8x1024xf32, #tpu.memory_space<vmem>>, vector<16xf32>,
    tpu.vector_store %arg11[%swap3A_1607, %swap3A_1608], %broadcast_in_dim3A_34 {strides = array<i32>} : memref<8x1024xf32, #tpu.memory_space<vmem>>, vector<16xf32>,
    %swap3A_1610 = arith.constant 6 : i32
    %swap3A_1611 = arith.index_cast %swap3A_1610 : i32 to index
    %swap3A_1612 = arith.constant 160 : index
    %swap3A_1613 = tpu.vector_load %arg11[%swap3A_1611, %swap3A_1612] {strides = array<i32>} : memref<8x1024xf32, #tpu.memory_space<vmem>>, vector<16xf32>,
    tpu.vector_store %arg11[%swap3A_1611, %swap3A_1612], %broadcast_in_dim3A_34 {strides = array<i32>} : memref<8x1024xf32, #tpu.memory_space<vmem>>, vector<16xf32>,
    %swap3A_1614 = arith.constant 6 : i32
    %swap3A_1615 = arith.index_cast %swap3A_1614 : i32 to index
    %swap3A_1616 = arith.constant 176 : index
    %swap3A_1617 = tpu.vector_load %arg11[%swap3A_1615, %swap3A_1616] {strides = array<i32>} : memref<8x1024xf32, #tpu.memory_space<vmem>>, vector<16xf32>,
    tpu.vector_store %arg11[%swap3A_1615, %swap3A_1616], %broadcast_in_dim3A_34 {strides = array<i32>} : memref<8x1024xf32, #tpu.memory_space<vmem>>, vector<16xf32>,
    %swap3A_1618 = arith.constant 6 : i32
    %swap3A_1619 = arith.index_cast %swap3A_1618 : i32 to index
    %swap3A_1620 = arith.constant 192 : index
    %swap3A_1621 = tpu.vector_load %arg11[%swap3A_1619, %swap3A_1620] {strides = array<i32>} : memref<8x1024xf32, #tpu.memory_space<vmem>>, vector<16xf32>,
    tpu.vector_store %arg11[%swap3A_1619, %swap3A_1620], %broadcast_in_dim3A_34 {strides = array<i32>} : memref<8x1024xf32, #tpu.memory_space<vmem>>, vector<16xf32>,
    %swap3A_1622 = arith.constant 6 : i32
    %swap3A_1623 = arith.index_cast %swap3A_1622 : i32 to index
    %swap3A_1624 = arith.constant 208 : index
    %swap3A_1625 = tpu.vector_load %arg11[%swap3A_1623, %swap3A_1624] {strides = array<i32>} : memref<8x1024xf32, #tpu.memory_space<vmem>>, vector<16xf32>,
    tpu.vector_store %arg11[%swap3A_1623, %swap3A_1624], %broadcast_in_dim3A_34 {strides = array<i32>} : memref<8x1024xf32, #tpu.memory_space<vmem>>, vector<16xf32>,
    %swap3A_1626 = arith.constant 6 : i32
    %swap3A_1627 = arith.index_cast %swap3A_1626 : i32 to index
    %swap3A_1628 = arith.constant 224 : index
    %swap3A_1629 = tpu.vector_load %arg11[%swap3A_1627, %swap3A_1628] {strides = array<i32>} : memref<8x1024xf32, #tpu.memory_space<vmem>>, vector<16xf32>,
    tpu.vector_store %arg11[%swap3A_1627, %swap3A_1628], %broadcast_in_dim3A_34 {strides = array<i32>} : memref<8x1024xf32, #tpu.memory_space<vmem>>, vector<16xf32>,
    %swap3A_1630 = arith.constant 6 : i32
    %swap3A_1631 = arith.index_cast %swap3A_1630 : i32 to index
    %swap3A_1632 = arith.constant 240 : index
    %swap3A_1633 = tpu.vector_load %arg11[%swap3A_1631, %swap3A_1632] {strides = array<i32>} : memref<8x1024xf32, #tpu.memory_space<vmem>>, vector<16xf32>,
    tpu.vector_store %arg11[%swap3A_1631, %swap3A_1632], %broadcast_in_dim3A_34 {strides = array<i32>} : memref<8x1024xf32, #tpu.memory_space<vmem>>, vector<16xf32>,
    %swap3A_1634 = arith.constant 6 : i32
    %swap3A_1635 = arith.index_cast %swap3A_1634 : i32 to index
    %swap3A_1636 = arith.constant 256 : index
    %swap3A_1637 = tpu.vector_load %arg11[%swap3A_1635, %swap3A_1636] {strides = array<i32>} : memref<8x1024xf32, #tpu.memory_space<vmem>>, vector<16xf32>,
    tpu.vector_store %arg11[%swap3A_1635, %swap3A_1636], %broadcast_in_dim3A_34 {strides = array<i32>} : memref<8x1024xf32, #tpu.memory_space<vmem>>, vector<16xf32>,
    %swap3A_1638 = arith.constant 6 : i32
    %swap3A_1639 = arith.index_cast %swap3A_1638 : i32 to index
    %swap3A_1640 = arith.constant 272 : index
    %swap3A_1641 = tpu.vector_load %arg11[%swap3A_1639, %swap3A_1640] {strides = array<i32>} : memref<8x1024xf32, #tpu.memory_space<vmem>>, vector<16xf32>,
    tpu.vector_store %arg11[%swap3A_1639, %swap3A_1640], %broadcast_in_dim3A_34 {strides = array<i32>} : memref<8x1024xf32, #tpu.memory_space<vmem>>, vector<16xf32>,
    %swap3A_1642 = arith.constant 6 : i32
    %swap3A_1643 = arith.index_cast %swap3A_1642 : i32 to index
    %swap3A_1644 = arith.constant 288 : index
    %swap3A_1645 = tpu.vector_load %arg11[%swap3A_1643, %swap3A_1644] {strides = array<i32>} : memref<8x1024xf32, #tpu.memory_space<vmem>>, vector<16xf32>,
    tpu.vector_store %arg11[%swap3A_1643, %swap3A_1644], %broadcast_in_dim3A_34 {strides = array<i32>} : memref<8x1024xf32, #tpu.memory_space<vmem>>, vector<16xf32>,
    %swap3A_1646 = arith.constant 6 : i32
    %swap3A_1647 = arith.index_cast %swap3A_1646 : i32 to index
    %swap3A_1648 = arith.constant 304 : index
    %swap3A_1649 = tpu.vector_load %arg11[%swap3A_1647, %swap3A_1648] {strides = array<i32>} : memref<8x1024xf32, #tpu.memory_space<vmem>>, vector<16xf32>,
    tpu.vector_store %arg11[%swap3A_1647, %swap3A_1648], %broadcast_in_dim3A_34 {strides = array<i32>} : memref<8x1024xf32, #tpu.memory_space<vmem>>, vector<16xf32>,
    %swap3A_1650 = arith.constant 6 : i32
    %swap3A_1651 = arith.index_cast %swap3A_1650 : i32 to index
    %swap3A_1652 = arith.constant 320 : index
    %swap3A_1653 = tpu.vector_load %arg11[%swap3A_1651, %swap3A_1652] {strides = array<i32>} : memref<8x1024xf32, #tpu.memory_space<vmem>>, vector<16xf32>,
    tpu.vector_store %arg11[%swap3A_1651, %swap3A_1652], %broadcast_in_dim3A_34 {strides = array<i32>} : memref<8x1024xf32, #tpu.memory_space<vmem>>, vector<16xf32>,
    %swap3A_1654 = arith.constant 6 : i32
    %swap3A_1655 = arith.index_cast %swap3A_1654 : i32 to index
    %swap3A_1656 = arith.constant 336 : index
    %swap3A_1657 = tpu.vector_load %arg11[%swap3A_1655, %swap3A_1656] {strides = array<i32>} : memref<8x1024xf32, #tpu.memory_space<vmem>>, vector<16xf32>,
    tpu.vector_store %arg11[%swap3A_1655, %swap3A_1656], %broadcast_in_dim3A_34 {strides = array<i32>} : memref<8x1024xf32, #tpu.memory_space<vmem>>, vector<16xf32>,
    %swap3A_1658 = arith.constant 6 : i32
    %swap3A_1659 = arith.index_cast %swap3A_1658 : i32 to index
    %swap3A_1660 = arith.constant 352 : index
    %swap3A_1661 = tpu.vector_load %arg11[%swap3A_1659, %swap3A_1660] {strides = array<i32>} : memref<8x1024xf32, #tpu.memory_space<vmem>>, vector<16xf32>,
    tpu.vector_store %arg11[%swap3A_1659, %swap3A_1660], %broadcast_in_dim3A_34 {strides = array<i32>} : memref<8x1024xf32, #tpu.memory_space<vmem>>, vector<16xf32>,
    %swap3A_1662 = arith.constant 6 : i32
    %swap3A_1663 = arith.index_cast %swap3A_1662 : i32 to index
    %swap3A_1664 = arith.constant 368 : index
    %swap3A_1665 = tpu.vector_load %arg11[%swap3A_1663, %swap3A_1664] {strides = array<i32>} : memref<8x1024xf32, #tpu.memory_space<vmem>>, vector<16xf32>,
    tpu.vector_store %arg11[%swap3A_1663, %swap3A_1664], %broadcast_in_dim3A_34 {strides = array<i32>} : memref<8x1024xf32, #tpu.memory_space<vmem>>, vector<16xf32>,
    %swap3A_1666 = arith.constant 6 : i32
    %swap3A_1667 = arith.index_cast %swap3A_1666 : i32 to index
    %swap3A_1668 = arith.constant 384 : index
    %swap3A_1669 = tpu.vector_load %arg11[%swap3A_1667, %swap3A_1668] {strides = array<i32>} : memref<8x1024xf32, #tpu.memory_space<vmem>>, vector<16xf32>,
    tpu.vector_store %arg11[%swap3A_1667, %swap3A_1668], %broadcast_in_dim3A_34 {strides = array<i32>} : memref<8x1024xf32, #tpu.memory_space<vmem>>, vector<16xf32>,
    %swap3A_1670 = arith.constant 6 : i32
    %swap3A_1671 = arith.index_cast %swap3A_1670 : i32 to index
    %swap3A_1672 = arith.constant 400 : index
    %swap3A_1673 = tpu.vector_load %arg11[%swap3A_1671, %swap3A_1672] {strides = array<i32>} : memref<8x1024xf32, #tpu.memory_space<vmem>>, vector<16xf32>,
    tpu.vector_store %arg11[%swap3A_1671, %swap3A_1672], %broadcast_in_dim3A_34 {strides = array<i32>} : memref<8x1024xf32, #tpu.memory_space<vmem>>, vector<16xf32>,
    %swap3A_1674 = arith.constant 6 : i32
    %swap3A_1675 = arith.index_cast %swap3A_1674 : i32 to index
    %swap3A_1676 = arith.constant 416 : index
    %swap3A_1677 = tpu.vector_load %arg11[%swap3A_1675, %swap3A_1676] {strides = array<i32>} : memref<8x1024xf32, #tpu.memory_space<vmem>>, vector<16xf32>,
    tpu.vector_store %arg11[%swap3A_1675, %swap3A_1676], %broadcast_in_dim3A_34 {strides = array<i32>} : memref<8x1024xf32, #tpu.memory_space<vmem>>, vector<16xf32>,
    %swap3A_1678 = arith.constant 6 : i32
    %swap3A_1679 = arith.index_cast %swap3A_1678 : i32 to index
    %swap3A_1680 = arith.constant 432 : index
    %swap3A_1681 = tpu.vector_load %arg11[%swap3A_1679, %swap3A_1680] {strides = array<i32>} : memref<8x1024xf32, #tpu.memory_space<vmem>>, vector<16xf32>,
    tpu.vector_store %arg11[%swap3A_1679, %swap3A_1680], %broadcast_in_dim3A_34 {strides = array<i32>} : memref<8x1024xf32, #tpu.memory_space<vmem>>, vector<16xf32>,
    %swap3A_1682 = arith.constant 6 : i32
    %swap3A_1683 = arith.index_cast %swap3A_1682 : i32 to index
    %swap3A_1684 = arith.constant 448 : index
    %swap3A_1685 = tpu.vector_load %arg11[%swap3A_1683, %swap3A_1684] {strides = array<i32>} : memref<8x1024xf32, #tpu.memory_space<vmem>>, vector<16xf32>,
    tpu.vector_store %arg11[%swap3A_1683, %swap3A_1684], %broadcast_in_dim3A_34 {strides = array<i32>} : memref<8x1024xf32, #tpu.memory_space<vmem>>, vector<16xf32>,
    %swap3A_1686 = arith.constant 6 : i32
    %swap3A_1687 = arith.index_cast %swap3A_1686 : i32 to index
    %swap3A_1688 = arith.constant 464 : index
    %swap3A_1689 = tpu.vector_load %arg11[%swap3A_1687, %swap3A_1688] {strides = array<i32>} : memref<8x1024xf32, #tpu.memory_space<vmem>>, vector<16xf32>,
    tpu.vector_store %arg11[%swap3A_1687, %swap3A_1688], %broadcast_in_dim3A_34 {strides = array<i32>} : memref<8x1024xf32, #tpu.memory_space<vmem>>, vector<16xf32>,
    %swap3A_1690 = arith.constant 6 : i32
    %swap3A_1691 = arith.index_cast %swap3A_1690 : i32 to index
    %swap3A_1692 = arith.constant 480 : index
    %swap3A_1693 = tpu.vector_load %arg11[%swap3A_1691, %swap3A_1692] {strides = array<i32>} : memref<8x1024xf32, #tpu.memory_space<vmem>>, vector<16xf32>,
    tpu.vector_store %arg11[%swap3A_1691, %swap3A_1692], %broadcast_in_dim3A_34 {strides = array<i32>} : memref<8x1024xf32, #tpu.memory_space<vmem>>, vector<16xf32>,
    %swap3A_1694 = arith.constant 6 : i32
    %swap3A_1695 = arith.index_cast %swap3A_1694 : i32 to index
    %swap3A_1696 = arith.constant 496 : index
    %swap3A_1697 = tpu.vector_load %arg11[%swap3A_1695, %swap3A_1696] {strides = array<i32>} : memref<8x1024xf32, #tpu.memory_space<vmem>>, vector<16xf32>,
    tpu.vector_store %arg11[%swap3A_1695, %swap3A_1696], %broadcast_in_dim3A_34 {strides = array<i32>} : memref<8x1024xf32, #tpu.memory_space<vmem>>, vector<16xf32>,
    %swap3A_1698 = arith.constant 6 : i32
    %swap3A_1699 = arith.index_cast %swap3A_1698 : i32 to index
    %swap3A_1700 = arith.constant 512 : index
    %swap3A_1701 = tpu.vector_load %arg11[%swap3A_1699, %swap3A_1700] {strides = array<i32>} : memref<8x1024xf32, #tpu.memory_space<vmem>>, vector<16xf32>,
    tpu.vector_store %arg11[%swap3A_1699, %swap3A_1700], %broadcast_in_dim3A_34 {strides = array<i32>} : memref<8x1024xf32, #tpu.memory_space<vmem>>, vector<16xf32>,
    %swap3A_1702 = arith.constant 6 : i32
    %swap3A_1703 = arith.index_cast %swap3A_1702 : i32 to index
    %swap3A_1704 = arith.constant 528 : index
    %swap3A_1705 = tpu.vector_load %arg11[%swap3A_1703, %swap3A_1704] {strides = array<i32>} : memref<8x1024xf32, #tpu.memory_space<vmem>>, vector<16xf32>,
    tpu.vector_store %arg11[%swap3A_1703, %swap3A_1704], %broadcast_in_dim3A_34 {strides = array<i32>} : memref<8x1024xf32, #tpu.memory_space<vmem>>, vector<16xf32>,
    %swap3A_1706 = arith.constant 6 : i32
    %swap3A_1707 = arith.index_cast %swap3A_1706 : i32 to index
    %swap3A_1708 = arith.constant 544 : index
    %swap3A_1709 = tpu.vector_load %arg11[%swap3A_1707, %swap3A_1708] {strides = array<i32>} : memref<8x1024xf32, #tpu.memory_space<vmem>>, vector<16xf32>,
    tpu.vector_store %arg11[%swap3A_1707, %swap3A_1708], %broadcast_in_dim3A_34 {strides = array<i32>} : memref<8x1024xf32, #tpu.memory_space<vmem>>, vector<16xf32>,
    %swap3A_1710 = arith.constant 6 : i32
    %swap3A_1711 = arith.index_cast %swap3A_1710 : i32 to index
    %swap3A_1712 = arith.constant 560 : index
    %swap3A_1713 = tpu.vector_load %arg11[%swap3A_1711, %swap3A_1712] {strides = array<i32>} : memref<8x1024xf32, #tpu.memory_space<vmem>>, vector<16xf32>,
    tpu.vector_store %arg11[%swap3A_1711, %swap3A_1712], %broadcast_in_dim3A_34 {strides = array<i32>} : memref<8x1024xf32, #tpu.memory_space<vmem>>, vector<16xf32>,
    %swap3A_1714 = arith.constant 6 : i32
    %swap3A_1715 = arith.index_cast %swap3A_1714 : i32 to index
    %swap3A_1716 = arith.constant 576 : index
    %swap3A_1717 = tpu.vector_load %arg11[%swap3A_1715, %swap3A_1716] {strides = array<i32>} : memref<8x1024xf32, #tpu.memory_space<vmem>>, vector<16xf32>,
    tpu.vector_store %arg11[%swap3A_1715, %swap3A_1716], %broadcast_in_dim3A_34 {strides = array<i32>} : memref<8x1024xf32, #tpu.memory_space<vmem>>, vector<16xf32>,
    %swap3A_1718 = arith.constant 6 : i32
    %swap3A_1719 = arith.index_cast %swap3A_1718 : i32 to index
    %swap3A_1720 = arith.constant 592 : index
    %swap3A_1721 = tpu.vector_load %arg11[%swap3A_1719, %swap3A_1720] {strides = array<i32>} : memref<8x1024xf32, #tpu.memory_space<vmem>>, vector<16xf32>,
    tpu.vector_store %arg11[%swap3A_1719, %swap3A_1720], %broadcast_in_dim3A_34 {strides = array<i32>} : memref<8x1024xf32, #tpu.memory_space<vmem>>, vector<16xf32>,
    %swap3A_1722 = arith.constant 6 : i32
    %swap3A_1723 = arith.index_cast %swap3A_1722 : i32 to index
    %swap3A_1724 = arith.constant 608 : index
    %swap3A_1725 = tpu.vector_load %arg11[%swap3A_1723, %swap3A_1724] {strides = array<i32>} : memref<8x1024xf32, #tpu.memory_space<vmem>>, vector<16xf32>,
    tpu.vector_store %arg11[%swap3A_1723, %swap3A_1724], %broadcast_in_dim3A_34 {strides = array<i32>} : memref<8x1024xf32, #tpu.memory_space<vmem>>, vector<16xf32>,
    %swap3A_1726 = arith.constant 6 : i32
    %swap3A_1727 = arith.index_cast %swap3A_1726 : i32 to index
    %swap3A_1728 = arith.constant 624 : index
    %swap3A_1729 = tpu.vector_load %arg11[%swap3A_1727, %swap3A_1728] {strides = array<i32>} : memref<8x1024xf32, #tpu.memory_space<vmem>>, vector<16xf32>,
    tpu.vector_store %arg11[%swap3A_1727, %swap3A_1728], %broadcast_in_dim3A_34 {strides = array<i32>} : memref<8x1024xf32, #tpu.memory_space<vmem>>, vector<16xf32>,
    %swap3A_1730 = arith.constant 6 : i32
    %swap3A_1731 = arith.index_cast %swap3A_1730 : i32 to index
    %swap3A_1732 = arith.constant 640 : index
    %swap3A_1733 = tpu.vector_load %arg11[%swap3A_1731, %swap3A_1732] {strides = array<i32>} : memref<8x1024xf32, #tpu.memory_space<vmem>>, vector<16xf32>,
    tpu.vector_store %arg11[%swap3A_1731, %swap3A_1732], %broadcast_in_dim3A_34 {strides = array<i32>} : memref<8x1024xf32, #tpu.memory_space<vmem>>, vector<16xf32>,
    %swap3A_1734 = arith.constant 6 : i32
    %swap3A_1735 = arith.index_cast %swap3A_1734 : i32 to index
    %swap3A_1736 = arith.constant 656 : index
    %swap3A_1737 = tpu.vector_load %arg11[%swap3A_1735, %swap3A_1736] {strides = array<i32>} : memref<8x1024xf32, #tpu.memory_space<vmem>>, vector<16xf32>,
    tpu.vector_store %arg11[%swap3A_1735, %swap3A_1736], %broadcast_in_dim3A_34 {strides = array<i32>} : memref<8x1024xf32, #tpu.memory_space<vmem>>, vector<16xf32>,
    %swap3A_1738 = arith.constant 6 : i32
    %swap3A_1739 = arith.index_cast %swap3A_1738 : i32 to index
    %swap3A_1740 = arith.constant 672 : index
    %swap3A_1741 = tpu.vector_load %arg11[%swap3A_1739, %swap3A_1740] {strides = array<i32>} : memref<8x1024xf32, #tpu.memory_space<vmem>>, vector<16xf32>,
    tpu.vector_store %arg11[%swap3A_1739, %swap3A_1740], %broadcast_in_dim3A_34 {strides = array<i32>} : memref<8x1024xf32, #tpu.memory_space<vmem>>, vector<16xf32>,
    %swap3A_1742 = arith.constant 6 : i32
    %swap3A_1743 = arith.index_cast %swap3A_1742 : i32 to index
    %swap3A_1744 = arith.constant 688 : index
    %swap3A_1745 = tpu.vector_load %arg11[%swap3A_1743, %swap3A_1744] {strides = array<i32>} : memref<8x1024xf32, #tpu.memory_space<vmem>>, vector<16xf32>,
    tpu.vector_store %arg11[%swap3A_1743, %swap3A_1744], %broadcast_in_dim3A_34 {strides = array<i32>} : memref<8x1024xf32, #tpu.memory_space<vmem>>, vector<16xf32>,
    %swap3A_1746 = arith.constant 6 : i32
    %swap3A_1747 = arith.index_cast %swap3A_1746 : i32 to index
    %swap3A_1748 = arith.constant 704 : index
    %swap3A_1749 = tpu.vector_load %arg11[%swap3A_1747, %swap3A_1748] {strides = array<i32>} : memref<8x1024xf32, #tpu.memory_space<vmem>>, vector<16xf32>,
    tpu.vector_store %arg11[%swap3A_1747, %swap3A_1748], %broadcast_in_dim3A_34 {strides = array<i32>} : memref<8x1024xf32, #tpu.memory_space<vmem>>, vector<16xf32>,
    %swap3A_1750 = arith.constant 6 : i32
    %swap3A_1751 = arith.index_cast %swap3A_1750 : i32 to index
    %swap3A_1752 = arith.constant 720 : index
    %swap3A_1753 = tpu.vector_load %arg11[%swap3A_1751, %swap3A_1752] {strides = array<i32>} : memref<8x1024xf32, #tpu.memory_space<vmem>>, vector<16xf32>,
    tpu.vector_store %arg11[%swap3A_1751, %swap3A_1752], %broadcast_in_dim3A_34 {strides = array<i32>} : memref<8x1024xf32, #tpu.memory_space<vmem>>, vector<16xf32>,
    %swap3A_1754 = arith.constant 6 : i32
    %swap3A_1755 = arith.index_cast %swap3A_1754 : i32 to index
    %swap3A_1756 = arith.constant 736 : index
    %swap3A_1757 = tpu.vector_load %arg11[%swap3A_1755, %swap3A_1756] {strides = array<i32>} : memref<8x1024xf32, #tpu.memory_space<vmem>>, vector<16xf32>,
    tpu.vector_store %arg11[%swap3A_1755, %swap3A_1756], %broadcast_in_dim3A_34 {strides = array<i32>} : memref<8x1024xf32, #tpu.memory_space<vmem>>, vector<16xf32>,
    %swap3A_1758 = arith.constant 6 : i32
    %swap3A_1759 = arith.index_cast %swap3A_1758 : i32 to index
    %swap3A_1760 = arith.constant 752 : index
    %swap3A_1761 = tpu.vector_load %arg11[%swap3A_1759, %swap3A_1760] {strides = array<i32>} : memref<8x1024xf32, #tpu.memory_space<vmem>>, vector<16xf32>,
    tpu.vector_store %arg11[%swap3A_1759, %swap3A_1760], %broadcast_in_dim3A_34 {strides = array<i32>} : memref<8x1024xf32, #tpu.memory_space<vmem>>, vector<16xf32>,
    %swap3A_1762 = arith.constant 6 : i32
    %swap3A_1763 = arith.index_cast %swap3A_1762 : i32 to index
    %swap3A_1764 = arith.constant 768 : index
    %swap3A_1765 = tpu.vector_load %arg11[%swap3A_1763, %swap3A_1764] {strides = array<i32>} : memref<8x1024xf32, #tpu.memory_space<vmem>>, vector<16xf32>,
    tpu.vector_store %arg11[%swap3A_1763, %swap3A_1764], %broadcast_in_dim3A_34 {strides = array<i32>} : memref<8x1024xf32, #tpu.memory_space<vmem>>, vector<16xf32>,
    %swap3A_1766 = arith.constant 6 : i32
    %swap3A_1767 = arith.index_cast %swap3A_1766 : i32 to index
    %swap3A_1768 = arith.constant 784 : index
    %swap3A_1769 = tpu.vector_load %arg11[%swap3A_1767, %swap3A_1768] {strides = array<i32>} : memref<8x1024xf32, #tpu.memory_space<vmem>>, vector<16xf32>,
    tpu.vector_store %arg11[%swap3A_1767, %swap3A_1768], %broadcast_in_dim3A_34 {strides = array<i32>} : memref<8x1024xf32, #tpu.memory_space<vmem>>, vector<16xf32>,
    %swap3A_1770 = arith.constant 6 : i32
    %swap3A_1771 = arith.index_cast %swap3A_1770 : i32 to index
    %swap3A_1772 = arith.constant 800 : index
    %swap3A_1773 = tpu.vector_load %arg11[%swap3A_1771, %swap3A_1772] {strides = array<i32>} : memref<8x1024xf32, #tpu.memory_space<vmem>>, vector<16xf32>,
    tpu.vector_store %arg11[%swap3A_1771, %swap3A_1772], %broadcast_in_dim3A_34 {strides = array<i32>} : memref<8x1024xf32, #tpu.memory_space<vmem>>, vector<16xf32>,
    %swap3A_1774 = arith.constant 6 : i32
    %swap3A_1775 = arith.index_cast %swap3A_1774 : i32 to index
    %swap3A_1776 = arith.constant 816 : index
    %swap3A_1777 = tpu.vector_load %arg11[%swap3A_1775, %swap3A_1776] {strides = array<i32>} : memref<8x1024xf32, #tpu.memory_space<vmem>>, vector<16xf32>,
    tpu.vector_store %arg11[%swap3A_1775, %swap3A_1776], %broadcast_in_dim3A_34 {strides = array<i32>} : memref<8x1024xf32, #tpu.memory_space<vmem>>, vector<16xf32>,
    %swap3A_1778 = arith.constant 6 : i32
    %swap3A_1779 = arith.index_cast %swap3A_1778 : i32 to index
    %swap3A_1780 = arith.constant 832 : index
    %swap3A_1781 = tpu.vector_load %arg11[%swap3A_1779, %swap3A_1780] {strides = array<i32>} : memref<8x1024xf32, #tpu.memory_space<vmem>>, vector<16xf32>,
    tpu.vector_store %arg11[%swap3A_1779, %swap3A_1780], %broadcast_in_dim3A_34 {strides = array<i32>} : memref<8x1024xf32, #tpu.memory_space<vmem>>, vector<16xf32>,
    %swap3A_1782 = arith.constant 6 : i32
    %swap3A_1783 = arith.index_cast %swap3A_1782 : i32 to index
    %swap3A_1784 = arith.constant 848 : index
    %swap3A_1785 = tpu.vector_load %arg11[%swap3A_1783, %swap3A_1784] {strides = array<i32>} : memref<8x1024xf32, #tpu.memory_space<vmem>>, vector<16xf32>,
    tpu.vector_store %arg11[%swap3A_1783, %swap3A_1784], %broadcast_in_dim3A_34 {strides = array<i32>} : memref<8x1024xf32, #tpu.memory_space<vmem>>, vector<16xf32>,
    %swap3A_1786 = arith.constant 6 : i32
    %swap3A_1787 = arith.index_cast %swap3A_1786 : i32 to index
    %swap3A_1788 = arith.constant 864 : index
    %swap3A_1789 = tpu.vector_load %arg11[%swap3A_1787, %swap3A_1788] {strides = array<i32>} : memref<8x1024xf32, #tpu.memory_space<vmem>>, vector<16xf32>,
    tpu.vector_store %arg11[%swap3A_1787, %swap3A_1788], %broadcast_in_dim3A_34 {strides = array<i32>} : memref<8x1024xf32, #tpu.memory_space<vmem>>, vector<16xf32>,
    %swap3A_1790 = arith.constant 6 : i32
    %swap3A_1791 = arith.index_cast %swap3A_1790 : i32 to index
    %swap3A_1792 = arith.constant 880 : index
    %swap3A_1793 = tpu.vector_load %arg11[%swap3A_1791, %swap3A_1792] {strides = array<i32>} : memref<8x1024xf32, #tpu.memory_space<vmem>>, vector<16xf32>,
    tpu.vector_store %arg11[%swap3A_1791, %swap3A_1792], %broadcast_in_dim3A_34 {strides = array<i32>} : memref<8x1024xf32, #tpu.memory_space<vmem>>, vector<16xf32>,
    %swap3A_1794 = arith.constant 6 : i32
    %swap3A_1795 = arith.index_cast %swap3A_1794 : i32 to index
    %swap3A_1796 = arith.constant 896 : index
    %swap3A_1797 = tpu.vector_load %arg11[%swap3A_1795, %swap3A_1796] {strides = array<i32>} : memref<8x1024xf32, #tpu.memory_space<vmem>>, vector<16xf32>,
    tpu.vector_store %arg11[%swap3A_1795, %swap3A_1796], %broadcast_in_dim3A_34 {strides = array<i32>} : memref<8x1024xf32, #tpu.memory_space<vmem>>, vector<16xf32>,
    %swap3A_1798 = arith.constant 6 : i32
    %swap3A_1799 = arith.index_cast %swap3A_1798 : i32 to index
    %swap3A_1800 = arith.constant 912 : index
    %swap3A_1801 = tpu.vector_load %arg11[%swap3A_1799, %swap3A_1800] {strides = array<i32>} : memref<8x1024xf32, #tpu.memory_space<vmem>>, vector<16xf32>,
    tpu.vector_store %arg11[%swap3A_1799, %swap3A_1800], %broadcast_in_dim3A_34 {strides = array<i32>} : memref<8x1024xf32, #tpu.memory_space<vmem>>, vector<16xf32>,
    %swap3A_1802 = arith.constant 6 : i32
    %swap3A_1803 = arith.index_cast %swap3A_1802 : i32 to index
    %swap3A_1804 = arith.constant 928 : index
    %swap3A_1805 = tpu.vector_load %arg11[%swap3A_1803, %swap3A_1804] {strides = array<i32>} : memref<8x1024xf32, #tpu.memory_space<vmem>>, vector<16xf32>,
    tpu.vector_store %arg11[%swap3A_1803, %swap3A_1804], %broadcast_in_dim3A_34 {strides = array<i32>} : memref<8x1024xf32, #tpu.memory_space<vmem>>, vector<16xf32>,
    %swap3A_1806 = arith.constant 6 : i32
    %swap3A_1807 = arith.index_cast %swap3A_1806 : i32 to index
    %swap3A_1808 = arith.constant 944 : index
    %swap3A_1809 = tpu.vector_load %arg11[%swap3A_1807, %swap3A_1808] {strides = array<i32>} : memref<8x1024xf32, #tpu.memory_space<vmem>>, vector<16xf32>,
    tpu.vector_store %arg11[%swap3A_1807, %swap3A_1808], %broadcast_in_dim3A_34 {strides = array<i32>} : memref<8x1024xf32, #tpu.memory_space<vmem>>, vector<16xf32>,
    %swap3A_1810 = arith.constant 6 : i32
    %swap3A_1811 = arith.index_cast %swap3A_1810 : i32 to index
    %swap3A_1812 = arith.constant 960 : index
    %swap3A_1813 = tpu.vector_load %arg11[%swap3A_1811, %swap3A_1812] {strides = array<i32>} : memref<8x1024xf32, #tpu.memory_space<vmem>>, vector<16xf32>,
    tpu.vector_store %arg11[%swap3A_1811, %swap3A_1812], %broadcast_in_dim3A_34 {strides = array<i32>} : memref<8x1024xf32, #tpu.memory_space<vmem>>, vector<16xf32>,
    %swap3A_1814 = arith.constant 6 : i32
    %swap3A_1815 = arith.index_cast %swap3A_1814 : i32 to index
    %swap3A_1816 = arith.constant 976 : index
    %swap3A_1817 = tpu.vector_load %arg11[%swap3A_1815, %swap3A_1816] {strides = array<i32>} : memref<8x1024xf32, #tpu.memory_space<vmem>>, vector<16xf32>,
    tpu.vector_store %arg11[%swap3A_1815, %swap3A_1816], %broadcast_in_dim3A_34 {strides = array<i32>} : memref<8x1024xf32, #tpu.memory_space<vmem>>, vector<16xf32>,
    %swap3A_1818 = arith.constant 6 : i32
    %swap3A_1819 = arith.index_cast %swap3A_1818 : i32 to index
    %swap3A_1820 = arith.constant 992 : index
    %swap3A_1821 = tpu.vector_load %arg11[%swap3A_1819, %swap3A_1820] {strides = array<i32>} : memref<8x1024xf32, #tpu.memory_space<vmem>>, vector<16xf32>,
    tpu.vector_store %arg11[%swap3A_1819, %swap3A_1820], %broadcast_in_dim3A_34 {strides = array<i32>} : memref<8x1024xf32, #tpu.memory_space<vmem>>, vector<16xf32>,
    %swap3A_1822 = arith.constant 6 : i32
    %swap3A_1823 = arith.index_cast %swap3A_1822 : i32 to index
    %swap3A_1824 = arith.constant 1008 : index
    %swap3A_1825 = tpu.vector_load %arg11[%swap3A_1823, %swap3A_1824] {strides = array<i32>} : memref<8x1024xf32, #tpu.memory_space<vmem>>, vector<16xf32>,
    tpu.vector_store %arg11[%swap3A_1823, %swap3A_1824], %broadcast_in_dim3A_34 {strides = array<i32>} : memref<8x1024xf32, #tpu.memory_space<vmem>>, vector<16xf32>,
    %swap3A_1826 = arith.constant 7 : i32
    %swap3A_1827 = arith.index_cast %swap3A_1826 : i32 to index
    %swap3A_1828 = arith.constant 0 : index
    %swap3A_1829 = tpu.vector_load %arg11[%swap3A_1827, %swap3A_1828] {strides = array<i32>} : memref<8x1024xf32, #tpu.memory_space<vmem>>, vector<16xf32>,
    tpu.vector_store %arg11[%swap3A_1827, %swap3A_1828], %broadcast_in_dim3A_34 {strides = array<i32>} : memref<8x1024xf32, #tpu.memory_space<vmem>>, vector<16xf32>,
    %swap3A_1830 = arith.constant 7 : i32
    %swap3A_1831 = arith.index_cast %swap3A_1830 : i32 to index
    %swap3A_1832 = arith.constant 16 : index
    %swap3A_1833 = tpu.vector_load %arg11[%swap3A_1831, %swap3A_1832] {strides = array<i32>} : memref<8x1024xf32, #tpu.memory_space<vmem>>, vector<16xf32>,
    tpu.vector_store %arg11[%swap3A_1831, %swap3A_1832], %broadcast_in_dim3A_34 {strides = array<i32>} : memref<8x1024xf32, #tpu.memory_space<vmem>>, vector<16xf32>,
    %swap3A_1834 = arith.constant 7 : i32
    %swap3A_1835 = arith.index_cast %swap3A_1834 : i32 to index
    %swap3A_1836 = arith.constant 32 : index
    %swap3A_1837 = tpu.vector_load %arg11[%swap3A_1835, %swap3A_1836] {strides = array<i32>} : memref<8x1024xf32, #tpu.memory_space<vmem>>, vector<16xf32>,
    tpu.vector_store %arg11[%swap3A_1835, %swap3A_1836], %broadcast_in_dim3A_34 {strides = array<i32>} : memref<8x1024xf32, #tpu.memory_space<vmem>>, vector<16xf32>,
    %swap3A_1838 = arith.constant 7 : i32
    %swap3A_1839 = arith.index_cast %swap3A_1838 : i32 to index
    %swap3A_1840 = arith.constant 48 : index
    %swap3A_1841 = tpu.vector_load %arg11[%swap3A_1839, %swap3A_1840] {strides = array<i32>} : memref<8x1024xf32, #tpu.memory_space<vmem>>, vector<16xf32>,
    tpu.vector_store %arg11[%swap3A_1839, %swap3A_1840], %broadcast_in_dim3A_34 {strides = array<i32>} : memref<8x1024xf32, #tpu.memory_space<vmem>>, vector<16xf32>,
    %swap3A_1842 = arith.constant 7 : i32
    %swap3A_1843 = arith.index_cast %swap3A_1842 : i32 to index
    %swap3A_1844 = arith.constant 64 : index
    %swap3A_1845 = tpu.vector_load %arg11[%swap3A_1843, %swap3A_1844] {strides = array<i32>} : memref<8x1024xf32, #tpu.memory_space<vmem>>, vector<16xf32>,
    tpu.vector_store %arg11[%swap3A_1843, %swap3A_1844], %broadcast_in_dim3A_34 {strides = array<i32>} : memref<8x1024xf32, #tpu.memory_space<vmem>>, vector<16xf32>,
    %swap3A_1846 = arith.constant 7 : i32
    %swap3A_1847 = arith.index_cast %swap3A_1846 : i32 to index
    %swap3A_1848 = arith.constant 80 : index
    %swap3A_1849 = tpu.vector_load %arg11[%swap3A_1847, %swap3A_1848] {strides = array<i32>} : memref<8x1024xf32, #tpu.memory_space<vmem>>, vector<16xf32>,
    tpu.vector_store %arg11[%swap3A_1847, %swap3A_1848], %broadcast_in_dim3A_34 {strides = array<i32>} : memref<8x1024xf32, #tpu.memory_space<vmem>>, vector<16xf32>,
    %swap3A_1850 = arith.constant 7 : i32
    %swap3A_1851 = arith.index_cast %swap3A_1850 : i32 to index
    %swap3A_1852 = arith.constant 96 : index
    %swap3A_1853 = tpu.vector_load %arg11[%swap3A_1851, %swap3A_1852] {strides = array<i32>} : memref<8x1024xf32, #tpu.memory_space<vmem>>, vector<16xf32>,
    tpu.vector_store %arg11[%swap3A_1851, %swap3A_1852], %broadcast_in_dim3A_34 {strides = array<i32>} : memref<8x1024xf32, #tpu.memory_space<vmem>>, vector<16xf32>,
    %swap3A_1854 = arith.constant 7 : i32
    %swap3A_1855 = arith.index_cast %swap3A_1854 : i32 to index
    %swap3A_1856 = arith.constant 112 : index
    %swap3A_1857 = tpu.vector_load %arg11[%swap3A_1855, %swap3A_1856] {strides = array<i32>} : memref<8x1024xf32, #tpu.memory_space<vmem>>, vector<16xf32>,
    tpu.vector_store %arg11[%swap3A_1855, %swap3A_1856], %broadcast_in_dim3A_34 {strides = array<i32>} : memref<8x1024xf32, #tpu.memory_space<vmem>>, vector<16xf32>,
    %swap3A_1858 = arith.constant 7 : i32
    %swap3A_1859 = arith.index_cast %swap3A_1858 : i32 to index
    %swap3A_1860 = arith.constant 128 : index
    %swap3A_1861 = tpu.vector_load %arg11[%swap3A_1859, %swap3A_1860] {strides = array<i32>} : memref<8x1024xf32, #tpu.memory_space<vmem>>, vector<16xf32>,
    tpu.vector_store %arg11[%swap3A_1859, %swap3A_1860], %broadcast_in_dim3A_34 {strides = array<i32>} : memref<8x1024xf32, #tpu.memory_space<vmem>>, vector<16xf32>,
    %swap3A_1862 = arith.constant 7 : i32
    %swap3A_1863 = arith.index_cast %swap3A_1862 : i32 to index
    %swap3A_1864 = arith.constant 144 : index
    %swap3A_1865 = tpu.vector_load %arg11[%swap3A_1863, %swap3A_1864] {strides = array<i32>} : memref<8x1024xf32, #tpu.memory_space<vmem>>, vector<16xf32>,
    tpu.vector_store %arg11[%swap3A_1863, %swap3A_1864], %broadcast_in_dim3A_34 {strides = array<i32>} : memref<8x1024xf32, #tpu.memory_space<vmem>>, vector<16xf32>,
    %swap3A_1866 = arith.constant 7 : i32
    %swap3A_1867 = arith.index_cast %swap3A_1866 : i32 to index
    %swap3A_1868 = arith.constant 160 : index
    %swap3A_1869 = tpu.vector_load %arg11[%swap3A_1867, %swap3A_1868] {strides = array<i32>} : memref<8x1024xf32, #tpu.memory_space<vmem>>, vector<16xf32>,
    tpu.vector_store %arg11[%swap3A_1867, %swap3A_1868], %broadcast_in_dim3A_34 {strides = array<i32>} : memref<8x1024xf32, #tpu.memory_space<vmem>>, vector<16xf32>,
    %swap3A_1870 = arith.constant 7 : i32
    %swap3A_1871 = arith.index_cast %swap3A_1870 : i32 to index
    %swap3A_1872 = arith.constant 176 : index
    %swap3A_1873 = tpu.vector_load %arg11[%swap3A_1871, %swap3A_1872] {strides = array<i32>} : memref<8x1024xf32, #tpu.memory_space<vmem>>, vector<16xf32>,
    tpu.vector_store %arg11[%swap3A_1871, %swap3A_1872], %broadcast_in_dim3A_34 {strides = array<i32>} : memref<8x1024xf32, #tpu.memory_space<vmem>>, vector<16xf32>,
    %swap3A_1874 = arith.constant 7 : i32
    %swap3A_1875 = arith.index_cast %swap3A_1874 : i32 to index
    %swap3A_1876 = arith.constant 192 : index
    %swap3A_1877 = tpu.vector_load %arg11[%swap3A_1875, %swap3A_1876] {strides = array<i32>} : memref<8x1024xf32, #tpu.memory_space<vmem>>, vector<16xf32>,
    tpu.vector_store %arg11[%swap3A_1875, %swap3A_1876], %broadcast_in_dim3A_34 {strides = array<i32>} : memref<8x1024xf32, #tpu.memory_space<vmem>>, vector<16xf32>,
    %swap3A_1878 = arith.constant 7 : i32
    %swap3A_1879 = arith.index_cast %swap3A_1878 : i32 to index
    %swap3A_1880 = arith.constant 208 : index
    %swap3A_1881 = tpu.vector_load %arg11[%swap3A_1879, %swap3A_1880] {strides = array<i32>} : memref<8x1024xf32, #tpu.memory_space<vmem>>, vector<16xf32>,
    tpu.vector_store %arg11[%swap3A_1879, %swap3A_1880], %broadcast_in_dim3A_34 {strides = array<i32>} : memref<8x1024xf32, #tpu.memory_space<vmem>>, vector<16xf32>,
    %swap3A_1882 = arith.constant 7 : i32
    %swap3A_1883 = arith.index_cast %swap3A_1882 : i32 to index
    %swap3A_1884 = arith.constant 224 : index
    %swap3A_1885 = tpu.vector_load %arg11[%swap3A_1883, %swap3A_1884] {strides = array<i32>} : memref<8x1024xf32, #tpu.memory_space<vmem>>, vector<16xf32>,
    tpu.vector_store %arg11[%swap3A_1883, %swap3A_1884], %broadcast_in_dim3A_34 {strides = array<i32>} : memref<8x1024xf32, #tpu.memory_space<vmem>>, vector<16xf32>,
    %swap3A_1886 = arith.constant 7 : i32
    %swap3A_1887 = arith.index_cast %swap3A_1886 : i32 to index
    %swap3A_1888 = arith.constant 240 : index
    %swap3A_1889 = tpu.vector_load %arg11[%swap3A_1887, %swap3A_1888] {strides = array<i32>} : memref<8x1024xf32, #tpu.memory_space<vmem>>, vector<16xf32>,
    tpu.vector_store %arg11[%swap3A_1887, %swap3A_1888], %broadcast_in_dim3A_34 {strides = array<i32>} : memref<8x1024xf32, #tpu.memory_space<vmem>>, vector<16xf32>,
    %swap3A_1890 = arith.constant 7 : i32
    %swap3A_1891 = arith.index_cast %swap3A_1890 : i32 to index
    %swap3A_1892 = arith.constant 256 : index
    %swap3A_1893 = tpu.vector_load %arg11[%swap3A_1891, %swap3A_1892] {strides = array<i32>} : memref<8x1024xf32, #tpu.memory_space<vmem>>, vector<16xf32>,
    tpu.vector_store %arg11[%swap3A_1891, %swap3A_1892], %broadcast_in_dim3A_34 {strides = array<i32>} : memref<8x1024xf32, #tpu.memory_space<vmem>>, vector<16xf32>,
    %swap3A_1894 = arith.constant 7 : i32
    %swap3A_1895 = arith.index_cast %swap3A_1894 : i32 to index
    %swap3A_1896 = arith.constant 272 : index
    %swap3A_1897 = tpu.vector_load %arg11[%swap3A_1895, %swap3A_1896] {strides = array<i32>} : memref<8x1024xf32, #tpu.memory_space<vmem>>, vector<16xf32>,
    tpu.vector_store %arg11[%swap3A_1895, %swap3A_1896], %broadcast_in_dim3A_34 {strides = array<i32>} : memref<8x1024xf32, #tpu.memory_space<vmem>>, vector<16xf32>,
    %swap3A_1898 = arith.constant 7 : i32
    %swap3A_1899 = arith.index_cast %swap3A_1898 : i32 to index
    %swap3A_1900 = arith.constant 288 : index
    %swap3A_1901 = tpu.vector_load %arg11[%swap3A_1899, %swap3A_1900] {strides = array<i32>} : memref<8x1024xf32, #tpu.memory_space<vmem>>, vector<16xf32>,
    tpu.vector_store %arg11[%swap3A_1899, %swap3A_1900], %broadcast_in_dim3A_34 {strides = array<i32>} : memref<8x1024xf32, #tpu.memory_space<vmem>>, vector<16xf32>,
    %swap3A_1902 = arith.constant 7 : i32
    %swap3A_1903 = arith.index_cast %swap3A_1902 : i32 to index
    %swap3A_1904 = arith.constant 304 : index
    %swap3A_1905 = tpu.vector_load %arg11[%swap3A_1903, %swap3A_1904] {strides = array<i32>} : memref<8x1024xf32, #tpu.memory_space<vmem>>, vector<16xf32>,
    tpu.vector_store %arg11[%swap3A_1903, %swap3A_1904], %broadcast_in_dim3A_34 {strides = array<i32>} : memref<8x1024xf32, #tpu.memory_space<vmem>>, vector<16xf32>,
    %swap3A_1906 = arith.constant 7 : i32
    %swap3A_1907 = arith.index_cast %swap3A_1906 : i32 to index
    %swap3A_1908 = arith.constant 320 : index
    %swap3A_1909 = tpu.vector_load %arg11[%swap3A_1907, %swap3A_1908] {strides = array<i32>} : memref<8x1024xf32, #tpu.memory_space<vmem>>, vector<16xf32>,
    tpu.vector_store %arg11[%swap3A_1907, %swap3A_1908], %broadcast_in_dim3A_34 {strides = array<i32>} : memref<8x1024xf32, #tpu.memory_space<vmem>>, vector<16xf32>,
    %swap3A_1910 = arith.constant 7 : i32
    %swap3A_1911 = arith.index_cast %swap3A_1910 : i32 to index
    %swap3A_1912 = arith.constant 336 : index
    %swap3A_1913 = tpu.vector_load %arg11[%swap3A_1911, %swap3A_1912] {strides = array<i32>} : memref<8x1024xf32, #tpu.memory_space<vmem>>, vector<16xf32>,
    tpu.vector_store %arg11[%swap3A_1911, %swap3A_1912], %broadcast_in_dim3A_34 {strides = array<i32>} : memref<8x1024xf32, #tpu.memory_space<vmem>>, vector<16xf32>,
    %swap3A_1914 = arith.constant 7 : i32
    %swap3A_1915 = arith.index_cast %swap3A_1914 : i32 to index
    %swap3A_1916 = arith.constant 352 : index
    %swap3A_1917 = tpu.vector_load %arg11[%swap3A_1915, %swap3A_1916] {strides = array<i32>} : memref<8x1024xf32, #tpu.memory_space<vmem>>, vector<16xf32>,
    tpu.vector_store %arg11[%swap3A_1915, %swap3A_1916], %broadcast_in_dim3A_34 {strides = array<i32>} : memref<8x1024xf32, #tpu.memory_space<vmem>>, vector<16xf32>,
    %swap3A_1918 = arith.constant 7 : i32
    %swap3A_1919 = arith.index_cast %swap3A_1918 : i32 to index
    %swap3A_1920 = arith.constant 368 : index
    %swap3A_1921 = tpu.vector_load %arg11[%swap3A_1919, %swap3A_1920] {strides = array<i32>} : memref<8x1024xf32, #tpu.memory_space<vmem>>, vector<16xf32>,
    tpu.vector_store %arg11[%swap3A_1919, %swap3A_1920], %broadcast_in_dim3A_34 {strides = array<i32>} : memref<8x1024xf32, #tpu.memory_space<vmem>>, vector<16xf32>,
    %swap3A_1922 = arith.constant 7 : i32
    %swap3A_1923 = arith.index_cast %swap3A_1922 : i32 to index
    %swap3A_1924 = arith.constant 384 : index
    %swap3A_1925 = tpu.vector_load %arg11[%swap3A_1923, %swap3A_1924] {strides = array<i32>} : memref<8x1024xf32, #tpu.memory_space<vmem>>, vector<16xf32>,
    tpu.vector_store %arg11[%swap3A_1923, %swap3A_1924], %broadcast_in_dim3A_34 {strides = array<i32>} : memref<8x1024xf32, #tpu.memory_space<vmem>>, vector<16xf32>,
    %swap3A_1926 = arith.constant 7 : i32
    %swap3A_1927 = arith.index_cast %swap3A_1926 : i32 to index
    %swap3A_1928 = arith.constant 400 : index
    %swap3A_1929 = tpu.vector_load %arg11[%swap3A_1927, %swap3A_1928] {strides = array<i32>} : memref<8x1024xf32, #tpu.memory_space<vmem>>, vector<16xf32>,
    tpu.vector_store %arg11[%swap3A_1927, %swap3A_1928], %broadcast_in_dim3A_34 {strides = array<i32>} : memref<8x1024xf32, #tpu.memory_space<vmem>>, vector<16xf32>,
    %swap3A_1930 = arith.constant 7 : i32
    %swap3A_1931 = arith.index_cast %swap3A_1930 : i32 to index
    %swap3A_1932 = arith.constant 416 : index
    %swap3A_1933 = tpu.vector_load %arg11[%swap3A_1931, %swap3A_1932] {strides = array<i32>} : memref<8x1024xf32, #tpu.memory_space<vmem>>, vector<16xf32>,
    tpu.vector_store %arg11[%swap3A_1931, %swap3A_1932], %broadcast_in_dim3A_34 {strides = array<i32>} : memref<8x1024xf32, #tpu.memory_space<vmem>>, vector<16xf32>,
    %swap3A_1934 = arith.constant 7 : i32
    %swap3A_1935 = arith.index_cast %swap3A_1934 : i32 to index
    %swap3A_1936 = arith.constant 432 : index
    %swap3A_1937 = tpu.vector_load %arg11[%swap3A_1935, %swap3A_1936] {strides = array<i32>} : memref<8x1024xf32, #tpu.memory_space<vmem>>, vector<16xf32>,
    tpu.vector_store %arg11[%swap3A_1935, %swap3A_1936], %broadcast_in_dim3A_34 {strides = array<i32>} : memref<8x1024xf32, #tpu.memory_space<vmem>>, vector<16xf32>,
    %swap3A_1938 = arith.constant 7 : i32
    %swap3A_1939 = arith.index_cast %swap3A_1938 : i32 to index
    %swap3A_1940 = arith.constant 448 : index
    %swap3A_1941 = tpu.vector_load %arg11[%swap3A_1939, %swap3A_1940] {strides = array<i32>} : memref<8x1024xf32, #tpu.memory_space<vmem>>, vector<16xf32>,
    tpu.vector_store %arg11[%swap3A_1939, %swap3A_1940], %broadcast_in_dim3A_34 {strides = array<i32>} : memref<8x1024xf32, #tpu.memory_space<vmem>>, vector<16xf32>,
    %swap3A_1942 = arith.constant 7 : i32
    %swap3A_1943 = arith.index_cast %swap3A_1942 : i32 to index
    %swap3A_1944 = arith.constant 464 : index
    %swap3A_1945 = tpu.vector_load %arg11[%swap3A_1943, %swap3A_1944] {strides = array<i32>} : memref<8x1024xf32, #tpu.memory_space<vmem>>, vector<16xf32>,
    tpu.vector_store %arg11[%swap3A_1943, %swap3A_1944], %broadcast_in_dim3A_34 {strides = array<i32>} : memref<8x1024xf32, #tpu.memory_space<vmem>>, vector<16xf32>,
    %swap3A_1946 = arith.constant 7 : i32
    %swap3A_1947 = arith.index_cast %swap3A_1946 : i32 to index
    %swap3A_1948 = arith.constant 480 : index
    %swap3A_1949 = tpu.vector_load %arg11[%swap3A_1947, %swap3A_1948] {strides = array<i32>} : memref<8x1024xf32, #tpu.memory_space<vmem>>, vector<16xf32>,
    tpu.vector_store %arg11[%swap3A_1947, %swap3A_1948], %broadcast_in_dim3A_34 {strides = array<i32>} : memref<8x1024xf32, #tpu.memory_space<vmem>>, vector<16xf32>,
    %swap3A_1950 = arith.constant 7 : i32
    %swap3A_1951 = arith.index_cast %swap3A_1950 : i32 to index
    %swap3A_1952 = arith.constant 496 : index
    %swap3A_1953 = tpu.vector_load %arg11[%swap3A_1951, %swap3A_1952] {strides = array<i32>} : memref<8x1024xf32, #tpu.memory_space<vmem>>, vector<16xf32>,
    tpu.vector_store %arg11[%swap3A_1951, %swap3A_1952], %broadcast_in_dim3A_34 {strides = array<i32>} : memref<8x1024xf32, #tpu.memory_space<vmem>>, vector<16xf32>,
    %swap3A_1954 = arith.constant 7 : i32
    %swap3A_1955 = arith.index_cast %swap3A_1954 : i32 to index
    %swap3A_1956 = arith.constant 512 : index
    %swap3A_1957 = tpu.vector_load %arg11[%swap3A_1955, %swap3A_1956] {strides = array<i32>} : memref<8x1024xf32, #tpu.memory_space<vmem>>, vector<16xf32>,
    tpu.vector_store %arg11[%swap3A_1955, %swap3A_1956], %broadcast_in_dim3A_34 {strides = array<i32>} : memref<8x1024xf32, #tpu.memory_space<vmem>>, vector<16xf32>,
    %swap3A_1958 = arith.constant 7 : i32
    %swap3A_1959 = arith.index_cast %swap3A_1958 : i32 to index
    %swap3A_1960 = arith.constant 528 : index
    %swap3A_1961 = tpu.vector_load %arg11[%swap3A_1959, %swap3A_1960] {strides = array<i32>} : memref<8x1024xf32, #tpu.memory_space<vmem>>, vector<16xf32>,
    tpu.vector_store %arg11[%swap3A_1959, %swap3A_1960], %broadcast_in_dim3A_34 {strides = array<i32>} : memref<8x1024xf32, #tpu.memory_space<vmem>>, vector<16xf32>,
    %swap3A_1962 = arith.constant 7 : i32
    %swap3A_1963 = arith.index_cast %swap3A_1962 : i32 to index
    %swap3A_1964 = arith.constant 544 : index
    %swap3A_1965 = tpu.vector_load %arg11[%swap3A_1963, %swap3A_1964] {strides = array<i32>} : memref<8x1024xf32, #tpu.memory_space<vmem>>, vector<16xf32>,
    tpu.vector_store %arg11[%swap3A_1963, %swap3A_1964], %broadcast_in_dim3A_34 {strides = array<i32>} : memref<8x1024xf32, #tpu.memory_space<vmem>>, vector<16xf32>,
    %swap3A_1966 = arith.constant 7 : i32
    %swap3A_1967 = arith.index_cast %swap3A_1966 : i32 to index
    %swap3A_1968 = arith.constant 560 : index
    %swap3A_1969 = tpu.vector_load %arg11[%swap3A_1967, %swap3A_1968] {strides = array<i32>} : memref<8x1024xf32, #tpu.memory_space<vmem>>, vector<16xf32>,
    tpu.vector_store %arg11[%swap3A_1967, %swap3A_1968], %broadcast_in_dim3A_34 {strides = array<i32>} : memref<8x1024xf32, #tpu.memory_space<vmem>>, vector<16xf32>,
    %swap3A_1970 = arith.constant 7 : i32
    %swap3A_1971 = arith.index_cast %swap3A_1970 : i32 to index
    %swap3A_1972 = arith.constant 576 : index
    %swap3A_1973 = tpu.vector_load %arg11[%swap3A_1971, %swap3A_1972] {strides = array<i32>} : memref<8x1024xf32, #tpu.memory_space<vmem>>, vector<16xf32>,
    tpu.vector_store %arg11[%swap3A_1971, %swap3A_1972], %broadcast_in_dim3A_34 {strides = array<i32>} : memref<8x1024xf32, #tpu.memory_space<vmem>>, vector<16xf32>,
    %swap3A_1974 = arith.constant 7 : i32
    %swap3A_1975 = arith.index_cast %swap3A_1974 : i32 to index
    %swap3A_1976 = arith.constant 592 : index
    %swap3A_1977 = tpu.vector_load %arg11[%swap3A_1975, %swap3A_1976] {strides = array<i32>} : memref<8x1024xf32, #tpu.memory_space<vmem>>, vector<16xf32>,
    tpu.vector_store %arg11[%swap3A_1975, %swap3A_1976], %broadcast_in_dim3A_34 {strides = array<i32>} : memref<8x1024xf32, #tpu.memory_space<vmem>>, vector<16xf32>,
    %swap3A_1978 = arith.constant 7 : i32
    %swap3A_1979 = arith.index_cast %swap3A_1978 : i32 to index
    %swap3A_1980 = arith.constant 608 : index
    %swap3A_1981 = tpu.vector_load %arg11[%swap3A_1979, %swap3A_1980] {strides = array<i32>} : memref<8x1024xf32, #tpu.memory_space<vmem>>, vector<16xf32>,
    tpu.vector_store %arg11[%swap3A_1979, %swap3A_1980], %broadcast_in_dim3A_34 {strides = array<i32>} : memref<8x1024xf32, #tpu.memory_space<vmem>>, vector<16xf32>,
    %swap3A_1982 = arith.constant 7 : i32
    %swap3A_1983 = arith.index_cast %swap3A_1982 : i32 to index
    %swap3A_1984 = arith.constant 624 : index
    %swap3A_1985 = tpu.vector_load %arg11[%swap3A_1983, %swap3A_1984] {strides = array<i32>} : memref<8x1024xf32, #tpu.memory_space<vmem>>, vector<16xf32>,
    tpu.vector_store %arg11[%swap3A_1983, %swap3A_1984], %broadcast_in_dim3A_34 {strides = array<i32>} : memref<8x1024xf32, #tpu.memory_space<vmem>>, vector<16xf32>,
    %swap3A_1986 = arith.constant 7 : i32
    %swap3A_1987 = arith.index_cast %swap3A_1986 : i32 to index
    %swap3A_1988 = arith.constant 640 : index
    %swap3A_1989 = tpu.vector_load %arg11[%swap3A_1987, %swap3A_1988] {strides = array<i32>} : memref<8x1024xf32, #tpu.memory_space<vmem>>, vector<16xf32>,
    tpu.vector_store %arg11[%swap3A_1987, %swap3A_1988], %broadcast_in_dim3A_34 {strides = array<i32>} : memref<8x1024xf32, #tpu.memory_space<vmem>>, vector<16xf32>,
    %swap3A_1990 = arith.constant 7 : i32
    %swap3A_1991 = arith.index_cast %swap3A_1990 : i32 to index
    %swap3A_1992 = arith.constant 656 : index
    %swap3A_1993 = tpu.vector_load %arg11[%swap3A_1991, %swap3A_1992] {strides = array<i32>} : memref<8x1024xf32, #tpu.memory_space<vmem>>, vector<16xf32>,
    tpu.vector_store %arg11[%swap3A_1991, %swap3A_1992], %broadcast_in_dim3A_34 {strides = array<i32>} : memref<8x1024xf32, #tpu.memory_space<vmem>>, vector<16xf32>,
    %swap3A_1994 = arith.constant 7 : i32
    %swap3A_1995 = arith.index_cast %swap3A_1994 : i32 to index
    %swap3A_1996 = arith.constant 672 : index
    %swap3A_1997 = tpu.vector_load %arg11[%swap3A_1995, %swap3A_1996] {strides = array<i32>} : memref<8x1024xf32, #tpu.memory_space<vmem>>, vector<16xf32>,
    tpu.vector_store %arg11[%swap3A_1995, %swap3A_1996], %broadcast_in_dim3A_34 {strides = array<i32>} : memref<8x1024xf32, #tpu.memory_space<vmem>>, vector<16xf32>,
    %swap3A_1998 = arith.constant 7 : i32
    %swap3A_1999 = arith.index_cast %swap3A_1998 : i32 to index
    %swap3A_2000 = arith.constant 688 : index
    %swap3A_2001 = tpu.vector_load %arg11[%swap3A_1999, %swap3A_2000] {strides = array<i32>} : memref<8x1024xf32, #tpu.memory_space<vmem>>, vector<16xf32>,
    tpu.vector_store %arg11[%swap3A_1999, %swap3A_2000], %broadcast_in_dim3A_34 {strides = array<i32>} : memref<8x1024xf32, #tpu.memory_space<vmem>>, vector<16xf32>,
    %swap3A_2002 = arith.constant 7 : i32
    %swap3A_2003 = arith.index_cast %swap3A_2002 : i32 to index
    %swap3A_2004 = arith.constant 704 : index
    %swap3A_2005 = tpu.vector_load %arg11[%swap3A_2003, %swap3A_2004] {strides = array<i32>} : memref<8x1024xf32, #tpu.memory_space<vmem>>, vector<16xf32>,
    tpu.vector_store %arg11[%swap3A_2003, %swap3A_2004], %broadcast_in_dim3A_34 {strides = array<i32>} : memref<8x1024xf32, #tpu.memory_space<vmem>>, vector<16xf32>,
    %swap3A_2006 = arith.constant 7 : i32
    %swap3A_2007 = arith.index_cast %swap3A_2006 : i32 to index
    %swap3A_2008 = arith.constant 720 : index
    %swap3A_2009 = tpu.vector_load %arg11[%swap3A_2007, %swap3A_2008] {strides = array<i32>} : memref<8x1024xf32, #tpu.memory_space<vmem>>, vector<16xf32>,
    tpu.vector_store %arg11[%swap3A_2007, %swap3A_2008], %broadcast_in_dim3A_34 {strides = array<i32>} : memref<8x1024xf32, #tpu.memory_space<vmem>>, vector<16xf32>,
    %swap3A_2010 = arith.constant 7 : i32
    %swap3A_2011 = arith.index_cast %swap3A_2010 : i32 to index
    %swap3A_2012 = arith.constant 736 : index
    %swap3A_2013 = tpu.vector_load %arg11[%swap3A_2011, %swap3A_2012] {strides = array<i32>} : memref<8x1024xf32, #tpu.memory_space<vmem>>, vector<16xf32>,
    tpu.vector_store %arg11[%swap3A_2011, %swap3A_2012], %broadcast_in_dim3A_34 {strides = array<i32>} : memref<8x1024xf32, #tpu.memory_space<vmem>>, vector<16xf32>,
    %swap3A_2014 = arith.constant 7 : i32
    %swap3A_2015 = arith.index_cast %swap3A_2014 : i32 to index
    %swap3A_2016 = arith.constant 752 : index
    %swap3A_2017 = tpu.vector_load %arg11[%swap3A_2015, %swap3A_2016] {strides = array<i32>} : memref<8x1024xf32, #tpu.memory_space<vmem>>, vector<16xf32>,
    tpu.vector_store %arg11[%swap3A_2015, %swap3A_2016], %broadcast_in_dim3A_34 {strides = array<i32>} : memref<8x1024xf32, #tpu.memory_space<vmem>>, vector<16xf32>,
    %swap3A_2018 = arith.constant 7 : i32
    %swap3A_2019 = arith.index_cast %swap3A_2018 : i32 to index
    %swap3A_2020 = arith.constant 768 : index
    %swap3A_2021 = tpu.vector_load %arg11[%swap3A_2019, %swap3A_2020] {strides = array<i32>} : memref<8x1024xf32, #tpu.memory_space<vmem>>, vector<16xf32>,
    tpu.vector_store %arg11[%swap3A_2019, %swap3A_2020], %broadcast_in_dim3A_34 {strides = array<i32>} : memref<8x1024xf32, #tpu.memory_space<vmem>>, vector<16xf32>,
    %swap3A_2022 = arith.constant 7 : i32
    %swap3A_2023 = arith.index_cast %swap3A_2022 : i32 to index
    %swap3A_2024 = arith.constant 784 : index
    %swap3A_2025 = tpu.vector_load %arg11[%swap3A_2023, %swap3A_2024] {strides = array<i32>} : memref<8x1024xf32, #tpu.memory_space<vmem>>, vector<16xf32>,
    tpu.vector_store %arg11[%swap3A_2023, %swap3A_2024], %broadcast_in_dim3A_34 {strides = array<i32>} : memref<8x1024xf32, #tpu.memory_space<vmem>>, vector<16xf32>,
    %swap3A_2026 = arith.constant 7 : i32
    %swap3A_2027 = arith.index_cast %swap3A_2026 : i32 to index
    %swap3A_2028 = arith.constant 800 : index
    %swap3A_2029 = tpu.vector_load %arg11[%swap3A_2027, %swap3A_2028] {strides = array<i32>} : memref<8x1024xf32, #tpu.memory_space<vmem>>, vector<16xf32>,
    tpu.vector_store %arg11[%swap3A_2027, %swap3A_2028], %broadcast_in_dim3A_34 {strides = array<i32>} : memref<8x1024xf32, #tpu.memory_space<vmem>>, vector<16xf32>,
    %swap3A_2030 = arith.constant 7 : i32
    %swap3A_2031 = arith.index_cast %swap3A_2030 : i32 to index
    %swap3A_2032 = arith.constant 816 : index
    %swap3A_2033 = tpu.vector_load %arg11[%swap3A_2031, %swap3A_2032] {strides = array<i32>} : memref<8x1024xf32, #tpu.memory_space<vmem>>, vector<16xf32>,
    tpu.vector_store %arg11[%swap3A_2031, %swap3A_2032], %broadcast_in_dim3A_34 {strides = array<i32>} : memref<8x1024xf32, #tpu.memory_space<vmem>>, vector<16xf32>,
    %swap3A_2034 = arith.constant 7 : i32
    %swap3A_2035 = arith.index_cast %swap3A_2034 : i32 to index
    %swap3A_2036 = arith.constant 832 : index
    %swap3A_2037 = tpu.vector_load %arg11[%swap3A_2035, %swap3A_2036] {strides = array<i32>} : memref<8x1024xf32, #tpu.memory_space<vmem>>, vector<16xf32>,
    tpu.vector_store %arg11[%swap3A_2035, %swap3A_2036], %broadcast_in_dim3A_34 {strides = array<i32>} : memref<8x1024xf32, #tpu.memory_space<vmem>>, vector<16xf32>,
    %swap3A_2038 = arith.constant 7 : i32
    %swap3A_2039 = arith.index_cast %swap3A_2038 : i32 to index
    %swap3A_2040 = arith.constant 848 : index
    %swap3A_2041 = tpu.vector_load %arg11[%swap3A_2039, %swap3A_2040] {strides = array<i32>} : memref<8x1024xf32, #tpu.memory_space<vmem>>, vector<16xf32>,
    tpu.vector_store %arg11[%swap3A_2039, %swap3A_2040], %broadcast_in_dim3A_34 {strides = array<i32>} : memref<8x1024xf32, #tpu.memory_space<vmem>>, vector<16xf32>,
    %swap3A_2042 = arith.constant 7 : i32
    %swap3A_2043 = arith.index_cast %swap3A_2042 : i32 to index
    %swap3A_2044 = arith.constant 864 : index
    %swap3A_2045 = tpu.vector_load %arg11[%swap3A_2043, %swap3A_2044] {strides = array<i32>} : memref<8x1024xf32, #tpu.memory_space<vmem>>, vector<16xf32>,
    tpu.vector_store %arg11[%swap3A_2043, %swap3A_2044], %broadcast_in_dim3A_34 {strides = array<i32>} : memref<8x1024xf32, #tpu.memory_space<vmem>>, vector<16xf32>,
    %swap3A_2046 = arith.constant 7 : i32
    %swap3A_2047 = arith.index_cast %swap3A_2046 : i32 to index
    %swap3A_2048 = arith.constant 880 : index
    %swap3A_2049 = tpu.vector_load %arg11[%swap3A_2047, %swap3A_2048] {strides = array<i32>} : memref<8x1024xf32, #tpu.memory_space<vmem>>, vector<16xf32>,
    tpu.vector_store %arg11[%swap3A_2047, %swap3A_2048], %broadcast_in_dim3A_34 {strides = array<i32>} : memref<8x1024xf32, #tpu.memory_space<vmem>>, vector<16xf32>,
    %swap3A_2050 = arith.constant 7 : i32
    %swap3A_2051 = arith.index_cast %swap3A_2050 : i32 to index
    %swap3A_2052 = arith.constant 896 : index
    %swap3A_2053 = tpu.vector_load %arg11[%swap3A_2051, %swap3A_2052] {strides = array<i32>} : memref<8x1024xf32, #tpu.memory_space<vmem>>, vector<16xf32>,
    tpu.vector_store %arg11[%swap3A_2051, %swap3A_2052], %broadcast_in_dim3A_34 {strides = array<i32>} : memref<8x1024xf32, #tpu.memory_space<vmem>>, vector<16xf32>,
    %swap3A_2054 = arith.constant 7 : i32
    %swap3A_2055 = arith.index_cast %swap3A_2054 : i32 to index
    %swap3A_2056 = arith.constant 912 : index
    %swap3A_2057 = tpu.vector_load %arg11[%swap3A_2055, %swap3A_2056] {strides = array<i32>} : memref<8x1024xf32, #tpu.memory_space<vmem>>, vector<16xf32>,
    tpu.vector_store %arg11[%swap3A_2055, %swap3A_2056], %broadcast_in_dim3A_34 {strides = array<i32>} : memref<8x1024xf32, #tpu.memory_space<vmem>>, vector<16xf32>,
    %swap3A_2058 = arith.constant 7 : i32
    %swap3A_2059 = arith.index_cast %swap3A_2058 : i32 to index
    %swap3A_2060 = arith.constant 928 : index
    %swap3A_2061 = tpu.vector_load %arg11[%swap3A_2059, %swap3A_2060] {strides = array<i32>} : memref<8x1024xf32, #tpu.memory_space<vmem>>, vector<16xf32>,
    tpu.vector_store %arg11[%swap3A_2059, %swap3A_2060], %broadcast_in_dim3A_34 {strides = array<i32>} : memref<8x1024xf32, #tpu.memory_space<vmem>>, vector<16xf32>,
    %swap3A_2062 = arith.constant 7 : i32
    %swap3A_2063 = arith.index_cast %swap3A_2062 : i32 to index
    %swap3A_2064 = arith.constant 944 : index
    %swap3A_2065 = tpu.vector_load %arg11[%swap3A_2063, %swap3A_2064] {strides = array<i32>} : memref<8x1024xf32, #tpu.memory_space<vmem>>, vector<16xf32>,
    tpu.vector_store %arg11[%swap3A_2063, %swap3A_2064], %broadcast_in_dim3A_34 {strides = array<i32>} : memref<8x1024xf32, #tpu.memory_space<vmem>>, vector<16xf32>,
    %swap3A_2066 = arith.constant 7 : i32
    %swap3A_2067 = arith.index_cast %swap3A_2066 : i32 to index
    %swap3A_2068 = arith.constant 960 : index
    %swap3A_2069 = tpu.vector_load %arg11[%swap3A_2067, %swap3A_2068] {strides = array<i32>} : memref<8x1024xf32, #tpu.memory_space<vmem>>, vector<16xf32>,
    tpu.vector_store %arg11[%swap3A_2067, %swap3A_2068], %broadcast_in_dim3A_34 {strides = array<i32>} : memref<8x1024xf32, #tpu.memory_space<vmem>>, vector<16xf32>,
    %swap3A_2070 = arith.constant 7 : i32
    %swap3A_2071 = arith.index_cast %swap3A_2070 : i32 to index
    %swap3A_2072 = arith.constant 976 : index
    %swap3A_2073 = tpu.vector_load %arg11[%swap3A_2071, %swap3A_2072] {strides = array<i32>} : memref<8x1024xf32, #tpu.memory_space<vmem>>, vector<16xf32>,
    tpu.vector_store %arg11[%swap3A_2071, %swap3A_2072], %broadcast_in_dim3A_34 {strides = array<i32>} : memref<8x1024xf32, #tpu.memory_space<vmem>>, vector<16xf32>,
    %swap3A_2074 = arith.constant 7 : i32
    %swap3A_2075 = arith.index_cast %swap3A_2074 : i32 to index
    %swap3A_2076 = arith.constant 992 : index
    %swap3A_2077 = tpu.vector_load %arg11[%swap3A_2075, %swap3A_2076] {strides = array<i32>} : memref<8x1024xf32, #tpu.memory_space<vmem>>, vector<16xf32>,
    tpu.vector_store %arg11[%swap3A_2075, %swap3A_2076], %broadcast_in_dim3A_34 {strides = array<i32>} : memref<8x1024xf32, #tpu.memory_space<vmem>>, vector<16xf32>,
    %swap3A_2078 = arith.constant 7 : i32
    %swap3A_2079 = arith.index_cast %swap3A_2078 : i32 to index
    %swap3A_2080 = arith.constant 1008 : index
    %swap3A_2081 = tpu.vector_load %arg11[%swap3A_2079, %swap3A_2080] {strides = array<i32>} : memref<8x1024xf32, #tpu.memory_space<vmem>>, vector<16xf32>,
    tpu.vector_store %arg11[%swap3A_2079, %swap3A_2080], %broadcast_in_dim3A_34 {strides = array<i32>} : memref<8x1024xf32, #tpu.memory_space<vmem>>, vector<16xf32>,
    %add3A_2082 = arith.constant 0 : i32
    %add3A_2083 = arith.addi %mul3A_32, %add3A_2082 : i32
    %add3A_2084 = arith.constant 32 : i32
    %add3A_2085 = arith.addi %add3A_2083, %add3A_2084 : i32
    %ge3A = vector.broadcast %add3A_2085 : i32 to vector<16xi32>
    %ge3A_2086 = arith.cmpi sge, %get3A_33, %ge3A : vector<16xi32>
    %reduce_and3A = arith.constant 1.000000e+00 : f32
    %reduce_and3A_2087 = arith.constant 0.000000e+00 : f32
    %reduce_and3A_2088 = vector.broadcast %reduce_and3A : f32 to vector<16xf32>
    %reduce_and3A_2089 = vector.broadcast %reduce_and3A_2087 : f32 to vector<16xf32>
    %reduce_and3A_2090 = arith.select %ge3A_2086, %reduce_and3A_2088, %reduce_and3A_2089 : vector<16xi1>, vector<16xf32>
    %reduce_and3A_2091 = arith.constant true
    %reduce_and3A_2092 = vector.broadcast %reduce_and3A_2091 : i1 to vector<16xi1>
    %reduce_and3A_2093 = tpu.scan <min>, %reduce_and3A_2090 masked %reduce_and3A_2092 : vector<16xf32>, vector<16xi1> -> vector<16xf32>
    %reduce_and3A_2094 = vector.extract %reduce_and3A_2093[15] : f32 from vector<16xf32>
    %reduce_and3A_2095 = arith.constant 0.000000e+00 : f32
    %reduce_and3A_2096 = arith.cmpf ogt, %reduce_and3A_2094, %reduce_and3A_2095 : f32
    %le3A = vector.broadcast %add3A_2083 : i32 to vector<16xi32>
    %le3A_2097 = arith.cmpi sle, %get3A_33, %le3A : vector<16xi32>
    %reduce_and3A_2098 = arith.constant 1.000000e+00 : f32
    %reduce_and3A_2099 = arith.constant 0.000000e+00 : f32
    %reduce_and3A_2100 = vector.broadcast %reduce_and3A_2098 : f32 to vector<16xf32>
    %reduce_and3A_2101 = vector.broadcast %reduce_and3A_2099 : f32 to vector<16xf32>
    %reduce_and3A_2102 = arith.select %le3A_2097, %reduce_and3A_2100, %reduce_and3A_2101 : vector<16xi1>, vector<16xf32>
    %reduce_and3A_2103 = arith.constant true
    %reduce_and3A_2104 = vector.broadcast %reduce_and3A_2103 : i1 to vector<16xi1>
    %reduce_and3A_2105 = tpu.scan <min>, %reduce_and3A_2102 masked %reduce_and3A_2104 : vector<16xf32>, vector<16xi1> -> vector<16xf32>
    %reduce_and3A_2106 = vector.extract %reduce_and3A_2105[15] : f32 from vector<16xf32>
    %reduce_and3A_2107 = arith.constant 0.000000e+00 : f32
    %reduce_and3A_2108 = arith.cmpf ogt, %reduce_and3A_2106, %reduce_and3A_2107 : f32
    %not3A = arith.constant true
    %not3A_2109 = arith.xori %reduce_and3A_2096, %not3A : i1
    %not3A_2110 = arith.constant true
    %not3A_2111 = arith.xori %reduce_and3A_2108, %not3A_2110 : i1
    %and3A_2112 = arith.andi %not3A_2109, %not3A_2111 : i1
    %add3A_2113 = arith.constant 32 : i32
    %add3A_2114 = arith.addi %mul3A_32, %add3A_2113 : i32
    %add3A_2115 = arith.constant 32 : i32
    %add3A_2116 = arith.addi %add3A_2114, %add3A_2115 : i32
    %ge3A_2117 = vector.broadcast %add3A_2116 : i32 to vector<16xi32>
    %ge3A_2118 = arith.cmpi sge, %get3A_33, %ge3A_2117 : vector<16xi32>
    %reduce_and3A_2119 = arith.constant 1.000000e+00 : f32
    %reduce_and3A_2120 = arith.constant 0.000000e+00 : f32
    %reduce_and3A_2121 = vector.broadcast %reduce_and3A_2119 : f32 to vector<16xf32>
    %reduce_and3A_2122 = vector.broadcast %reduce_and3A_2120 : f32 to vector<16xf32>
    %reduce_and3A_2123 = arith.select %ge3A_2118, %reduce_and3A_2121, %reduce_and3A_2122 : vector<16xi1>, vector<16xf32>
    %reduce_and3A_2124 = arith.constant true
    %reduce_and3A_2125 = vector.broadcast %reduce_and3A_2124 : i1 to vector<16xi1>
    %reduce_and3A_2126 = tpu.scan <min>, %reduce_and3A_2123 masked %reduce_and3A_2125 : vector<16xf32>, vector<16xi1> -> vector<16xf32>
    %reduce_and3A_2127 = vector.extract %reduce_and3A_2126[15] : f32 from vector<16xf32>
    %reduce_and3A_2128 = arith.constant 0.000000e+00 : f32
    %reduce_and3A_2129 = arith.cmpf ogt, %reduce_and3A_2127, %reduce_and3A_2128 : f32
    %le3A_2130 = vector.broadcast %add3A_2114 : i32 to vector<16xi32>
    %le3A_2131 = arith.cmpi sle, %get3A_33, %le3A_2130 : vector<16xi32>
    %reduce_and3A_2132 = arith.constant 1.000000e+00 : f32
    %reduce_and3A_2133 = arith.constant 0.000000e+00 : f32
    %reduce_and3A_2134 = vector.broadcast %reduce_and3A_2132 : f32 to vector<16xf32>
    %reduce_and3A_2135 = vector.broadcast %reduce_and3A_2133 : f32 to vector<16xf32>
    %reduce_and3A_2136 = arith.select %le3A_2131, %reduce_and3A_2134, %reduce_and3A_2135 : vector<16xi1>, vector<16xf32>
    %reduce_and3A_2137 = arith.constant true
    %reduce_and3A_2138 = vector.broadcast %reduce_and3A_2137 : i1 to vector<16xi1>
    %reduce_and3A_2139 = tpu.scan <min>, %reduce_and3A_2136 masked %reduce_and3A_2138 : vector<16xf32>, vector<16xi1> -> vector<16xf32>
    %reduce_and3A_2140 = vector.extract %reduce_and3A_2139[15] : f32 from vector<16xf32>
    %reduce_and3A_2141 = arith.constant 0.000000e+00 : f32
    %reduce_and3A_2142 = arith.cmpf ogt, %reduce_and3A_2140, %reduce_and3A_2141 : f32
    %not3A_2143 = arith.constant true
    %not3A_2144 = arith.xori %reduce_and3A_2129, %not3A_2143 : i1
    %not3A_2145 = arith.constant true
    %not3A_2146 = arith.xori %reduce_and3A_2142, %not3A_2145 : i1
    %and3A_2147 = arith.andi %not3A_2144, %not3A_2146 : i1
    %add3A_2148 = arith.constant 64 : i32
    %add3A_2149 = arith.addi %mul3A_32, %add3A_2148 : i32
    %add3A_2150 = arith.constant 32 : i32
    %add3A_2151 = arith.addi %add3A_2149, %add3A_2150 : i32
    %ge3A_2152 = vector.broadcast %add3A_2151 : i32 to vector<16xi32>
    %ge3A_2153 = arith.cmpi sge, %get3A_33, %ge3A_2152 : vector<16xi32>
    %reduce_and3A_2154 = arith.constant 1.000000e+00 : f32
    %reduce_and3A_2155 = arith.constant 0.000000e+00 : f32
    %reduce_and3A_2156 = vector.broadcast %reduce_and3A_2154 : f32 to vector<16xf32>
    %reduce_and3A_2157 = vector.broadcast %reduce_and3A_2155 : f32 to vector<16xf32>
    %reduce_and3A_2158 = arith.select %ge3A_2153, %reduce_and3A_2156, %reduce_and3A_2157 : vector<16xi1>, vector<16xf32>
    %reduce_and3A_2159 = arith.constant true
    %reduce_and3A_2160 = vector.broadcast %reduce_and3A_2159 : i1 to vector<16xi1>
    %reduce_and3A_2161 = tpu.scan <min>, %reduce_and3A_2158 masked %reduce_and3A_2160 : vector<16xf32>, vector<16xi1> -> vector<16xf32>
    %reduce_and3A_2162 = vector.extract %reduce_and3A_2161[15] : f32 from vector<16xf32>
    %reduce_and3A_2163 = arith.constant 0.000000e+00 : f32
    %reduce_and3A_2164 = arith.cmpf ogt, %reduce_and3A_2162, %reduce_and3A_2163 : f32
    %le3A_2165 = vector.broadcast %add3A_2149 : i32 to vector<16xi32>
    %le3A_2166 = arith.cmpi sle, %get3A_33, %le3A_2165 : vector<16xi32>
    %reduce_and3A_2167 = arith.constant 1.000000e+00 : f32
    %reduce_and3A_2168 = arith.constant 0.000000e+00 : f32
    %reduce_and3A_2169 = vector.broadcast %reduce_and3A_2167 : f32 to vector<16xf32>
    %reduce_and3A_2170 = vector.broadcast %reduce_and3A_2168 : f32 to vector<16xf32>
    %reduce_and3A_2171 = arith.select %le3A_2166, %reduce_and3A_2169, %reduce_and3A_2170 : vector<16xi1>, vector<16xf32>
    %reduce_and3A_2172 = arith.constant true
    %reduce_and3A_2173 = vector.broadcast %reduce_and3A_2172 : i1 to vector<16xi1>
    %reduce_and3A_2174 = tpu.scan <min>, %reduce_and3A_2171 masked %reduce_and3A_2173 : vector<16xf32>, vector<16xi1> -> vector<16xf32>
    %reduce_and3A_2175 = vector.extract %reduce_and3A_2174[15] : f32 from vector<16xf32>
    %reduce_and3A_2176 = arith.constant 0.000000e+00 : f32
    %reduce_and3A_2177 = arith.cmpf ogt, %reduce_and3A_2175, %reduce_and3A_2176 : f32
    %not3A_2178 = arith.constant true
    %not3A_2179 = arith.xori %reduce_and3A_2164, %not3A_2178 : i1
    %not3A_2180 = arith.constant true
    %not3A_2181 = arith.xori %reduce_and3A_2177, %not3A_2180 : i1
    %and3A_2182 = arith.andi %not3A_2179, %not3A_2181 : i1
    %add3A_2183 = arith.constant 96 : i32
    %add3A_2184 = arith.addi %mul3A_32, %add3A_2183 : i32
    %add3A_2185 = arith.constant 32 : i32
    %add3A_2186 = arith.addi %add3A_2184, %add3A_2185 : i32
    %ge3A_2187 = vector.broadcast %add3A_2186 : i32 to vector<16xi32>
    %ge3A_2188 = arith.cmpi sge, %get3A_33, %ge3A_2187 : vector<16xi32>
    %reduce_and3A_2189 = arith.constant 1.000000e+00 : f32
    %reduce_and3A_2190 = arith.constant 0.000000e+00 : f32
    %reduce_and3A_2191 = vector.broadcast %reduce_and3A_2189 : f32 to vector<16xf32>
    %reduce_and3A_2192 = vector.broadcast %reduce_and3A_2190 : f32 to vector<16xf32>
    %reduce_and3A_2193 = arith.select %ge3A_2188, %reduce_and3A_2191, %reduce_and3A_2192 : vector<16xi1>, vector<16xf32>
    %reduce_and3A_2194 = arith.constant true
    %reduce_and3A_2195 = vector.broadcast %reduce_and3A_2194 : i1 to vector<16xi1>
    %reduce_and3A_2196 = tpu.scan <min>, %reduce_and3A_2193 masked %reduce_and3A_2195 : vector<16xf32>, vector<16xi1> -> vector<16xf32>
    %reduce_and3A_2197 = vector.extract %reduce_and3A_2196[15] : f32 from vector<16xf32>
    %reduce_and3A_2198 = arith.constant 0.000000e+00 : f32
    %reduce_and3A_2199 = arith.cmpf ogt, %reduce_and3A_2197, %reduce_and3A_2198 : f32
    %le3A_2200 = vector.broadcast %add3A_2184 : i32 to vector<16xi32>
    %le3A_2201 = arith.cmpi sle, %get3A_33, %le3A_2200 : vector<16xi32>
    %reduce_and3A_2202 = arith.constant 1.000000e+00 : f32
    %reduce_and3A_2203 = arith.constant 0.000000e+00 : f32
    %reduce_and3A_2204 = vector.broadcast %reduce_and3A_2202 : f32 to vector<16xf32>
    %reduce_and3A_2205 = vector.broadcast %reduce_and3A_2203 : f32 to vector<16xf32>
    %reduce_and3A_2206 = arith.select %le3A_2201, %reduce_and3A_2204, %reduce_and3A_2205 : vector<16xi1>, vector<16xf32>
    %reduce_and3A_2207 = arith.constant true
    %reduce_and3A_2208 = vector.broadcast %reduce_and3A_2207 : i1 to vector<16xi1>
    %reduce_and3A_2209 = tpu.scan <min>, %reduce_and3A_2206 masked %reduce_and3A_2208 : vector<16xf32>, vector<16xi1> -> vector<16xf32>
    %reduce_and3A_2210 = vector.extract %reduce_and3A_2209[15] : f32 from vector<16xf32>
    %reduce_and3A_2211 = arith.constant 0.000000e+00 : f32
    %reduce_and3A_2212 = arith.cmpf ogt, %reduce_and3A_2210, %reduce_and3A_2211 : f32
    %not3A_2213 = arith.constant true
    %not3A_2214 = arith.xori %reduce_and3A_2199, %not3A_2213 : i1
    %not3A_2215 = arith.constant true
    %not3A_2216 = arith.xori %reduce_and3A_2212, %not3A_2215 : i1
    %and3A_2217 = arith.andi %not3A_2214, %not3A_2216 : i1
    %add3A_2218 = arith.constant 128 : i32
    %add3A_2219 = arith.addi %mul3A_32, %add3A_2218 : i32
    %add3A_2220 = arith.constant 32 : i32
    %add3A_2221 = arith.addi %add3A_2219, %add3A_2220 : i32
    %ge3A_2222 = vector.broadcast %add3A_2221 : i32 to vector<16xi32>
    %ge3A_2223 = arith.cmpi sge, %get3A_33, %ge3A_2222 : vector<16xi32>
    %reduce_and3A_2224 = arith.constant 1.000000e+00 : f32
    %reduce_and3A_2225 = arith.constant 0.000000e+00 : f32
    %reduce_and3A_2226 = vector.broadcast %reduce_and3A_2224 : f32 to vector<16xf32>
    %reduce_and3A_2227 = vector.broadcast %reduce_and3A_2225 : f32 to vector<16xf32>
    %reduce_and3A_2228 = arith.select %ge3A_2223, %reduce_and3A_2226, %reduce_and3A_2227 : vector<16xi1>, vector<16xf32>
    %reduce_and3A_2229 = arith.constant true
    %reduce_and3A_2230 = vector.broadcast %reduce_and3A_2229 : i1 to vector<16xi1>
    %reduce_and3A_2231 = tpu.scan <min>, %reduce_and3A_2228 masked %reduce_and3A_2230 : vector<16xf32>, vector<16xi1> -> vector<16xf32>
    %reduce_and3A_2232 = vector.extract %reduce_and3A_2231[15] : f32 from vector<16xf32>
    %reduce_and3A_2233 = arith.constant 0.000000e+00 : f32
    %reduce_and3A_2234 = arith.cmpf ogt, %reduce_and3A_2232, %reduce_and3A_2233 : f32
    %le3A_2235 = vector.broadcast %add3A_2219 : i32 to vector<16xi32>
    %le3A_2236 = arith.cmpi sle, %get3A_33, %le3A_2235 : vector<16xi32>
    %reduce_and3A_2237 = arith.constant 1.000000e+00 : f32
    %reduce_and3A_2238 = arith.constant 0.000000e+00 : f32
    %reduce_and3A_2239 = vector.broadcast %reduce_and3A_2237 : f32 to vector<16xf32>
    %reduce_and3A_2240 = vector.broadcast %reduce_and3A_2238 : f32 to vector<16xf32>
    %reduce_and3A_2241 = arith.select %le3A_2236, %reduce_and3A_2239, %reduce_and3A_2240 : vector<16xi1>, vector<16xf32>
    %reduce_and3A_2242 = arith.constant true
    %reduce_and3A_2243 = vector.broadcast %reduce_and3A_2242 : i1 to vector<16xi1>
    %reduce_and3A_2244 = tpu.scan <min>, %reduce_and3A_2241 masked %reduce_and3A_2243 : vector<16xf32>, vector<16xi1> -> vector<16xf32>
    %reduce_and3A_2245 = vector.extract %reduce_and3A_2244[15] : f32 from vector<16xf32>
    %reduce_and3A_2246 = arith.constant 0.000000e+00 : f32
    %reduce_and3A_2247 = arith.cmpf ogt, %reduce_and3A_2245, %reduce_and3A_2246 : f32
    %not3A_2248 = arith.constant true
    %not3A_2249 = arith.xori %reduce_and3A_2234, %not3A_2248 : i1
    %not3A_2250 = arith.constant true
    %not3A_2251 = arith.xori %reduce_and3A_2247, %not3A_2250 : i1
    %and3A_2252 = arith.andi %not3A_2249, %not3A_2251 : i1
    %add3A_2253 = arith.constant 160 : i32
    %add3A_2254 = arith.addi %mul3A_32, %add3A_2253 : i32
    %add3A_2255 = arith.constant 32 : i32
    %add3A_2256 = arith.addi %add3A_2254, %add3A_2255 : i32
    %ge3A_2257 = vector.broadcast %add3A_2256 : i32 to vector<16xi32>
    %ge3A_2258 = arith.cmpi sge, %get3A_33, %ge3A_2257 : vector<16xi32>
    %reduce_and3A_2259 = arith.constant 1.000000e+00 : f32
    %reduce_and3A_2260 = arith.constant 0.000000e+00 : f32
    %reduce_and3A_2261 = vector.broadcast %reduce_and3A_2259 : f32 to vector<16xf32>
    %reduce_and3A_2262 = vector.broadcast %reduce_and3A_2260 : f32 to vector<16xf32>
    %reduce_and3A_2263 = arith.select %ge3A_2258, %reduce_and3A_2261, %reduce_and3A_2262 : vector<16xi1>, vector<16xf32>
    %reduce_and3A_2264 = arith.constant true
    %reduce_and3A_2265 = vector.broadcast %reduce_and3A_2264 : i1 to vector<16xi1>
    %reduce_and3A_2266 = tpu.scan <min>, %reduce_and3A_2263 masked %reduce_and3A_2265 : vector<16xf32>, vector<16xi1> -> vector<16xf32>
    %reduce_and3A_2267 = vector.extract %reduce_and3A_2266[15] : f32 from vector<16xf32>
    %reduce_and3A_2268 = arith.constant 0.000000e+00 : f32
    %reduce_and3A_2269 = arith.cmpf ogt, %reduce_and3A_2267, %reduce_and3A_2268 : f32
    %le3A_2270 = vector.broadcast %add3A_2254 : i32 to vector<16xi32>
    %le3A_2271 = arith.cmpi sle, %get3A_33, %le3A_2270 : vector<16xi32>
    %reduce_and3A_2272 = arith.constant 1.000000e+00 : f32
    %reduce_and3A_2273 = arith.constant 0.000000e+00 : f32
    %reduce_and3A_2274 = vector.broadcast %reduce_and3A_2272 : f32 to vector<16xf32>
    %reduce_and3A_2275 = vector.broadcast %reduce_and3A_2273 : f32 to vector<16xf32>
    %reduce_and3A_2276 = arith.select %le3A_2271, %reduce_and3A_2274, %reduce_and3A_2275 : vector<16xi1>, vector<16xf32>
    %reduce_and3A_2277 = arith.constant true
    %reduce_and3A_2278 = vector.broadcast %reduce_and3A_2277 : i1 to vector<16xi1>
    %reduce_and3A_2279 = tpu.scan <min>, %reduce_and3A_2276 masked %reduce_and3A_2278 : vector<16xf32>, vector<16xi1> -> vector<16xf32>
    %reduce_and3A_2280 = vector.extract %reduce_and3A_2279[15] : f32 from vector<16xf32>
    %reduce_and3A_2281 = arith.constant 0.000000e+00 : f32
    %reduce_and3A_2282 = arith.cmpf ogt, %reduce_and3A_2280, %reduce_and3A_2281 : f32
    %not3A_2283 = arith.constant true
    %not3A_2284 = arith.xori %reduce_and3A_2269, %not3A_2283 : i1
    %not3A_2285 = arith.constant true
    %not3A_2286 = arith.xori %reduce_and3A_2282, %not3A_2285 : i1
    %and3A_2287 = arith.andi %not3A_2284, %not3A_2286 : i1
    %add3A_2288 = arith.constant 192 : i32
    %add3A_2289 = arith.addi %mul3A_32, %add3A_2288 : i32
    %add3A_2290 = arith.constant 32 : i32
    %add3A_2291 = arith.addi %add3A_2289, %add3A_2290 : i32
    %ge3A_2292 = vector.broadcast %add3A_2291 : i32 to vector<16xi32>
    %ge3A_2293 = arith.cmpi sge, %get3A_33, %ge3A_2292 : vector<16xi32>
    %reduce_and3A_2294 = arith.constant 1.000000e+00 : f32
    %reduce_and3A_2295 = arith.constant 0.000000e+00 : f32
    %reduce_and3A_2296 = vector.broadcast %reduce_and3A_2294 : f32 to vector<16xf32>
    %reduce_and3A_2297 = vector.broadcast %reduce_and3A_2295 : f32 to vector<16xf32>
    %reduce_and3A_2298 = arith.select %ge3A_2293, %reduce_and3A_2296, %reduce_and3A_2297 : vector<16xi1>, vector<16xf32>
    %reduce_and3A_2299 = arith.constant true
    %reduce_and3A_2300 = vector.broadcast %reduce_and3A_2299 : i1 to vector<16xi1>
    %reduce_and3A_2301 = tpu.scan <min>, %reduce_and3A_2298 masked %reduce_and3A_2300 : vector<16xf32>, vector<16xi1> -> vector<16xf32>
    %reduce_and3A_2302 = vector.extract %reduce_and3A_2301[15] : f32 from vector<16xf32>
    %reduce_and3A_2303 = arith.constant 0.000000e+00 : f32
    %reduce_and3A_2304 = arith.cmpf ogt, %reduce_and3A_2302, %reduce_and3A_2303 : f32
    %le3A_2305 = vector.broadcast %add3A_2289 : i32 to vector<16xi32>
    %le3A_2306 = arith.cmpi sle, %get3A_33, %le3A_2305 : vector<16xi32>
    %reduce_and3A_2307 = arith.constant 1.000000e+00 : f32
    %reduce_and3A_2308 = arith.constant 0.000000e+00 : f32
    %reduce_and3A_2309 = vector.broadcast %reduce_and3A_2307 : f32 to vector<16xf32>
    %reduce_and3A_2310 = vector.broadcast %reduce_and3A_2308 : f32 to vector<16xf32>
    %reduce_and3A_2311 = arith.select %le3A_2306, %reduce_and3A_2309, %reduce_and3A_2310 : vector<16xi1>, vector<16xf32>
    %reduce_and3A_2312 = arith.constant true
    %reduce_and3A_2313 = vector.broadcast %reduce_and3A_2312 : i1 to vector<16xi1>
    %reduce_and3A_2314 = tpu.scan <min>, %reduce_and3A_2311 masked %reduce_and3A_2313 : vector<16xf32>, vector<16xi1> -> vector<16xf32>
    %reduce_and3A_2315 = vector.extract %reduce_and3A_2314[15] : f32 from vector<16xf32>
    %reduce_and3A_2316 = arith.constant 0.000000e+00 : f32
    %reduce_and3A_2317 = arith.cmpf ogt, %reduce_and3A_2315, %reduce_and3A_2316 : f32
    %not3A_2318 = arith.constant true
    %not3A_2319 = arith.xori %reduce_and3A_2304, %not3A_2318 : i1
    %not3A_2320 = arith.constant true
    %not3A_2321 = arith.xori %reduce_and3A_2317, %not3A_2320 : i1
    %and3A_2322 = arith.andi %not3A_2319, %not3A_2321 : i1
    %add3A_2323 = arith.constant 224 : i32
    %add3A_2324 = arith.addi %mul3A_32, %add3A_2323 : i32
    %add3A_2325 = arith.constant 32 : i32
    %add3A_2326 = arith.addi %add3A_2324, %add3A_2325 : i32
    %ge3A_2327 = vector.broadcast %add3A_2326 : i32 to vector<16xi32>
    %ge3A_2328 = arith.cmpi sge, %get3A_33, %ge3A_2327 : vector<16xi32>
    %reduce_and3A_2329 = arith.constant 1.000000e+00 : f32
    %reduce_and3A_2330 = arith.constant 0.000000e+00 : f32
    %reduce_and3A_2331 = vector.broadcast %reduce_and3A_2329 : f32 to vector<16xf32>
    %reduce_and3A_2332 = vector.broadcast %reduce_and3A_2330 : f32 to vector<16xf32>
    %reduce_and3A_2333 = arith.select %ge3A_2328, %reduce_and3A_2331, %reduce_and3A_2332 : vector<16xi1>, vector<16xf32>
    %reduce_and3A_2334 = arith.constant true
    %reduce_and3A_2335 = vector.broadcast %reduce_and3A_2334 : i1 to vector<16xi1>
    %reduce_and3A_2336 = tpu.scan <min>, %reduce_and3A_2333 masked %reduce_and3A_2335 : vector<16xf32>, vector<16xi1> -> vector<16xf32>
    %reduce_and3A_2337 = vector.extract %reduce_and3A_2336[15] : f32 from vector<16xf32>
    %reduce_and3A_2338 = arith.constant 0.000000e+00 : f32
    %reduce_and3A_2339 = arith.cmpf ogt, %reduce_and3A_2337, %reduce_and3A_2338 : f32
    %le3A_2340 = vector.broadcast %add3A_2324 : i32 to vector<16xi32>
    %le3A_2341 = arith.cmpi sle, %get3A_33, %le3A_2340 : vector<16xi32>
    %reduce_and3A_2342 = arith.constant 1.000000e+00 : f32
    %reduce_and3A_2343 = arith.constant 0.000000e+00 : f32
    %reduce_and3A_2344 = vector.broadcast %reduce_and3A_2342 : f32 to vector<16xf32>
    %reduce_and3A_2345 = vector.broadcast %reduce_and3A_2343 : f32 to vector<16xf32>
    %reduce_and3A_2346 = arith.select %le3A_2341, %reduce_and3A_2344, %reduce_and3A_2345 : vector<16xi1>, vector<16xf32>
    %reduce_and3A_2347 = arith.constant true
    %reduce_and3A_2348 = vector.broadcast %reduce_and3A_2347 : i1 to vector<16xi1>
    %reduce_and3A_2349 = tpu.scan <min>, %reduce_and3A_2346 masked %reduce_and3A_2348 : vector<16xf32>, vector<16xi1> -> vector<16xf32>
    %reduce_and3A_2350 = vector.extract %reduce_and3A_2349[15] : f32 from vector<16xf32>
    %reduce_and3A_2351 = arith.constant 0.000000e+00 : f32
    %reduce_and3A_2352 = arith.cmpf ogt, %reduce_and3A_2350, %reduce_and3A_2351 : f32
    %not3A_2353 = arith.constant true
    %not3A_2354 = arith.xori %reduce_and3A_2339, %not3A_2353 : i1
    %not3A_2355 = arith.constant true
    %not3A_2356 = arith.xori %reduce_and3A_2352, %not3A_2355 : i1
    %and3A_2357 = arith.andi %not3A_2354, %not3A_2356 : i1
    %iota3A = tpu.iota {dimensions = array<i32: 0>} : vector<16xi32>
    %add3A_2358 = arith.constant 0 : i32
    %add3A_2359 = arith.addi %mul3A_32, %add3A_2358 : i32
    %add3A_2360 = arith.constant 0 : i32
    %add3A_2361 = arith.addi %add3A_2359, %add3A_2360 : i32
    %add3A_2362 = arith.constant 1 : i32
    %add3A_2363 = arith.addi %add3A_2361, %add3A_2362 : i32
    %add3A_2364 = vector.broadcast %add3A_2363 : i32 to vector<16xi32>
    %add3A_2365 = arith.addi %iota3A, %add3A_2364 : vector<16xi32>
    %le3A_2366 = arith.cmpi sle, %add3A_2365, %get3A_33 : vector<16xi32>
    %jit3A_2367 = arith.constant 0 : i32
    %broadcast_in_dim3A_2368 = vector.broadcast %jit3A_2367 : i32 to vector<16xi32>
    %select_n3A_2369 = arith.select %le3A_2366, %add3A_2365, %broadcast_in_dim3A_2368 : vector<16xi1>, vector<16xi32>
    %swap3A_2370 = arith.constant 0 : i32
    %swap3A_2371 = arith.index_cast %swap3A_2370 : i32 to index
    %swap3A_2372 = arith.constant 0 : index
    %swap3A_2373 = tpu.vector_load %arg7[%swap3A_2371, %swap3A_2372] {strides = array<i32>} : memref<8x32xi32, #tpu.memory_space<vmem>>, vector<16xi32>,
    tpu.vector_store %arg7[%swap3A_2371, %swap3A_2372], %select_n3A_2369 {strides = array<i32>} : memref<8x32xi32, #tpu.memory_space<vmem>>, vector<16xi32>,
    %add3A_2374 = arith.constant 0 : i32
    %add3A_2375 = arith.addi %mul3A_32, %add3A_2374 : i32
    %add3A_2376 = arith.constant 16 : i32
    %add3A_2377 = arith.addi %add3A_2375, %add3A_2376 : i32
    %add3A_2378 = arith.constant 1 : i32
    %add3A_2379 = arith.addi %add3A_2377, %add3A_2378 : i32
    %add3A_2380 = vector.broadcast %add3A_2379 : i32 to vector<16xi32>
    %add3A_2381 = arith.addi %iota3A, %add3A_2380 : vector<16xi32>
    %le3A_2382 = arith.cmpi sle, %add3A_2381, %get3A_33 : vector<16xi32>
    %jit3A_2383 = arith.constant 0 : i32
    %broadcast_in_dim3A_2384 = vector.broadcast %jit3A_2383 : i32 to vector<16xi32>
    %select_n3A_2385 = arith.select %le3A_2382, %add3A_2381, %broadcast_in_dim3A_2384 : vector<16xi1>, vector<16xi32>
    %swap3A_2386 = arith.constant 0 : i32
    %swap3A_2387 = arith.index_cast %swap3A_2386 : i32 to index
    %swap3A_2388 = arith.constant 16 : index
    %swap3A_2389 = tpu.vector_load %arg7[%swap3A_2387, %swap3A_2388] {strides = array<i32>} : memref<8x32xi32, #tpu.memory_space<vmem>>, vector<16xi32>,
    tpu.vector_store %arg7[%swap3A_2387, %swap3A_2388], %select_n3A_2385 {strides = array<i32>} : memref<8x32xi32, #tpu.memory_space<vmem>>, vector<16xi32>,
    %add3A_2390 = arith.constant 32 : i32
    %add3A_2391 = arith.addi %mul3A_32, %add3A_2390 : i32
    %add3A_2392 = arith.constant 0 : i32
    %add3A_2393 = arith.addi %add3A_2391, %add3A_2392 : i32
    %add3A_2394 = arith.constant 1 : i32
    %add3A_2395 = arith.addi %add3A_2393, %add3A_2394 : i32
    %add3A_2396 = vector.broadcast %add3A_2395 : i32 to vector<16xi32>
    %add3A_2397 = arith.addi %iota3A, %add3A_2396 : vector<16xi32>
    %le3A_2398 = arith.cmpi sle, %add3A_2397, %get3A_33 : vector<16xi32>
    %jit3A_2399 = arith.constant 0 : i32
    %broadcast_in_dim3A_2400 = vector.broadcast %jit3A_2399 : i32 to vector<16xi32>
    %select_n3A_2401 = arith.select %le3A_2398, %add3A_2397, %broadcast_in_dim3A_2400 : vector<16xi1>, vector<16xi32>
    %swap3A_2402 = arith.constant 1 : i32
    %swap3A_2403 = arith.index_cast %swap3A_2402 : i32 to index
    %swap3A_2404 = arith.constant 0 : index
    %swap3A_2405 = tpu.vector_load %arg7[%swap3A_2403, %swap3A_2404] {strides = array<i32>} : memref<8x32xi32, #tpu.memory_space<vmem>>, vector<16xi32>,
    tpu.vector_store %arg7[%swap3A_2403, %swap3A_2404], %select_n3A_2401 {strides = array<i32>} : memref<8x32xi32, #tpu.memory_space<vmem>>, vector<16xi32>,
    %add3A_2406 = arith.constant 32 : i32
    %add3A_2407 = arith.addi %mul3A_32, %add3A_2406 : i32
    %add3A_2408 = arith.constant 16 : i32
    %add3A_2409 = arith.addi %add3A_2407, %add3A_2408 : i32
    %add3A_2410 = arith.constant 1 : i32
    %add3A_2411 = arith.addi %add3A_2409, %add3A_2410 : i32
    %add3A_2412 = vector.broadcast %add3A_2411 : i32 to vector<16xi32>
    %add3A_2413 = arith.addi %iota3A, %add3A_2412 : vector<16xi32>
    %le3A_2414 = arith.cmpi sle, %add3A_2413, %get3A_33 : vector<16xi32>
    %jit3A_2415 = arith.constant 0 : i32
    %broadcast_in_dim3A_2416 = vector.broadcast %jit3A_2415 : i32 to vector<16xi32>
    %select_n3A_2417 = arith.select %le3A_2414, %add3A_2413, %broadcast_in_dim3A_2416 : vector<16xi1>, vector<16xi32>
    %swap3A_2418 = arith.constant 1 : i32
    %swap3A_2419 = arith.index_cast %swap3A_2418 : i32 to index
    %swap3A_2420 = arith.constant 16 : index
    %swap3A_2421 = tpu.vector_load %arg7[%swap3A_2419, %swap3A_2420] {strides = array<i32>} : memref<8x32xi32, #tpu.memory_space<vmem>>, vector<16xi32>,
    tpu.vector_store %arg7[%swap3A_2419, %swap3A_2420], %select_n3A_2417 {strides = array<i32>} : memref<8x32xi32, #tpu.memory_space<vmem>>, vector<16xi32>,
    %add3A_2422 = arith.constant 64 : i32
    %add3A_2423 = arith.addi %mul3A_32, %add3A_2422 : i32
    %add3A_2424 = arith.constant 0 : i32
    %add3A_2425 = arith.addi %add3A_2423, %add3A_2424 : i32
    %add3A_2426 = arith.constant 1 : i32
    %add3A_2427 = arith.addi %add3A_2425, %add3A_2426 : i32
    %add3A_2428 = vector.broadcast %add3A_2427 : i32 to vector<16xi32>
    %add3A_2429 = arith.addi %iota3A, %add3A_2428 : vector<16xi32>
    %le3A_2430 = arith.cmpi sle, %add3A_2429, %get3A_33 : vector<16xi32>
    %jit3A_2431 = arith.constant 0 : i32
    %broadcast_in_dim3A_2432 = vector.broadcast %jit3A_2431 : i32 to vector<16xi32>
    %select_n3A_2433 = arith.select %le3A_2430, %add3A_2429, %broadcast_in_dim3A_2432 : vector<16xi1>, vector<16xi32>
    %swap3A_2434 = arith.constant 2 : i32
    %swap3A_2435 = arith.index_cast %swap3A_2434 : i32 to index
    %swap3A_2436 = arith.constant 0 : index
    %swap3A_2437 = tpu.vector_load %arg7[%swap3A_2435, %swap3A_2436] {strides = array<i32>} : memref<8x32xi32, #tpu.memory_space<vmem>>, vector<16xi32>,
    tpu.vector_store %arg7[%swap3A_2435, %swap3A_2436], %select_n3A_2433 {strides = array<i32>} : memref<8x32xi32, #tpu.memory_space<vmem>>, vector<16xi32>,
    %add3A_2438 = arith.constant 64 : i32
    %add3A_2439 = arith.addi %mul3A_32, %add3A_2438 : i32
    %add3A_2440 = arith.constant 16 : i32
    %add3A_2441 = arith.addi %add3A_2439, %add3A_2440 : i32
    %add3A_2442 = arith.constant 1 : i32
    %add3A_2443 = arith.addi %add3A_2441, %add3A_2442 : i32
    %add3A_2444 = vector.broadcast %add3A_2443 : i32 to vector<16xi32>
    %add3A_2445 = arith.addi %iota3A, %add3A_2444 : vector<16xi32>
    %le3A_2446 = arith.cmpi sle, %add3A_2445, %get3A_33 : vector<16xi32>
    %jit3A_2447 = arith.constant 0 : i32
    %broadcast_in_dim3A_2448 = vector.broadcast %jit3A_2447 : i32 to vector<16xi32>
    %select_n3A_2449 = arith.select %le3A_2446, %add3A_2445, %broadcast_in_dim3A_2448 : vector<16xi1>, vector<16xi32>
    %swap3A_2450 = arith.constant 2 : i32
    %swap3A_2451 = arith.index_cast %swap3A_2450 : i32 to index
    %swap3A_2452 = arith.constant 16 : index
    %swap3A_2453 = tpu.vector_load %arg7[%swap3A_2451, %swap3A_2452] {strides = array<i32>} : memref<8x32xi32, #tpu.memory_space<vmem>>, vector<16xi32>,
    tpu.vector_store %arg7[%swap3A_2451, %swap3A_2452], %select_n3A_2449 {strides = array<i32>} : memref<8x32xi32, #tpu.memory_space<vmem>>, vector<16xi32>,
    %add3A_2454 = arith.constant 96 : i32
    %add3A_2455 = arith.addi %mul3A_32, %add3A_2454 : i32
    %add3A_2456 = arith.constant 0 : i32
    %add3A_2457 = arith.addi %add3A_2455, %add3A_2456 : i32
    %add3A_2458 = arith.constant 1 : i32
    %add3A_2459 = arith.addi %add3A_2457, %add3A_2458 : i32
    %add3A_2460 = vector.broadcast %add3A_2459 : i32 to vector<16xi32>
    %add3A_2461 = arith.addi %iota3A, %add3A_2460 : vector<16xi32>
    %le3A_2462 = arith.cmpi sle, %add3A_2461, %get3A_33 : vector<16xi32>
    %jit3A_2463 = arith.constant 0 : i32
    %broadcast_in_dim3A_2464 = vector.broadcast %jit3A_2463 : i32 to vector<16xi32>
    %select_n3A_2465 = arith.select %le3A_2462, %add3A_2461, %broadcast_in_dim3A_2464 : vector<16xi1>, vector<16xi32>
    %swap3A_2466 = arith.constant 3 : i32
    %swap3A_2467 = arith.index_cast %swap3A_2466 : i32 to index
    %swap3A_2468 = arith.constant 0 : index
    %swap3A_2469 = tpu.vector_load %arg7[%swap3A_2467, %swap3A_2468] {strides = array<i32>} : memref<8x32xi32, #tpu.memory_space<vmem>>, vector<16xi32>,
    tpu.vector_store %arg7[%swap3A_2467, %swap3A_2468], %select_n3A_2465 {strides = array<i32>} : memref<8x32xi32, #tpu.memory_space<vmem>>, vector<16xi32>,
    %add3A_2470 = arith.constant 96 : i32
    %add3A_2471 = arith.addi %mul3A_32, %add3A_2470 : i32
    %add3A_2472 = arith.constant 16 : i32
    %add3A_2473 = arith.addi %add3A_2471, %add3A_2472 : i32
    %add3A_2474 = arith.constant 1 : i32
    %add3A_2475 = arith.addi %add3A_2473, %add3A_2474 : i32
    %add3A_2476 = vector.broadcast %add3A_2475 : i32 to vector<16xi32>
    %add3A_2477 = arith.addi %iota3A, %add3A_2476 : vector<16xi32>
    %le3A_2478 = arith.cmpi sle, %add3A_2477, %get3A_33 : vector<16xi32>
    %jit3A_2479 = arith.constant 0 : i32
    %broadcast_in_dim3A_2480 = vector.broadcast %jit3A_2479 : i32 to vector<16xi32>
    %select_n3A_2481 = arith.select %le3A_2478, %add3A_2477, %broadcast_in_dim3A_2480 : vector<16xi1>, vector<16xi32>
    %swap3A_2482 = arith.constant 3 : i32
    %swap3A_2483 = arith.index_cast %swap3A_2482 : i32 to index
    %swap3A_2484 = arith.constant 16 : index
    %swap3A_2485 = tpu.vector_load %arg7[%swap3A_2483, %swap3A_2484] {strides = array<i32>} : memref<8x32xi32, #tpu.memory_space<vmem>>, vector<16xi32>,
    tpu.vector_store %arg7[%swap3A_2483, %swap3A_2484], %select_n3A_2481 {strides = array<i32>} : memref<8x32xi32, #tpu.memory_space<vmem>>, vector<16xi32>,
    %add3A_2486 = arith.constant 128 : i32
    %add3A_2487 = arith.addi %mul3A_32, %add3A_2486 : i32
    %add3A_2488 = arith.constant 0 : i32
    %add3A_2489 = arith.addi %add3A_2487, %add3A_2488 : i32
    %add3A_2490 = arith.constant 1 : i32
    %add3A_2491 = arith.addi %add3A_2489, %add3A_2490 : i32
    %add3A_2492 = vector.broadcast %add3A_2491 : i32 to vector<16xi32>
    %add3A_2493 = arith.addi %iota3A, %add3A_2492 : vector<16xi32>
    %le3A_2494 = arith.cmpi sle, %add3A_2493, %get3A_33 : vector<16xi32>
    %jit3A_2495 = arith.constant 0 : i32
    %broadcast_in_dim3A_2496 = vector.broadcast %jit3A_2495 : i32 to vector<16xi32>
    %select_n3A_2497 = arith.select %le3A_2494, %add3A_2493, %broadcast_in_dim3A_2496 : vector<16xi1>, vector<16xi32>
    %swap3A_2498 = arith.constant 4 : i32
    %swap3A_2499 = arith.index_cast %swap3A_2498 : i32 to index
    %swap3A_2500 = arith.constant 0 : index
    %swap3A_2501 = tpu.vector_load %arg7[%swap3A_2499, %swap3A_2500] {strides = array<i32>} : memref<8x32xi32, #tpu.memory_space<vmem>>, vector<16xi32>,
    tpu.vector_store %arg7[%swap3A_2499, %swap3A_2500], %select_n3A_2497 {strides = array<i32>} : memref<8x32xi32, #tpu.memory_space<vmem>>, vector<16xi32>,
    %add3A_2502 = arith.constant 128 : i32
    %add3A_2503 = arith.addi %mul3A_32, %add3A_2502 : i32
    %add3A_2504 = arith.constant 16 : i32
    %add3A_2505 = arith.addi %add3A_2503, %add3A_2504 : i32
    %add3A_2506 = arith.constant 1 : i32
    %add3A_2507 = arith.addi %add3A_2505, %add3A_2506 : i32
    %add3A_2508 = vector.broadcast %add3A_2507 : i32 to vector<16xi32>
    %add3A_2509 = arith.addi %iota3A, %add3A_2508 : vector<16xi32>
    %le3A_2510 = arith.cmpi sle, %add3A_2509, %get3A_33 : vector<16xi32>
    %jit3A_2511 = arith.constant 0 : i32
    %broadcast_in_dim3A_2512 = vector.broadcast %jit3A_2511 : i32 to vector<16xi32>
    %select_n3A_2513 = arith.select %le3A_2510, %add3A_2509, %broadcast_in_dim3A_2512 : vector<16xi1>, vector<16xi32>
    %swap3A_2514 = arith.constant 4 : i32
    %swap3A_2515 = arith.index_cast %swap3A_2514 : i32 to index
    %swap3A_2516 = arith.constant 16 : index
    %swap3A_2517 = tpu.vector_load %arg7[%swap3A_2515, %swap3A_2516] {strides = array<i32>} : memref<8x32xi32, #tpu.memory_space<vmem>>, vector<16xi32>,
    tpu.vector_store %arg7[%swap3A_2515, %swap3A_2516], %select_n3A_2513 {strides = array<i32>} : memref<8x32xi32, #tpu.memory_space<vmem>>, vector<16xi32>,
    %add3A_2518 = arith.constant 160 : i32
    %add3A_2519 = arith.addi %mul3A_32, %add3A_2518 : i32
    %add3A_2520 = arith.constant 0 : i32
    %add3A_2521 = arith.addi %add3A_2519, %add3A_2520 : i32
    %add3A_2522 = arith.constant 1 : i32
    %add3A_2523 = arith.addi %add3A_2521, %add3A_2522 : i32
    %add3A_2524 = vector.broadcast %add3A_2523 : i32 to vector<16xi32>
    %add3A_2525 = arith.addi %iota3A, %add3A_2524 : vector<16xi32>
    %le3A_2526 = arith.cmpi sle, %add3A_2525, %get3A_33 : vector<16xi32>
    %jit3A_2527 = arith.constant 0 : i32
    %broadcast_in_dim3A_2528 = vector.broadcast %jit3A_2527 : i32 to vector<16xi32>
    %select_n3A_2529 = arith.select %le3A_2526, %add3A_2525, %broadcast_in_dim3A_2528 : vector<16xi1>, vector<16xi32>
    %swap3A_2530 = arith.constant 5 : i32
    %swap3A_2531 = arith.index_cast %swap3A_2530 : i32 to index
    %swap3A_2532 = arith.constant 0 : index
    %swap3A_2533 = tpu.vector_load %arg7[%swap3A_2531, %swap3A_2532] {strides = array<i32>} : memref<8x32xi32, #tpu.memory_space<vmem>>, vector<16xi32>,
    tpu.vector_store %arg7[%swap3A_2531, %swap3A_2532], %select_n3A_2529 {strides = array<i32>} : memref<8x32xi32, #tpu.memory_space<vmem>>, vector<16xi32>,
    %add3A_2534 = arith.constant 160 : i32
    %add3A_2535 = arith.addi %mul3A_32, %add3A_2534 : i32
    %add3A_2536 = arith.constant 16 : i32
    %add3A_2537 = arith.addi %add3A_2535, %add3A_2536 : i32
    %add3A_2538 = arith.constant 1 : i32
    %add3A_2539 = arith.addi %add3A_2537, %add3A_2538 : i32
    %add3A_2540 = vector.broadcast %add3A_2539 : i32 to vector<16xi32>
    %add3A_2541 = arith.addi %iota3A, %add3A_2540 : vector<16xi32>
    %le3A_2542 = arith.cmpi sle, %add3A_2541, %get3A_33 : vector<16xi32>
    %jit3A_2543 = arith.constant 0 : i32
    %broadcast_in_dim3A_2544 = vector.broadcast %jit3A_2543 : i32 to vector<16xi32>
    %select_n3A_2545 = arith.select %le3A_2542, %add3A_2541, %broadcast_in_dim3A_2544 : vector<16xi1>, vector<16xi32>
    %swap3A_2546 = arith.constant 5 : i32
    %swap3A_2547 = arith.index_cast %swap3A_2546 : i32 to index
    %swap3A_2548 = arith.constant 16 : index
    %swap3A_2549 = tpu.vector_load %arg7[%swap3A_2547, %swap3A_2548] {strides = array<i32>} : memref<8x32xi32, #tpu.memory_space<vmem>>, vector<16xi32>,
    tpu.vector_store %arg7[%swap3A_2547, %swap3A_2548], %select_n3A_2545 {strides = array<i32>} : memref<8x32xi32, #tpu.memory_space<vmem>>, vector<16xi32>,
    %add3A_2550 = arith.constant 192 : i32
    %add3A_2551 = arith.addi %mul3A_32, %add3A_2550 : i32
    %add3A_2552 = arith.constant 0 : i32
    %add3A_2553 = arith.addi %add3A_2551, %add3A_2552 : i32
    %add3A_2554 = arith.constant 1 : i32
    %add3A_2555 = arith.addi %add3A_2553, %add3A_2554 : i32
    %add3A_2556 = vector.broadcast %add3A_2555 : i32 to vector<16xi32>
    %add3A_2557 = arith.addi %iota3A, %add3A_2556 : vector<16xi32>
    %le3A_2558 = arith.cmpi sle, %add3A_2557, %get3A_33 : vector<16xi32>
    %jit3A_2559 = arith.constant 0 : i32
    %broadcast_in_dim3A_2560 = vector.broadcast %jit3A_2559 : i32 to vector<16xi32>
    %select_n3A_2561 = arith.select %le3A_2558, %add3A_2557, %broadcast_in_dim3A_2560 : vector<16xi1>, vector<16xi32>
    %swap3A_2562 = arith.constant 6 : i32
    %swap3A_2563 = arith.index_cast %swap3A_2562 : i32 to index
    %swap3A_2564 = arith.constant 0 : index
    %swap3A_2565 = tpu.vector_load %arg7[%swap3A_2563, %swap3A_2564] {strides = array<i32>} : memref<8x32xi32, #tpu.memory_space<vmem>>, vector<16xi32>,
    tpu.vector_store %arg7[%swap3A_2563, %swap3A_2564], %select_n3A_2561 {strides = array<i32>} : memref<8x32xi32, #tpu.memory_space<vmem>>, vector<16xi32>,
    %add3A_2566 = arith.constant 192 : i32
    %add3A_2567 = arith.addi %mul3A_32, %add3A_2566 : i32
    %add3A_2568 = arith.constant 16 : i32
    %add3A_2569 = arith.addi %add3A_2567, %add3A_2568 : i32
    %add3A_2570 = arith.constant 1 : i32
    %add3A_2571 = arith.addi %add3A_2569, %add3A_2570 : i32
    %add3A_2572 = vector.broadcast %add3A_2571 : i32 to vector<16xi32>
    %add3A_2573 = arith.addi %iota3A, %add3A_2572 : vector<16xi32>
    %le3A_2574 = arith.cmpi sle, %add3A_2573, %get3A_33 : vector<16xi32>
    %jit3A_2575 = arith.constant 0 : i32
    %broadcast_in_dim3A_2576 = vector.broadcast %jit3A_2575 : i32 to vector<16xi32>
    %select_n3A_2577 = arith.select %le3A_2574, %add3A_2573, %broadcast_in_dim3A_2576 : vector<16xi1>, vector<16xi32>
    %swap3A_2578 = arith.constant 6 : i32
    %swap3A_2579 = arith.index_cast %swap3A_2578 : i32 to index
    %swap3A_2580 = arith.constant 16 : index
    %swap3A_2581 = tpu.vector_load %arg7[%swap3A_2579, %swap3A_2580] {strides = array<i32>} : memref<8x32xi32, #tpu.memory_space<vmem>>, vector<16xi32>,
    tpu.vector_store %arg7[%swap3A_2579, %swap3A_2580], %select_n3A_2577 {strides = array<i32>} : memref<8x32xi32, #tpu.memory_space<vmem>>, vector<16xi32>,
    %add3A_2582 = arith.constant 224 : i32
    %add3A_2583 = arith.addi %mul3A_32, %add3A_2582 : i32
    %add3A_2584 = arith.constant 0 : i32
    %add3A_2585 = arith.addi %add3A_2583, %add3A_2584 : i32
    %add3A_2586 = arith.constant 1 : i32
    %add3A_2587 = arith.addi %add3A_2585, %add3A_2586 : i32
    %add3A_2588 = vector.broadcast %add3A_2587 : i32 to vector<16xi32>
    %add3A_2589 = arith.addi %iota3A, %add3A_2588 : vector<16xi32>
    %le3A_2590 = arith.cmpi sle, %add3A_2589, %get3A_33 : vector<16xi32>
    %jit3A_2591 = arith.constant 0 : i32
    %broadcast_in_dim3A_2592 = vector.broadcast %jit3A_2591 : i32 to vector<16xi32>
    %select_n3A_2593 = arith.select %le3A_2590, %add3A_2589, %broadcast_in_dim3A_2592 : vector<16xi1>, vector<16xi32>
    %swap3A_2594 = arith.constant 7 : i32
    %swap3A_2595 = arith.index_cast %swap3A_2594 : i32 to index
    %swap3A_2596 = arith.constant 0 : index
    %swap3A_2597 = tpu.vector_load %arg7[%swap3A_2595, %swap3A_2596] {strides = array<i32>} : memref<8x32xi32, #tpu.memory_space<vmem>>, vector<16xi32>,
    tpu.vector_store %arg7[%swap3A_2595, %swap3A_2596], %select_n3A_2593 {strides = array<i32>} : memref<8x32xi32, #tpu.memory_space<vmem>>, vector<16xi32>,
    %add3A_2598 = arith.constant 224 : i32
    %add3A_2599 = arith.addi %mul3A_32, %add3A_2598 : i32
    %add3A_2600 = arith.constant 16 : i32
    %add3A_2601 = arith.addi %add3A_2599, %add3A_2600 : i32
    %add3A_2602 = arith.constant 1 : i32
    %add3A_2603 = arith.addi %add3A_2601, %add3A_2602 : i32
    %add3A_2604 = vector.broadcast %add3A_2603 : i32 to vector<16xi32>
    %add3A_2605 = arith.addi %iota3A, %add3A_2604 : vector<16xi32>
    %le3A_2606 = arith.cmpi sle, %add3A_2605, %get3A_33 : vector<16xi32>
    %jit3A_2607 = arith.constant 0 : i32
    %broadcast_in_dim3A_2608 = vector.broadcast %jit3A_2607 : i32 to vector<16xi32>
    %select_n3A_2609 = arith.select %le3A_2606, %add3A_2605, %broadcast_in_dim3A_2608 : vector<16xi1>, vector<16xi32>
    %swap3A_2610 = arith.constant 7 : i32
    %swap3A_2611 = arith.index_cast %swap3A_2610 : i32 to index
    %swap3A_2612 = arith.constant 16 : index
    %swap3A_2613 = tpu.vector_load %arg7[%swap3A_2611, %swap3A_2612] {strides = array<i32>} : memref<8x32xi32, #tpu.memory_space<vmem>>, vector<16xi32>,
    tpu.vector_store %arg7[%swap3A_2611, %swap3A_2612], %select_n3A_2609 {strides = array<i32>} : memref<8x32xi32, #tpu.memory_space<vmem>>, vector<16xi32>,
    %convert_element_type3A = arith.extui %reduce_and3A_2096 : i1 to i32
    %cond3A = arith.constant 0 : i32
    %cond3A_2614 = arith.cmpi ne, %convert_element_type3A, %cond3A : i32
    scf.if %cond3A_2614 {
      %add3A_2828 = arith.constant 0 : i32
      %add3A_2829 = arith.addi %mul3A_32, %add3A_2828 : i32
      %dma_start3A = arith.constant 0 : i32
      %dma_start3A_2830 = tpu.memref_slice %arg3[%add3A_2829, %dma_start3A] : memref<2048x1024xf32, #tpu.memory_space<hbm>> -> memref<32x1024xf32, #tpu.memory_space<hbm>>
      %dma_start3A_2831 = arith.constant 0 : i32
      %dma_start3A_2832 = tpu.memref_slice %arg3[%add3A_2829, %dma_start3A_2831] : memref<2048x1024xf32, #tpu.memory_space<hbm>> -> memref<32x1024xf32, #tpu.memory_space<hbm>>
      tpu.enqueue_dma source(%dma_start3A_2832 : memref<32x1024xf32, #tpu.memory_space<hbm>>) target(%arg8 : memref<32x1024xf32, #tpu.memory_space<vmem>>) target_semaphore(%arg12 : memref<!tpu.dma_semaphore, #tpu.memory_space<semaphore_mem>>)
    } else {
    }
    %convert_element_type3A_2615 = arith.extui %and3A_2112 : i1 to i32
    %cond3A_2616 = arith.constant 0 : i32
    %cond3A_2617 = arith.cmpi ne, %convert_element_type3A_2615, %cond3A_2616 : i32
    scf.if %cond3A_2617 {
      %dma_start3A = arith.constant 0 : i32
      %dma_start3A_2828 = arith.constant 0 : i32
      %dma_start3A_2829 = tpu.memref_slice %arg7[%dma_start3A, %dma_start3A_2828] : memref<8x32xi32, #tpu.memory_space<vmem>> -> memref<1x32xi32, #tpu.memory_space<vmem>>
      %dma_start3A_2830 = tpu.memref_squeeze %dma_start3A_2829 : memref<1x32xi32, #tpu.memory_space<vmem>> -> memref<32xi32, #tpu.memory_space<vmem>>
      %dma_start3A_2831 = arith.constant 0 : i32
      %dma_start3A_2832 = arith.constant 0 : i32
      %dma_start3A_2833 = tpu.memref_slice %arg4[%dma_start3A_2831, %dma_start3A_2832] : memref<20481x1024xf32, #tpu.memory_space<hbm>> -> memref<20481x1024xf32, #tpu.memory_space<hbm>>
      tpu.enqueue_indirect_dma source(%dma_start3A_2833 : memref<20481x1024xf32, #tpu.memory_space<hbm>>) target(%arg8 : memref<32x1024xf32, #tpu.memory_space<vmem>>) offsets(%dma_start3A_2830 : memref<32xi32, #tpu.memory_space<vmem>>) semaphore(%arg12 : memref<!tpu.dma_semaphore, #tpu.memory_space<semaphore_mem>>)
    } else {
    }
    %convert_element_type3A_2618 = arith.extui %reduce_and3A_2129 : i1 to i32
    %cond3A_2619 = arith.constant 0 : i32
    %cond3A_2620 = arith.cmpi ne, %convert_element_type3A_2618, %cond3A_2619 : i32
    scf.if %cond3A_2620 {
      %add3A_2828 = arith.constant 32 : i32
      %add3A_2829 = arith.addi %mul3A_32, %add3A_2828 : i32
      %dma_start3A = arith.constant 0 : i32
      %dma_start3A_2830 = tpu.memref_slice %arg3[%add3A_2829, %dma_start3A] : memref<2048x1024xf32, #tpu.memory_space<hbm>> -> memref<32x1024xf32, #tpu.memory_space<hbm>>
      %dma_start3A_2831 = arith.constant 0 : i32
      %dma_start3A_2832 = tpu.memref_slice %arg3[%add3A_2829, %dma_start3A_2831] : memref<2048x1024xf32, #tpu.memory_space<hbm>> -> memref<32x1024xf32, #tpu.memory_space<hbm>>
      tpu.enqueue_dma source(%dma_start3A_2832 : memref<32x1024xf32, #tpu.memory_space<hbm>>) target(%arg9 : memref<32x1024xf32, #tpu.memory_space<vmem>>) target_semaphore(%arg13 : memref<!tpu.dma_semaphore, #tpu.memory_space<semaphore_mem>>)
    } else {
    }
    %convert_element_type3A_2621 = arith.extui %and3A_2147 : i1 to i32
    %cond3A_2622 = arith.constant 0 : i32
    %cond3A_2623 = arith.cmpi ne, %convert_element_type3A_2621, %cond3A_2622 : i32
    scf.if %cond3A_2623 {
      %dma_start3A = arith.constant 1 : i32
      %dma_start3A_2828 = arith.constant 0 : i32
      %dma_start3A_2829 = tpu.memref_slice %arg7[%dma_start3A, %dma_start3A_2828] : memref<8x32xi32, #tpu.memory_space<vmem>> -> memref<1x32xi32, #tpu.memory_space<vmem>>
      %dma_start3A_2830 = tpu.memref_squeeze %dma_start3A_2829 : memref<1x32xi32, #tpu.memory_space<vmem>> -> memref<32xi32, #tpu.memory_space<vmem>>
      %dma_start3A_2831 = arith.constant 0 : i32
      %dma_start3A_2832 = arith.constant 0 : i32
      %dma_start3A_2833 = tpu.memref_slice %arg4[%dma_start3A_2831, %dma_start3A_2832] : memref<20481x1024xf32, #tpu.memory_space<hbm>> -> memref<20481x1024xf32, #tpu.memory_space<hbm>>
      tpu.enqueue_indirect_dma source(%dma_start3A_2833 : memref<20481x1024xf32, #tpu.memory_space<hbm>>) target(%arg9 : memref<32x1024xf32, #tpu.memory_space<vmem>>) offsets(%dma_start3A_2830 : memref<32xi32, #tpu.memory_space<vmem>>) semaphore(%arg13 : memref<!tpu.dma_semaphore, #tpu.memory_space<semaphore_mem>>)
    } else {
    }
    %convert_element_type3A_2624 = arith.extui %reduce_and3A_2164 : i1 to i32
    %cond3A_2625 = arith.constant 0 : i32
    %cond3A_2626 = arith.cmpi ne, %convert_element_type3A_2624, %cond3A_2625 : i32
    scf.if %cond3A_2626 {
      %add3A_2828 = arith.constant 64 : i32
      %add3A_2829 = arith.addi %mul3A_32, %add3A_2828 : i32
      %dma_start3A = arith.constant 0 : i32
      %dma_start3A_2830 = tpu.memref_slice %arg3[%add3A_2829, %dma_start3A] : memref<2048x1024xf32, #tpu.memory_space<hbm>> -> memref<32x1024xf32, #tpu.memory_space<hbm>>
      %dma_start3A_2831 = arith.constant 0 : i32
      %dma_start3A_2832 = tpu.memref_slice %arg3[%add3A_2829, %dma_start3A_2831] : memref<2048x1024xf32, #tpu.memory_space<hbm>> -> memref<32x1024xf32, #tpu.memory_space<hbm>>
      tpu.enqueue_dma source(%dma_start3A_2832 : memref<32x1024xf32, #tpu.memory_space<hbm>>) target(%arg10 : memref<32x1024xf32, #tpu.memory_space<vmem>>) target_semaphore(%arg14 : memref<!tpu.dma_semaphore, #tpu.memory_space<semaphore_mem>>)
    } else {
    }
    %convert_element_type3A_2627 = arith.extui %and3A_2182 : i1 to i32
    %cond3A_2628 = arith.constant 0 : i32
    %cond3A_2629 = arith.cmpi ne, %convert_element_type3A_2627, %cond3A_2628 : i32
    scf.if %cond3A_2629 {
      %dma_start3A = arith.constant 2 : i32
      %dma_start3A_2828 = arith.constant 0 : i32
      %dma_start3A_2829 = tpu.memref_slice %arg7[%dma_start3A, %dma_start3A_2828] : memref<8x32xi32, #tpu.memory_space<vmem>> -> memref<1x32xi32, #tpu.memory_space<vmem>>
      %dma_start3A_2830 = tpu.memref_squeeze %dma_start3A_2829 : memref<1x32xi32, #tpu.memory_space<vmem>> -> memref<32xi32, #tpu.memory_space<vmem>>
      %dma_start3A_2831 = arith.constant 0 : i32
      %dma_start3A_2832 = arith.constant 0 : i32
      %dma_start3A_2833 = tpu.memref_slice %arg4[%dma_start3A_2831, %dma_start3A_2832] : memref<20481x1024xf32, #tpu.memory_space<hbm>> -> memref<20481x1024xf32, #tpu.memory_space<hbm>>
      tpu.enqueue_indirect_dma source(%dma_start3A_2833 : memref<20481x1024xf32, #tpu.memory_space<hbm>>) target(%arg10 : memref<32x1024xf32, #tpu.memory_space<vmem>>) offsets(%dma_start3A_2830 : memref<32xi32, #tpu.memory_space<vmem>>) semaphore(%arg14 : memref<!tpu.dma_semaphore, #tpu.memory_space<semaphore_mem>>)
    } else {
    }
    %not3A_2630 = arith.constant true
    %not3A_2631 = arith.xori %reduce_and3A_2108, %not3A_2630 : i1
    %convert_element_type3A_2632 = arith.extui %not3A_2631 : i1 to i32
    %cond3A_2633 = arith.constant 0 : i32
    %cond3A_2634 = arith.cmpi ne, %convert_element_type3A_2632, %cond3A_2633 : i32
    scf.if %cond3A_2634 {
      %add3A_2828 = arith.constant 0 : i32
      %add3A_2829 = arith.addi %mul3A_32, %add3A_2828 : i32
      %dma_wait3A = arith.constant 0 : i32
      %dma_wait3A_2830 = tpu.memref_slice %arg3[%add3A_2829, %dma_wait3A] : memref<2048x1024xf32, #tpu.memory_space<hbm>> -> memref<32x1024xf32, #tpu.memory_space<hbm>>
      %dma_wait3A_2831 = arith.constant 0 : i32
      %dma_wait3A_2832 = tpu.memref_slice %arg3[%add3A_2829, %dma_wait3A_2831] : memref<2048x1024xf32, #tpu.memory_space<hbm>> -> memref<32x1024xf32, #tpu.memory_space<hbm>>
      tpu.wait_dma2 semaphore(%arg12 : memref<!tpu.dma_semaphore, #tpu.memory_space<semaphore_mem>>) src(%dma_wait3A_2832 : memref<32x1024xf32, #tpu.memory_space<hbm>>) dst(%arg8 : memref<32x1024xf32, #tpu.memory_space<vmem>>)
    } else {
    }
    %not3A_2635 = arith.constant true
    %not3A_2636 = arith.xori %reduce_and3A_2108, %not3A_2635 : i1
    %convert_element_type3A_2637 = arith.extui %not3A_2636 : i1 to i32
    %cond3A_2638 = arith.constant 0 : i32
    %cond3A_2639 = arith.cmpi ne, %convert_element_type3A_2637, %cond3A_2638 : i32
    scf.if %cond3A_2639 {
      %add3A_2828 = arith.constant 0 : i32
      %add3A_2829 = arith.addi %mul3A_32, %add3A_2828 : i32
      %dma_start3A = arith.constant 0 : i32
      %dma_start3A_2830 = tpu.memref_slice %arg5[%select_n3A, %add3A_2829, %dma_start3A] : memref<4x2048x1024xf32, #tpu.memory_space<hbm>> -> memref<1x32x1024xf32, #tpu.memory_space<hbm>>
      %dma_start3A_2831 = tpu.memref_squeeze %dma_start3A_2830 : memref<1x32x1024xf32, #tpu.memory_space<hbm>> -> memref<32x1024xf32, #tpu.memory_space<hbm>>
      %dma_start3A_2832 = arith.constant 0 : i32
      %dma_start3A_2833 = tpu.memref_slice %arg5[%select_n3A, %add3A_2829, %dma_start3A_2832] : memref<4x2048x1024xf32, #tpu.memory_space<hbm>> -> memref<1x32x1024xf32, #tpu.memory_space<hbm>>
      %dma_start3A_2834 = tpu.memref_squeeze %dma_start3A_2833 : memref<1x32x1024xf32, #tpu.memory_space<hbm>> -> memref<32x1024xf32, #tpu.memory_space<hbm>>
      tpu.enqueue_dma source(%arg8 : memref<32x1024xf32, #tpu.memory_space<vmem>>) target(%dma_start3A_2834 : memref<32x1024xf32, #tpu.memory_space<hbm>>) target_semaphore(%arg15 : memref<!tpu.dma_semaphore, #tpu.memory_space<semaphore_mem>>)
    } else {
    }
    %convert_element_type3A_2640 = arith.extui %reduce_and3A_2108 : i1 to i32
    %cond3A_2641 = arith.constant 0 : i32
    %cond3A_2642 = arith.cmpi ne, %convert_element_type3A_2640, %cond3A_2641 : i32
    scf.if %cond3A_2642 {
      %add3A_2828 = arith.constant 0 : i32
      %add3A_2829 = arith.addi %mul3A_32, %add3A_2828 : i32
      %add3A_2830 = arith.constant 0 : i32
      %add3A_2831 = arith.addi %add3A_2829, %add3A_2830 : i32
      %dma_start3A = arith.constant 0 : i32
      %dma_start3A_2832 = tpu.memref_slice %arg5[%select_n3A, %add3A_2831, %dma_start3A] : memref<4x2048x1024xf32, #tpu.memory_space<hbm>> -> memref<1x8x1024xf32, #tpu.memory_space<hbm>>
      %dma_start3A_2833 = tpu.memref_squeeze %dma_start3A_2832 : memref<1x8x1024xf32, #tpu.memory_space<hbm>> -> memref<8x1024xf32, #tpu.memory_space<hbm>>
      %dma_start3A_2834 = arith.constant 0 : i32
      %dma_start3A_2835 = tpu.memref_slice %arg5[%select_n3A, %add3A_2831, %dma_start3A_2834] : memref<4x2048x1024xf32, #tpu.memory_space<hbm>> -> memref<1x8x1024xf32, #tpu.memory_space<hbm>>
      %dma_start3A_2836 = tpu.memref_squeeze %dma_start3A_2835 : memref<1x8x1024xf32, #tpu.memory_space<hbm>> -> memref<8x1024xf32, #tpu.memory_space<hbm>>
      tpu.enqueue_dma source(%arg11 : memref<8x1024xf32, #tpu.memory_space<vmem>>) target(%dma_start3A_2836 : memref<8x1024xf32, #tpu.memory_space<hbm>>) target_semaphore(%arg18 : memref<!tpu.dma_semaphore, #tpu.memory_space<semaphore_mem>>)
      %add3A_2837 = arith.constant 0 : i32
      %add3A_2838 = arith.addi %mul3A_32, %add3A_2837 : i32
      %add3A_2839 = arith.constant 8 : i32
      %add3A_2840 = arith.addi %add3A_2838, %add3A_2839 : i32
      %dma_start3A_2841 = arith.constant 0 : i32
      %dma_start3A_2842 = tpu.memref_slice %arg5[%select_n3A, %add3A_2840, %dma_start3A_2841] : memref<4x2048x1024xf32, #tpu.memory_space<hbm>> -> memref<1x8x1024xf32, #tpu.memory_space<hbm>>
      %dma_start3A_2843 = tpu.memref_squeeze %dma_start3A_2842 : memref<1x8x1024xf32, #tpu.memory_space<hbm>> -> memref<8x1024xf32, #tpu.memory_space<hbm>>
      %dma_start3A_2844 = arith.constant 0 : i32
      %dma_start3A_2845 = tpu.memref_slice %arg5[%select_n3A, %add3A_2840, %dma_start3A_2844] : memref<4x2048x1024xf32, #tpu.memory_space<hbm>> -> memref<1x8x1024xf32, #tpu.memory_space<hbm>>
      %dma_start3A_2846 = tpu.memref_squeeze %dma_start3A_2845 : memref<1x8x1024xf32, #tpu.memory_space<hbm>> -> memref<8x1024xf32, #tpu.memory_space<hbm>>
      tpu.enqueue_dma source(%arg11 : memref<8x1024xf32, #tpu.memory_space<vmem>>) target(%dma_start3A_2846 : memref<8x1024xf32, #tpu.memory_space<hbm>>) target_semaphore(%arg18 : memref<!tpu.dma_semaphore, #tpu.memory_space<semaphore_mem>>)
      %add3A_2847 = arith.constant 0 : i32
      %add3A_2848 = arith.addi %mul3A_32, %add3A_2847 : i32
      %add3A_2849 = arith.constant 16 : i32
      %add3A_2850 = arith.addi %add3A_2848, %add3A_2849 : i32
      %dma_start3A_2851 = arith.constant 0 : i32
      %dma_start3A_2852 = tpu.memref_slice %arg5[%select_n3A, %add3A_2850, %dma_start3A_2851] : memref<4x2048x1024xf32, #tpu.memory_space<hbm>> -> memref<1x8x1024xf32, #tpu.memory_space<hbm>>
      %dma_start3A_2853 = tpu.memref_squeeze %dma_start3A_2852 : memref<1x8x1024xf32, #tpu.memory_space<hbm>> -> memref<8x1024xf32, #tpu.memory_space<hbm>>
      %dma_start3A_2854 = arith.constant 0 : i32
      %dma_start3A_2855 = tpu.memref_slice %arg5[%select_n3A, %add3A_2850, %dma_start3A_2854] : memref<4x2048x1024xf32, #tpu.memory_space<hbm>> -> memref<1x8x1024xf32, #tpu.memory_space<hbm>>
      %dma_start3A_2856 = tpu.memref_squeeze %dma_start3A_2855 : memref<1x8x1024xf32, #tpu.memory_space<hbm>> -> memref<8x1024xf32, #tpu.memory_space<hbm>>
      tpu.enqueue_dma source(%arg11 : memref<8x1024xf32, #tpu.memory_space<vmem>>) target(%dma_start3A_2856 : memref<8x1024xf32, #tpu.memory_space<hbm>>) target_semaphore(%arg18 : memref<!tpu.dma_semaphore, #tpu.memory_space<semaphore_mem>>)
      %add3A_2857 = arith.constant 0 : i32
      %add3A_2858 = arith.addi %mul3A_32, %add3A_2857 : i32
      %add3A_2859 = arith.constant 24 : i32
      %add3A_2860 = arith.addi %add3A_2858, %add3A_2859 : i32
      %dma_start3A_2861 = arith.constant 0 : i32
      %dma_start3A_2862 = tpu.memref_slice %arg5[%select_n3A, %add3A_2860, %dma_start3A_2861] : memref<4x2048x1024xf32, #tpu.memory_space<hbm>> -> memref<1x8x1024xf32, #tpu.memory_space<hbm>>
      %dma_start3A_2863 = tpu.memref_squeeze %dma_start3A_2862 : memref<1x8x1024xf32, #tpu.memory_space<hbm>> -> memref<8x1024xf32, #tpu.memory_space<hbm>>
      %dma_start3A_2864 = arith.constant 0 : i32
      %dma_start3A_2865 = tpu.memref_slice %arg5[%select_n3A, %add3A_2860, %dma_start3A_2864] : memref<4x2048x1024xf32, #tpu.memory_space<hbm>> -> memref<1x8x1024xf32, #tpu.memory_space<hbm>>
      %dma_start3A_2866 = tpu.memref_squeeze %dma_start3A_2865 : memref<1x8x1024xf32, #tpu.memory_space<hbm>> -> memref<8x1024xf32, #tpu.memory_space<hbm>>
      tpu.enqueue_dma source(%arg11 : memref<8x1024xf32, #tpu.memory_space<vmem>>) target(%dma_start3A_2866 : memref<8x1024xf32, #tpu.memory_space<hbm>>) target_semaphore(%arg18 : memref<!tpu.dma_semaphore, #tpu.memory_space<semaphore_mem>>)
    } else {
    }
    %not3A_2643 = arith.constant true
    %not3A_2644 = arith.xori %reduce_and3A_2108, %not3A_2643 : i1
    %convert_element_type3A_2645 = arith.extui %not3A_2644 : i1 to i32
    %cond3A_2646 = arith.constant 0 : i32
    %cond3A_2647 = arith.cmpi ne, %convert_element_type3A_2645, %cond3A_2646 : i32
    scf.if %cond3A_2647 {
      %add3A_2828 = arith.constant 0 : i32
      %add3A_2829 = arith.addi %mul3A_32, %add3A_2828 : i32
      %dma_wait3A = arith.constant 0 : i32
      %dma_wait3A_2830 = tpu.memref_slice %arg5[%select_n3A, %add3A_2829, %dma_wait3A] : memref<4x2048x1024xf32, #tpu.memory_space<hbm>> -> memref<1x32x1024xf32, #tpu.memory_space<hbm>>
      %dma_wait3A_2831 = tpu.memref_squeeze %dma_wait3A_2830 : memref<1x32x1024xf32, #tpu.memory_space<hbm>> -> memref<32x1024xf32, #tpu.memory_space<hbm>>
      %dma_wait3A_2832 = arith.constant 0 : i32
      %dma_wait3A_2833 = tpu.memref_slice %arg5[%select_n3A, %add3A_2829, %dma_wait3A_2832] : memref<4x2048x1024xf32, #tpu.memory_space<hbm>> -> memref<1x32x1024xf32, #tpu.memory_space<hbm>>
      %dma_wait3A_2834 = tpu.memref_squeeze %dma_wait3A_2833 : memref<1x32x1024xf32, #tpu.memory_space<hbm>> -> memref<32x1024xf32, #tpu.memory_space<hbm>>
      tpu.wait_dma2 semaphore(%arg15 : memref<!tpu.dma_semaphore, #tpu.memory_space<semaphore_mem>>) src(%arg8 : memref<32x1024xf32, #tpu.memory_space<vmem>>) dst(%dma_wait3A_2834 : memref<32x1024xf32, #tpu.memory_space<hbm>>)
    } else {
    }
    %convert_element_type3A_2648 = arith.extui %reduce_and3A_2199 : i1 to i32
    %cond3A_2649 = arith.constant 0 : i32
    %cond3A_2650 = arith.cmpi ne, %convert_element_type3A_2648, %cond3A_2649 : i32
    scf.if %cond3A_2650 {
      %add3A_2828 = arith.constant 96 : i32
      %add3A_2829 = arith.addi %mul3A_32, %add3A_2828 : i32
      %dma_start3A = arith.constant 0 : i32
      %dma_start3A_2830 = tpu.memref_slice %arg3[%add3A_2829, %dma_start3A] : memref<2048x1024xf32, #tpu.memory_space<hbm>> -> memref<32x1024xf32, #tpu.memory_space<hbm>>
      %dma_start3A_2831 = arith.constant 0 : i32
      %dma_start3A_2832 = tpu.memref_slice %arg3[%add3A_2829, %dma_start3A_2831] : memref<2048x1024xf32, #tpu.memory_space<hbm>> -> memref<32x1024xf32, #tpu.memory_space<hbm>>
      tpu.enqueue_dma source(%dma_start3A_2832 : memref<32x1024xf32, #tpu.memory_space<hbm>>) target(%arg8 : memref<32x1024xf32, #tpu.memory_space<vmem>>) target_semaphore(%arg12 : memref<!tpu.dma_semaphore, #tpu.memory_space<semaphore_mem>>)
    } else {
    }
    %convert_element_type3A_2651 = arith.extui %and3A_2217 : i1 to i32
    %cond3A_2652 = arith.constant 0 : i32
    %cond3A_2653 = arith.cmpi ne, %convert_element_type3A_2651, %cond3A_2652 : i32
    scf.if %cond3A_2653 {
      %dma_start3A = arith.constant 3 : i32
      %dma_start3A_2828 = arith.constant 0 : i32
      %dma_start3A_2829 = tpu.memref_slice %arg7[%dma_start3A, %dma_start3A_2828] : memref<8x32xi32, #tpu.memory_space<vmem>> -> memref<1x32xi32, #tpu.memory_space<vmem>>
      %dma_start3A_2830 = tpu.memref_squeeze %dma_start3A_2829 : memref<1x32xi32, #tpu.memory_space<vmem>> -> memref<32xi32, #tpu.memory_space<vmem>>
      %dma_start3A_2831 = arith.constant 0 : i32
      %dma_start3A_2832 = arith.constant 0 : i32
      %dma_start3A_2833 = tpu.memref_slice %arg4[%dma_start3A_2831, %dma_start3A_2832] : memref<20481x1024xf32, #tpu.memory_space<hbm>> -> memref<20481x1024xf32, #tpu.memory_space<hbm>>
      tpu.enqueue_indirect_dma source(%dma_start3A_2833 : memref<20481x1024xf32, #tpu.memory_space<hbm>>) target(%arg8 : memref<32x1024xf32, #tpu.memory_space<vmem>>) offsets(%dma_start3A_2830 : memref<32xi32, #tpu.memory_space<vmem>>) semaphore(%arg12 : memref<!tpu.dma_semaphore, #tpu.memory_space<semaphore_mem>>)
    } else {
    }
    %not3A_2654 = arith.constant true
    %not3A_2655 = arith.xori %reduce_and3A_2142, %not3A_2654 : i1
    %convert_element_type3A_2656 = arith.extui %not3A_2655 : i1 to i32
    %cond3A_2657 = arith.constant 0 : i32
    %cond3A_2658 = arith.cmpi ne, %convert_element_type3A_2656, %cond3A_2657 : i32
    scf.if %cond3A_2658 {
      %add3A_2828 = arith.constant 32 : i32
      %add3A_2829 = arith.addi %mul3A_32, %add3A_2828 : i32
      %dma_wait3A = arith.constant 0 : i32
      %dma_wait3A_2830 = tpu.memref_slice %arg3[%add3A_2829, %dma_wait3A] : memref<2048x1024xf32, #tpu.memory_space<hbm>> -> memref<32x1024xf32, #tpu.memory_space<hbm>>
      %dma_wait3A_2831 = arith.constant 0 : i32
      %dma_wait3A_2832 = tpu.memref_slice %arg3[%add3A_2829, %dma_wait3A_2831] : memref<2048x1024xf32, #tpu.memory_space<hbm>> -> memref<32x1024xf32, #tpu.memory_space<hbm>>
      tpu.wait_dma2 semaphore(%arg13 : memref<!tpu.dma_semaphore, #tpu.memory_space<semaphore_mem>>) src(%dma_wait3A_2832 : memref<32x1024xf32, #tpu.memory_space<hbm>>) dst(%arg9 : memref<32x1024xf32, #tpu.memory_space<vmem>>)
    } else {
    }
    %not3A_2659 = arith.constant true
    %not3A_2660 = arith.xori %reduce_and3A_2142, %not3A_2659 : i1
    %convert_element_type3A_2661 = arith.extui %not3A_2660 : i1 to i32
    %cond3A_2662 = arith.constant 0 : i32
    %cond3A_2663 = arith.cmpi ne, %convert_element_type3A_2661, %cond3A_2662 : i32
    scf.if %cond3A_2663 {
      %add3A_2828 = arith.constant 32 : i32
      %add3A_2829 = arith.addi %mul3A_32, %add3A_2828 : i32
      %dma_start3A = arith.constant 0 : i32
      %dma_start3A_2830 = tpu.memref_slice %arg5[%select_n3A, %add3A_2829, %dma_start3A] : memref<4x2048x1024xf32, #tpu.memory_space<hbm>> -> memref<1x32x1024xf32, #tpu.memory_space<hbm>>
      %dma_start3A_2831 = tpu.memref_squeeze %dma_start3A_2830 : memref<1x32x1024xf32, #tpu.memory_space<hbm>> -> memref<32x1024xf32, #tpu.memory_space<hbm>>
      %dma_start3A_2832 = arith.constant 0 : i32
      %dma_start3A_2833 = tpu.memref_slice %arg5[%select_n3A, %add3A_2829, %dma_start3A_2832] : memref<4x2048x1024xf32, #tpu.memory_space<hbm>> -> memref<1x32x1024xf32, #tpu.memory_space<hbm>>
      %dma_start3A_2834 = tpu.memref_squeeze %dma_start3A_2833 : memref<1x32x1024xf32, #tpu.memory_space<hbm>> -> memref<32x1024xf32, #tpu.memory_space<hbm>>
      tpu.enqueue_dma source(%arg9 : memref<32x1024xf32, #tpu.memory_space<vmem>>) target(%dma_start3A_2834 : memref<32x1024xf32, #tpu.memory_space<hbm>>) target_semaphore(%arg16 : memref<!tpu.dma_semaphore, #tpu.memory_space<semaphore_mem>>)
    } else {
    }
    %convert_element_type3A_2664 = arith.extui %reduce_and3A_2142 : i1 to i32
    %cond3A_2665 = arith.constant 0 : i32
    %cond3A_2666 = arith.cmpi ne, %convert_element_type3A_2664, %cond3A_2665 : i32
    scf.if %cond3A_2666 {
      %add3A_2828 = arith.constant 32 : i32
      %add3A_2829 = arith.addi %mul3A_32, %add3A_2828 : i32
      %add3A_2830 = arith.constant 0 : i32
      %add3A_2831 = arith.addi %add3A_2829, %add3A_2830 : i32
      %dma_start3A = arith.constant 0 : i32
      %dma_start3A_2832 = tpu.memref_slice %arg5[%select_n3A, %add3A_2831, %dma_start3A] : memref<4x2048x1024xf32, #tpu.memory_space<hbm>> -> memref<1x8x1024xf32, #tpu.memory_space<hbm>>
      %dma_start3A_2833 = tpu.memref_squeeze %dma_start3A_2832 : memref<1x8x1024xf32, #tpu.memory_space<hbm>> -> memref<8x1024xf32, #tpu.memory_space<hbm>>
      %dma_start3A_2834 = arith.constant 0 : i32
      %dma_start3A_2835 = tpu.memref_slice %arg5[%select_n3A, %add3A_2831, %dma_start3A_2834] : memref<4x2048x1024xf32, #tpu.memory_space<hbm>> -> memref<1x8x1024xf32, #tpu.memory_space<hbm>>
      %dma_start3A_2836 = tpu.memref_squeeze %dma_start3A_2835 : memref<1x8x1024xf32, #tpu.memory_space<hbm>> -> memref<8x1024xf32, #tpu.memory_space<hbm>>
      tpu.enqueue_dma source(%arg11 : memref<8x1024xf32, #tpu.memory_space<vmem>>) target(%dma_start3A_2836 : memref<8x1024xf32, #tpu.memory_space<hbm>>) target_semaphore(%arg18 : memref<!tpu.dma_semaphore, #tpu.memory_space<semaphore_mem>>)
      %add3A_2837 = arith.constant 32 : i32
      %add3A_2838 = arith.addi %mul3A_32, %add3A_2837 : i32
      %add3A_2839 = arith.constant 8 : i32
      %add3A_2840 = arith.addi %add3A_2838, %add3A_2839 : i32
      %dma_start3A_2841 = arith.constant 0 : i32
      %dma_start3A_2842 = tpu.memref_slice %arg5[%select_n3A, %add3A_2840, %dma_start3A_2841] : memref<4x2048x1024xf32, #tpu.memory_space<hbm>> -> memref<1x8x1024xf32, #tpu.memory_space<hbm>>
      %dma_start3A_2843 = tpu.memref_squeeze %dma_start3A_2842 : memref<1x8x1024xf32, #tpu.memory_space<hbm>> -> memref<8x1024xf32, #tpu.memory_space<hbm>>
      %dma_start3A_2844 = arith.constant 0 : i32
      %dma_start3A_2845 = tpu.memref_slice %arg5[%select_n3A, %add3A_2840, %dma_start3A_2844] : memref<4x2048x1024xf32, #tpu.memory_space<hbm>> -> memref<1x8x1024xf32, #tpu.memory_space<hbm>>
      %dma_start3A_2846 = tpu.memref_squeeze %dma_start3A_2845 : memref<1x8x1024xf32, #tpu.memory_space<hbm>> -> memref<8x1024xf32, #tpu.memory_space<hbm>>
      tpu.enqueue_dma source(%arg11 : memref<8x1024xf32, #tpu.memory_space<vmem>>) target(%dma_start3A_2846 : memref<8x1024xf32, #tpu.memory_space<hbm>>) target_semaphore(%arg18 : memref<!tpu.dma_semaphore, #tpu.memory_space<semaphore_mem>>)
      %add3A_2847 = arith.constant 32 : i32
      %add3A_2848 = arith.addi %mul3A_32, %add3A_2847 : i32
      %add3A_2849 = arith.constant 16 : i32
      %add3A_2850 = arith.addi %add3A_2848, %add3A_2849 : i32
      %dma_start3A_2851 = arith.constant 0 : i32
      %dma_start3A_2852 = tpu.memref_slice %arg5[%select_n3A, %add3A_2850, %dma_start3A_2851] : memref<4x2048x1024xf32, #tpu.memory_space<hbm>> -> memref<1x8x1024xf32, #tpu.memory_space<hbm>>
      %dma_start3A_2853 = tpu.memref_squeeze %dma_start3A_2852 : memref<1x8x1024xf32, #tpu.memory_space<hbm>> -> memref<8x1024xf32, #tpu.memory_space<hbm>>
      %dma_start3A_2854 = arith.constant 0 : i32
      %dma_start3A_2855 = tpu.memref_slice %arg5[%select_n3A, %add3A_2850, %dma_start3A_2854] : memref<4x2048x1024xf32, #tpu.memory_space<hbm>> -> memref<1x8x1024xf32, #tpu.memory_space<hbm>>
      %dma_start3A_2856 = tpu.memref_squeeze %dma_start3A_2855 : memref<1x8x1024xf32, #tpu.memory_space<hbm>> -> memref<8x1024xf32, #tpu.memory_space<hbm>>
      tpu.enqueue_dma source(%arg11 : memref<8x1024xf32, #tpu.memory_space<vmem>>) target(%dma_start3A_2856 : memref<8x1024xf32, #tpu.memory_space<hbm>>) target_semaphore(%arg18 : memref<!tpu.dma_semaphore, #tpu.memory_space<semaphore_mem>>)
      %add3A_2857 = arith.constant 32 : i32
      %add3A_2858 = arith.addi %mul3A_32, %add3A_2857 : i32
      %add3A_2859 = arith.constant 24 : i32
      %add3A_2860 = arith.addi %add3A_2858, %add3A_2859 : i32
      %dma_start3A_2861 = arith.constant 0 : i32
      %dma_start3A_2862 = tpu.memref_slice %arg5[%select_n3A, %add3A_2860, %dma_start3A_2861] : memref<4x2048x1024xf32, #tpu.memory_space<hbm>> -> memref<1x8x1024xf32, #tpu.memory_space<hbm>>
      %dma_start3A_2863 = tpu.memref_squeeze %dma_start3A_2862 : memref<1x8x1024xf32, #tpu.memory_space<hbm>> -> memref<8x1024xf32, #tpu.memory_space<hbm>>
      %dma_start3A_2864 = arith.constant 0 : i32
      %dma_start3A_2865 = tpu.memref_slice %arg5[%select_n3A, %add3A_2860, %dma_start3A_2864] : memref<4x2048x1024xf32, #tpu.memory_space<hbm>> -> memref<1x8x1024xf32, #tpu.memory_space<hbm>>
      %dma_start3A_2866 = tpu.memref_squeeze %dma_start3A_2865 : memref<1x8x1024xf32, #tpu.memory_space<hbm>> -> memref<8x1024xf32, #tpu.memory_space<hbm>>
      tpu.enqueue_dma source(%arg11 : memref<8x1024xf32, #tpu.memory_space<vmem>>) target(%dma_start3A_2866 : memref<8x1024xf32, #tpu.memory_space<hbm>>) target_semaphore(%arg18 : memref<!tpu.dma_semaphore, #tpu.memory_space<semaphore_mem>>)
    } else {
    }
    %not3A_2667 = arith.constant true
    %not3A_2668 = arith.xori %reduce_and3A_2142, %not3A_2667 : i1
    %convert_element_type3A_2669 = arith.extui %not3A_2668 : i1 to i32
    %cond3A_2670 = arith.constant 0 : i32
    %cond3A_2671 = arith.cmpi ne, %convert_element_type3A_2669, %cond3A_2670 : i32
    scf.if %cond3A_2671 {
      %add3A_2828 = arith.constant 32 : i32
      %add3A_2829 = arith.addi %mul3A_32, %add3A_2828 : i32
      %dma_wait3A = arith.constant 0 : i32
      %dma_wait3A_2830 = tpu.memref_slice %arg5[%select_n3A, %add3A_2829, %dma_wait3A] : memref<4x2048x1024xf32, #tpu.memory_space<hbm>> -> memref<1x32x1024xf32, #tpu.memory_space<hbm>>
      %dma_wait3A_2831 = tpu.memref_squeeze %dma_wait3A_2830 : memref<1x32x1024xf32, #tpu.memory_space<hbm>> -> memref<32x1024xf32, #tpu.memory_space<hbm>>
      %dma_wait3A_2832 = arith.constant 0 : i32
      %dma_wait3A_2833 = tpu.memref_slice %arg5[%select_n3A, %add3A_2829, %dma_wait3A_2832] : memref<4x2048x1024xf32, #tpu.memory_space<hbm>> -> memref<1x32x1024xf32, #tpu.memory_space<hbm>>
      %dma_wait3A_2834 = tpu.memref_squeeze %dma_wait3A_2833 : memref<1x32x1024xf32, #tpu.memory_space<hbm>> -> memref<32x1024xf32, #tpu.memory_space<hbm>>
      tpu.wait_dma2 semaphore(%arg16 : memref<!tpu.dma_semaphore, #tpu.memory_space<semaphore_mem>>) src(%arg9 : memref<32x1024xf32, #tpu.memory_space<vmem>>) dst(%dma_wait3A_2834 : memref<32x1024xf32, #tpu.memory_space<hbm>>)
    } else {
    }
    %convert_element_type3A_2672 = arith.extui %reduce_and3A_2234 : i1 to i32
    %cond3A_2673 = arith.constant 0 : i32
    %cond3A_2674 = arith.cmpi ne, %convert_element_type3A_2672, %cond3A_2673 : i32
    scf.if %cond3A_2674 {
      %add3A_2828 = arith.constant 128 : i32
      %add3A_2829 = arith.addi %mul3A_32, %add3A_2828 : i32
      %dma_start3A = arith.constant 0 : i32
      %dma_start3A_2830 = tpu.memref_slice %arg3[%add3A_2829, %dma_start3A] : memref<2048x1024xf32, #tpu.memory_space<hbm>> -> memref<32x1024xf32, #tpu.memory_space<hbm>>
      %dma_start3A_2831 = arith.constant 0 : i32
      %dma_start3A_2832 = tpu.memref_slice %arg3[%add3A_2829, %dma_start3A_2831] : memref<2048x1024xf32, #tpu.memory_space<hbm>> -> memref<32x1024xf32, #tpu.memory_space<hbm>>
      tpu.enqueue_dma source(%dma_start3A_2832 : memref<32x1024xf32, #tpu.memory_space<hbm>>) target(%arg9 : memref<32x1024xf32, #tpu.memory_space<vmem>>) target_semaphore(%arg13 : memref<!tpu.dma_semaphore, #tpu.memory_space<semaphore_mem>>)
    } else {
    }
    %convert_element_type3A_2675 = arith.extui %and3A_2252 : i1 to i32
    %cond3A_2676 = arith.constant 0 : i32
    %cond3A_2677 = arith.cmpi ne, %convert_element_type3A_2675, %cond3A_2676 : i32
    scf.if %cond3A_2677 {
      %dma_start3A = arith.constant 4 : i32
      %dma_start3A_2828 = arith.constant 0 : i32
      %dma_start3A_2829 = tpu.memref_slice %arg7[%dma_start3A, %dma_start3A_2828] : memref<8x32xi32, #tpu.memory_space<vmem>> -> memref<1x32xi32, #tpu.memory_space<vmem>>
      %dma_start3A_2830 = tpu.memref_squeeze %dma_start3A_2829 : memref<1x32xi32, #tpu.memory_space<vmem>> -> memref<32xi32, #tpu.memory_space<vmem>>
      %dma_start3A_2831 = arith.constant 0 : i32
      %dma_start3A_2832 = arith.constant 0 : i32
      %dma_start3A_2833 = tpu.memref_slice %arg4[%dma_start3A_2831, %dma_start3A_2832] : memref<20481x1024xf32, #tpu.memory_space<hbm>> -> memref<20481x1024xf32, #tpu.memory_space<hbm>>
      tpu.enqueue_indirect_dma source(%dma_start3A_2833 : memref<20481x1024xf32, #tpu.memory_space<hbm>>) target(%arg9 : memref<32x1024xf32, #tpu.memory_space<vmem>>) offsets(%dma_start3A_2830 : memref<32xi32, #tpu.memory_space<vmem>>) semaphore(%arg13 : memref<!tpu.dma_semaphore, #tpu.memory_space<semaphore_mem>>)
    } else {
    }
    %not3A_2678 = arith.constant true
    %not3A_2679 = arith.xori %reduce_and3A_2177, %not3A_2678 : i1
    %convert_element_type3A_2680 = arith.extui %not3A_2679 : i1 to i32
    %cond3A_2681 = arith.constant 0 : i32
    %cond3A_2682 = arith.cmpi ne, %convert_element_type3A_2680, %cond3A_2681 : i32
    scf.if %cond3A_2682 {
      %add3A_2828 = arith.constant 64 : i32
      %add3A_2829 = arith.addi %mul3A_32, %add3A_2828 : i32
      %dma_wait3A = arith.constant 0 : i32
      %dma_wait3A_2830 = tpu.memref_slice %arg3[%add3A_2829, %dma_wait3A] : memref<2048x1024xf32, #tpu.memory_space<hbm>> -> memref<32x1024xf32, #tpu.memory_space<hbm>>
      %dma_wait3A_2831 = arith.constant 0 : i32
      %dma_wait3A_2832 = tpu.memref_slice %arg3[%add3A_2829, %dma_wait3A_2831] : memref<2048x1024xf32, #tpu.memory_space<hbm>> -> memref<32x1024xf32, #tpu.memory_space<hbm>>
      tpu.wait_dma2 semaphore(%arg14 : memref<!tpu.dma_semaphore, #tpu.memory_space<semaphore_mem>>) src(%dma_wait3A_2832 : memref<32x1024xf32, #tpu.memory_space<hbm>>) dst(%arg10 : memref<32x1024xf32, #tpu.memory_space<vmem>>)
    } else {
    }
    %not3A_2683 = arith.constant true
    %not3A_2684 = arith.xori %reduce_and3A_2177, %not3A_2683 : i1
    %convert_element_type3A_2685 = arith.extui %not3A_2684 : i1 to i32
    %cond3A_2686 = arith.constant 0 : i32
    %cond3A_2687 = arith.cmpi ne, %convert_element_type3A_2685, %cond3A_2686 : i32
    scf.if %cond3A_2687 {
      %add3A_2828 = arith.constant 64 : i32
      %add3A_2829 = arith.addi %mul3A_32, %add3A_2828 : i32
      %dma_start3A = arith.constant 0 : i32
      %dma_start3A_2830 = tpu.memref_slice %arg5[%select_n3A, %add3A_2829, %dma_start3A] : memref<4x2048x1024xf32, #tpu.memory_space<hbm>> -> memref<1x32x1024xf32, #tpu.memory_space<hbm>>
      %dma_start3A_2831 = tpu.memref_squeeze %dma_start3A_2830 : memref<1x32x1024xf32, #tpu.memory_space<hbm>> -> memref<32x1024xf32, #tpu.memory_space<hbm>>
      %dma_start3A_2832 = arith.constant 0 : i32
      %dma_start3A_2833 = tpu.memref_slice %arg5[%select_n3A, %add3A_2829, %dma_start3A_2832] : memref<4x2048x1024xf32, #tpu.memory_space<hbm>> -> memref<1x32x1024xf32, #tpu.memory_space<hbm>>
      %dma_start3A_2834 = tpu.memref_squeeze %dma_start3A_2833 : memref<1x32x1024xf32, #tpu.memory_space<hbm>> -> memref<32x1024xf32, #tpu.memory_space<hbm>>
      tpu.enqueue_dma source(%arg10 : memref<32x1024xf32, #tpu.memory_space<vmem>>) target(%dma_start3A_2834 : memref<32x1024xf32, #tpu.memory_space<hbm>>) target_semaphore(%arg17 : memref<!tpu.dma_semaphore, #tpu.memory_space<semaphore_mem>>)
    } else {
    }
    %convert_element_type3A_2688 = arith.extui %reduce_and3A_2177 : i1 to i32
    %cond3A_2689 = arith.constant 0 : i32
    %cond3A_2690 = arith.cmpi ne, %convert_element_type3A_2688, %cond3A_2689 : i32
    scf.if %cond3A_2690 {
      %add3A_2828 = arith.constant 64 : i32
      %add3A_2829 = arith.addi %mul3A_32, %add3A_2828 : i32
      %add3A_2830 = arith.constant 0 : i32
      %add3A_2831 = arith.addi %add3A_2829, %add3A_2830 : i32
      %dma_start3A = arith.constant 0 : i32
      %dma_start3A_2832 = tpu.memref_slice %arg5[%select_n3A, %add3A_2831, %dma_start3A] : memref<4x2048x1024xf32, #tpu.memory_space<hbm>> -> memref<1x8x1024xf32, #tpu.memory_space<hbm>>
      %dma_start3A_2833 = tpu.memref_squeeze %dma_start3A_2832 : memref<1x8x1024xf32, #tpu.memory_space<hbm>> -> memref<8x1024xf32, #tpu.memory_space<hbm>>
      %dma_start3A_2834 = arith.constant 0 : i32
      %dma_start3A_2835 = tpu.memref_slice %arg5[%select_n3A, %add3A_2831, %dma_start3A_2834] : memref<4x2048x1024xf32, #tpu.memory_space<hbm>> -> memref<1x8x1024xf32, #tpu.memory_space<hbm>>
      %dma_start3A_2836 = tpu.memref_squeeze %dma_start3A_2835 : memref<1x8x1024xf32, #tpu.memory_space<hbm>> -> memref<8x1024xf32, #tpu.memory_space<hbm>>
      tpu.enqueue_dma source(%arg11 : memref<8x1024xf32, #tpu.memory_space<vmem>>) target(%dma_start3A_2836 : memref<8x1024xf32, #tpu.memory_space<hbm>>) target_semaphore(%arg18 : memref<!tpu.dma_semaphore, #tpu.memory_space<semaphore_mem>>)
      %add3A_2837 = arith.constant 64 : i32
      %add3A_2838 = arith.addi %mul3A_32, %add3A_2837 : i32
      %add3A_2839 = arith.constant 8 : i32
      %add3A_2840 = arith.addi %add3A_2838, %add3A_2839 : i32
      %dma_start3A_2841 = arith.constant 0 : i32
      %dma_start3A_2842 = tpu.memref_slice %arg5[%select_n3A, %add3A_2840, %dma_start3A_2841] : memref<4x2048x1024xf32, #tpu.memory_space<hbm>> -> memref<1x8x1024xf32, #tpu.memory_space<hbm>>
      %dma_start3A_2843 = tpu.memref_squeeze %dma_start3A_2842 : memref<1x8x1024xf32, #tpu.memory_space<hbm>> -> memref<8x1024xf32, #tpu.memory_space<hbm>>
      %dma_start3A_2844 = arith.constant 0 : i32
      %dma_start3A_2845 = tpu.memref_slice %arg5[%select_n3A, %add3A_2840, %dma_start3A_2844] : memref<4x2048x1024xf32, #tpu.memory_space<hbm>> -> memref<1x8x1024xf32, #tpu.memory_space<hbm>>
      %dma_start3A_2846 = tpu.memref_squeeze %dma_start3A_2845 : memref<1x8x1024xf32, #tpu.memory_space<hbm>> -> memref<8x1024xf32, #tpu.memory_space<hbm>>
      tpu.enqueue_dma source(%arg11 : memref<8x1024xf32, #tpu.memory_space<vmem>>) target(%dma_start3A_2846 : memref<8x1024xf32, #tpu.memory_space<hbm>>) target_semaphore(%arg18 : memref<!tpu.dma_semaphore, #tpu.memory_space<semaphore_mem>>)
      %add3A_2847 = arith.constant 64 : i32
      %add3A_2848 = arith.addi %mul3A_32, %add3A_2847 : i32
      %add3A_2849 = arith.constant 16 : i32
      %add3A_2850 = arith.addi %add3A_2848, %add3A_2849 : i32
      %dma_start3A_2851 = arith.constant 0 : i32
      %dma_start3A_2852 = tpu.memref_slice %arg5[%select_n3A, %add3A_2850, %dma_start3A_2851] : memref<4x2048x1024xf32, #tpu.memory_space<hbm>> -> memref<1x8x1024xf32, #tpu.memory_space<hbm>>
      %dma_start3A_2853 = tpu.memref_squeeze %dma_start3A_2852 : memref<1x8x1024xf32, #tpu.memory_space<hbm>> -> memref<8x1024xf32, #tpu.memory_space<hbm>>
      %dma_start3A_2854 = arith.constant 0 : i32
      %dma_start3A_2855 = tpu.memref_slice %arg5[%select_n3A, %add3A_2850, %dma_start3A_2854] : memref<4x2048x1024xf32, #tpu.memory_space<hbm>> -> memref<1x8x1024xf32, #tpu.memory_space<hbm>>
      %dma_start3A_2856 = tpu.memref_squeeze %dma_start3A_2855 : memref<1x8x1024xf32, #tpu.memory_space<hbm>> -> memref<8x1024xf32, #tpu.memory_space<hbm>>
      tpu.enqueue_dma source(%arg11 : memref<8x1024xf32, #tpu.memory_space<vmem>>) target(%dma_start3A_2856 : memref<8x1024xf32, #tpu.memory_space<hbm>>) target_semaphore(%arg18 : memref<!tpu.dma_semaphore, #tpu.memory_space<semaphore_mem>>)
      %add3A_2857 = arith.constant 64 : i32
      %add3A_2858 = arith.addi %mul3A_32, %add3A_2857 : i32
      %add3A_2859 = arith.constant 24 : i32
      %add3A_2860 = arith.addi %add3A_2858, %add3A_2859 : i32
      %dma_start3A_2861 = arith.constant 0 : i32
      %dma_start3A_2862 = tpu.memref_slice %arg5[%select_n3A, %add3A_2860, %dma_start3A_2861] : memref<4x2048x1024xf32, #tpu.memory_space<hbm>> -> memref<1x8x1024xf32, #tpu.memory_space<hbm>>
      %dma_start3A_2863 = tpu.memref_squeeze %dma_start3A_2862 : memref<1x8x1024xf32, #tpu.memory_space<hbm>> -> memref<8x1024xf32, #tpu.memory_space<hbm>>
      %dma_start3A_2864 = arith.constant 0 : i32
      %dma_start3A_2865 = tpu.memref_slice %arg5[%select_n3A, %add3A_2860, %dma_start3A_2864] : memref<4x2048x1024xf32, #tpu.memory_space<hbm>> -> memref<1x8x1024xf32, #tpu.memory_space<hbm>>
      %dma_start3A_2866 = tpu.memref_squeeze %dma_start3A_2865 : memref<1x8x1024xf32, #tpu.memory_space<hbm>> -> memref<8x1024xf32, #tpu.memory_space<hbm>>
      tpu.enqueue_dma source(%arg11 : memref<8x1024xf32, #tpu.memory_space<vmem>>) target(%dma_start3A_2866 : memref<8x1024xf32, #tpu.memory_space<hbm>>) target_semaphore(%arg18 : memref<!tpu.dma_semaphore, #tpu.memory_space<semaphore_mem>>)
    } else {
    }
    %not3A_2691 = arith.constant true
    %not3A_2692 = arith.xori %reduce_and3A_2177, %not3A_2691 : i1
    %convert_element_type3A_2693 = arith.extui %not3A_2692 : i1 to i32
    %cond3A_2694 = arith.constant 0 : i32
    %cond3A_2695 = arith.cmpi ne, %convert_element_type3A_2693, %cond3A_2694 : i32
    scf.if %cond3A_2695 {
      %add3A_2828 = arith.constant 64 : i32
      %add3A_2829 = arith.addi %mul3A_32, %add3A_2828 : i32
      %dma_wait3A = arith.constant 0 : i32
      %dma_wait3A_2830 = tpu.memref_slice %arg5[%select_n3A, %add3A_2829, %dma_wait3A] : memref<4x2048x1024xf32, #tpu.memory_space<hbm>> -> memref<1x32x1024xf32, #tpu.memory_space<hbm>>
      %dma_wait3A_2831 = tpu.memref_squeeze %dma_wait3A_2830 : memref<1x32x1024xf32, #tpu.memory_space<hbm>> -> memref<32x1024xf32, #tpu.memory_space<hbm>>
      %dma_wait3A_2832 = arith.constant 0 : i32
      %dma_wait3A_2833 = tpu.memref_slice %arg5[%select_n3A, %add3A_2829, %dma_wait3A_2832] : memref<4x2048x1024xf32, #tpu.memory_space<hbm>> -> memref<1x32x1024xf32, #tpu.memory_space<hbm>>
      %dma_wait3A_2834 = tpu.memref_squeeze %dma_wait3A_2833 : memref<1x32x1024xf32, #tpu.memory_space<hbm>> -> memref<32x1024xf32, #tpu.memory_space<hbm>>
      tpu.wait_dma2 semaphore(%arg17 : memref<!tpu.dma_semaphore, #tpu.memory_space<semaphore_mem>>) src(%arg10 : memref<32x1024xf32, #tpu.memory_space<vmem>>) dst(%dma_wait3A_2834 : memref<32x1024xf32, #tpu.memory_space<hbm>>)
    } else {
    }
    %convert_element_type3A_2696 = arith.extui %reduce_and3A_2269 : i1 to i32
    %cond3A_2697 = arith.constant 0 : i32
    %cond3A_2698 = arith.cmpi ne, %convert_element_type3A_2696, %cond3A_2697 : i32
    scf.if %cond3A_2698 {
      %add3A_2828 = arith.constant 160 : i32
      %add3A_2829 = arith.addi %mul3A_32, %add3A_2828 : i32
      %dma_start3A = arith.constant 0 : i32
      %dma_start3A_2830 = tpu.memref_slice %arg3[%add3A_2829, %dma_start3A] : memref<2048x1024xf32, #tpu.memory_space<hbm>> -> memref<32x1024xf32, #tpu.memory_space<hbm>>
      %dma_start3A_2831 = arith.constant 0 : i32
      %dma_start3A_2832 = tpu.memref_slice %arg3[%add3A_2829, %dma_start3A_2831] : memref<2048x1024xf32, #tpu.memory_space<hbm>> -> memref<32x1024xf32, #tpu.memory_space<hbm>>
      tpu.enqueue_dma source(%dma_start3A_2832 : memref<32x1024xf32, #tpu.memory_space<hbm>>) target(%arg10 : memref<32x1024xf32, #tpu.memory_space<vmem>>) target_semaphore(%arg14 : memref<!tpu.dma_semaphore, #tpu.memory_space<semaphore_mem>>)
    } else {
    }
    %convert_element_type3A_2699 = arith.extui %and3A_2287 : i1 to i32
    %cond3A_2700 = arith.constant 0 : i32
    %cond3A_2701 = arith.cmpi ne, %convert_element_type3A_2699, %cond3A_2700 : i32
    scf.if %cond3A_2701 {
      %dma_start3A = arith.constant 5 : i32
      %dma_start3A_2828 = arith.constant 0 : i32
      %dma_start3A_2829 = tpu.memref_slice %arg7[%dma_start3A, %dma_start3A_2828] : memref<8x32xi32, #tpu.memory_space<vmem>> -> memref<1x32xi32, #tpu.memory_space<vmem>>
      %dma_start3A_2830 = tpu.memref_squeeze %dma_start3A_2829 : memref<1x32xi32, #tpu.memory_space<vmem>> -> memref<32xi32, #tpu.memory_space<vmem>>
      %dma_start3A_2831 = arith.constant 0 : i32
      %dma_start3A_2832 = arith.constant 0 : i32
      %dma_start3A_2833 = tpu.memref_slice %arg4[%dma_start3A_2831, %dma_start3A_2832] : memref<20481x1024xf32, #tpu.memory_space<hbm>> -> memref<20481x1024xf32, #tpu.memory_space<hbm>>
      tpu.enqueue_indirect_dma source(%dma_start3A_2833 : memref<20481x1024xf32, #tpu.memory_space<hbm>>) target(%arg10 : memref<32x1024xf32, #tpu.memory_space<vmem>>) offsets(%dma_start3A_2830 : memref<32xi32, #tpu.memory_space<vmem>>) semaphore(%arg14 : memref<!tpu.dma_semaphore, #tpu.memory_space<semaphore_mem>>)
    } else {
    }
    %not3A_2702 = arith.constant true
    %not3A_2703 = arith.xori %reduce_and3A_2212, %not3A_2702 : i1
    %convert_element_type3A_2704 = arith.extui %not3A_2703 : i1 to i32
    %cond3A_2705 = arith.constant 0 : i32
    %cond3A_2706 = arith.cmpi ne, %convert_element_type3A_2704, %cond3A_2705 : i32
    scf.if %cond3A_2706 {
      %add3A_2828 = arith.constant 96 : i32
      %add3A_2829 = arith.addi %mul3A_32, %add3A_2828 : i32
      %dma_wait3A = arith.constant 0 : i32
      %dma_wait3A_2830 = tpu.memref_slice %arg3[%add3A_2829, %dma_wait3A] : memref<2048x1024xf32, #tpu.memory_space<hbm>> -> memref<32x1024xf32, #tpu.memory_space<hbm>>
      %dma_wait3A_2831 = arith.constant 0 : i32
      %dma_wait3A_2832 = tpu.memref_slice %arg3[%add3A_2829, %dma_wait3A_2831] : memref<2048x1024xf32, #tpu.memory_space<hbm>> -> memref<32x1024xf32, #tpu.memory_space<hbm>>
      tpu.wait_dma2 semaphore(%arg12 : memref<!tpu.dma_semaphore, #tpu.memory_space<semaphore_mem>>) src(%dma_wait3A_2832 : memref<32x1024xf32, #tpu.memory_space<hbm>>) dst(%arg8 : memref<32x1024xf32, #tpu.memory_space<vmem>>)
    } else {
    }
    %not3A_2707 = arith.constant true
    %not3A_2708 = arith.xori %reduce_and3A_2212, %not3A_2707 : i1
    %convert_element_type3A_2709 = arith.extui %not3A_2708 : i1 to i32
    %cond3A_2710 = arith.constant 0 : i32
    %cond3A_2711 = arith.cmpi ne, %convert_element_type3A_2709, %cond3A_2710 : i32
    scf.if %cond3A_2711 {
      %add3A_2828 = arith.constant 96 : i32
      %add3A_2829 = arith.addi %mul3A_32, %add3A_2828 : i32
      %dma_start3A = arith.constant 0 : i32
      %dma_start3A_2830 = tpu.memref_slice %arg5[%select_n3A, %add3A_2829, %dma_start3A] : memref<4x2048x1024xf32, #tpu.memory_space<hbm>> -> memref<1x32x1024xf32, #tpu.memory_space<hbm>>
      %dma_start3A_2831 = tpu.memref_squeeze %dma_start3A_2830 : memref<1x32x1024xf32, #tpu.memory_space<hbm>> -> memref<32x1024xf32, #tpu.memory_space<hbm>>
      %dma_start3A_2832 = arith.constant 0 : i32
      %dma_start3A_2833 = tpu.memref_slice %arg5[%select_n3A, %add3A_2829, %dma_start3A_2832] : memref<4x2048x1024xf32, #tpu.memory_space<hbm>> -> memref<1x32x1024xf32, #tpu.memory_space<hbm>>
      %dma_start3A_2834 = tpu.memref_squeeze %dma_start3A_2833 : memref<1x32x1024xf32, #tpu.memory_space<hbm>> -> memref<32x1024xf32, #tpu.memory_space<hbm>>
      tpu.enqueue_dma source(%arg8 : memref<32x1024xf32, #tpu.memory_space<vmem>>) target(%dma_start3A_2834 : memref<32x1024xf32, #tpu.memory_space<hbm>>) target_semaphore(%arg15 : memref<!tpu.dma_semaphore, #tpu.memory_space<semaphore_mem>>)
    } else {
    }
    %convert_element_type3A_2712 = arith.extui %reduce_and3A_2212 : i1 to i32
    %cond3A_2713 = arith.constant 0 : i32
    %cond3A_2714 = arith.cmpi ne, %convert_element_type3A_2712, %cond3A_2713 : i32
    scf.if %cond3A_2714 {
      %add3A_2828 = arith.constant 96 : i32
      %add3A_2829 = arith.addi %mul3A_32, %add3A_2828 : i32
      %add3A_2830 = arith.constant 0 : i32
      %add3A_2831 = arith.addi %add3A_2829, %add3A_2830 : i32
      %dma_start3A = arith.constant 0 : i32
      %dma_start3A_2832 = tpu.memref_slice %arg5[%select_n3A, %add3A_2831, %dma_start3A] : memref<4x2048x1024xf32, #tpu.memory_space<hbm>> -> memref<1x8x1024xf32, #tpu.memory_space<hbm>>
      %dma_start3A_2833 = tpu.memref_squeeze %dma_start3A_2832 : memref<1x8x1024xf32, #tpu.memory_space<hbm>> -> memref<8x1024xf32, #tpu.memory_space<hbm>>
      %dma_start3A_2834 = arith.constant 0 : i32
      %dma_start3A_2835 = tpu.memref_slice %arg5[%select_n3A, %add3A_2831, %dma_start3A_2834] : memref<4x2048x1024xf32, #tpu.memory_space<hbm>> -> memref<1x8x1024xf32, #tpu.memory_space<hbm>>
      %dma_start3A_2836 = tpu.memref_squeeze %dma_start3A_2835 : memref<1x8x1024xf32, #tpu.memory_space<hbm>> -> memref<8x1024xf32, #tpu.memory_space<hbm>>
      tpu.enqueue_dma source(%arg11 : memref<8x1024xf32, #tpu.memory_space<vmem>>) target(%dma_start3A_2836 : memref<8x1024xf32, #tpu.memory_space<hbm>>) target_semaphore(%arg18 : memref<!tpu.dma_semaphore, #tpu.memory_space<semaphore_mem>>)
      %add3A_2837 = arith.constant 96 : i32
      %add3A_2838 = arith.addi %mul3A_32, %add3A_2837 : i32
      %add3A_2839 = arith.constant 8 : i32
      %add3A_2840 = arith.addi %add3A_2838, %add3A_2839 : i32
      %dma_start3A_2841 = arith.constant 0 : i32
      %dma_start3A_2842 = tpu.memref_slice %arg5[%select_n3A, %add3A_2840, %dma_start3A_2841] : memref<4x2048x1024xf32, #tpu.memory_space<hbm>> -> memref<1x8x1024xf32, #tpu.memory_space<hbm>>
      %dma_start3A_2843 = tpu.memref_squeeze %dma_start3A_2842 : memref<1x8x1024xf32, #tpu.memory_space<hbm>> -> memref<8x1024xf32, #tpu.memory_space<hbm>>
      %dma_start3A_2844 = arith.constant 0 : i32
      %dma_start3A_2845 = tpu.memref_slice %arg5[%select_n3A, %add3A_2840, %dma_start3A_2844] : memref<4x2048x1024xf32, #tpu.memory_space<hbm>> -> memref<1x8x1024xf32, #tpu.memory_space<hbm>>
      %dma_start3A_2846 = tpu.memref_squeeze %dma_start3A_2845 : memref<1x8x1024xf32, #tpu.memory_space<hbm>> -> memref<8x1024xf32, #tpu.memory_space<hbm>>
      tpu.enqueue_dma source(%arg11 : memref<8x1024xf32, #tpu.memory_space<vmem>>) target(%dma_start3A_2846 : memref<8x1024xf32, #tpu.memory_space<hbm>>) target_semaphore(%arg18 : memref<!tpu.dma_semaphore, #tpu.memory_space<semaphore_mem>>)
      %add3A_2847 = arith.constant 96 : i32
      %add3A_2848 = arith.addi %mul3A_32, %add3A_2847 : i32
      %add3A_2849 = arith.constant 16 : i32
      %add3A_2850 = arith.addi %add3A_2848, %add3A_2849 : i32
      %dma_start3A_2851 = arith.constant 0 : i32
      %dma_start3A_2852 = tpu.memref_slice %arg5[%select_n3A, %add3A_2850, %dma_start3A_2851] : memref<4x2048x1024xf32, #tpu.memory_space<hbm>> -> memref<1x8x1024xf32, #tpu.memory_space<hbm>>
      %dma_start3A_2853 = tpu.memref_squeeze %dma_start3A_2852 : memref<1x8x1024xf32, #tpu.memory_space<hbm>> -> memref<8x1024xf32, #tpu.memory_space<hbm>>
      %dma_start3A_2854 = arith.constant 0 : i32
      %dma_start3A_2855 = tpu.memref_slice %arg5[%select_n3A, %add3A_2850, %dma_start3A_2854] : memref<4x2048x1024xf32, #tpu.memory_space<hbm>> -> memref<1x8x1024xf32, #tpu.memory_space<hbm>>
      %dma_start3A_2856 = tpu.memref_squeeze %dma_start3A_2855 : memref<1x8x1024xf32, #tpu.memory_space<hbm>> -> memref<8x1024xf32, #tpu.memory_space<hbm>>
      tpu.enqueue_dma source(%arg11 : memref<8x1024xf32, #tpu.memory_space<vmem>>) target(%dma_start3A_2856 : memref<8x1024xf32, #tpu.memory_space<hbm>>) target_semaphore(%arg18 : memref<!tpu.dma_semaphore, #tpu.memory_space<semaphore_mem>>)
      %add3A_2857 = arith.constant 96 : i32
      %add3A_2858 = arith.addi %mul3A_32, %add3A_2857 : i32
      %add3A_2859 = arith.constant 24 : i32
      %add3A_2860 = arith.addi %add3A_2858, %add3A_2859 : i32
      %dma_start3A_2861 = arith.constant 0 : i32
      %dma_start3A_2862 = tpu.memref_slice %arg5[%select_n3A, %add3A_2860, %dma_start3A_2861] : memref<4x2048x1024xf32, #tpu.memory_space<hbm>> -> memref<1x8x1024xf32, #tpu.memory_space<hbm>>
      %dma_start3A_2863 = tpu.memref_squeeze %dma_start3A_2862 : memref<1x8x1024xf32, #tpu.memory_space<hbm>> -> memref<8x1024xf32, #tpu.memory_space<hbm>>
      %dma_start3A_2864 = arith.constant 0 : i32
      %dma_start3A_2865 = tpu.memref_slice %arg5[%select_n3A, %add3A_2860, %dma_start3A_2864] : memref<4x2048x1024xf32, #tpu.memory_space<hbm>> -> memref<1x8x1024xf32, #tpu.memory_space<hbm>>
      %dma_start3A_2866 = tpu.memref_squeeze %dma_start3A_2865 : memref<1x8x1024xf32, #tpu.memory_space<hbm>> -> memref<8x1024xf32, #tpu.memory_space<hbm>>
      tpu.enqueue_dma source(%arg11 : memref<8x1024xf32, #tpu.memory_space<vmem>>) target(%dma_start3A_2866 : memref<8x1024xf32, #tpu.memory_space<hbm>>) target_semaphore(%arg18 : memref<!tpu.dma_semaphore, #tpu.memory_space<semaphore_mem>>)
    } else {
    }
    %not3A_2715 = arith.constant true
    %not3A_2716 = arith.xori %reduce_and3A_2212, %not3A_2715 : i1
    %convert_element_type3A_2717 = arith.extui %not3A_2716 : i1 to i32
    %cond3A_2718 = arith.constant 0 : i32
    %cond3A_2719 = arith.cmpi ne, %convert_element_type3A_2717, %cond3A_2718 : i32
    scf.if %cond3A_2719 {
      %add3A_2828 = arith.constant 96 : i32
      %add3A_2829 = arith.addi %mul3A_32, %add3A_2828 : i32
      %dma_wait3A = arith.constant 0 : i32
      %dma_wait3A_2830 = tpu.memref_slice %arg5[%select_n3A, %add3A_2829, %dma_wait3A] : memref<4x2048x1024xf32, #tpu.memory_space<hbm>> -> memref<1x32x1024xf32, #tpu.memory_space<hbm>>
      %dma_wait3A_2831 = tpu.memref_squeeze %dma_wait3A_2830 : memref<1x32x1024xf32, #tpu.memory_space<hbm>> -> memref<32x1024xf32, #tpu.memory_space<hbm>>
      %dma_wait3A_2832 = arith.constant 0 : i32
      %dma_wait3A_2833 = tpu.memref_slice %arg5[%select_n3A, %add3A_2829, %dma_wait3A_2832] : memref<4x2048x1024xf32, #tpu.memory_space<hbm>> -> memref<1x32x1024xf32, #tpu.memory_space<hbm>>
      %dma_wait3A_2834 = tpu.memref_squeeze %dma_wait3A_2833 : memref<1x32x1024xf32, #tpu.memory_space<hbm>> -> memref<32x1024xf32, #tpu.memory_space<hbm>>
      tpu.wait_dma2 semaphore(%arg15 : memref<!tpu.dma_semaphore, #tpu.memory_space<semaphore_mem>>) src(%arg8 : memref<32x1024xf32, #tpu.memory_space<vmem>>) dst(%dma_wait3A_2834 : memref<32x1024xf32, #tpu.memory_space<hbm>>)
    } else {
    }
    %convert_element_type3A_2720 = arith.extui %reduce_and3A_2304 : i1 to i32
    %cond3A_2721 = arith.constant 0 : i32
    %cond3A_2722 = arith.cmpi ne, %convert_element_type3A_2720, %cond3A_2721 : i32
    scf.if %cond3A_2722 {
      %add3A_2828 = arith.constant 192 : i32
      %add3A_2829 = arith.addi %mul3A_32, %add3A_2828 : i32
      %dma_start3A = arith.constant 0 : i32
      %dma_start3A_2830 = tpu.memref_slice %arg3[%add3A_2829, %dma_start3A] : memref<2048x1024xf32, #tpu.memory_space<hbm>> -> memref<32x1024xf32, #tpu.memory_space<hbm>>
      %dma_start3A_2831 = arith.constant 0 : i32
      %dma_start3A_2832 = tpu.memref_slice %arg3[%add3A_2829, %dma_start3A_2831] : memref<2048x1024xf32, #tpu.memory_space<hbm>> -> memref<32x1024xf32, #tpu.memory_space<hbm>>
      tpu.enqueue_dma source(%dma_start3A_2832 : memref<32x1024xf32, #tpu.memory_space<hbm>>) target(%arg8 : memref<32x1024xf32, #tpu.memory_space<vmem>>) target_semaphore(%arg12 : memref<!tpu.dma_semaphore, #tpu.memory_space<semaphore_mem>>)
    } else {
    }
    %convert_element_type3A_2723 = arith.extui %and3A_2322 : i1 to i32
    %cond3A_2724 = arith.constant 0 : i32
    %cond3A_2725 = arith.cmpi ne, %convert_element_type3A_2723, %cond3A_2724 : i32
    scf.if %cond3A_2725 {
      %dma_start3A = arith.constant 6 : i32
      %dma_start3A_2828 = arith.constant 0 : i32
      %dma_start3A_2829 = tpu.memref_slice %arg7[%dma_start3A, %dma_start3A_2828] : memref<8x32xi32, #tpu.memory_space<vmem>> -> memref<1x32xi32, #tpu.memory_space<vmem>>
      %dma_start3A_2830 = tpu.memref_squeeze %dma_start3A_2829 : memref<1x32xi32, #tpu.memory_space<vmem>> -> memref<32xi32, #tpu.memory_space<vmem>>
      %dma_start3A_2831 = arith.constant 0 : i32
      %dma_start3A_2832 = arith.constant 0 : i32
      %dma_start3A_2833 = tpu.memref_slice %arg4[%dma_start3A_2831, %dma_start3A_2832] : memref<20481x1024xf32, #tpu.memory_space<hbm>> -> memref<20481x1024xf32, #tpu.memory_space<hbm>>
      tpu.enqueue_indirect_dma source(%dma_start3A_2833 : memref<20481x1024xf32, #tpu.memory_space<hbm>>) target(%arg8 : memref<32x1024xf32, #tpu.memory_space<vmem>>) offsets(%dma_start3A_2830 : memref<32xi32, #tpu.memory_space<vmem>>) semaphore(%arg12 : memref<!tpu.dma_semaphore, #tpu.memory_space<semaphore_mem>>)
    } else {
    }
    %not3A_2726 = arith.constant true
    %not3A_2727 = arith.xori %reduce_and3A_2247, %not3A_2726 : i1
    %convert_element_type3A_2728 = arith.extui %not3A_2727 : i1 to i32
    %cond3A_2729 = arith.constant 0 : i32
    %cond3A_2730 = arith.cmpi ne, %convert_element_type3A_2728, %cond3A_2729 : i32
    scf.if %cond3A_2730 {
      %add3A_2828 = arith.constant 128 : i32
      %add3A_2829 = arith.addi %mul3A_32, %add3A_2828 : i32
      %dma_wait3A = arith.constant 0 : i32
      %dma_wait3A_2830 = tpu.memref_slice %arg3[%add3A_2829, %dma_wait3A] : memref<2048x1024xf32, #tpu.memory_space<hbm>> -> memref<32x1024xf32, #tpu.memory_space<hbm>>
      %dma_wait3A_2831 = arith.constant 0 : i32
      %dma_wait3A_2832 = tpu.memref_slice %arg3[%add3A_2829, %dma_wait3A_2831] : memref<2048x1024xf32, #tpu.memory_space<hbm>> -> memref<32x1024xf32, #tpu.memory_space<hbm>>
      tpu.wait_dma2 semaphore(%arg13 : memref<!tpu.dma_semaphore, #tpu.memory_space<semaphore_mem>>) src(%dma_wait3A_2832 : memref<32x1024xf32, #tpu.memory_space<hbm>>) dst(%arg9 : memref<32x1024xf32, #tpu.memory_space<vmem>>)
    } else {
    }
    %not3A_2731 = arith.constant true
    %not3A_2732 = arith.xori %reduce_and3A_2247, %not3A_2731 : i1
    %convert_element_type3A_2733 = arith.extui %not3A_2732 : i1 to i32
    %cond3A_2734 = arith.constant 0 : i32
    %cond3A_2735 = arith.cmpi ne, %convert_element_type3A_2733, %cond3A_2734 : i32
    scf.if %cond3A_2735 {
      %add3A_2828 = arith.constant 128 : i32
      %add3A_2829 = arith.addi %mul3A_32, %add3A_2828 : i32
      %dma_start3A = arith.constant 0 : i32
      %dma_start3A_2830 = tpu.memref_slice %arg5[%select_n3A, %add3A_2829, %dma_start3A] : memref<4x2048x1024xf32, #tpu.memory_space<hbm>> -> memref<1x32x1024xf32, #tpu.memory_space<hbm>>
      %dma_start3A_2831 = tpu.memref_squeeze %dma_start3A_2830 : memref<1x32x1024xf32, #tpu.memory_space<hbm>> -> memref<32x1024xf32, #tpu.memory_space<hbm>>
      %dma_start3A_2832 = arith.constant 0 : i32
      %dma_start3A_2833 = tpu.memref_slice %arg5[%select_n3A, %add3A_2829, %dma_start3A_2832] : memref<4x2048x1024xf32, #tpu.memory_space<hbm>> -> memref<1x32x1024xf32, #tpu.memory_space<hbm>>
      %dma_start3A_2834 = tpu.memref_squeeze %dma_start3A_2833 : memref<1x32x1024xf32, #tpu.memory_space<hbm>> -> memref<32x1024xf32, #tpu.memory_space<hbm>>
      tpu.enqueue_dma source(%arg9 : memref<32x1024xf32, #tpu.memory_space<vmem>>) target(%dma_start3A_2834 : memref<32x1024xf32, #tpu.memory_space<hbm>>) target_semaphore(%arg16 : memref<!tpu.dma_semaphore, #tpu.memory_space<semaphore_mem>>)
    } else {
    }
    %convert_element_type3A_2736 = arith.extui %reduce_and3A_2247 : i1 to i32
    %cond3A_2737 = arith.constant 0 : i32
    %cond3A_2738 = arith.cmpi ne, %convert_element_type3A_2736, %cond3A_2737 : i32
    scf.if %cond3A_2738 {
      %add3A_2828 = arith.constant 128 : i32
      %add3A_2829 = arith.addi %mul3A_32, %add3A_2828 : i32
      %add3A_2830 = arith.constant 0 : i32
      %add3A_2831 = arith.addi %add3A_2829, %add3A_2830 : i32
      %dma_start3A = arith.constant 0 : i32
      %dma_start3A_2832 = tpu.memref_slice %arg5[%select_n3A, %add3A_2831, %dma_start3A] : memref<4x2048x1024xf32, #tpu.memory_space<hbm>> -> memref<1x8x1024xf32, #tpu.memory_space<hbm>>
      %dma_start3A_2833 = tpu.memref_squeeze %dma_start3A_2832 : memref<1x8x1024xf32, #tpu.memory_space<hbm>> -> memref<8x1024xf32, #tpu.memory_space<hbm>>
      %dma_start3A_2834 = arith.constant 0 : i32
      %dma_start3A_2835 = tpu.memref_slice %arg5[%select_n3A, %add3A_2831, %dma_start3A_2834] : memref<4x2048x1024xf32, #tpu.memory_space<hbm>> -> memref<1x8x1024xf32, #tpu.memory_space<hbm>>
      %dma_start3A_2836 = tpu.memref_squeeze %dma_start3A_2835 : memref<1x8x1024xf32, #tpu.memory_space<hbm>> -> memref<8x1024xf32, #tpu.memory_space<hbm>>
      tpu.enqueue_dma source(%arg11 : memref<8x1024xf32, #tpu.memory_space<vmem>>) target(%dma_start3A_2836 : memref<8x1024xf32, #tpu.memory_space<hbm>>) target_semaphore(%arg18 : memref<!tpu.dma_semaphore, #tpu.memory_space<semaphore_mem>>)
      %add3A_2837 = arith.constant 128 : i32
      %add3A_2838 = arith.addi %mul3A_32, %add3A_2837 : i32
      %add3A_2839 = arith.constant 8 : i32
      %add3A_2840 = arith.addi %add3A_2838, %add3A_2839 : i32
      %dma_start3A_2841 = arith.constant 0 : i32
      %dma_start3A_2842 = tpu.memref_slice %arg5[%select_n3A, %add3A_2840, %dma_start3A_2841] : memref<4x2048x1024xf32, #tpu.memory_space<hbm>> -> memref<1x8x1024xf32, #tpu.memory_space<hbm>>
      %dma_start3A_2843 = tpu.memref_squeeze %dma_start3A_2842 : memref<1x8x1024xf32, #tpu.memory_space<hbm>> -> memref<8x1024xf32, #tpu.memory_space<hbm>>
      %dma_start3A_2844 = arith.constant 0 : i32
      %dma_start3A_2845 = tpu.memref_slice %arg5[%select_n3A, %add3A_2840, %dma_start3A_2844] : memref<4x2048x1024xf32, #tpu.memory_space<hbm>> -> memref<1x8x1024xf32, #tpu.memory_space<hbm>>
      %dma_start3A_2846 = tpu.memref_squeeze %dma_start3A_2845 : memref<1x8x1024xf32, #tpu.memory_space<hbm>> -> memref<8x1024xf32, #tpu.memory_space<hbm>>
      tpu.enqueue_dma source(%arg11 : memref<8x1024xf32, #tpu.memory_space<vmem>>) target(%dma_start3A_2846 : memref<8x1024xf32, #tpu.memory_space<hbm>>) target_semaphore(%arg18 : memref<!tpu.dma_semaphore, #tpu.memory_space<semaphore_mem>>)
      %add3A_2847 = arith.constant 128 : i32
      %add3A_2848 = arith.addi %mul3A_32, %add3A_2847 : i32
      %add3A_2849 = arith.constant 16 : i32
      %add3A_2850 = arith.addi %add3A_2848, %add3A_2849 : i32
      %dma_start3A_2851 = arith.constant 0 : i32
      %dma_start3A_2852 = tpu.memref_slice %arg5[%select_n3A, %add3A_2850, %dma_start3A_2851] : memref<4x2048x1024xf32, #tpu.memory_space<hbm>> -> memref<1x8x1024xf32, #tpu.memory_space<hbm>>
      %dma_start3A_2853 = tpu.memref_squeeze %dma_start3A_2852 : memref<1x8x1024xf32, #tpu.memory_space<hbm>> -> memref<8x1024xf32, #tpu.memory_space<hbm>>
      %dma_start3A_2854 = arith.constant 0 : i32
      %dma_start3A_2855 = tpu.memref_slice %arg5[%select_n3A, %add3A_2850, %dma_start3A_2854] : memref<4x2048x1024xf32, #tpu.memory_space<hbm>> -> memref<1x8x1024xf32, #tpu.memory_space<hbm>>
      %dma_start3A_2856 = tpu.memref_squeeze %dma_start3A_2855 : memref<1x8x1024xf32, #tpu.memory_space<hbm>> -> memref<8x1024xf32, #tpu.memory_space<hbm>>
      tpu.enqueue_dma source(%arg11 : memref<8x1024xf32, #tpu.memory_space<vmem>>) target(%dma_start3A_2856 : memref<8x1024xf32, #tpu.memory_space<hbm>>) target_semaphore(%arg18 : memref<!tpu.dma_semaphore, #tpu.memory_space<semaphore_mem>>)
      %add3A_2857 = arith.constant 128 : i32
      %add3A_2858 = arith.addi %mul3A_32, %add3A_2857 : i32
      %add3A_2859 = arith.constant 24 : i32
      %add3A_2860 = arith.addi %add3A_2858, %add3A_2859 : i32
      %dma_start3A_2861 = arith.constant 0 : i32
      %dma_start3A_2862 = tpu.memref_slice %arg5[%select_n3A, %add3A_2860, %dma_start3A_2861] : memref<4x2048x1024xf32, #tpu.memory_space<hbm>> -> memref<1x8x1024xf32, #tpu.memory_space<hbm>>
      %dma_start3A_2863 = tpu.memref_squeeze %dma_start3A_2862 : memref<1x8x1024xf32, #tpu.memory_space<hbm>> -> memref<8x1024xf32, #tpu.memory_space<hbm>>
      %dma_start3A_2864 = arith.constant 0 : i32
      %dma_start3A_2865 = tpu.memref_slice %arg5[%select_n3A, %add3A_2860, %dma_start3A_2864] : memref<4x2048x1024xf32, #tpu.memory_space<hbm>> -> memref<1x8x1024xf32, #tpu.memory_space<hbm>>
      %dma_start3A_2866 = tpu.memref_squeeze %dma_start3A_2865 : memref<1x8x1024xf32, #tpu.memory_space<hbm>> -> memref<8x1024xf32, #tpu.memory_space<hbm>>
      tpu.enqueue_dma source(%arg11 : memref<8x1024xf32, #tpu.memory_space<vmem>>) target(%dma_start3A_2866 : memref<8x1024xf32, #tpu.memory_space<hbm>>) target_semaphore(%arg18 : memref<!tpu.dma_semaphore, #tpu.memory_space<semaphore_mem>>)
    } else {
    }
    %not3A_2739 = arith.constant true
    %not3A_2740 = arith.xori %reduce_and3A_2247, %not3A_2739 : i1
    %convert_element_type3A_2741 = arith.extui %not3A_2740 : i1 to i32
    %cond3A_2742 = arith.constant 0 : i32
    %cond3A_2743 = arith.cmpi ne, %convert_element_type3A_2741, %cond3A_2742 : i32
    scf.if %cond3A_2743 {
      %add3A_2828 = arith.constant 128 : i32
      %add3A_2829 = arith.addi %mul3A_32, %add3A_2828 : i32
      %dma_wait3A = arith.constant 0 : i32
      %dma_wait3A_2830 = tpu.memref_slice %arg5[%select_n3A, %add3A_2829, %dma_wait3A] : memref<4x2048x1024xf32, #tpu.memory_space<hbm>> -> memref<1x32x1024xf32, #tpu.memory_space<hbm>>
      %dma_wait3A_2831 = tpu.memref_squeeze %dma_wait3A_2830 : memref<1x32x1024xf32, #tpu.memory_space<hbm>> -> memref<32x1024xf32, #tpu.memory_space<hbm>>
      %dma_wait3A_2832 = arith.constant 0 : i32
      %dma_wait3A_2833 = tpu.memref_slice %arg5[%select_n3A, %add3A_2829, %dma_wait3A_2832] : memref<4x2048x1024xf32, #tpu.memory_space<hbm>> -> memref<1x32x1024xf32, #tpu.memory_space<hbm>>
      %dma_wait3A_2834 = tpu.memref_squeeze %dma_wait3A_2833 : memref<1x32x1024xf32, #tpu.memory_space<hbm>> -> memref<32x1024xf32, #tpu.memory_space<hbm>>
      tpu.wait_dma2 semaphore(%arg16 : memref<!tpu.dma_semaphore, #tpu.memory_space<semaphore_mem>>) src(%arg9 : memref<32x1024xf32, #tpu.memory_space<vmem>>) dst(%dma_wait3A_2834 : memref<32x1024xf32, #tpu.memory_space<hbm>>)
    } else {
    }
    %convert_element_type3A_2744 = arith.extui %reduce_and3A_2339 : i1 to i32
    %cond3A_2745 = arith.constant 0 : i32
    %cond3A_2746 = arith.cmpi ne, %convert_element_type3A_2744, %cond3A_2745 : i32
    scf.if %cond3A_2746 {
      %add3A_2828 = arith.constant 224 : i32
      %add3A_2829 = arith.addi %mul3A_32, %add3A_2828 : i32
      %dma_start3A = arith.constant 0 : i32
      %dma_start3A_2830 = tpu.memref_slice %arg3[%add3A_2829, %dma_start3A] : memref<2048x1024xf32, #tpu.memory_space<hbm>> -> memref<32x1024xf32, #tpu.memory_space<hbm>>
      %dma_start3A_2831 = arith.constant 0 : i32
      %dma_start3A_2832 = tpu.memref_slice %arg3[%add3A_2829, %dma_start3A_2831] : memref<2048x1024xf32, #tpu.memory_space<hbm>> -> memref<32x1024xf32, #tpu.memory_space<hbm>>
      tpu.enqueue_dma source(%dma_start3A_2832 : memref<32x1024xf32, #tpu.memory_space<hbm>>) target(%arg9 : memref<32x1024xf32, #tpu.memory_space<vmem>>) target_semaphore(%arg13 : memref<!tpu.dma_semaphore, #tpu.memory_space<semaphore_mem>>)
    } else {
    }
    %convert_element_type3A_2747 = arith.extui %and3A_2357 : i1 to i32
    %cond3A_2748 = arith.constant 0 : i32
    %cond3A_2749 = arith.cmpi ne, %convert_element_type3A_2747, %cond3A_2748 : i32
    scf.if %cond3A_2749 {
      %dma_start3A = arith.constant 7 : i32
      %dma_start3A_2828 = arith.constant 0 : i32
      %dma_start3A_2829 = tpu.memref_slice %arg7[%dma_start3A, %dma_start3A_2828] : memref<8x32xi32, #tpu.memory_space<vmem>> -> memref<1x32xi32, #tpu.memory_space<vmem>>
      %dma_start3A_2830 = tpu.memref_squeeze %dma_start3A_2829 : memref<1x32xi32, #tpu.memory_space<vmem>> -> memref<32xi32, #tpu.memory_space<vmem>>
      %dma_start3A_2831 = arith.constant 0 : i32
      %dma_start3A_2832 = arith.constant 0 : i32
      %dma_start3A_2833 = tpu.memref_slice %arg4[%dma_start3A_2831, %dma_start3A_2832] : memref<20481x1024xf32, #tpu.memory_space<hbm>> -> memref<20481x1024xf32, #tpu.memory_space<hbm>>
      tpu.enqueue_indirect_dma source(%dma_start3A_2833 : memref<20481x1024xf32, #tpu.memory_space<hbm>>) target(%arg9 : memref<32x1024xf32, #tpu.memory_space<vmem>>) offsets(%dma_start3A_2830 : memref<32xi32, #tpu.memory_space<vmem>>) semaphore(%arg13 : memref<!tpu.dma_semaphore, #tpu.memory_space<semaphore_mem>>)
    } else {
    }
    %not3A_2750 = arith.constant true
    %not3A_2751 = arith.xori %reduce_and3A_2282, %not3A_2750 : i1
    %convert_element_type3A_2752 = arith.extui %not3A_2751 : i1 to i32
    %cond3A_2753 = arith.constant 0 : i32
    %cond3A_2754 = arith.cmpi ne, %convert_element_type3A_2752, %cond3A_2753 : i32
    scf.if %cond3A_2754 {
      %add3A_2828 = arith.constant 160 : i32
      %add3A_2829 = arith.addi %mul3A_32, %add3A_2828 : i32
      %dma_wait3A = arith.constant 0 : i32
      %dma_wait3A_2830 = tpu.memref_slice %arg3[%add3A_2829, %dma_wait3A] : memref<2048x1024xf32, #tpu.memory_space<hbm>> -> memref<32x1024xf32, #tpu.memory_space<hbm>>
      %dma_wait3A_2831 = arith.constant 0 : i32
      %dma_wait3A_2832 = tpu.memref_slice %arg3[%add3A_2829, %dma_wait3A_2831] : memref<2048x1024xf32, #tpu.memory_space<hbm>> -> memref<32x1024xf32, #tpu.memory_space<hbm>>
      tpu.wait_dma2 semaphore(%arg14 : memref<!tpu.dma_semaphore, #tpu.memory_space<semaphore_mem>>) src(%dma_wait3A_2832 : memref<32x1024xf32, #tpu.memory_space<hbm>>) dst(%arg10 : memref<32x1024xf32, #tpu.memory_space<vmem>>)
    } else {
    }
    %not3A_2755 = arith.constant true
    %not3A_2756 = arith.xori %reduce_and3A_2282, %not3A_2755 : i1
    %convert_element_type3A_2757 = arith.extui %not3A_2756 : i1 to i32
    %cond3A_2758 = arith.constant 0 : i32
    %cond3A_2759 = arith.cmpi ne, %convert_element_type3A_2757, %cond3A_2758 : i32
    scf.if %cond3A_2759 {
      %add3A_2828 = arith.constant 160 : i32
      %add3A_2829 = arith.addi %mul3A_32, %add3A_2828 : i32
      %dma_start3A = arith.constant 0 : i32
      %dma_start3A_2830 = tpu.memref_slice %arg5[%select_n3A, %add3A_2829, %dma_start3A] : memref<4x2048x1024xf32, #tpu.memory_space<hbm>> -> memref<1x32x1024xf32, #tpu.memory_space<hbm>>
      %dma_start3A_2831 = tpu.memref_squeeze %dma_start3A_2830 : memref<1x32x1024xf32, #tpu.memory_space<hbm>> -> memref<32x1024xf32, #tpu.memory_space<hbm>>
      %dma_start3A_2832 = arith.constant 0 : i32
      %dma_start3A_2833 = tpu.memref_slice %arg5[%select_n3A, %add3A_2829, %dma_start3A_2832] : memref<4x2048x1024xf32, #tpu.memory_space<hbm>> -> memref<1x32x1024xf32, #tpu.memory_space<hbm>>
      %dma_start3A_2834 = tpu.memref_squeeze %dma_start3A_2833 : memref<1x32x1024xf32, #tpu.memory_space<hbm>> -> memref<32x1024xf32, #tpu.memory_space<hbm>>
      tpu.enqueue_dma source(%arg10 : memref<32x1024xf32, #tpu.memory_space<vmem>>) target(%dma_start3A_2834 : memref<32x1024xf32, #tpu.memory_space<hbm>>) target_semaphore(%arg17 : memref<!tpu.dma_semaphore, #tpu.memory_space<semaphore_mem>>)
    } else {
    }
    %convert_element_type3A_2760 = arith.extui %reduce_and3A_2282 : i1 to i32
    %cond3A_2761 = arith.constant 0 : i32
    %cond3A_2762 = arith.cmpi ne, %convert_element_type3A_2760, %cond3A_2761 : i32
    scf.if %cond3A_2762 {
      %add3A_2828 = arith.constant 160 : i32
      %add3A_2829 = arith.addi %mul3A_32, %add3A_2828 : i32
      %add3A_2830 = arith.constant 0 : i32
      %add3A_2831 = arith.addi %add3A_2829, %add3A_2830 : i32
      %dma_start3A = arith.constant 0 : i32
      %dma_start3A_2832 = tpu.memref_slice %arg5[%select_n3A, %add3A_2831, %dma_start3A] : memref<4x2048x1024xf32, #tpu.memory_space<hbm>> -> memref<1x8x1024xf32, #tpu.memory_space<hbm>>
      %dma_start3A_2833 = tpu.memref_squeeze %dma_start3A_2832 : memref<1x8x1024xf32, #tpu.memory_space<hbm>> -> memref<8x1024xf32, #tpu.memory_space<hbm>>
      %dma_start3A_2834 = arith.constant 0 : i32
      %dma_start3A_2835 = tpu.memref_slice %arg5[%select_n3A, %add3A_2831, %dma_start3A_2834] : memref<4x2048x1024xf32, #tpu.memory_space<hbm>> -> memref<1x8x1024xf32, #tpu.memory_space<hbm>>
      %dma_start3A_2836 = tpu.memref_squeeze %dma_start3A_2835 : memref<1x8x1024xf32, #tpu.memory_space<hbm>> -> memref<8x1024xf32, #tpu.memory_space<hbm>>
      tpu.enqueue_dma source(%arg11 : memref<8x1024xf32, #tpu.memory_space<vmem>>) target(%dma_start3A_2836 : memref<8x1024xf32, #tpu.memory_space<hbm>>) target_semaphore(%arg18 : memref<!tpu.dma_semaphore, #tpu.memory_space<semaphore_mem>>)
      %add3A_2837 = arith.constant 160 : i32
      %add3A_2838 = arith.addi %mul3A_32, %add3A_2837 : i32
      %add3A_2839 = arith.constant 8 : i32
      %add3A_2840 = arith.addi %add3A_2838, %add3A_2839 : i32
      %dma_start3A_2841 = arith.constant 0 : i32
      %dma_start3A_2842 = tpu.memref_slice %arg5[%select_n3A, %add3A_2840, %dma_start3A_2841] : memref<4x2048x1024xf32, #tpu.memory_space<hbm>> -> memref<1x8x1024xf32, #tpu.memory_space<hbm>>
      %dma_start3A_2843 = tpu.memref_squeeze %dma_start3A_2842 : memref<1x8x1024xf32, #tpu.memory_space<hbm>> -> memref<8x1024xf32, #tpu.memory_space<hbm>>
      %dma_start3A_2844 = arith.constant 0 : i32
      %dma_start3A_2845 = tpu.memref_slice %arg5[%select_n3A, %add3A_2840, %dma_start3A_2844] : memref<4x2048x1024xf32, #tpu.memory_space<hbm>> -> memref<1x8x1024xf32, #tpu.memory_space<hbm>>
      %dma_start3A_2846 = tpu.memref_squeeze %dma_start3A_2845 : memref<1x8x1024xf32, #tpu.memory_space<hbm>> -> memref<8x1024xf32, #tpu.memory_space<hbm>>
      tpu.enqueue_dma source(%arg11 : memref<8x1024xf32, #tpu.memory_space<vmem>>) target(%dma_start3A_2846 : memref<8x1024xf32, #tpu.memory_space<hbm>>) target_semaphore(%arg18 : memref<!tpu.dma_semaphore, #tpu.memory_space<semaphore_mem>>)
      %add3A_2847 = arith.constant 160 : i32
      %add3A_2848 = arith.addi %mul3A_32, %add3A_2847 : i32
      %add3A_2849 = arith.constant 16 : i32
      %add3A_2850 = arith.addi %add3A_2848, %add3A_2849 : i32
      %dma_start3A_2851 = arith.constant 0 : i32
      %dma_start3A_2852 = tpu.memref_slice %arg5[%select_n3A, %add3A_2850, %dma_start3A_2851] : memref<4x2048x1024xf32, #tpu.memory_space<hbm>> -> memref<1x8x1024xf32, #tpu.memory_space<hbm>>
      %dma_start3A_2853 = tpu.memref_squeeze %dma_start3A_2852 : memref<1x8x1024xf32, #tpu.memory_space<hbm>> -> memref<8x1024xf32, #tpu.memory_space<hbm>>
      %dma_start3A_2854 = arith.constant 0 : i32
      %dma_start3A_2855 = tpu.memref_slice %arg5[%select_n3A, %add3A_2850, %dma_start3A_2854] : memref<4x2048x1024xf32, #tpu.memory_space<hbm>> -> memref<1x8x1024xf32, #tpu.memory_space<hbm>>
      %dma_start3A_2856 = tpu.memref_squeeze %dma_start3A_2855 : memref<1x8x1024xf32, #tpu.memory_space<hbm>> -> memref<8x1024xf32, #tpu.memory_space<hbm>>
      tpu.enqueue_dma source(%arg11 : memref<8x1024xf32, #tpu.memory_space<vmem>>) target(%dma_start3A_2856 : memref<8x1024xf32, #tpu.memory_space<hbm>>) target_semaphore(%arg18 : memref<!tpu.dma_semaphore, #tpu.memory_space<semaphore_mem>>)
      %add3A_2857 = arith.constant 160 : i32
      %add3A_2858 = arith.addi %mul3A_32, %add3A_2857 : i32
      %add3A_2859 = arith.constant 24 : i32
      %add3A_2860 = arith.addi %add3A_2858, %add3A_2859 : i32
      %dma_start3A_2861 = arith.constant 0 : i32
      %dma_start3A_2862 = tpu.memref_slice %arg5[%select_n3A, %add3A_2860, %dma_start3A_2861] : memref<4x2048x1024xf32, #tpu.memory_space<hbm>> -> memref<1x8x1024xf32, #tpu.memory_space<hbm>>
      %dma_start3A_2863 = tpu.memref_squeeze %dma_start3A_2862 : memref<1x8x1024xf32, #tpu.memory_space<hbm>> -> memref<8x1024xf32, #tpu.memory_space<hbm>>
      %dma_start3A_2864 = arith.constant 0 : i32
      %dma_start3A_2865 = tpu.memref_slice %arg5[%select_n3A, %add3A_2860, %dma_start3A_2864] : memref<4x2048x1024xf32, #tpu.memory_space<hbm>> -> memref<1x8x1024xf32, #tpu.memory_space<hbm>>
      %dma_start3A_2866 = tpu.memref_squeeze %dma_start3A_2865 : memref<1x8x1024xf32, #tpu.memory_space<hbm>> -> memref<8x1024xf32, #tpu.memory_space<hbm>>
      tpu.enqueue_dma source(%arg11 : memref<8x1024xf32, #tpu.memory_space<vmem>>) target(%dma_start3A_2866 : memref<8x1024xf32, #tpu.memory_space<hbm>>) target_semaphore(%arg18 : memref<!tpu.dma_semaphore, #tpu.memory_space<semaphore_mem>>)
    } else {
    }
    %not3A_2763 = arith.constant true
    %not3A_2764 = arith.xori %reduce_and3A_2317, %not3A_2763 : i1
    %convert_element_type3A_2765 = arith.extui %not3A_2764 : i1 to i32
    %cond3A_2766 = arith.constant 0 : i32
    %cond3A_2767 = arith.cmpi ne, %convert_element_type3A_2765, %cond3A_2766 : i32
    scf.if %cond3A_2767 {
      %add3A_2828 = arith.constant 192 : i32
      %add3A_2829 = arith.addi %mul3A_32, %add3A_2828 : i32
      %dma_wait3A = arith.constant 0 : i32
      %dma_wait3A_2830 = tpu.memref_slice %arg3[%add3A_2829, %dma_wait3A] : memref<2048x1024xf32, #tpu.memory_space<hbm>> -> memref<32x1024xf32, #tpu.memory_space<hbm>>
      %dma_wait3A_2831 = arith.constant 0 : i32
      %dma_wait3A_2832 = tpu.memref_slice %arg3[%add3A_2829, %dma_wait3A_2831] : memref<2048x1024xf32, #tpu.memory_space<hbm>> -> memref<32x1024xf32, #tpu.memory_space<hbm>>
      tpu.wait_dma2 semaphore(%arg12 : memref<!tpu.dma_semaphore, #tpu.memory_space<semaphore_mem>>) src(%dma_wait3A_2832 : memref<32x1024xf32, #tpu.memory_space<hbm>>) dst(%arg8 : memref<32x1024xf32, #tpu.memory_space<vmem>>)
    } else {
    }
    %not3A_2768 = arith.constant true
    %not3A_2769 = arith.xori %reduce_and3A_2317, %not3A_2768 : i1
    %convert_element_type3A_2770 = arith.extui %not3A_2769 : i1 to i32
    %cond3A_2771 = arith.constant 0 : i32
    %cond3A_2772 = arith.cmpi ne, %convert_element_type3A_2770, %cond3A_2771 : i32
    scf.if %cond3A_2772 {
      %add3A_2828 = arith.constant 192 : i32
      %add3A_2829 = arith.addi %mul3A_32, %add3A_2828 : i32
      %dma_start3A = arith.constant 0 : i32
      %dma_start3A_2830 = tpu.memref_slice %arg5[%select_n3A, %add3A_2829, %dma_start3A] : memref<4x2048x1024xf32, #tpu.memory_space<hbm>> -> memref<1x32x1024xf32, #tpu.memory_space<hbm>>
      %dma_start3A_2831 = tpu.memref_squeeze %dma_start3A_2830 : memref<1x32x1024xf32, #tpu.memory_space<hbm>> -> memref<32x1024xf32, #tpu.memory_space<hbm>>
      %dma_start3A_2832 = arith.constant 0 : i32
      %dma_start3A_2833 = tpu.memref_slice %arg5[%select_n3A, %add3A_2829, %dma_start3A_2832] : memref<4x2048x1024xf32, #tpu.memory_space<hbm>> -> memref<1x32x1024xf32, #tpu.memory_space<hbm>>
      %dma_start3A_2834 = tpu.memref_squeeze %dma_start3A_2833 : memref<1x32x1024xf32, #tpu.memory_space<hbm>> -> memref<32x1024xf32, #tpu.memory_space<hbm>>
      tpu.enqueue_dma source(%arg8 : memref<32x1024xf32, #tpu.memory_space<vmem>>) target(%dma_start3A_2834 : memref<32x1024xf32, #tpu.memory_space<hbm>>) target_semaphore(%arg15 : memref<!tpu.dma_semaphore, #tpu.memory_space<semaphore_mem>>)
    } else {
    }
    %convert_element_type3A_2773 = arith.extui %reduce_and3A_2317 : i1 to i32
    %cond3A_2774 = arith.constant 0 : i32
    %cond3A_2775 = arith.cmpi ne, %convert_element_type3A_2773, %cond3A_2774 : i32
    scf.if %cond3A_2775 {
      %add3A_2828 = arith.constant 192 : i32
      %add3A_2829 = arith.addi %mul3A_32, %add3A_2828 : i32
      %add3A_2830 = arith.constant 0 : i32
      %add3A_2831 = arith.addi %add3A_2829, %add3A_2830 : i32
      %dma_start3A = arith.constant 0 : i32
      %dma_start3A_2832 = tpu.memref_slice %arg5[%select_n3A, %add3A_2831, %dma_start3A] : memref<4x2048x1024xf32, #tpu.memory_space<hbm>> -> memref<1x8x1024xf32, #tpu.memory_space<hbm>>
      %dma_start3A_2833 = tpu.memref_squeeze %dma_start3A_2832 : memref<1x8x1024xf32, #tpu.memory_space<hbm>> -> memref<8x1024xf32, #tpu.memory_space<hbm>>
      %dma_start3A_2834 = arith.constant 0 : i32
      %dma_start3A_2835 = tpu.memref_slice %arg5[%select_n3A, %add3A_2831, %dma_start3A_2834] : memref<4x2048x1024xf32, #tpu.memory_space<hbm>> -> memref<1x8x1024xf32, #tpu.memory_space<hbm>>
      %dma_start3A_2836 = tpu.memref_squeeze %dma_start3A_2835 : memref<1x8x1024xf32, #tpu.memory_space<hbm>> -> memref<8x1024xf32, #tpu.memory_space<hbm>>
      tpu.enqueue_dma source(%arg11 : memref<8x1024xf32, #tpu.memory_space<vmem>>) target(%dma_start3A_2836 : memref<8x1024xf32, #tpu.memory_space<hbm>>) target_semaphore(%arg18 : memref<!tpu.dma_semaphore, #tpu.memory_space<semaphore_mem>>)
      %add3A_2837 = arith.constant 192 : i32
      %add3A_2838 = arith.addi %mul3A_32, %add3A_2837 : i32
      %add3A_2839 = arith.constant 8 : i32
      %add3A_2840 = arith.addi %add3A_2838, %add3A_2839 : i32
      %dma_start3A_2841 = arith.constant 0 : i32
      %dma_start3A_2842 = tpu.memref_slice %arg5[%select_n3A, %add3A_2840, %dma_start3A_2841] : memref<4x2048x1024xf32, #tpu.memory_space<hbm>> -> memref<1x8x1024xf32, #tpu.memory_space<hbm>>
      %dma_start3A_2843 = tpu.memref_squeeze %dma_start3A_2842 : memref<1x8x1024xf32, #tpu.memory_space<hbm>> -> memref<8x1024xf32, #tpu.memory_space<hbm>>
      %dma_start3A_2844 = arith.constant 0 : i32
      %dma_start3A_2845 = tpu.memref_slice %arg5[%select_n3A, %add3A_2840, %dma_start3A_2844] : memref<4x2048x1024xf32, #tpu.memory_space<hbm>> -> memref<1x8x1024xf32, #tpu.memory_space<hbm>>
      %dma_start3A_2846 = tpu.memref_squeeze %dma_start3A_2845 : memref<1x8x1024xf32, #tpu.memory_space<hbm>> -> memref<8x1024xf32, #tpu.memory_space<hbm>>
      tpu.enqueue_dma source(%arg11 : memref<8x1024xf32, #tpu.memory_space<vmem>>) target(%dma_start3A_2846 : memref<8x1024xf32, #tpu.memory_space<hbm>>) target_semaphore(%arg18 : memref<!tpu.dma_semaphore, #tpu.memory_space<semaphore_mem>>)
      %add3A_2847 = arith.constant 192 : i32
      %add3A_2848 = arith.addi %mul3A_32, %add3A_2847 : i32
      %add3A_2849 = arith.constant 16 : i32
      %add3A_2850 = arith.addi %add3A_2848, %add3A_2849 : i32
      %dma_start3A_2851 = arith.constant 0 : i32
      %dma_start3A_2852 = tpu.memref_slice %arg5[%select_n3A, %add3A_2850, %dma_start3A_2851] : memref<4x2048x1024xf32, #tpu.memory_space<hbm>> -> memref<1x8x1024xf32, #tpu.memory_space<hbm>>
      %dma_start3A_2853 = tpu.memref_squeeze %dma_start3A_2852 : memref<1x8x1024xf32, #tpu.memory_space<hbm>> -> memref<8x1024xf32, #tpu.memory_space<hbm>>
      %dma_start3A_2854 = arith.constant 0 : i32
      %dma_start3A_2855 = tpu.memref_slice %arg5[%select_n3A, %add3A_2850, %dma_start3A_2854] : memref<4x2048x1024xf32, #tpu.memory_space<hbm>> -> memref<1x8x1024xf32, #tpu.memory_space<hbm>>
      %dma_start3A_2856 = tpu.memref_squeeze %dma_start3A_2855 : memref<1x8x1024xf32, #tpu.memory_space<hbm>> -> memref<8x1024xf32, #tpu.memory_space<hbm>>
      tpu.enqueue_dma source(%arg11 : memref<8x1024xf32, #tpu.memory_space<vmem>>) target(%dma_start3A_2856 : memref<8x1024xf32, #tpu.memory_space<hbm>>) target_semaphore(%arg18 : memref<!tpu.dma_semaphore, #tpu.memory_space<semaphore_mem>>)
      %add3A_2857 = arith.constant 192 : i32
      %add3A_2858 = arith.addi %mul3A_32, %add3A_2857 : i32
      %add3A_2859 = arith.constant 24 : i32
      %add3A_2860 = arith.addi %add3A_2858, %add3A_2859 : i32
      %dma_start3A_2861 = arith.constant 0 : i32
      %dma_start3A_2862 = tpu.memref_slice %arg5[%select_n3A, %add3A_2860, %dma_start3A_2861] : memref<4x2048x1024xf32, #tpu.memory_space<hbm>> -> memref<1x8x1024xf32, #tpu.memory_space<hbm>>
      %dma_start3A_2863 = tpu.memref_squeeze %dma_start3A_2862 : memref<1x8x1024xf32, #tpu.memory_space<hbm>> -> memref<8x1024xf32, #tpu.memory_space<hbm>>
      %dma_start3A_2864 = arith.constant 0 : i32
      %dma_start3A_2865 = tpu.memref_slice %arg5[%select_n3A, %add3A_2860, %dma_start3A_2864] : memref<4x2048x1024xf32, #tpu.memory_space<hbm>> -> memref<1x8x1024xf32, #tpu.memory_space<hbm>>
      %dma_start3A_2866 = tpu.memref_squeeze %dma_start3A_2865 : memref<1x8x1024xf32, #tpu.memory_space<hbm>> -> memref<8x1024xf32, #tpu.memory_space<hbm>>
      tpu.enqueue_dma source(%arg11 : memref<8x1024xf32, #tpu.memory_space<vmem>>) target(%dma_start3A_2866 : memref<8x1024xf32, #tpu.memory_space<hbm>>) target_semaphore(%arg18 : memref<!tpu.dma_semaphore, #tpu.memory_space<semaphore_mem>>)
    } else {
    }
    %not3A_2776 = arith.constant true
    %not3A_2777 = arith.xori %reduce_and3A_2352, %not3A_2776 : i1
    %convert_element_type3A_2778 = arith.extui %not3A_2777 : i1 to i32
    %cond3A_2779 = arith.constant 0 : i32
    %cond3A_2780 = arith.cmpi ne, %convert_element_type3A_2778, %cond3A_2779 : i32
    scf.if %cond3A_2780 {
      %add3A_2828 = arith.constant 224 : i32
      %add3A_2829 = arith.addi %mul3A_32, %add3A_2828 : i32
      %dma_wait3A = arith.constant 0 : i32
      %dma_wait3A_2830 = tpu.memref_slice %arg3[%add3A_2829, %dma_wait3A] : memref<2048x1024xf32, #tpu.memory_space<hbm>> -> memref<32x1024xf32, #tpu.memory_space<hbm>>
      %dma_wait3A_2831 = arith.constant 0 : i32
      %dma_wait3A_2832 = tpu.memref_slice %arg3[%add3A_2829, %dma_wait3A_2831] : memref<2048x1024xf32, #tpu.memory_space<hbm>> -> memref<32x1024xf32, #tpu.memory_space<hbm>>
      tpu.wait_dma2 semaphore(%arg13 : memref<!tpu.dma_semaphore, #tpu.memory_space<semaphore_mem>>) src(%dma_wait3A_2832 : memref<32x1024xf32, #tpu.memory_space<hbm>>) dst(%arg9 : memref<32x1024xf32, #tpu.memory_space<vmem>>)
    } else {
    }
    %not3A_2781 = arith.constant true
    %not3A_2782 = arith.xori %reduce_and3A_2352, %not3A_2781 : i1
    %convert_element_type3A_2783 = arith.extui %not3A_2782 : i1 to i32
    %cond3A_2784 = arith.constant 0 : i32
    %cond3A_2785 = arith.cmpi ne, %convert_element_type3A_2783, %cond3A_2784 : i32
    scf.if %cond3A_2785 {
      %add3A_2828 = arith.constant 224 : i32
      %add3A_2829 = arith.addi %mul3A_32, %add3A_2828 : i32
      %dma_start3A = arith.constant 0 : i32
      %dma_start3A_2830 = tpu.memref_slice %arg5[%select_n3A, %add3A_2829, %dma_start3A] : memref<4x2048x1024xf32, #tpu.memory_space<hbm>> -> memref<1x32x1024xf32, #tpu.memory_space<hbm>>
      %dma_start3A_2831 = tpu.memref_squeeze %dma_start3A_2830 : memref<1x32x1024xf32, #tpu.memory_space<hbm>> -> memref<32x1024xf32, #tpu.memory_space<hbm>>
      %dma_start3A_2832 = arith.constant 0 : i32
      %dma_start3A_2833 = tpu.memref_slice %arg5[%select_n3A, %add3A_2829, %dma_start3A_2832] : memref<4x2048x1024xf32, #tpu.memory_space<hbm>> -> memref<1x32x1024xf32, #tpu.memory_space<hbm>>
      %dma_start3A_2834 = tpu.memref_squeeze %dma_start3A_2833 : memref<1x32x1024xf32, #tpu.memory_space<hbm>> -> memref<32x1024xf32, #tpu.memory_space<hbm>>
      tpu.enqueue_dma source(%arg9 : memref<32x1024xf32, #tpu.memory_space<vmem>>) target(%dma_start3A_2834 : memref<32x1024xf32, #tpu.memory_space<hbm>>) target_semaphore(%arg16 : memref<!tpu.dma_semaphore, #tpu.memory_space<semaphore_mem>>)
    } else {
    }
    %convert_element_type3A_2786 = arith.extui %reduce_and3A_2352 : i1 to i32
    %cond3A_2787 = arith.constant 0 : i32
    %cond3A_2788 = arith.cmpi ne, %convert_element_type3A_2786, %cond3A_2787 : i32
    scf.if %cond3A_2788 {
      %add3A_2828 = arith.constant 224 : i32
      %add3A_2829 = arith.addi %mul3A_32, %add3A_2828 : i32
      %add3A_2830 = arith.constant 0 : i32
      %add3A_2831 = arith.addi %add3A_2829, %add3A_2830 : i32
      %dma_start3A = arith.constant 0 : i32
      %dma_start3A_2832 = tpu.memref_slice %arg5[%select_n3A, %add3A_2831, %dma_start3A] : memref<4x2048x1024xf32, #tpu.memory_space<hbm>> -> memref<1x8x1024xf32, #tpu.memory_space<hbm>>
      %dma_start3A_2833 = tpu.memref_squeeze %dma_start3A_2832 : memref<1x8x1024xf32, #tpu.memory_space<hbm>> -> memref<8x1024xf32, #tpu.memory_space<hbm>>
      %dma_start3A_2834 = arith.constant 0 : i32
      %dma_start3A_2835 = tpu.memref_slice %arg5[%select_n3A, %add3A_2831, %dma_start3A_2834] : memref<4x2048x1024xf32, #tpu.memory_space<hbm>> -> memref<1x8x1024xf32, #tpu.memory_space<hbm>>
      %dma_start3A_2836 = tpu.memref_squeeze %dma_start3A_2835 : memref<1x8x1024xf32, #tpu.memory_space<hbm>> -> memref<8x1024xf32, #tpu.memory_space<hbm>>
      tpu.enqueue_dma source(%arg11 : memref<8x1024xf32, #tpu.memory_space<vmem>>) target(%dma_start3A_2836 : memref<8x1024xf32, #tpu.memory_space<hbm>>) target_semaphore(%arg18 : memref<!tpu.dma_semaphore, #tpu.memory_space<semaphore_mem>>)
      %add3A_2837 = arith.constant 224 : i32
      %add3A_2838 = arith.addi %mul3A_32, %add3A_2837 : i32
      %add3A_2839 = arith.constant 8 : i32
      %add3A_2840 = arith.addi %add3A_2838, %add3A_2839 : i32
      %dma_start3A_2841 = arith.constant 0 : i32
      %dma_start3A_2842 = tpu.memref_slice %arg5[%select_n3A, %add3A_2840, %dma_start3A_2841] : memref<4x2048x1024xf32, #tpu.memory_space<hbm>> -> memref<1x8x1024xf32, #tpu.memory_space<hbm>>
      %dma_start3A_2843 = tpu.memref_squeeze %dma_start3A_2842 : memref<1x8x1024xf32, #tpu.memory_space<hbm>> -> memref<8x1024xf32, #tpu.memory_space<hbm>>
      %dma_start3A_2844 = arith.constant 0 : i32
      %dma_start3A_2845 = tpu.memref_slice %arg5[%select_n3A, %add3A_2840, %dma_start3A_2844] : memref<4x2048x1024xf32, #tpu.memory_space<hbm>> -> memref<1x8x1024xf32, #tpu.memory_space<hbm>>
      %dma_start3A_2846 = tpu.memref_squeeze %dma_start3A_2845 : memref<1x8x1024xf32, #tpu.memory_space<hbm>> -> memref<8x1024xf32, #tpu.memory_space<hbm>>
      tpu.enqueue_dma source(%arg11 : memref<8x1024xf32, #tpu.memory_space<vmem>>) target(%dma_start3A_2846 : memref<8x1024xf32, #tpu.memory_space<hbm>>) target_semaphore(%arg18 : memref<!tpu.dma_semaphore, #tpu.memory_space<semaphore_mem>>)
      %add3A_2847 = arith.constant 224 : i32
      %add3A_2848 = arith.addi %mul3A_32, %add3A_2847 : i32
      %add3A_2849 = arith.constant 16 : i32
      %add3A_2850 = arith.addi %add3A_2848, %add3A_2849 : i32
      %dma_start3A_2851 = arith.constant 0 : i32
      %dma_start3A_2852 = tpu.memref_slice %arg5[%select_n3A, %add3A_2850, %dma_start3A_2851] : memref<4x2048x1024xf32, #tpu.memory_space<hbm>> -> memref<1x8x1024xf32, #tpu.memory_space<hbm>>
      %dma_start3A_2853 = tpu.memref_squeeze %dma_start3A_2852 : memref<1x8x1024xf32, #tpu.memory_space<hbm>> -> memref<8x1024xf32, #tpu.memory_space<hbm>>
      %dma_start3A_2854 = arith.constant 0 : i32
      %dma_start3A_2855 = tpu.memref_slice %arg5[%select_n3A, %add3A_2850, %dma_start3A_2854] : memref<4x2048x1024xf32, #tpu.memory_space<hbm>> -> memref<1x8x1024xf32, #tpu.memory_space<hbm>>
      %dma_start3A_2856 = tpu.memref_squeeze %dma_start3A_2855 : memref<1x8x1024xf32, #tpu.memory_space<hbm>> -> memref<8x1024xf32, #tpu.memory_space<hbm>>
      tpu.enqueue_dma source(%arg11 : memref<8x1024xf32, #tpu.memory_space<vmem>>) target(%dma_start3A_2856 : memref<8x1024xf32, #tpu.memory_space<hbm>>) target_semaphore(%arg18 : memref<!tpu.dma_semaphore, #tpu.memory_space<semaphore_mem>>)
      %add3A_2857 = arith.constant 224 : i32
      %add3A_2858 = arith.addi %mul3A_32, %add3A_2857 : i32
      %add3A_2859 = arith.constant 24 : i32
      %add3A_2860 = arith.addi %add3A_2858, %add3A_2859 : i32
      %dma_start3A_2861 = arith.constant 0 : i32
      %dma_start3A_2862 = tpu.memref_slice %arg5[%select_n3A, %add3A_2860, %dma_start3A_2861] : memref<4x2048x1024xf32, #tpu.memory_space<hbm>> -> memref<1x8x1024xf32, #tpu.memory_space<hbm>>
      %dma_start3A_2863 = tpu.memref_squeeze %dma_start3A_2862 : memref<1x8x1024xf32, #tpu.memory_space<hbm>> -> memref<8x1024xf32, #tpu.memory_space<hbm>>
      %dma_start3A_2864 = arith.constant 0 : i32
      %dma_start3A_2865 = tpu.memref_slice %arg5[%select_n3A, %add3A_2860, %dma_start3A_2864] : memref<4x2048x1024xf32, #tpu.memory_space<hbm>> -> memref<1x8x1024xf32, #tpu.memory_space<hbm>>
      %dma_start3A_2866 = tpu.memref_squeeze %dma_start3A_2865 : memref<1x8x1024xf32, #tpu.memory_space<hbm>> -> memref<8x1024xf32, #tpu.memory_space<hbm>>
      tpu.enqueue_dma source(%arg11 : memref<8x1024xf32, #tpu.memory_space<vmem>>) target(%dma_start3A_2866 : memref<8x1024xf32, #tpu.memory_space<hbm>>) target_semaphore(%arg18 : memref<!tpu.dma_semaphore, #tpu.memory_space<semaphore_mem>>)
    } else {
    }
    %not3A_2789 = arith.constant true
    %not3A_2790 = arith.xori %reduce_and3A_2282, %not3A_2789 : i1
    %convert_element_type3A_2791 = arith.extui %not3A_2790 : i1 to i32
    %cond3A_2792 = arith.constant 0 : i32
    %cond3A_2793 = arith.cmpi ne, %convert_element_type3A_2791, %cond3A_2792 : i32
    scf.if %cond3A_2793 {
      %add3A_2828 = arith.constant 160 : i32
      %add3A_2829 = arith.addi %mul3A_32, %add3A_2828 : i32
      %dma_wait3A = arith.constant 0 : i32
      %dma_wait3A_2830 = tpu.memref_slice %arg5[%select_n3A, %add3A_2829, %dma_wait3A] : memref<4x2048x1024xf32, #tpu.memory_space<hbm>> -> memref<1x32x1024xf32, #tpu.memory_space<hbm>>
      %dma_wait3A_2831 = tpu.memref_squeeze %dma_wait3A_2830 : memref<1x32x1024xf32, #tpu.memory_space<hbm>> -> memref<32x1024xf32, #tpu.memory_space<hbm>>
      %dma_wait3A_2832 = arith.constant 0 : i32
      %dma_wait3A_2833 = tpu.memref_slice %arg5[%select_n3A, %add3A_2829, %dma_wait3A_2832] : memref<4x2048x1024xf32, #tpu.memory_space<hbm>> -> memref<1x32x1024xf32, #tpu.memory_space<hbm>>
      %dma_wait3A_2834 = tpu.memref_squeeze %dma_wait3A_2833 : memref<1x32x1024xf32, #tpu.memory_space<hbm>> -> memref<32x1024xf32, #tpu.memory_space<hbm>>
      tpu.wait_dma2 semaphore(%arg17 : memref<!tpu.dma_semaphore, #tpu.memory_space<semaphore_mem>>) src(%arg10 : memref<32x1024xf32, #tpu.memory_space<vmem>>) dst(%dma_wait3A_2834 : memref<32x1024xf32, #tpu.memory_space<hbm>>)
    } else {
    }
    %not3A_2794 = arith.constant true
    %not3A_2795 = arith.xori %reduce_and3A_2317, %not3A_2794 : i1
    %convert_element_type3A_2796 = arith.extui %not3A_2795 : i1 to i32
    %cond3A_2797 = arith.constant 0 : i32
    %cond3A_2798 = arith.cmpi ne, %convert_element_type3A_2796, %cond3A_2797 : i32
    scf.if %cond3A_2798 {
      %add3A_2828 = arith.constant 192 : i32
      %add3A_2829 = arith.addi %mul3A_32, %add3A_2828 : i32
      %dma_wait3A = arith.constant 0 : i32
      %dma_wait3A_2830 = tpu.memref_slice %arg5[%select_n3A, %add3A_2829, %dma_wait3A] : memref<4x2048x1024xf32, #tpu.memory_space<hbm>> -> memref<1x32x1024xf32, #tpu.memory_space<hbm>>
      %dma_wait3A_2831 = tpu.memref_squeeze %dma_wait3A_2830 : memref<1x32x1024xf32, #tpu.memory_space<hbm>> -> memref<32x1024xf32, #tpu.memory_space<hbm>>
      %dma_wait3A_2832 = arith.constant 0 : i32
      %dma_wait3A_2833 = tpu.memref_slice %arg5[%select_n3A, %add3A_2829, %dma_wait3A_2832] : memref<4x2048x1024xf32, #tpu.memory_space<hbm>> -> memref<1x32x1024xf32, #tpu.memory_space<hbm>>
      %dma_wait3A_2834 = tpu.memref_squeeze %dma_wait3A_2833 : memref<1x32x1024xf32, #tpu.memory_space<hbm>> -> memref<32x1024xf32, #tpu.memory_space<hbm>>
      tpu.wait_dma2 semaphore(%arg15 : memref<!tpu.dma_semaphore, #tpu.memory_space<semaphore_mem>>) src(%arg8 : memref<32x1024xf32, #tpu.memory_space<vmem>>) dst(%dma_wait3A_2834 : memref<32x1024xf32, #tpu.memory_space<hbm>>)
    } else {
    }
    %not3A_2799 = arith.constant true
    %not3A_2800 = arith.xori %reduce_and3A_2352, %not3A_2799 : i1
    %convert_element_type3A_2801 = arith.extui %not3A_2800 : i1 to i32
    %cond3A_2802 = arith.constant 0 : i32
    %cond3A_2803 = arith.cmpi ne, %convert_element_type3A_2801, %cond3A_2802 : i32
    scf.if %cond3A_2803 {
      %add3A_2828 = arith.constant 224 : i32
      %add3A_2829 = arith.addi %mul3A_32, %add3A_2828 : i32
      %dma_wait3A = arith.constant 0 : i32
      %dma_wait3A_2830 = tpu.memref_slice %arg5[%select_n3A, %add3A_2829, %dma_wait3A] : memref<4x2048x1024xf32, #tpu.memory_space<hbm>> -> memref<1x32x1024xf32, #tpu.memory_space<hbm>>
      %dma_wait3A_2831 = tpu.memref_squeeze %dma_wait3A_2830 : memref<1x32x1024xf32, #tpu.memory_space<hbm>> -> memref<32x1024xf32, #tpu.memory_space<hbm>>
      %dma_wait3A_2832 = arith.constant 0 : i32
      %dma_wait3A_2833 = tpu.memref_slice %arg5[%select_n3A, %add3A_2829, %dma_wait3A_2832] : memref<4x2048x1024xf32, #tpu.memory_space<hbm>> -> memref<1x32x1024xf32, #tpu.memory_space<hbm>>
      %dma_wait3A_2834 = tpu.memref_squeeze %dma_wait3A_2833 : memref<1x32x1024xf32, #tpu.memory_space<hbm>> -> memref<32x1024xf32, #tpu.memory_space<hbm>>
      tpu.wait_dma2 semaphore(%arg16 : memref<!tpu.dma_semaphore, #tpu.memory_space<semaphore_mem>>) src(%arg9 : memref<32x1024xf32, #tpu.memory_space<vmem>>) dst(%dma_wait3A_2834 : memref<32x1024xf32, #tpu.memory_space<hbm>>)
    } else {
    }
    %convert_element_type3A_2804 = arith.extui %reduce_and3A_2108 : i1 to i32
    %cond3A_2805 = arith.constant 0 : i32
    %cond3A_2806 = arith.cmpi ne, %convert_element_type3A_2804, %cond3A_2805 : i32
    scf.if %cond3A_2806 {
      %add3A_2828 = arith.constant 0 : i32
      %add3A_2829 = arith.addi %mul3A_32, %add3A_2828 : i32
      %add3A_2830 = arith.constant 0 : i32
      %add3A_2831 = arith.addi %add3A_2829, %add3A_2830 : i32
      %dma_wait3A = arith.constant 0 : i32
      %dma_wait3A_2832 = tpu.memref_slice %arg5[%select_n3A, %add3A_2831, %dma_wait3A] : memref<4x2048x1024xf32, #tpu.memory_space<hbm>> -> memref<1x8x1024xf32, #tpu.memory_space<hbm>>
      %dma_wait3A_2833 = tpu.memref_squeeze %dma_wait3A_2832 : memref<1x8x1024xf32, #tpu.memory_space<hbm>> -> memref<8x1024xf32, #tpu.memory_space<hbm>>
      %dma_wait3A_2834 = arith.constant 0 : i32
      %dma_wait3A_2835 = tpu.memref_slice %arg5[%select_n3A, %add3A_2831, %dma_wait3A_2834] : memref<4x2048x1024xf32, #tpu.memory_space<hbm>> -> memref<1x8x1024xf32, #tpu.memory_space<hbm>>
      %dma_wait3A_2836 = tpu.memref_squeeze %dma_wait3A_2835 : memref<1x8x1024xf32, #tpu.memory_space<hbm>> -> memref<8x1024xf32, #tpu.memory_space<hbm>>
      tpu.wait_dma2 semaphore(%arg18 : memref<!tpu.dma_semaphore, #tpu.memory_space<semaphore_mem>>) src(%arg11 : memref<8x1024xf32, #tpu.memory_space<vmem>>) dst(%dma_wait3A_2836 : memref<8x1024xf32, #tpu.memory_space<hbm>>)
      %add3A_2837 = arith.constant 0 : i32
      %add3A_2838 = arith.addi %mul3A_32, %add3A_2837 : i32
      %add3A_2839 = arith.constant 8 : i32
      %add3A_2840 = arith.addi %add3A_2838, %add3A_2839 : i32
      %dma_wait3A_2841 = arith.constant 0 : i32
      %dma_wait3A_2842 = tpu.memref_slice %arg5[%select_n3A, %add3A_2840, %dma_wait3A_2841] : memref<4x2048x1024xf32, #tpu.memory_space<hbm>> -> memref<1x8x1024xf32, #tpu.memory_space<hbm>>
      %dma_wait3A_2843 = tpu.memref_squeeze %dma_wait3A_2842 : memref<1x8x1024xf32, #tpu.memory_space<hbm>> -> memref<8x1024xf32, #tpu.memory_space<hbm>>
      %dma_wait3A_2844 = arith.constant 0 : i32
      %dma_wait3A_2845 = tpu.memref_slice %arg5[%select_n3A, %add3A_2840, %dma_wait3A_2844] : memref<4x2048x1024xf32, #tpu.memory_space<hbm>> -> memref<1x8x1024xf32, #tpu.memory_space<hbm>>
      %dma_wait3A_2846 = tpu.memref_squeeze %dma_wait3A_2845 : memref<1x8x1024xf32, #tpu.memory_space<hbm>> -> memref<8x1024xf32, #tpu.memory_space<hbm>>
      tpu.wait_dma2 semaphore(%arg18 : memref<!tpu.dma_semaphore, #tpu.memory_space<semaphore_mem>>) src(%arg11 : memref<8x1024xf32, #tpu.memory_space<vmem>>) dst(%dma_wait3A_2846 : memref<8x1024xf32, #tpu.memory_space<hbm>>)
      %add3A_2847 = arith.constant 0 : i32
      %add3A_2848 = arith.addi %mul3A_32, %add3A_2847 : i32
      %add3A_2849 = arith.constant 16 : i32
      %add3A_2850 = arith.addi %add3A_2848, %add3A_2849 : i32
      %dma_wait3A_2851 = arith.constant 0 : i32
      %dma_wait3A_2852 = tpu.memref_slice %arg5[%select_n3A, %add3A_2850, %dma_wait3A_2851] : memref<4x2048x1024xf32, #tpu.memory_space<hbm>> -> memref<1x8x1024xf32, #tpu.memory_space<hbm>>
      %dma_wait3A_2853 = tpu.memref_squeeze %dma_wait3A_2852 : memref<1x8x1024xf32, #tpu.memory_space<hbm>> -> memref<8x1024xf32, #tpu.memory_space<hbm>>
      %dma_wait3A_2854 = arith.constant 0 : i32
      %dma_wait3A_2855 = tpu.memref_slice %arg5[%select_n3A, %add3A_2850, %dma_wait3A_2854] : memref<4x2048x1024xf32, #tpu.memory_space<hbm>> -> memref<1x8x1024xf32, #tpu.memory_space<hbm>>
      %dma_wait3A_2856 = tpu.memref_squeeze %dma_wait3A_2855 : memref<1x8x1024xf32, #tpu.memory_space<hbm>> -> memref<8x1024xf32, #tpu.memory_space<hbm>>
      tpu.wait_dma2 semaphore(%arg18 : memref<!tpu.dma_semaphore, #tpu.memory_space<semaphore_mem>>) src(%arg11 : memref<8x1024xf32, #tpu.memory_space<vmem>>) dst(%dma_wait3A_2856 : memref<8x1024xf32, #tpu.memory_space<hbm>>)
      %add3A_2857 = arith.constant 0 : i32
      %add3A_2858 = arith.addi %mul3A_32, %add3A_2857 : i32
      %add3A_2859 = arith.constant 24 : i32
      %add3A_2860 = arith.addi %add3A_2858, %add3A_2859 : i32
      %dma_wait3A_2861 = arith.constant 0 : i32
      %dma_wait3A_2862 = tpu.memref_slice %arg5[%select_n3A, %add3A_2860, %dma_wait3A_2861] : memref<4x2048x1024xf32, #tpu.memory_space<hbm>> -> memref<1x8x1024xf32, #tpu.memory_space<hbm>>
      %dma_wait3A_2863 = tpu.memref_squeeze %dma_wait3A_2862 : memref<1x8x1024xf32, #tpu.memory_space<hbm>> -> memref<8x1024xf32, #tpu.memory_space<hbm>>
      %dma_wait3A_2864 = arith.constant 0 : i32
      %dma_wait3A_2865 = tpu.memref_slice %arg5[%select_n3A, %add3A_2860, %dma_wait3A_2864] : memref<4x2048x1024xf32, #tpu.memory_space<hbm>> -> memref<1x8x1024xf32, #tpu.memory_space<hbm>>
      %dma_wait3A_2866 = tpu.memref_squeeze %dma_wait3A_2865 : memref<1x8x1024xf32, #tpu.memory_space<hbm>> -> memref<8x1024xf32, #tpu.memory_space<hbm>>
      tpu.wait_dma2 semaphore(%arg18 : memref<!tpu.dma_semaphore, #tpu.memory_space<semaphore_mem>>) src(%arg11 : memref<8x1024xf32, #tpu.memory_space<vmem>>) dst(%dma_wait3A_2866 : memref<8x1024xf32, #tpu.memory_space<hbm>>)
    } else {
    }
    %convert_element_type3A_2807 = arith.extui %reduce_and3A_2142 : i1 to i32
    %cond3A_2808 = arith.constant 0 : i32
    %cond3A_2809 = arith.cmpi ne, %convert_element_type3A_2807, %cond3A_2808 : i32
    scf.if %cond3A_2809 {
      %add3A_2828 = arith.constant 32 : i32
      %add3A_2829 = arith.addi %mul3A_32, %add3A_2828 : i32
      %add3A_2830 = arith.constant 0 : i32
      %add3A_2831 = arith.addi %add3A_2829, %add3A_2830 : i32
      %dma_wait3A = arith.constant 0 : i32
      %dma_wait3A_2832 = tpu.memref_slice %arg5[%select_n3A, %add3A_2831, %dma_wait3A] : memref<4x2048x1024xf32, #tpu.memory_space<hbm>> -> memref<1x8x1024xf32, #tpu.memory_space<hbm>>
      %dma_wait3A_2833 = tpu.memref_squeeze %dma_wait3A_2832 : memref<1x8x1024xf32, #tpu.memory_space<hbm>> -> memref<8x1024xf32, #tpu.memory_space<hbm>>
      %dma_wait3A_2834 = arith.constant 0 : i32
      %dma_wait3A_2835 = tpu.memref_slice %arg5[%select_n3A, %add3A_2831, %dma_wait3A_2834] : memref<4x2048x1024xf32, #tpu.memory_space<hbm>> -> memref<1x8x1024xf32, #tpu.memory_space<hbm>>
      %dma_wait3A_2836 = tpu.memref_squeeze %dma_wait3A_2835 : memref<1x8x1024xf32, #tpu.memory_space<hbm>> -> memref<8x1024xf32, #tpu.memory_space<hbm>>
      tpu.wait_dma2 semaphore(%arg18 : memref<!tpu.dma_semaphore, #tpu.memory_space<semaphore_mem>>) src(%arg11 : memref<8x1024xf32, #tpu.memory_space<vmem>>) dst(%dma_wait3A_2836 : memref<8x1024xf32, #tpu.memory_space<hbm>>)
      %add3A_2837 = arith.constant 32 : i32
      %add3A_2838 = arith.addi %mul3A_32, %add3A_2837 : i32
      %add3A_2839 = arith.constant 8 : i32
      %add3A_2840 = arith.addi %add3A_2838, %add3A_2839 : i32
      %dma_wait3A_2841 = arith.constant 0 : i32
      %dma_wait3A_2842 = tpu.memref_slice %arg5[%select_n3A, %add3A_2840, %dma_wait3A_2841] : memref<4x2048x1024xf32, #tpu.memory_space<hbm>> -> memref<1x8x1024xf32, #tpu.memory_space<hbm>>
      %dma_wait3A_2843 = tpu.memref_squeeze %dma_wait3A_2842 : memref<1x8x1024xf32, #tpu.memory_space<hbm>> -> memref<8x1024xf32, #tpu.memory_space<hbm>>
      %dma_wait3A_2844 = arith.constant 0 : i32
      %dma_wait3A_2845 = tpu.memref_slice %arg5[%select_n3A, %add3A_2840, %dma_wait3A_2844] : memref<4x2048x1024xf32, #tpu.memory_space<hbm>> -> memref<1x8x1024xf32, #tpu.memory_space<hbm>>
      %dma_wait3A_2846 = tpu.memref_squeeze %dma_wait3A_2845 : memref<1x8x1024xf32, #tpu.memory_space<hbm>> -> memref<8x1024xf32, #tpu.memory_space<hbm>>
      tpu.wait_dma2 semaphore(%arg18 : memref<!tpu.dma_semaphore, #tpu.memory_space<semaphore_mem>>) src(%arg11 : memref<8x1024xf32, #tpu.memory_space<vmem>>) dst(%dma_wait3A_2846 : memref<8x1024xf32, #tpu.memory_space<hbm>>)
      %add3A_2847 = arith.constant 32 : i32
      %add3A_2848 = arith.addi %mul3A_32, %add3A_2847 : i32
      %add3A_2849 = arith.constant 16 : i32
      %add3A_2850 = arith.addi %add3A_2848, %add3A_2849 : i32
      %dma_wait3A_2851 = arith.constant 0 : i32
      %dma_wait3A_2852 = tpu.memref_slice %arg5[%select_n3A, %add3A_2850, %dma_wait3A_2851] : memref<4x2048x1024xf32, #tpu.memory_space<hbm>> -> memref<1x8x1024xf32, #tpu.memory_space<hbm>>
      %dma_wait3A_2853 = tpu.memref_squeeze %dma_wait3A_2852 : memref<1x8x1024xf32, #tpu.memory_space<hbm>> -> memref<8x1024xf32, #tpu.memory_space<hbm>>
      %dma_wait3A_2854 = arith.constant 0 : i32
      %dma_wait3A_2855 = tpu.memref_slice %arg5[%select_n3A, %add3A_2850, %dma_wait3A_2854] : memref<4x2048x1024xf32, #tpu.memory_space<hbm>> -> memref<1x8x1024xf32, #tpu.memory_space<hbm>>
      %dma_wait3A_2856 = tpu.memref_squeeze %dma_wait3A_2855 : memref<1x8x1024xf32, #tpu.memory_space<hbm>> -> memref<8x1024xf32, #tpu.memory_space<hbm>>
      tpu.wait_dma2 semaphore(%arg18 : memref<!tpu.dma_semaphore, #tpu.memory_space<semaphore_mem>>) src(%arg11 : memref<8x1024xf32, #tpu.memory_space<vmem>>) dst(%dma_wait3A_2856 : memref<8x1024xf32, #tpu.memory_space<hbm>>)
      %add3A_2857 = arith.constant 32 : i32
      %add3A_2858 = arith.addi %mul3A_32, %add3A_2857 : i32
      %add3A_2859 = arith.constant 24 : i32
      %add3A_2860 = arith.addi %add3A_2858, %add3A_2859 : i32
      %dma_wait3A_2861 = arith.constant 0 : i32
      %dma_wait3A_2862 = tpu.memref_slice %arg5[%select_n3A, %add3A_2860, %dma_wait3A_2861] : memref<4x2048x1024xf32, #tpu.memory_space<hbm>> -> memref<1x8x1024xf32, #tpu.memory_space<hbm>>
      %dma_wait3A_2863 = tpu.memref_squeeze %dma_wait3A_2862 : memref<1x8x1024xf32, #tpu.memory_space<hbm>> -> memref<8x1024xf32, #tpu.memory_space<hbm>>
      %dma_wait3A_2864 = arith.constant 0 : i32
      %dma_wait3A_2865 = tpu.memref_slice %arg5[%select_n3A, %add3A_2860, %dma_wait3A_2864] : memref<4x2048x1024xf32, #tpu.memory_space<hbm>> -> memref<1x8x1024xf32, #tpu.memory_space<hbm>>
      %dma_wait3A_2866 = tpu.memref_squeeze %dma_wait3A_2865 : memref<1x8x1024xf32, #tpu.memory_space<hbm>> -> memref<8x1024xf32, #tpu.memory_space<hbm>>
      tpu.wait_dma2 semaphore(%arg18 : memref<!tpu.dma_semaphore, #tpu.memory_space<semaphore_mem>>) src(%arg11 : memref<8x1024xf32, #tpu.memory_space<vmem>>) dst(%dma_wait3A_2866 : memref<8x1024xf32, #tpu.memory_space<hbm>>)
    } else {
    }
    %convert_element_type3A_2810 = arith.extui %reduce_and3A_2177 : i1 to i32
    %cond3A_2811 = arith.constant 0 : i32
    %cond3A_2812 = arith.cmpi ne, %convert_element_type3A_2810, %cond3A_2811 : i32
    scf.if %cond3A_2812 {
      %add3A_2828 = arith.constant 64 : i32
      %add3A_2829 = arith.addi %mul3A_32, %add3A_2828 : i32
      %add3A_2830 = arith.constant 0 : i32
      %add3A_2831 = arith.addi %add3A_2829, %add3A_2830 : i32
      %dma_wait3A = arith.constant 0 : i32
      %dma_wait3A_2832 = tpu.memref_slice %arg5[%select_n3A, %add3A_2831, %dma_wait3A] : memref<4x2048x1024xf32, #tpu.memory_space<hbm>> -> memref<1x8x1024xf32, #tpu.memory_space<hbm>>
      %dma_wait3A_2833 = tpu.memref_squeeze %dma_wait3A_2832 : memref<1x8x1024xf32, #tpu.memory_space<hbm>> -> memref<8x1024xf32, #tpu.memory_space<hbm>>
      %dma_wait3A_2834 = arith.constant 0 : i32
      %dma_wait3A_2835 = tpu.memref_slice %arg5[%select_n3A, %add3A_2831, %dma_wait3A_2834] : memref<4x2048x1024xf32, #tpu.memory_space<hbm>> -> memref<1x8x1024xf32, #tpu.memory_space<hbm>>
      %dma_wait3A_2836 = tpu.memref_squeeze %dma_wait3A_2835 : memref<1x8x1024xf32, #tpu.memory_space<hbm>> -> memref<8x1024xf32, #tpu.memory_space<hbm>>
      tpu.wait_dma2 semaphore(%arg18 : memref<!tpu.dma_semaphore, #tpu.memory_space<semaphore_mem>>) src(%arg11 : memref<8x1024xf32, #tpu.memory_space<vmem>>) dst(%dma_wait3A_2836 : memref<8x1024xf32, #tpu.memory_space<hbm>>)
      %add3A_2837 = arith.constant 64 : i32
      %add3A_2838 = arith.addi %mul3A_32, %add3A_2837 : i32
      %add3A_2839 = arith.constant 8 : i32
      %add3A_2840 = arith.addi %add3A_2838, %add3A_2839 : i32
      %dma_wait3A_2841 = arith.constant 0 : i32
      %dma_wait3A_2842 = tpu.memref_slice %arg5[%select_n3A, %add3A_2840, %dma_wait3A_2841] : memref<4x2048x1024xf32, #tpu.memory_space<hbm>> -> memref<1x8x1024xf32, #tpu.memory_space<hbm>>
      %dma_wait3A_2843 = tpu.memref_squeeze %dma_wait3A_2842 : memref<1x8x1024xf32, #tpu.memory_space<hbm>> -> memref<8x1024xf32, #tpu.memory_space<hbm>>
      %dma_wait3A_2844 = arith.constant 0 : i32
      %dma_wait3A_2845 = tpu.memref_slice %arg5[%select_n3A, %add3A_2840, %dma_wait3A_2844] : memref<4x2048x1024xf32, #tpu.memory_space<hbm>> -> memref<1x8x1024xf32, #tpu.memory_space<hbm>>
      %dma_wait3A_2846 = tpu.memref_squeeze %dma_wait3A_2845 : memref<1x8x1024xf32, #tpu.memory_space<hbm>> -> memref<8x1024xf32, #tpu.memory_space<hbm>>
      tpu.wait_dma2 semaphore(%arg18 : memref<!tpu.dma_semaphore, #tpu.memory_space<semaphore_mem>>) src(%arg11 : memref<8x1024xf32, #tpu.memory_space<vmem>>) dst(%dma_wait3A_2846 : memref<8x1024xf32, #tpu.memory_space<hbm>>)
      %add3A_2847 = arith.constant 64 : i32
      %add3A_2848 = arith.addi %mul3A_32, %add3A_2847 : i32
      %add3A_2849 = arith.constant 16 : i32
      %add3A_2850 = arith.addi %add3A_2848, %add3A_2849 : i32
      %dma_wait3A_2851 = arith.constant 0 : i32
      %dma_wait3A_2852 = tpu.memref_slice %arg5[%select_n3A, %add3A_2850, %dma_wait3A_2851] : memref<4x2048x1024xf32, #tpu.memory_space<hbm>> -> memref<1x8x1024xf32, #tpu.memory_space<hbm>>
      %dma_wait3A_2853 = tpu.memref_squeeze %dma_wait3A_2852 : memref<1x8x1024xf32, #tpu.memory_space<hbm>> -> memref<8x1024xf32, #tpu.memory_space<hbm>>
      %dma_wait3A_2854 = arith.constant 0 : i32
      %dma_wait3A_2855 = tpu.memref_slice %arg5[%select_n3A, %add3A_2850, %dma_wait3A_2854] : memref<4x2048x1024xf32, #tpu.memory_space<hbm>> -> memref<1x8x1024xf32, #tpu.memory_space<hbm>>
      %dma_wait3A_2856 = tpu.memref_squeeze %dma_wait3A_2855 : memref<1x8x1024xf32, #tpu.memory_space<hbm>> -> memref<8x1024xf32, #tpu.memory_space<hbm>>
      tpu.wait_dma2 semaphore(%arg18 : memref<!tpu.dma_semaphore, #tpu.memory_space<semaphore_mem>>) src(%arg11 : memref<8x1024xf32, #tpu.memory_space<vmem>>) dst(%dma_wait3A_2856 : memref<8x1024xf32, #tpu.memory_space<hbm>>)
      %add3A_2857 = arith.constant 64 : i32
      %add3A_2858 = arith.addi %mul3A_32, %add3A_2857 : i32
      %add3A_2859 = arith.constant 24 : i32
      %add3A_2860 = arith.addi %add3A_2858, %add3A_2859 : i32
      %dma_wait3A_2861 = arith.constant 0 : i32
      %dma_wait3A_2862 = tpu.memref_slice %arg5[%select_n3A, %add3A_2860, %dma_wait3A_2861] : memref<4x2048x1024xf32, #tpu.memory_space<hbm>> -> memref<1x8x1024xf32, #tpu.memory_space<hbm>>
      %dma_wait3A_2863 = tpu.memref_squeeze %dma_wait3A_2862 : memref<1x8x1024xf32, #tpu.memory_space<hbm>> -> memref<8x1024xf32, #tpu.memory_space<hbm>>
      %dma_wait3A_2864 = arith.constant 0 : i32
      %dma_wait3A_2865 = tpu.memref_slice %arg5[%select_n3A, %add3A_2860, %dma_wait3A_2864] : memref<4x2048x1024xf32, #tpu.memory_space<hbm>> -> memref<1x8x1024xf32, #tpu.memory_space<hbm>>
      %dma_wait3A_2866 = tpu.memref_squeeze %dma_wait3A_2865 : memref<1x8x1024xf32, #tpu.memory_space<hbm>> -> memref<8x1024xf32, #tpu.memory_space<hbm>>
      tpu.wait_dma2 semaphore(%arg18 : memref<!tpu.dma_semaphore, #tpu.memory_space<semaphore_mem>>) src(%arg11 : memref<8x1024xf32, #tpu.memory_space<vmem>>) dst(%dma_wait3A_2866 : memref<8x1024xf32, #tpu.memory_space<hbm>>)
    } else {
    }
    %convert_element_type3A_2813 = arith.extui %reduce_and3A_2212 : i1 to i32
    %cond3A_2814 = arith.constant 0 : i32
    %cond3A_2815 = arith.cmpi ne, %convert_element_type3A_2813, %cond3A_2814 : i32
    scf.if %cond3A_2815 {
      %add3A_2828 = arith.constant 96 : i32
      %add3A_2829 = arith.addi %mul3A_32, %add3A_2828 : i32
      %add3A_2830 = arith.constant 0 : i32
      %add3A_2831 = arith.addi %add3A_2829, %add3A_2830 : i32
      %dma_wait3A = arith.constant 0 : i32
      %dma_wait3A_2832 = tpu.memref_slice %arg5[%select_n3A, %add3A_2831, %dma_wait3A] : memref<4x2048x1024xf32, #tpu.memory_space<hbm>> -> memref<1x8x1024xf32, #tpu.memory_space<hbm>>
      %dma_wait3A_2833 = tpu.memref_squeeze %dma_wait3A_2832 : memref<1x8x1024xf32, #tpu.memory_space<hbm>> -> memref<8x1024xf32, #tpu.memory_space<hbm>>
      %dma_wait3A_2834 = arith.constant 0 : i32
      %dma_wait3A_2835 = tpu.memref_slice %arg5[%select_n3A, %add3A_2831, %dma_wait3A_2834] : memref<4x2048x1024xf32, #tpu.memory_space<hbm>> -> memref<1x8x1024xf32, #tpu.memory_space<hbm>>
      %dma_wait3A_2836 = tpu.memref_squeeze %dma_wait3A_2835 : memref<1x8x1024xf32, #tpu.memory_space<hbm>> -> memref<8x1024xf32, #tpu.memory_space<hbm>>
      tpu.wait_dma2 semaphore(%arg18 : memref<!tpu.dma_semaphore, #tpu.memory_space<semaphore_mem>>) src(%arg11 : memref<8x1024xf32, #tpu.memory_space<vmem>>) dst(%dma_wait3A_2836 : memref<8x1024xf32, #tpu.memory_space<hbm>>)
      %add3A_2837 = arith.constant 96 : i32
      %add3A_2838 = arith.addi %mul3A_32, %add3A_2837 : i32
      %add3A_2839 = arith.constant 8 : i32
      %add3A_2840 = arith.addi %add3A_2838, %add3A_2839 : i32
      %dma_wait3A_2841 = arith.constant 0 : i32
      %dma_wait3A_2842 = tpu.memref_slice %arg5[%select_n3A, %add3A_2840, %dma_wait3A_2841] : memref<4x2048x1024xf32, #tpu.memory_space<hbm>> -> memref<1x8x1024xf32, #tpu.memory_space<hbm>>
      %dma_wait3A_2843 = tpu.memref_squeeze %dma_wait3A_2842 : memref<1x8x1024xf32, #tpu.memory_space<hbm>> -> memref<8x1024xf32, #tpu.memory_space<hbm>>
      %dma_wait3A_2844 = arith.constant 0 : i32
      %dma_wait3A_2845 = tpu.memref_slice %arg5[%select_n3A, %add3A_2840, %dma_wait3A_2844] : memref<4x2048x1024xf32, #tpu.memory_space<hbm>> -> memref<1x8x1024xf32, #tpu.memory_space<hbm>>
      %dma_wait3A_2846 = tpu.memref_squeeze %dma_wait3A_2845 : memref<1x8x1024xf32, #tpu.memory_space<hbm>> -> memref<8x1024xf32, #tpu.memory_space<hbm>>
      tpu.wait_dma2 semaphore(%arg18 : memref<!tpu.dma_semaphore, #tpu.memory_space<semaphore_mem>>) src(%arg11 : memref<8x1024xf32, #tpu.memory_space<vmem>>) dst(%dma_wait3A_2846 : memref<8x1024xf32, #tpu.memory_space<hbm>>)
      %add3A_2847 = arith.constant 96 : i32
      %add3A_2848 = arith.addi %mul3A_32, %add3A_2847 : i32
      %add3A_2849 = arith.constant 16 : i32
      %add3A_2850 = arith.addi %add3A_2848, %add3A_2849 : i32
      %dma_wait3A_2851 = arith.constant 0 : i32
      %dma_wait3A_2852 = tpu.memref_slice %arg5[%select_n3A, %add3A_2850, %dma_wait3A_2851] : memref<4x2048x1024xf32, #tpu.memory_space<hbm>> -> memref<1x8x1024xf32, #tpu.memory_space<hbm>>
      %dma_wait3A_2853 = tpu.memref_squeeze %dma_wait3A_2852 : memref<1x8x1024xf32, #tpu.memory_space<hbm>> -> memref<8x1024xf32, #tpu.memory_space<hbm>>
      %dma_wait3A_2854 = arith.constant 0 : i32
      %dma_wait3A_2855 = tpu.memref_slice %arg5[%select_n3A, %add3A_2850, %dma_wait3A_2854] : memref<4x2048x1024xf32, #tpu.memory_space<hbm>> -> memref<1x8x1024xf32, #tpu.memory_space<hbm>>
      %dma_wait3A_2856 = tpu.memref_squeeze %dma_wait3A_2855 : memref<1x8x1024xf32, #tpu.memory_space<hbm>> -> memref<8x1024xf32, #tpu.memory_space<hbm>>
      tpu.wait_dma2 semaphore(%arg18 : memref<!tpu.dma_semaphore, #tpu.memory_space<semaphore_mem>>) src(%arg11 : memref<8x1024xf32, #tpu.memory_space<vmem>>) dst(%dma_wait3A_2856 : memref<8x1024xf32, #tpu.memory_space<hbm>>)
      %add3A_2857 = arith.constant 96 : i32
      %add3A_2858 = arith.addi %mul3A_32, %add3A_2857 : i32
      %add3A_2859 = arith.constant 24 : i32
      %add3A_2860 = arith.addi %add3A_2858, %add3A_2859 : i32
      %dma_wait3A_2861 = arith.constant 0 : i32
      %dma_wait3A_2862 = tpu.memref_slice %arg5[%select_n3A, %add3A_2860, %dma_wait3A_2861] : memref<4x2048x1024xf32, #tpu.memory_space<hbm>> -> memref<1x8x1024xf32, #tpu.memory_space<hbm>>
      %dma_wait3A_2863 = tpu.memref_squeeze %dma_wait3A_2862 : memref<1x8x1024xf32, #tpu.memory_space<hbm>> -> memref<8x1024xf32, #tpu.memory_space<hbm>>
      %dma_wait3A_2864 = arith.constant 0 : i32
      %dma_wait3A_2865 = tpu.memref_slice %arg5[%select_n3A, %add3A_2860, %dma_wait3A_2864] : memref<4x2048x1024xf32, #tpu.memory_space<hbm>> -> memref<1x8x1024xf32, #tpu.memory_space<hbm>>
      %dma_wait3A_2866 = tpu.memref_squeeze %dma_wait3A_2865 : memref<1x8x1024xf32, #tpu.memory_space<hbm>> -> memref<8x1024xf32, #tpu.memory_space<hbm>>
      tpu.wait_dma2 semaphore(%arg18 : memref<!tpu.dma_semaphore, #tpu.memory_space<semaphore_mem>>) src(%arg11 : memref<8x1024xf32, #tpu.memory_space<vmem>>) dst(%dma_wait3A_2866 : memref<8x1024xf32, #tpu.memory_space<hbm>>)
    } else {
    }
    %convert_element_type3A_2816 = arith.extui %reduce_and3A_2247 : i1 to i32
    %cond3A_2817 = arith.constant 0 : i32
    %cond3A_2818 = arith.cmpi ne, %convert_element_type3A_2816, %cond3A_2817 : i32
    scf.if %cond3A_2818 {
      %add3A_2828 = arith.constant 128 : i32
      %add3A_2829 = arith.addi %mul3A_32, %add3A_2828 : i32
      %add3A_2830 = arith.constant 0 : i32
      %add3A_2831 = arith.addi %add3A_2829, %add3A_2830 : i32
      %dma_wait3A = arith.constant 0 : i32
      %dma_wait3A_2832 = tpu.memref_slice %arg5[%select_n3A, %add3A_2831, %dma_wait3A] : memref<4x2048x1024xf32, #tpu.memory_space<hbm>> -> memref<1x8x1024xf32, #tpu.memory_space<hbm>>
      %dma_wait3A_2833 = tpu.memref_squeeze %dma_wait3A_2832 : memref<1x8x1024xf32, #tpu.memory_space<hbm>> -> memref<8x1024xf32, #tpu.memory_space<hbm>>
      %dma_wait3A_2834 = arith.constant 0 : i32
      %dma_wait3A_2835 = tpu.memref_slice %arg5[%select_n3A, %add3A_2831, %dma_wait3A_2834] : memref<4x2048x1024xf32, #tpu.memory_space<hbm>> -> memref<1x8x1024xf32, #tpu.memory_space<hbm>>
      %dma_wait3A_2836 = tpu.memref_squeeze %dma_wait3A_2835 : memref<1x8x1024xf32, #tpu.memory_space<hbm>> -> memref<8x1024xf32, #tpu.memory_space<hbm>>
      tpu.wait_dma2 semaphore(%arg18 : memref<!tpu.dma_semaphore, #tpu.memory_space<semaphore_mem>>) src(%arg11 : memref<8x1024xf32, #tpu.memory_space<vmem>>) dst(%dma_wait3A_2836 : memref<8x1024xf32, #tpu.memory_space<hbm>>)
      %add3A_2837 = arith.constant 128 : i32
      %add3A_2838 = arith.addi %mul3A_32, %add3A_2837 : i32
      %add3A_2839 = arith.constant 8 : i32
      %add3A_2840 = arith.addi %add3A_2838, %add3A_2839 : i32
      %dma_wait3A_2841 = arith.constant 0 : i32
      %dma_wait3A_2842 = tpu.memref_slice %arg5[%select_n3A, %add3A_2840, %dma_wait3A_2841] : memref<4x2048x1024xf32, #tpu.memory_space<hbm>> -> memref<1x8x1024xf32, #tpu.memory_space<hbm>>
      %dma_wait3A_2843 = tpu.memref_squeeze %dma_wait3A_2842 : memref<1x8x1024xf32, #tpu.memory_space<hbm>> -> memref<8x1024xf32, #tpu.memory_space<hbm>>
      %dma_wait3A_2844 = arith.constant 0 : i32
      %dma_wait3A_2845 = tpu.memref_slice %arg5[%select_n3A, %add3A_2840, %dma_wait3A_2844] : memref<4x2048x1024xf32, #tpu.memory_space<hbm>> -> memref<1x8x1024xf32, #tpu.memory_space<hbm>>
      %dma_wait3A_2846 = tpu.memref_squeeze %dma_wait3A_2845 : memref<1x8x1024xf32, #tpu.memory_space<hbm>> -> memref<8x1024xf32, #tpu.memory_space<hbm>>
      tpu.wait_dma2 semaphore(%arg18 : memref<!tpu.dma_semaphore, #tpu.memory_space<semaphore_mem>>) src(%arg11 : memref<8x1024xf32, #tpu.memory_space<vmem>>) dst(%dma_wait3A_2846 : memref<8x1024xf32, #tpu.memory_space<hbm>>)
      %add3A_2847 = arith.constant 128 : i32
      %add3A_2848 = arith.addi %mul3A_32, %add3A_2847 : i32
      %add3A_2849 = arith.constant 16 : i32
      %add3A_2850 = arith.addi %add3A_2848, %add3A_2849 : i32
      %dma_wait3A_2851 = arith.constant 0 : i32
      %dma_wait3A_2852 = tpu.memref_slice %arg5[%select_n3A, %add3A_2850, %dma_wait3A_2851] : memref<4x2048x1024xf32, #tpu.memory_space<hbm>> -> memref<1x8x1024xf32, #tpu.memory_space<hbm>>
      %dma_wait3A_2853 = tpu.memref_squeeze %dma_wait3A_2852 : memref<1x8x1024xf32, #tpu.memory_space<hbm>> -> memref<8x1024xf32, #tpu.memory_space<hbm>>
      %dma_wait3A_2854 = arith.constant 0 : i32
      %dma_wait3A_2855 = tpu.memref_slice %arg5[%select_n3A, %add3A_2850, %dma_wait3A_2854] : memref<4x2048x1024xf32, #tpu.memory_space<hbm>> -> memref<1x8x1024xf32, #tpu.memory_space<hbm>>
      %dma_wait3A_2856 = tpu.memref_squeeze %dma_wait3A_2855 : memref<1x8x1024xf32, #tpu.memory_space<hbm>> -> memref<8x1024xf32, #tpu.memory_space<hbm>>
      tpu.wait_dma2 semaphore(%arg18 : memref<!tpu.dma_semaphore, #tpu.memory_space<semaphore_mem>>) src(%arg11 : memref<8x1024xf32, #tpu.memory_space<vmem>>) dst(%dma_wait3A_2856 : memref<8x1024xf32, #tpu.memory_space<hbm>>)
      %add3A_2857 = arith.constant 128 : i32
      %add3A_2858 = arith.addi %mul3A_32, %add3A_2857 : i32
      %add3A_2859 = arith.constant 24 : i32
      %add3A_2860 = arith.addi %add3A_2858, %add3A_2859 : i32
      %dma_wait3A_2861 = arith.constant 0 : i32
      %dma_wait3A_2862 = tpu.memref_slice %arg5[%select_n3A, %add3A_2860, %dma_wait3A_2861] : memref<4x2048x1024xf32, #tpu.memory_space<hbm>> -> memref<1x8x1024xf32, #tpu.memory_space<hbm>>
      %dma_wait3A_2863 = tpu.memref_squeeze %dma_wait3A_2862 : memref<1x8x1024xf32, #tpu.memory_space<hbm>> -> memref<8x1024xf32, #tpu.memory_space<hbm>>
      %dma_wait3A_2864 = arith.constant 0 : i32
      %dma_wait3A_2865 = tpu.memref_slice %arg5[%select_n3A, %add3A_2860, %dma_wait3A_2864] : memref<4x2048x1024xf32, #tpu.memory_space<hbm>> -> memref<1x8x1024xf32, #tpu.memory_space<hbm>>
      %dma_wait3A_2866 = tpu.memref_squeeze %dma_wait3A_2865 : memref<1x8x1024xf32, #tpu.memory_space<hbm>> -> memref<8x1024xf32, #tpu.memory_space<hbm>>
      tpu.wait_dma2 semaphore(%arg18 : memref<!tpu.dma_semaphore, #tpu.memory_space<semaphore_mem>>) src(%arg11 : memref<8x1024xf32, #tpu.memory_space<vmem>>) dst(%dma_wait3A_2866 : memref<8x1024xf32, #tpu.memory_space<hbm>>)
    } else {
    }
    %convert_element_type3A_2819 = arith.extui %reduce_and3A_2282 : i1 to i32
    %cond3A_2820 = arith.constant 0 : i32
    %cond3A_2821 = arith.cmpi ne, %convert_element_type3A_2819, %cond3A_2820 : i32
    scf.if %cond3A_2821 {
      %add3A_2828 = arith.constant 160 : i32
      %add3A_2829 = arith.addi %mul3A_32, %add3A_2828 : i32
      %add3A_2830 = arith.constant 0 : i32
      %add3A_2831 = arith.addi %add3A_2829, %add3A_2830 : i32
      %dma_wait3A = arith.constant 0 : i32
      %dma_wait3A_2832 = tpu.memref_slice %arg5[%select_n3A, %add3A_2831, %dma_wait3A] : memref<4x2048x1024xf32, #tpu.memory_space<hbm>> -> memref<1x8x1024xf32, #tpu.memory_space<hbm>>
      %dma_wait3A_2833 = tpu.memref_squeeze %dma_wait3A_2832 : memref<1x8x1024xf32, #tpu.memory_space<hbm>> -> memref<8x1024xf32, #tpu.memory_space<hbm>>
      %dma_wait3A_2834 = arith.constant 0 : i32
      %dma_wait3A_2835 = tpu.memref_slice %arg5[%select_n3A, %add3A_2831, %dma_wait3A_2834] : memref<4x2048x1024xf32, #tpu.memory_space<hbm>> -> memref<1x8x1024xf32, #tpu.memory_space<hbm>>
      %dma_wait3A_2836 = tpu.memref_squeeze %dma_wait3A_2835 : memref<1x8x1024xf32, #tpu.memory_space<hbm>> -> memref<8x1024xf32, #tpu.memory_space<hbm>>
      tpu.wait_dma2 semaphore(%arg18 : memref<!tpu.dma_semaphore, #tpu.memory_space<semaphore_mem>>) src(%arg11 : memref<8x1024xf32, #tpu.memory_space<vmem>>) dst(%dma_wait3A_2836 : memref<8x1024xf32, #tpu.memory_space<hbm>>)
      %add3A_2837 = arith.constant 160 : i32
      %add3A_2838 = arith.addi %mul3A_32, %add3A_2837 : i32
      %add3A_2839 = arith.constant 8 : i32
      %add3A_2840 = arith.addi %add3A_2838, %add3A_2839 : i32
      %dma_wait3A_2841 = arith.constant 0 : i32
      %dma_wait3A_2842 = tpu.memref_slice %arg5[%select_n3A, %add3A_2840, %dma_wait3A_2841] : memref<4x2048x1024xf32, #tpu.memory_space<hbm>> -> memref<1x8x1024xf32, #tpu.memory_space<hbm>>
      %dma_wait3A_2843 = tpu.memref_squeeze %dma_wait3A_2842 : memref<1x8x1024xf32, #tpu.memory_space<hbm>> -> memref<8x1024xf32, #tpu.memory_space<hbm>>
      %dma_wait3A_2844 = arith.constant 0 : i32
      %dma_wait3A_2845 = tpu.memref_slice %arg5[%select_n3A, %add3A_2840, %dma_wait3A_2844] : memref<4x2048x1024xf32, #tpu.memory_space<hbm>> -> memref<1x8x1024xf32, #tpu.memory_space<hbm>>
      %dma_wait3A_2846 = tpu.memref_squeeze %dma_wait3A_2845 : memref<1x8x1024xf32, #tpu.memory_space<hbm>> -> memref<8x1024xf32, #tpu.memory_space<hbm>>
      tpu.wait_dma2 semaphore(%arg18 : memref<!tpu.dma_semaphore, #tpu.memory_space<semaphore_mem>>) src(%arg11 : memref<8x1024xf32, #tpu.memory_space<vmem>>) dst(%dma_wait3A_2846 : memref<8x1024xf32, #tpu.memory_space<hbm>>)
      %add3A_2847 = arith.constant 160 : i32
      %add3A_2848 = arith.addi %mul3A_32, %add3A_2847 : i32
      %add3A_2849 = arith.constant 16 : i32
      %add3A_2850 = arith.addi %add3A_2848, %add3A_2849 : i32
      %dma_wait3A_2851 = arith.constant 0 : i32
      %dma_wait3A_2852 = tpu.memref_slice %arg5[%select_n3A, %add3A_2850, %dma_wait3A_2851] : memref<4x2048x1024xf32, #tpu.memory_space<hbm>> -> memref<1x8x1024xf32, #tpu.memory_space<hbm>>
      %dma_wait3A_2853 = tpu.memref_squeeze %dma_wait3A_2852 : memref<1x8x1024xf32, #tpu.memory_space<hbm>> -> memref<8x1024xf32, #tpu.memory_space<hbm>>
      %dma_wait3A_2854 = arith.constant 0 : i32
      %dma_wait3A_2855 = tpu.memref_slice %arg5[%select_n3A, %add3A_2850, %dma_wait3A_2854] : memref<4x2048x1024xf32, #tpu.memory_space<hbm>> -> memref<1x8x1024xf32, #tpu.memory_space<hbm>>
      %dma_wait3A_2856 = tpu.memref_squeeze %dma_wait3A_2855 : memref<1x8x1024xf32, #tpu.memory_space<hbm>> -> memref<8x1024xf32, #tpu.memory_space<hbm>>
      tpu.wait_dma2 semaphore(%arg18 : memref<!tpu.dma_semaphore, #tpu.memory_space<semaphore_mem>>) src(%arg11 : memref<8x1024xf32, #tpu.memory_space<vmem>>) dst(%dma_wait3A_2856 : memref<8x1024xf32, #tpu.memory_space<hbm>>)
      %add3A_2857 = arith.constant 160 : i32
      %add3A_2858 = arith.addi %mul3A_32, %add3A_2857 : i32
      %add3A_2859 = arith.constant 24 : i32
      %add3A_2860 = arith.addi %add3A_2858, %add3A_2859 : i32
      %dma_wait3A_2861 = arith.constant 0 : i32
      %dma_wait3A_2862 = tpu.memref_slice %arg5[%select_n3A, %add3A_2860, %dma_wait3A_2861] : memref<4x2048x1024xf32, #tpu.memory_space<hbm>> -> memref<1x8x1024xf32, #tpu.memory_space<hbm>>
      %dma_wait3A_2863 = tpu.memref_squeeze %dma_wait3A_2862 : memref<1x8x1024xf32, #tpu.memory_space<hbm>> -> memref<8x1024xf32, #tpu.memory_space<hbm>>
      %dma_wait3A_2864 = arith.constant 0 : i32
      %dma_wait3A_2865 = tpu.memref_slice %arg5[%select_n3A, %add3A_2860, %dma_wait3A_2864] : memref<4x2048x1024xf32, #tpu.memory_space<hbm>> -> memref<1x8x1024xf32, #tpu.memory_space<hbm>>
      %dma_wait3A_2866 = tpu.memref_squeeze %dma_wait3A_2865 : memref<1x8x1024xf32, #tpu.memory_space<hbm>> -> memref<8x1024xf32, #tpu.memory_space<hbm>>
      tpu.wait_dma2 semaphore(%arg18 : memref<!tpu.dma_semaphore, #tpu.memory_space<semaphore_mem>>) src(%arg11 : memref<8x1024xf32, #tpu.memory_space<vmem>>) dst(%dma_wait3A_2866 : memref<8x1024xf32, #tpu.memory_space<hbm>>)
    } else {
    }
    %convert_element_type3A_2822 = arith.extui %reduce_and3A_2317 : i1 to i32
    %cond3A_2823 = arith.constant 0 : i32
    %cond3A_2824 = arith.cmpi ne, %convert_element_type3A_2822, %cond3A_2823 : i32
    scf.if %cond3A_2824 {
      %add3A_2828 = arith.constant 192 : i32
      %add3A_2829 = arith.addi %mul3A_32, %add3A_2828 : i32
      %add3A_2830 = arith.constant 0 : i32
      %add3A_2831 = arith.addi %add3A_2829, %add3A_2830 : i32
      %dma_wait3A = arith.constant 0 : i32
      %dma_wait3A_2832 = tpu.memref_slice %arg5[%select_n3A, %add3A_2831, %dma_wait3A] : memref<4x2048x1024xf32, #tpu.memory_space<hbm>> -> memref<1x8x1024xf32, #tpu.memory_space<hbm>>
      %dma_wait3A_2833 = tpu.memref_squeeze %dma_wait3A_2832 : memref<1x8x1024xf32, #tpu.memory_space<hbm>> -> memref<8x1024xf32, #tpu.memory_space<hbm>>
      %dma_wait3A_2834 = arith.constant 0 : i32
      %dma_wait3A_2835 = tpu.memref_slice %arg5[%select_n3A, %add3A_2831, %dma_wait3A_2834] : memref<4x2048x1024xf32, #tpu.memory_space<hbm>> -> memref<1x8x1024xf32, #tpu.memory_space<hbm>>
      %dma_wait3A_2836 = tpu.memref_squeeze %dma_wait3A_2835 : memref<1x8x1024xf32, #tpu.memory_space<hbm>> -> memref<8x1024xf32, #tpu.memory_space<hbm>>
      tpu.wait_dma2 semaphore(%arg18 : memref<!tpu.dma_semaphore, #tpu.memory_space<semaphore_mem>>) src(%arg11 : memref<8x1024xf32, #tpu.memory_space<vmem>>) dst(%dma_wait3A_2836 : memref<8x1024xf32, #tpu.memory_space<hbm>>)
      %add3A_2837 = arith.constant 192 : i32
      %add3A_2838 = arith.addi %mul3A_32, %add3A_2837 : i32
      %add3A_2839 = arith.constant 8 : i32
      %add3A_2840 = arith.addi %add3A_2838, %add3A_2839 : i32
      %dma_wait3A_2841 = arith.constant 0 : i32
      %dma_wait3A_2842 = tpu.memref_slice %arg5[%select_n3A, %add3A_2840, %dma_wait3A_2841] : memref<4x2048x1024xf32, #tpu.memory_space<hbm>> -> memref<1x8x1024xf32, #tpu.memory_space<hbm>>
      %dma_wait3A_2843 = tpu.memref_squeeze %dma_wait3A_2842 : memref<1x8x1024xf32, #tpu.memory_space<hbm>> -> memref<8x1024xf32, #tpu.memory_space<hbm>>
      %dma_wait3A_2844 = arith.constant 0 : i32
      %dma_wait3A_2845 = tpu.memref_slice %arg5[%select_n3A, %add3A_2840, %dma_wait3A_2844] : memref<4x2048x1024xf32, #tpu.memory_space<hbm>> -> memref<1x8x1024xf32, #tpu.memory_space<hbm>>
      %dma_wait3A_2846 = tpu.memref_squeeze %dma_wait3A_2845 : memref<1x8x1024xf32, #tpu.memory_space<hbm>> -> memref<8x1024xf32, #tpu.memory_space<hbm>>
      tpu.wait_dma2 semaphore(%arg18 : memref<!tpu.dma_semaphore, #tpu.memory_space<semaphore_mem>>) src(%arg11 : memref<8x1024xf32, #tpu.memory_space<vmem>>) dst(%dma_wait3A_2846 : memref<8x1024xf32, #tpu.memory_space<hbm>>)
      %add3A_2847 = arith.constant 192 : i32
      %add3A_2848 = arith.addi %mul3A_32, %add3A_2847 : i32
      %add3A_2849 = arith.constant 16 : i32
      %add3A_2850 = arith.addi %add3A_2848, %add3A_2849 : i32
      %dma_wait3A_2851 = arith.constant 0 : i32
      %dma_wait3A_2852 = tpu.memref_slice %arg5[%select_n3A, %add3A_2850, %dma_wait3A_2851] : memref<4x2048x1024xf32, #tpu.memory_space<hbm>> -> memref<1x8x1024xf32, #tpu.memory_space<hbm>>
      %dma_wait3A_2853 = tpu.memref_squeeze %dma_wait3A_2852 : memref<1x8x1024xf32, #tpu.memory_space<hbm>> -> memref<8x1024xf32, #tpu.memory_space<hbm>>
      %dma_wait3A_2854 = arith.constant 0 : i32
      %dma_wait3A_2855 = tpu.memref_slice %arg5[%select_n3A, %add3A_2850, %dma_wait3A_2854] : memref<4x2048x1024xf32, #tpu.memory_space<hbm>> -> memref<1x8x1024xf32, #tpu.memory_space<hbm>>
      %dma_wait3A_2856 = tpu.memref_squeeze %dma_wait3A_2855 : memref<1x8x1024xf32, #tpu.memory_space<hbm>> -> memref<8x1024xf32, #tpu.memory_space<hbm>>
      tpu.wait_dma2 semaphore(%arg18 : memref<!tpu.dma_semaphore, #tpu.memory_space<semaphore_mem>>) src(%arg11 : memref<8x1024xf32, #tpu.memory_space<vmem>>) dst(%dma_wait3A_2856 : memref<8x1024xf32, #tpu.memory_space<hbm>>)
      %add3A_2857 = arith.constant 192 : i32
      %add3A_2858 = arith.addi %mul3A_32, %add3A_2857 : i32
      %add3A_2859 = arith.constant 24 : i32
      %add3A_2860 = arith.addi %add3A_2858, %add3A_2859 : i32
      %dma_wait3A_2861 = arith.constant 0 : i32
      %dma_wait3A_2862 = tpu.memref_slice %arg5[%select_n3A, %add3A_2860, %dma_wait3A_2861] : memref<4x2048x1024xf32, #tpu.memory_space<hbm>> -> memref<1x8x1024xf32, #tpu.memory_space<hbm>>
      %dma_wait3A_2863 = tpu.memref_squeeze %dma_wait3A_2862 : memref<1x8x1024xf32, #tpu.memory_space<hbm>> -> memref<8x1024xf32, #tpu.memory_space<hbm>>
      %dma_wait3A_2864 = arith.constant 0 : i32
      %dma_wait3A_2865 = tpu.memref_slice %arg5[%select_n3A, %add3A_2860, %dma_wait3A_2864] : memref<4x2048x1024xf32, #tpu.memory_space<hbm>> -> memref<1x8x1024xf32, #tpu.memory_space<hbm>>
      %dma_wait3A_2866 = tpu.memref_squeeze %dma_wait3A_2865 : memref<1x8x1024xf32, #tpu.memory_space<hbm>> -> memref<8x1024xf32, #tpu.memory_space<hbm>>
      tpu.wait_dma2 semaphore(%arg18 : memref<!tpu.dma_semaphore, #tpu.memory_space<semaphore_mem>>) src(%arg11 : memref<8x1024xf32, #tpu.memory_space<vmem>>) dst(%dma_wait3A_2866 : memref<8x1024xf32, #tpu.memory_space<hbm>>)
    } else {
    }
    %convert_element_type3A_2825 = arith.extui %reduce_and3A_2352 : i1 to i32
    %cond3A_2826 = arith.constant 0 : i32
    %cond3A_2827 = arith.cmpi ne, %convert_element_type3A_2825, %cond3A_2826 : i32
    scf.if %cond3A_2827 {
      %add3A_2828 = arith.constant 224 : i32
      %add3A_2829 = arith.addi %mul3A_32, %add3A_2828 : i32
      %add3A_2830 = arith.constant 0 : i32
      %add3A_2831 = arith.addi %add3A_2829, %add3A_2830 : i32
      %dma_wait3A = arith.constant 0 : i32
      %dma_wait3A_2832 = tpu.memref_slice %arg5[%select_n3A, %add3A_2831, %dma_wait3A] : memref<4x2048x1024xf32, #tpu.memory_space<hbm>> -> memref<1x8x1024xf32, #tpu.memory_space<hbm>>
      %dma_wait3A_2833 = tpu.memref_squeeze %dma_wait3A_2832 : memref<1x8x1024xf32, #tpu.memory_space<hbm>> -> memref<8x1024xf32, #tpu.memory_space<hbm>>
      %dma_wait3A_2834 = arith.constant 0 : i32
      %dma_wait3A_2835 = tpu.memref_slice %arg5[%select_n3A, %add3A_2831, %dma_wait3A_2834] : memref<4x2048x1024xf32, #tpu.memory_space<hbm>> -> memref<1x8x1024xf32, #tpu.memory_space<hbm>>
      %dma_wait3A_2836 = tpu.memref_squeeze %dma_wait3A_2835 : memref<1x8x1024xf32, #tpu.memory_space<hbm>> -> memref<8x1024xf32, #tpu.memory_space<hbm>>
      tpu.wait_dma2 semaphore(%arg18 : memref<!tpu.dma_semaphore, #tpu.memory_space<semaphore_mem>>) src(%arg11 : memref<8x1024xf32, #tpu.memory_space<vmem>>) dst(%dma_wait3A_2836 : memref<8x1024xf32, #tpu.memory_space<hbm>>)
      %add3A_2837 = arith.constant 224 : i32
      %add3A_2838 = arith.addi %mul3A_32, %add3A_2837 : i32
      %add3A_2839 = arith.constant 8 : i32
      %add3A_2840 = arith.addi %add3A_2838, %add3A_2839 : i32
      %dma_wait3A_2841 = arith.constant 0 : i32
      %dma_wait3A_2842 = tpu.memref_slice %arg5[%select_n3A, %add3A_2840, %dma_wait3A_2841] : memref<4x2048x1024xf32, #tpu.memory_space<hbm>> -> memref<1x8x1024xf32, #tpu.memory_space<hbm>>
      %dma_wait3A_2843 = tpu.memref_squeeze %dma_wait3A_2842 : memref<1x8x1024xf32, #tpu.memory_space<hbm>> -> memref<8x1024xf32, #tpu.memory_space<hbm>>
      %dma_wait3A_2844 = arith.constant 0 : i32
      %dma_wait3A_2845 = tpu.memref_slice %arg5[%select_n3A, %add3A_2840, %dma_wait3A_2844] : memref<4x2048x1024xf32, #tpu.memory_space<hbm>> -> memref<1x8x1024xf32, #tpu.memory_space<hbm>>
      %dma_wait3A_2846 = tpu.memref_squeeze %dma_wait3A_2845 : memref<1x8x1024xf32, #tpu.memory_space<hbm>> -> memref<8x1024xf32, #tpu.memory_space<hbm>>
      tpu.wait_dma2 semaphore(%arg18 : memref<!tpu.dma_semaphore, #tpu.memory_space<semaphore_mem>>) src(%arg11 : memref<8x1024xf32, #tpu.memory_space<vmem>>) dst(%dma_wait3A_2846 : memref<8x1024xf32, #tpu.memory_space<hbm>>)
      %add3A_2847 = arith.constant 224 : i32
      %add3A_2848 = arith.addi %mul3A_32, %add3A_2847 : i32
      %add3A_2849 = arith.constant 16 : i32
      %add3A_2850 = arith.addi %add3A_2848, %add3A_2849 : i32
      %dma_wait3A_2851 = arith.constant 0 : i32
      %dma_wait3A_2852 = tpu.memref_slice %arg5[%select_n3A, %add3A_2850, %dma_wait3A_2851] : memref<4x2048x1024xf32, #tpu.memory_space<hbm>> -> memref<1x8x1024xf32, #tpu.memory_space<hbm>>
      %dma_wait3A_2853 = tpu.memref_squeeze %dma_wait3A_2852 : memref<1x8x1024xf32, #tpu.memory_space<hbm>> -> memref<8x1024xf32, #tpu.memory_space<hbm>>
      %dma_wait3A_2854 = arith.constant 0 : i32
      %dma_wait3A_2855 = tpu.memref_slice %arg5[%select_n3A, %add3A_2850, %dma_wait3A_2854] : memref<4x2048x1024xf32, #tpu.memory_space<hbm>> -> memref<1x8x1024xf32, #tpu.memory_space<hbm>>
      %dma_wait3A_2856 = tpu.memref_squeeze %dma_wait3A_2855 : memref<1x8x1024xf32, #tpu.memory_space<hbm>> -> memref<8x1024xf32, #tpu.memory_space<hbm>>
      tpu.wait_dma2 semaphore(%arg18 : memref<!tpu.dma_semaphore, #tpu.memory_space<semaphore_mem>>) src(%arg11 : memref<8x1024xf32, #tpu.memory_space<vmem>>) dst(%dma_wait3A_2856 : memref<8x1024xf32, #tpu.memory_space<hbm>>)
      %add3A_2857 = arith.constant 224 : i32
      %add3A_2858 = arith.addi %mul3A_32, %add3A_2857 : i32
      %add3A_2859 = arith.constant 24 : i32
      %add3A_2860 = arith.addi %add3A_2858, %add3A_2859 : i32
      %dma_wait3A_2861 = arith.constant 0 : i32
      %dma_wait3A_2862 = tpu.memref_slice %arg5[%select_n3A, %add3A_2860, %dma_wait3A_2861] : memref<4x2048x1024xf32, #tpu.memory_space<hbm>> -> memref<1x8x1024xf32, #tpu.memory_space<hbm>>
      %dma_wait3A_2863 = tpu.memref_squeeze %dma_wait3A_2862 : memref<1x8x1024xf32, #tpu.memory_space<hbm>> -> memref<8x1024xf32, #tpu.memory_space<hbm>>
      %dma_wait3A_2864 = arith.constant 0 : i32
      %dma_wait3A_2865 = tpu.memref_slice %arg5[%select_n3A, %add3A_2860, %dma_wait3A_2864] : memref<4x2048x1024xf32, #tpu.memory_space<hbm>> -> memref<1x8x1024xf32, #tpu.memory_space<hbm>>
      %dma_wait3A_2866 = tpu.memref_squeeze %dma_wait3A_2865 : memref<1x8x1024xf32, #tpu.memory_space<hbm>> -> memref<8x1024xf32, #tpu.memory_space<hbm>>
      tpu.wait_dma2 semaphore(%arg18 : memref<!tpu.dma_semaphore, #tpu.memory_space<semaphore_mem>>) src(%arg11 : memref<8x1024xf32, #tpu.memory_space<vmem>>) dst(%dma_wait3A_2866 : memref<8x1024xf32, #tpu.memory_space<hbm>>)
    } else {
    }
    return
  }
}

</mosaic_0001>

<sc_bundles>
// kernel: kernel.3.cloned.1.call-start
scs
__scs_entry_jumppad:
0x0: {  	(pc) =	sbr.rel $0x88, $3  }
0x1: {  	(tag) =	ssettag $0x0;
	lr =	simm.s32 $0x1  }
0x2: {  	[smem:$0x3F9F] =	sst lr;
	_ =	strace $0xD0000000  }
0x3: {  	_ = 	snop  }
0x4: {  	_ = 	snop  }
0x5: {  	_ = 	snop  }
0x6: {  	_ = 	snop  }
0x7: {  	_ = 	snop  }
__scs_overlays_trampoline_lowered:
0x8: {  	[smem:$0x3FAE] =	sst s0  }
0x9: {  	[smem:$0x3FAF] =	sst s1  }
0xa: {  	[smem:$0x3FB0] =	sst s2  }
0xb: {  	[smem:$0x3FB1] =	sst s3  }
0xc: {  	[smem:$0x3FB2] =	sst s4  }
0xd: {  	[smem:$0x3FB3] =	sst s5  }
0xe: {  	[smem:$0x3FB4] =	sst s6  }
0xf: {  	[smem:$0x3FB5] =	sst s7  }
0x10: {  	[smem:$0x3FB6] =	sst s8  }
0x11: {  	[smem:$0x3FB7] =	sst s9;
	s0 =	simm.s32 @!p0 $0x0  }
0x12: {  	s1 =	sld [smem:$0x3F9D];
	s0 =	simm.s32 @p0 $0x1  }
0x13: {  	[smem:$0x3FB8] =	sst s0;
	s0 =	simm.s32 @!p1 $0x0  }
0x14: {  	s2 =	sld [smem:$0x3F9C];
	s0 =	simm.s32 @p1 $0x1  }
0x15: {  	[smem:$0x3FB9] =	sst s0;
	s0 =	simm.s32 @!p2 $0x0  }
0x16: {  	s3 =	sld [smem:$0x3FDB];
	s0 =	simm.s32 @p2 $0x1  }
0x17: {  	s4 =	simm.s32 $0x1BF5;
	[smem:$0x3FBB] =	sst s0  }
0x18: {  	s0 =	sld [smem:$0x3F9E];
	_ =	swait.ge [sflag:s4], $0x0  }
0x19: {  	s7 =	sld [smem:$0x3F9F]  }
0x1a: {  	s8 =	sadd.s32 $0xFFFFE003, lr  }
0x1b: {  	s9 =	sadd.s32 $0xFFFFFEF7, lr;
	s5 =	simm.s32 $0xFFFFFFFF;
	p2 =	slt.u32 s8, $0xFFFFF086  }
0x1c: {  	p1 =	slt.u32 s9, $0xF7A;
	s5 =	simm.s32 @!p2 $0x0  }
0x1d: {  	s5 =	simm.s32 @p1 $0x1;
	p0 =	seq.s32 s7, s2  }
0x1e: {  	s7 =	smul.u32 @!p0 $0xF7A, s2;
	p2 =	seq.s32 @!p0 s5, $0x0  }
0x1f: {  	s9 =	smul.u32 $0xF7A, s1;
	s8 =	simm.s32 @!p0 $0x1BF5;
	p2 =	por !p2, p0  }
0x20: {  	[sflag:s8] =	ssyncset.s32 @!p0 $0xFFFFF086;
	s6 =	sadd.s32 @!p0 s3, s7;
	s7 =	simm.s32 @!p0 $0x108  }
0x21: {  	s3 =	sadd.s32 s3, s9;
	s6 =	sadd.s32 @!p0 $0x88, s6;
	s7 =	simm.s32 @p2 $0x1082  }
0x22: {  	[simem:s7], [sflag:s8] =	dma.local @!p0 [hbm:s6], $0xF7A  }
0x23: {  	s9 =	sor.u32 $0xD0000000, s2;
	s6 =	simm.s32 $0x108;
	_ =	swait.ge @!p0 [sflag:s8], $0x0  }
0x24: {  	s3 =	sadd.s32 $0x88, s3;
	s6 =	simm.s32 @!p1 $0x1082;
	[sflag:s4] =	ssyncset.s32 $0xFFFFF086  }
0x25: {  	[simem:s6], [sflag:s4] =	dma.local [hbm:s3], $0xF7A  }
0x26: {  	[smem:$0x3F9F] =	sst s1;
	(tag) =	ssettag s2;
	_ =	strace s9  }
0x27: {  	s1 =	sld [smem:$0x3FAF]  }
0x28: {  	s2 =	sld [smem:$0x3FB0]  }
0x29: {  	s4 =	sld [smem:$0x3FB2]  }
0x2a: {  	p0 =	seq.s32 s5, $0x0;
	s5 =	sld [smem:$0x3FB3]  }
0x2b: {  	s6 =	sld [smem:$0x3FB4]  }
0x2c: {  	s7 =	sld [smem:$0x3FB5]  }
0x2d: {  	s3 =	simm.s32 $0x108;
	s8 =	sld [smem:$0x3FB6]  }
0x2e: {  	s3 =	simm.s32 @!p0 $0x1082;
	s9 =	sld [smem:$0x3FB7]  }
0x2f: {  	lr =	sadd.s32 s0, s3;
	s0 =	sld [smem:$0x3FAE]  }
0x30: {  	s3 =	sld [smem:$0x3FB1]  }
0x31: {  	[smem:$0x3FBA] =	sst s10  }
0x32: {  	s10 =	sld [smem:$0x3FB8];
	_ =	sdelay $0x3  }
0x33: {  	p0 =	seq.s32 s10, $0x1;
	s10 =	sld [smem:$0x3FBA];
	_ =	sdelay $0x3  }
0x34: {  	[smem:$0x3FBA] =	sst s10  }
0x35: {  	s10 =	sld [smem:$0x3FB9];
	_ =	sdelay $0x3  }
0x36: {  	p1 =	seq.s32 s10, $0x1;
	s10 =	sld [smem:$0x3FBA];
	_ =	sdelay $0x3  }
0x37: {  	[smem:$0x3FBA] =	sst s10  }
0x38: {  	s10 =	sld [smem:$0x3FBB]  }
0x39: {  	_ = 	snop;
	(pc) =	sbr.ind lr, $3  }
0x3a: {  	_ = 	snop  }
0x3b: {  	_ = 	snop  }
0x3c: {  	p2 =	seq.s32 s10, $0x1;
	s10 =	sld [smem:$0x3FBA]  }
0x3d: {  	_ =	shalt  }
0x3e: {  	_ =	shalt  }
0x3f: {  	_ =	shalt  }
0x40: {  	_ =	shalt  }
0x41: {  	_ =	shalt  }
0x42: {  	_ =	shalt  }
0x43: {  	_ =	shalt  }
0x44: {  	_ =	shalt  }
0x45: {  	_ =	shalt  }
0x46: {  	_ =	shalt  }
0x47: {  	_ =	shalt  }
0x48: {  	_ =	shalt  }
0x49: {  	_ =	shalt  }
0x4a: {  	_ =	shalt  }
0x4b: {  	_ =	shalt  }
0x4c: {  	_ =	shalt  }
0x4d: {  	_ =	shalt  }
0x4e: {  	_ =	shalt  }
0x4f: {  	_ =	shalt  }
0x50: {  	_ =	shalt  }
0x51: {  	_ =	shalt  }
0x52: {  	_ =	shalt  }
0x53: {  	_ =	shalt  }
0x54: {  	_ =	shalt  }
0x55: {  	_ =	shalt  }
0x56: {  	_ =	shalt  }
0x57: {  	_ =	shalt  }
0x58: {  	_ =	shalt  }
0x59: {  	_ =	shalt  }
0x5a: {  	_ =	shalt  }
0x5b: {  	_ =	shalt  }
0x5c: {  	_ =	shalt  }
0x5d: {  	_ =	shalt  }
0x5e: {  	_ =	shalt  }
0x5f: {  	_ =	shalt  }
0x60: {  	_ =	shalt  }
0x61: {  	_ =	shalt  }
0x62: {  	_ =	shalt  }
0x63: {  	_ =	shalt  }
0x64: {  	_ =	shalt  }
0x65: {  	_ =	shalt  }
0x66: {  	_ =	shalt  }
0x67: {  	_ =	shalt  }
0x68: {  	_ =	shalt  }
0x69: {  	_ =	shalt  }
0x6a: {  	_ =	shalt  }
0x6b: {  	_ =	shalt  }
0x6c: {  	_ =	shalt  }
0x6d: {  	_ =	shalt  }
0x6e: {  	_ =	shalt  }
0x6f: {  	_ =	shalt  }
0x70: {  	_ =	shalt  }
0x71: {  	_ =	shalt  }
0x72: {  	_ =	shalt  }
0x73: {  	_ =	shalt  }
0x74: {  	_ =	shalt  }
0x75: {  	_ =	shalt  }
0x76: {  	_ =	shalt  }
0x77: {  	_ =	shalt  }
0x78: {  	_ =	shalt  }
0x79: {  	_ =	shalt  }
0x7a: {  	_ =	shalt  }
0x7b: {  	_ =	shalt  }
0x7c: {  	_ =	shalt  }
0x7d: {  	_ =	shalt  }
0x7e: {  	_ =	shalt  }
0x7f: {  	_ =	shalt  }
0x80: {  	_ =	shalt  }
0x81: {  	_ =	shalt  }
0x82: {  	_ =	shalt  }
0x83: {  	_ =	shalt  }
0x84: {  	_ =	shalt  }
0x85: {  	_ =	shalt  }
0x86: {  	_ =	shalt  }
0x87: {  	_ =	shalt  }
.Lfunc_end0:
.L_simem_size_0:
called_computation_lowered:
.L_overlay_start_0:
0x88: {  	s2 =	sld [smem:$0x3FD9]  }
0x89: {  	s3 =	sld [smem:$0x3FFE];
	_ =	sdelay $0x1  }
0x8a: {  	s1 =	srdreg.scid  }
0x8b: {  	s0 =	sand.u32 $0x1, s1  }
0x8c: {  	s17 =	sshll.u32 s0, $0xA;
	s2 =	sadd.s32 s3, s2  }
0x8d: {  	s2 =	sadd.s32 s2, s17  }
0x8e: {  	[smem:$0x3FC6] =	sst s2  }
0x8f: {  	_ = 	snop  }
0x90: {  	s2 =	sld [smem:$0x3FC8]  }
0x91: {  	s18 =	sld [smem:$0x3FD0];
	(tm) =	ssettm $0x1  }
0x92: {  	s4 =	sld [smem:$0x3FFB];
	_ =	sdelay $0x3  }
0x93: {  	_ =	strace s4  }
0x94: {  	s4 =	sld [smem:$0x3FFC];
	_ =	sdelay $0x3  }
0x95: {  	_ =	strace s4  }
0x96: {  	s4 =	sld [smem:$0x3FFD];
	_ =	sdelay $0x3  }
0x97: {  	_ =	strace s4  }
0x98: {  	_ =	strace $0x8FFFFFFF  }
0x99: {  	s19 =	sld [smem:$0x3FDB];
	_ =	sdelay $0x1  }
0x9a: {  	s5 =	simm.s32 $_scs_section_size  }
0x9b: {  	s6 =	simm.s32 $_size__tile_overlayer_lowered;
	s7 =	simm.s32 $_tile_overlayer_lowered  }
0x9c: {  	s22 =	simm.s32 $0x1BFF;
	s21 =	sshll.u32 s7, $0x1;
	s4 =	sadd.s32 s5, s19  }
0x9d: {  	s8 =	simm.s32 $0x0;
	s20 =	sshll.u32 s6, $0x1;
	s6 =	sadd.s32 s21, s4  }
0x9e: {  	[timem:s8], [sflag:s22] =	dma.local [hbm:s6], s20  }
0x9f: {  	_ =	swait.ge [sflag:s22], s20  }
0xa0: {  	s5 =	ssub.s32 $0x0, s20;
	[sflag:s22] =	ssyncset.done $0x0  }
0xa1: {  	[sflag:s22] =	ssyncadd.s32 s5;
	_ =	sdelay $0x1  }
0xa2: {  	s23 =	simm.s32 $0x1B8B  }
0xa3: {  	_ =	swait.ge [sflag:s23], $0x1  }
0xa4: {  	[sflag:s23] =	ssyncset.done $0x0  }
0xa5: {  	s25 =	simm.s32 $0x1B8E;
	s24 =	sld [smem:$0x3FFE];
	[sflag:s23] =	ssyncadd.s32 $0xFFFFFFFF  }
0xa6: {  	s26 =	simm.s32 $execute0_lowered;
	[smem:$0x3FD2] =	sst s25  }
0xa7: {  	s6 =	sshll.u32 s26, $0x1;
	_ =	strace $0x80000046;
	[dreg:$0x1] =	wrdreg $0xFFFFFFFF  }
0xa8: {  	s28 =	simm.s32 $_size_execute0_lowered;
	s4 =	sadd.s32 s4, s6;
	[dreg:$0x0] =	wrdreg $0x0  }
0xa9: {  	s6 =	sshll.u32 s28, $0x1;
	[dreg:$0x2] =	wrdreg s4  }
0xaa: {  	[dreg:$0x3] =	wrdreg s6  }
0xab: {  	[dreg:$0x4] =	wrdreg $0xC0  }
0xac: {  	_ =	task [dreg:s8], $0x5FFFF  }
0xad: {  	[dreg:$0x1] =	wrdreg $0xFFFFFFFF  }
0xae: {  	[dreg:$0x0] =	wrdreg $0x60  }
0xaf: {  	[dreg:$0x2] =	wrdreg s24  }
0xb0: {  	[dreg:$0x3] =	wrdreg s2  }
0xb1: {  	[dreg:$0x4] =	wrdreg s18  }
0xb2: {  	[dreg:$0x5] =	wrdreg $0x9  }
0xb3: {  	_ =	task.clear_ibuf [dreg:s8], $0x6FFFF;
	_ =	strace $0x90000046  }
0xb4: {  	s29 =	simm.s32 $0x9;
	_ =	strace $0x80000048  }
0xb5: {  	_ =	swait.ge [sflag:s29], $0x1  }
0xb6: {  	[sflag:s29] =	ssyncadd.s32 $0xFFFFFFFF  }
0xb7: {  	_ =	strace $0x90000048  }
0xb8: {  	_ =	sfence  }
0xb9: {  	s30 =	sld [smem:$0x0];
	_ =	sdelay $0x2  }
0xba: {  	s31 =	sshll.u32 s1, $0xD;
	s1 =	sshrl.u32 s1, $0x2  }
0xbb: {  	s3 =	sand.u32 $0x4000, s31;
	s1 =	sadd.s32 s1, s30  }
0xbc: {  	s0 =	sor.u32 s3, s0;
	s1 =	sshll.u32 s1, $0x11  }
0xbd: {  	s0 =	sor.u32 s1, s0  }
0xbe: {  	s0 =	sadd.s32 $0x8F2B, s0  }
0xbf: {  	[sflag:s0] =	ssyncadd.remote.s32 $0x1  }
0xc0: {  	_ =	sfence.sel $0xFFFF  }
0xc1: {  	[dreg:$0x0] =	wrdreg $0xFFFFFFFF;
	(pc) =	sbr.abs _section_cstart, $3  }
0xc2: {  	[dreg:$0x1] =	wrdreg $0xFFFFFFFF  }
0xc3: {  	_ =	task.clear_ibuf [dreg:s8], $0x2FFFF;
	_ =	strace $0x9FFFFFFF  }
0xc4: {  	(tm) =	ssettm $0x7FFFFFFF  }
0xc5: {  	_ =	shalt  }
tec
execute0_lowered:
.L_overlay_start_1:
0x0: {  	(tag) =	ssettag $0x1  }
0x1: {  	s4 =	rddreg [dreg:$0x0]  }
0x2: {  	s2 =	rddreg [dreg:$0x1]  }
0x3: {  	s5 =	rddreg [dreg:$0x2]  }
0x4: {  	s0 =	rddreg [dreg:$0x3];
	s3 =	simm.s32 $0x0;
	s1 =	stileid.u32  }
0x5: {  	s7 =	srdreg.scid;
	[smem:$0x7FF] =	sst s3;
	s8 =	sshrl.u32 s1, $0x2  }
0x6: {  	s9 =	sshll.u32 s1, $0x1;
	s14 =	sand.u32 $0x1, s7;
	s12 =	sadd.s32 $0x400, s4  }
0x7: {  	s6 =	sshll.u32 s8, $0x4;
	s22 =	sand.u32 $0x6, s9;
	_ =	strace $0x80000047  }
0x8: {  	s7 =	sshll.u32 s8, $0x15;
	s8 =	sshll.u32 s8, $0x12;
	s6 =	sadd.s32 s6, s4  }
0x9: {  	s11 =	sor.u32 s14, s22;
	s8 =	sadd.s32 s5, s8;
	s23 =	sadd.s32 $0x40400, s6  }
0xa: {  	s6 =	sshll.u32 s11, $0x8;
	s13 =	sshll.u32 s11, $0xF;
	s11 =	sshll.u32 s11, $0x12  }
0xb: {  	[dreg:$0x4] =	wrdreg s23;
	s10 =	sor.u32 $0x20, s6;
	s9 =	sor.u32 $0x40, s6  }
0xc: {  	s4 =	sadd.s32 s12, s13;
	s24 =	sor.u32 s7, s11;
	s11 =	sor.u32 $0x60, s6  }
0xd: {  	s13 =	sadd.s32 s13, s8;
	[dreg:$0x5] =	wrdreg s4;
	s15 =	sshll.u32 s10, $0x7  }
0xe: {  	s16 =	sshll.u32 s9, $0x7;
	[dreg:$0xb] =	wrdreg s13;
	s25 =	sadd.s32 s12, s15  }
0xf: {  	s18 =	sshll.u32 s11, $0x7;
	s26 =	sadd.s32 s12, s16;
	[dreg:$0x6] =	wrdreg s25  }
0x10: {  	s31 =	sadd.s32 s12, s18;
	[dreg:$0x7] =	wrdreg s26  }
0x11: {  	s15 =	sadd.s32 s15, s8;
	[dreg:$0xc] =	wrdreg s31  }
0x12: {  	s4 =	sshrl.u32 s24, $0x3;
	s16 =	sadd.s32 s16, s8;
	[dreg:$0x11] =	wrdreg s15  }
0x13: {  	s4 =	sadd.s32 s5, s4;
	s18 =	sadd.s32 s18, s8;
	[dreg:$0x17] =	wrdreg s16  }
0x14: {  	s17 =	sadd.s32 $0x400, s4;
	[dreg:$0x1d] =	wrdreg s18  }
0x15: {  	s28 =	sadd.s32 $0x800, s4;
	[dreg:$0x8] =	wrdreg s17  }
0x16: {  	s30 =	sshll.u32 s10, $0xA;
	s29 =	sadd.s32 $0xC00, s4;
	[dreg:$0x9] =	wrdreg s28  }
0x17: {  	s13 =	sor.u32 $0x80, s6;
	s20 =	sadd.s32 $0x1400, s4;
	[dreg:$0xa] =	wrdreg s29  }
0x18: {  	s23 =	sshll.u32 s9, $0xA;
	s21 =	sadd.s32 $0x1800, s4;
	[dreg:$0xe] =	wrdreg s20  }
0x19: {  	v24 =	vlaneseq.u32;
	v1 =	vmov s9;
	s9 =	sor.u32 $0x91, s6;
	s22 =	sadd.s32 $0x1C00, s4;
	[dreg:$0xf] =	wrdreg s21  }
0x1a: {  	v18 =	vadd.s32 s9, v24;
	s9 =	simm.s32 $0x8;
	s26 =	sadd.s32 $0x2400, s4;
	[dreg:$0x10] =	wrdreg s22  }
0x1b: {  	s15 =	sor.u32 $0xA0, s6;
	s17 =	sor.u32 s7, s30;
	[dreg:$0x14] =	wrdreg s26  }
0x1c: {  	s28 =	sadd.s32 $0x2800, s4;
	s29 =	sadd.s32 $0x2C00, s4;
	s30 =	sshll.u32 s11, $0xA  }
0x1d: {  	s20 =	sshll.u32 s15, $0x7;
	s22 =	sadd.s32 $0x3400, s4;
	[dreg:$0x15] =	wrdreg s28  }
0x1e: {  	v2 =	vmov s11;
	s11 =	sor.u32 $0xA1, s6;
	s17 =	sshrl.u32 s17, $0x3;
	[dreg:$0x16] =	wrdreg s29  }
0x1f: {  	s31 =	sadd.s32 s12, s20;
	[dreg:$0x1a] =	wrdreg s22;
	s28 =	sadd.s32 $0x4400, s4  }
0x20: {  	s29 =	ssub.s32 $0x2, s14;
	s22 =	sor.u32 $0xE0, s6;
	s20 =	sadd.s32 s20, s8  }
0x21: {  	s19 =	sadd.s32 s5, s17;
	s17 =	sor.u32 s7, s23;
	[dreg:$0x18] =	wrdreg s31  }
0x22: {  	s23 =	sadd.s32 $0x3800, s4;
	[smem:$0x7EA] =	sst s28;
	s31 =	sshrl.u32 s29, $0x1  }
0x23: {  	s14 =	sshll.u32 s22, $0x7;
	s28 =	sadd.s32 $0x5400, s4;
	[smem:$0x7F3] =	sst s20  }
0x24: {  	s20 =	sor.u32 $0x11, s6;
	[dreg:$0xd] =	wrdreg s19;
	s19 =	sshll.u32 s13, $0x7  }
0x25: {  	s17 =	sshrl.u32 s17, $0x3;
	[dreg:$0x1b] =	wrdreg s23;
	s23 =	sshll.u32 s15, $0xA  }
0x26: {  	v4 =	vmov s15;
	[smem:$0x7F0] =	sst s28;
	s28 =	sadd.s32 $0x6C00, s4;
	s15 =	sor.u32 $0xB1, s6  }
0x27: {  	s24 =	sadd.s32 s12, s19;
	s25 =	sadd.s32 s5, s17;
	[smem:$0x7F7] =	sst s28  }
0x28: {  	s17 =	sor.u32 s7, s30;
	s30 =	sadd.s32 $0x4800, s4;
	[dreg:$0x12] =	wrdreg s24  }
0x29: {  	s19 =	sadd.s32 s19, s8;
	s23 =	sor.u32 s7, s23;
	[dreg:$0x13] =	wrdreg s25  }
0x2a: {  	s28 =	sor.u32 $0x81, s6;
	s17 =	sshrl.u32 s17, $0x3;
	[smem:$0x7EB] =	sst s30  }
0x2b: {  	s24 =	sadd.s32 $0x3C00, s4;
	[smem:$0x7ED] =	sst s19;
	s23 =	sshrl.u32 s23, $0x3  }
0x2c: {  	s19 =	sadd.s32 $0x100, s6;
	s21 =	sadd.s32 s5, s17;
	[dreg:$0x1c] =	wrdreg s24  }
0x2d: {  	s17 =	sor.u32 $0xC0, s6;
	s24 =	sadd.s32 $0x4C00, s4;
	[dreg:$0x19] =	wrdreg s21  }
0x2e: {  	s21 =	sshll.u32 s13, $0xA;
	s16 =	sshll.u32 s17, $0x7;
	[smem:$0x7EC] =	sst s24  }
0x2f: {  	s30 =	sshll.u32 s17, $0xA;
	v5 =	vmov s17;
	s17 =	sor.u32 $0xC1, s6;
	s25 =	sadd.s32 s12, s16  }
0x30: {  	s21 =	sor.u32 s7, s21;
	s16 =	sadd.s32 s16, s8;
	[dreg:$0x1e] =	wrdreg s25  }
0x31: {  	s8 =	sadd.s32 s14, s8;
	s21 =	sshrl.u32 s21, $0x3;
	[smem:$0x7F8] =	sst s16  }
0x32: {  	s25 =	sadd.s32 s12, s14;
	s12 =	ssub.s32 s29, s31;
	[smem:$0x7FD] =	sst s8  }
0x33: {  	s29 =	sadd.s32 $0x5800, s4;
	s31 =	sadd.s32 $0x5C00, s4;
	[smem:$0x7EE] =	sst s25  }
0x34: {  	s26 =	sadd.s32 s5, s21;
	[smem:$0x7F1] =	sst s29;
	s21 =	sor.u32 s7, s30  }
0x35: {  	[smem:$0x7F2] =	sst s31;
	s25 =	sadd.s32 $0x6400, s4;
	s29 =	sor.u32 $0x51, s6  }
0x36: {  	v6 =	vmov s22;
	s30 =	sor.u32 $0x61, s6;
	s31 =	sshll.u32 s22, $0xA;
	s22 =	sor.u32 $0xD1, s6  }
0x37: {  	s8 =	smax.u32 s12, $0x1;
	[dreg:$0x1f] =	wrdreg s26;
	s26 =	sadd.s32 s5, s23  }
0x38: {  	s23 =	sshrl.u32 s21, $0x3;
	s21 =	sor.u32 $0x1, s6;
	[smem:$0x7F5] =	sst s25  }
0x39: {  	s25 =	sor.u32 $0x41, s6;
	v14 =	vadd.s32 s29, v24;
	s29 =	sadd.s32 $0x7400, s4;
	[smem:$0x7EF] =	sst s26  }
0x3a: {  	v25 =	vimm.f32 $0.0e+00;
	s7 =	sor.u32 s7, s31;
	v15 =	vadd.s32 s30, v24;
	s30 =	sadd.s32 $0x7800, s4;
	[smem:$0x7FA] =	sst s29  }
0x3b: {  	v26 =	vimm.f32 $1.000000000e+00;
	v10 =	vmov s6;
	v0 =	vmov s10;
	s31 =	sadd.s32 $0x7C00, s4;
	s24 =	sadd.s32 s5, s23;
	[smem:$0x7FB] =	sst s30  }
0x3c: {  	v3 =	vmov s13;
	v19 =	vadd.s32 s11, v24;
	v9 =	vadd.s32 s20, v24;
	s23 =	sor.u32 $0x21, s6;
	s26 =	sadd.s32 $0x6800, s4;
	[smem:$0x7FC] =	sst s31  }
0x3d: {  	v20 =	vadd.s32 s15, v24;
	v17 =	vadd.s32 s28, v24;
	s7 =	sshrl.u32 s7, $0x3;
	v13 =	vadd.s32 s25, v24;
	s25 =	sor.u32 $0xF1, s6;
	[smem:$0x7F4] =	sst s24  }
0x3e: {  	v7 =	vmov s19;
	v21 =	vadd.s32 s17, v24;
	v22 =	vadd.s32 s22, v24;
	s24 =	sor.u32 $0x31, s6;
	[smem:$0x7F6] =	sst s26;
	s26 =	sor.u32 $0x71, s6  }
0x3f: {  	v8 =	vadd.s32 s21, v24;
	v11 =	vadd.s32 s23, v24;
	s23 =	sor.u32 $0xE1, s6;
	s5 =	sadd.s32 s5, s7;
	s6 =	sadd.s32 $0x200, s2;
	v12 =	vadd.s32 s24, v24  }
0x40: {  	s7 =	sadd.s32 $0x300, s2;
	[smem:$0x7F9] =	sst s5;
	v16 =	vadd.s32 s26, v24;
	s5 =	sadd.s32 $0x100, s2;
	v23 =	vadd.s32 s23, v24;
	v24 =	vadd.s32 s25, v24  }
.LBB2_1:
0x41: {  	s10 =	rddreg [dreg:$0x4]  }
0x42: {  	[tilespmem:s3], [sflag:$0x8] =	stream.linear.gather [hbm4b:s10+s3], $0x80, $0x38;
	[tilespmem:$0x1A480] =	vst v63  }
0x43: {  	_ =	swait.ge [sflag:s9], $0x80  }
0x44: {  	[sflag:s9] =	ssyncset.done $0x0  }
0x45: {  	[sflag:s9] =	ssyncadd.s32 $0xFFFFFF80  }
0x46: {  	[tilespmem:$0x18480] =	vst v25  }
0x47: {  	[tilespmem:$0x18490] =	vst v25  }
0x48: {  	[tilespmem:$0x184A0] =	vst v25  }
0x49: {  	[tilespmem:$0x184B0] =	vst v25  }
0x4a: {  	[tilespmem:$0x184C0] =	vst v25  }
0x4b: {  	[tilespmem:$0x184D0] =	vst v25  }
0x4c: {  	[tilespmem:$0x184E0] =	vst v25  }
0x4d: {  	[tilespmem:$0x184F0] =	vst v25  }
0x4e: {  	[tilespmem:$0x18880] =	vst v25  }
0x4f: {  	[tilespmem:$0x18890] =	vst v25  }
0x50: {  	[tilespmem:$0x188A0] =	vst v25  }
0x51: {  	[tilespmem:$0x188B0] =	vst v25  }
0x52: {  	[tilespmem:$0x188C0] =	vst v25  }
0x53: {  	[tilespmem:$0x188D0] =	vst v25  }
0x54: {  	[tilespmem:$0x188E0] =	vst v25  }
0x55: {  	[tilespmem:$0x188F0] =	vst v25  }
0x56: {  	[tilespmem:$0x18C80] =	vst v25  }
0x57: {  	[tilespmem:$0x18C90] =	vst v25  }
0x58: {  	[tilespmem:$0x18CA0] =	vst v25  }
0x59: {  	[tilespmem:$0x18CB0] =	vst v25  }
0x5a: {  	[tilespmem:$0x18CC0] =	vst v25  }
0x5b: {  	[tilespmem:$0x18CD0] =	vst v25  }
0x5c: {  	[tilespmem:$0x18CE0] =	vst v25  }
0x5d: {  	[tilespmem:$0x18CF0] =	vst v25  }
0x5e: {  	[tilespmem:$0x19080] =	vst v25  }
0x5f: {  	[tilespmem:$0x19090] =	vst v25  }
0x60: {  	[tilespmem:$0x190A0] =	vst v25  }
0x61: {  	[tilespmem:$0x190B0] =	vst v25  }
0x62: {  	[tilespmem:$0x190C0] =	vst v25  }
0x63: {  	[tilespmem:$0x190D0] =	vst v25  }
0x64: {  	[tilespmem:$0x190E0] =	vst v25  }
0x65: {  	[tilespmem:$0x190F0] =	vst v25  }
0x66: {  	[tilespmem:$0x19480] =	vst v25  }
0x67: {  	[tilespmem:$0x19490] =	vst v25  }
0x68: {  	[tilespmem:$0x194A0] =	vst v25  }
0x69: {  	[tilespmem:$0x194B0] =	vst v25  }
0x6a: {  	[tilespmem:$0x194C0] =	vst v25  }
0x6b: {  	[tilespmem:$0x194D0] =	vst v25  }
0x6c: {  	[tilespmem:$0x194E0] =	vst v25  }
0x6d: {  	[tilespmem:$0x194F0] =	vst v25  }
0x6e: {  	[tilespmem:$0x19880] =	vst v25  }
0x6f: {  	[tilespmem:$0x19890] =	vst v25  }
0x70: {  	[tilespmem:$0x198A0] =	vst v25  }
0x71: {  	[tilespmem:$0x198B0] =	vst v25  }
0x72: {  	[tilespmem:$0x198C0] =	vst v25  }
0x73: {  	[tilespmem:$0x198D0] =	vst v25  }
0x74: {  	[tilespmem:$0x198E0] =	vst v25  }
0x75: {  	[tilespmem:$0x198F0] =	vst v25  }
0x76: {  	[tilespmem:$0x19C80] =	vst v25  }
0x77: {  	[tilespmem:$0x19C90] =	vst v25  }
0x78: {  	[tilespmem:$0x19CA0] =	vst v25  }
0x79: {  	[tilespmem:$0x19CB0] =	vst v25  }
0x7a: {  	[tilespmem:$0x19CC0] =	vst v25  }
0x7b: {  	[tilespmem:$0x19CD0] =	vst v25  }
0x7c: {  	[tilespmem:$0x19CE0] =	vst v25  }
0x7d: {  	[tilespmem:$0x19CF0] =	vst v25  }
0x7e: {  	[tilespmem:$0x1A080] =	vst v25  }
0x7f: {  	[tilespmem:$0x1A090] =	vst v25  }
0x80: {  	[tilespmem:$0x1A0A0] =	vst v25  }
0x81: {  	[tilespmem:$0x1A0B0] =	vst v25  }
0x82: {  	[tilespmem:$0x1A0C0] =	vst v25  }
0x83: {  	[tilespmem:$0x1A0D0] =	vst v25  }
0x84: {  	[tilespmem:$0x1A0E0] =	vst v25  }
0x85: {  	[tilespmem:$0x1A0F0] =	vst v25  }
0x86: {  	[tilespmem:$0x18500] =	vst v25  }
0x87: {  	[tilespmem:$0x18510] =	vst v25  }
0x88: {  	[tilespmem:$0x18520] =	vst v25  }
0x89: {  	[tilespmem:$0x18530] =	vst v25  }
0x8a: {  	[tilespmem:$0x18540] =	vst v25  }
0x8b: {  	[tilespmem:$0x18550] =	vst v25  }
0x8c: {  	[tilespmem:$0x18560] =	vst v25  }
0x8d: {  	[tilespmem:$0x18570] =	vst v25  }
0x8e: {  	[tilespmem:$0x18900] =	vst v25  }
0x8f: {  	[tilespmem:$0x18910] =	vst v25  }
0x90: {  	[tilespmem:$0x18920] =	vst v25  }
0x91: {  	[tilespmem:$0x18930] =	vst v25  }
0x92: {  	[tilespmem:$0x18940] =	vst v25  }
0x93: {  	[tilespmem:$0x18950] =	vst v25  }
0x94: {  	[tilespmem:$0x18960] =	vst v25  }
0x95: {  	[tilespmem:$0x18970] =	vst v25  }
0x96: {  	[tilespmem:$0x18D00] =	vst v25  }
0x97: {  	[tilespmem:$0x18D10] =	vst v25  }
0x98: {  	[tilespmem:$0x18D20] =	vst v25  }
0x99: {  	[tilespmem:$0x18D30] =	vst v25  }
0x9a: {  	[tilespmem:$0x18D40] =	vst v25  }
0x9b: {  	[tilespmem:$0x18D50] =	vst v25  }
0x9c: {  	[tilespmem:$0x18D60] =	vst v25  }
0x9d: {  	[tilespmem:$0x18D70] =	vst v25  }
0x9e: {  	[tilespmem:$0x19100] =	vst v25  }
0x9f: {  	[tilespmem:$0x19110] =	vst v25  }
0xa0: {  	[tilespmem:$0x19120] =	vst v25  }
0xa1: {  	[tilespmem:$0x19130] =	vst v25  }
0xa2: {  	[tilespmem:$0x19140] =	vst v25  }
0xa3: {  	[tilespmem:$0x19150] =	vst v25  }
0xa4: {  	[tilespmem:$0x19160] =	vst v25  }
0xa5: {  	[tilespmem:$0x19170] =	vst v25  }
0xa6: {  	[tilespmem:$0x19500] =	vst v25  }
0xa7: {  	[tilespmem:$0x19510] =	vst v25  }
0xa8: {  	[tilespmem:$0x19520] =	vst v25  }
0xa9: {  	[tilespmem:$0x19530] =	vst v25  }
0xaa: {  	[tilespmem:$0x19540] =	vst v25  }
0xab: {  	[tilespmem:$0x19550] =	vst v25  }
0xac: {  	[tilespmem:$0x19560] =	vst v25  }
0xad: {  	[tilespmem:$0x19570] =	vst v25  }
0xae: {  	[tilespmem:$0x19900] =	vst v25  }
0xaf: {  	[tilespmem:$0x19910] =	vst v25  }
0xb0: {  	[tilespmem:$0x19920] =	vst v25  }
0xb1: {  	[tilespmem:$0x19930] =	vst v25  }
0xb2: {  	[tilespmem:$0x19940] =	vst v25  }
0xb3: {  	[tilespmem:$0x19950] =	vst v25  }
0xb4: {  	[tilespmem:$0x19960] =	vst v25  }
0xb5: {  	[tilespmem:$0x19970] =	vst v25  }
0xb6: {  	[tilespmem:$0x19D00] =	vst v25  }
0xb7: {  	[tilespmem:$0x19D10] =	vst v25  }
0xb8: {  	[tilespmem:$0x19D20] =	vst v25  }
0xb9: {  	[tilespmem:$0x19D30] =	vst v25  }
0xba: {  	[tilespmem:$0x19D40] =	vst v25  }
0xbb: {  	[tilespmem:$0x19D50] =	vst v25  }
0xbc: {  	[tilespmem:$0x19D60] =	vst v25  }
0xbd: {  	[tilespmem:$0x19D70] =	vst v25  }
0xbe: {  	[tilespmem:$0x1A100] =	vst v25  }
0xbf: {  	[tilespmem:$0x1A110] =	vst v25  }
0xc0: {  	[tilespmem:$0x1A120] =	vst v25  }
0xc1: {  	[tilespmem:$0x1A130] =	vst v25  }
0xc2: {  	[tilespmem:$0x1A140] =	vst v25  }
0xc3: {  	[tilespmem:$0x1A150] =	vst v25  }
0xc4: {  	[tilespmem:$0x1A160] =	vst v25  }
0xc5: {  	[tilespmem:$0x1A170] =	vst v25  }
0xc6: {  	[tilespmem:$0x18580] =	vst v25  }
0xc7: {  	[tilespmem:$0x18590] =	vst v25  }
0xc8: {  	[tilespmem:$0x185A0] =	vst v25  }
0xc9: {  	[tilespmem:$0x185B0] =	vst v25  }
0xca: {  	[tilespmem:$0x185C0] =	vst v25  }
0xcb: {  	[tilespmem:$0x185D0] =	vst v25  }
0xcc: {  	[tilespmem:$0x185E0] =	vst v25  }
0xcd: {  	[tilespmem:$0x185F0] =	vst v25  }
0xce: {  	[tilespmem:$0x18980] =	vst v25  }
0xcf: {  	[tilespmem:$0x18990] =	vst v25  }
0xd0: {  	[tilespmem:$0x189A0] =	vst v25  }
0xd1: {  	[tilespmem:$0x189B0] =	vst v25  }
0xd2: {  	[tilespmem:$0x189C0] =	vst v25  }
0xd3: {  	[tilespmem:$0x189D0] =	vst v25  }
0xd4: {  	[tilespmem:$0x189E0] =	vst v25  }
0xd5: {  	[tilespmem:$0x189F0] =	vst v25  }
0xd6: {  	[tilespmem:$0x18D80] =	vst v25  }
0xd7: {  	[tilespmem:$0x18D90] =	vst v25  }
0xd8: {  	[tilespmem:$0x18DA0] =	vst v25  }
0xd9: {  	[tilespmem:$0x18DB0] =	vst v25  }
0xda: {  	[tilespmem:$0x18DC0] =	vst v25  }
0xdb: {  	[tilespmem:$0x18DD0] =	vst v25  }
0xdc: {  	[tilespmem:$0x18DE0] =	vst v25  }
0xdd: {  	[tilespmem:$0x18DF0] =	vst v25  }
0xde: {  	[tilespmem:$0x19180] =	vst v25  }
0xdf: {  	[tilespmem:$0x19190] =	vst v25  }
0xe0: {  	[tilespmem:$0x191A0] =	vst v25  }
0xe1: {  	[tilespmem:$0x191B0] =	vst v25  }
0xe2: {  	[tilespmem:$0x191C0] =	vst v25  }
0xe3: {  	[tilespmem:$0x191D0] =	vst v25  }
0xe4: {  	[tilespmem:$0x191E0] =	vst v25  }
0xe5: {  	[tilespmem:$0x191F0] =	vst v25  }
0xe6: {  	[tilespmem:$0x19580] =	vst v25  }
0xe7: {  	[tilespmem:$0x19590] =	vst v25  }
0xe8: {  	[tilespmem:$0x195A0] =	vst v25  }
0xe9: {  	[tilespmem:$0x195B0] =	vst v25  }
0xea: {  	[tilespmem:$0x195C0] =	vst v25  }
0xeb: {  	[tilespmem:$0x195D0] =	vst v25  }
0xec: {  	[tilespmem:$0x195E0] =	vst v25  }
0xed: {  	[tilespmem:$0x195F0] =	vst v25  }
0xee: {  	[tilespmem:$0x19980] =	vst v25  }
0xef: {  	[tilespmem:$0x19990] =	vst v25  }
0xf0: {  	[tilespmem:$0x199A0] =	vst v25  }
0xf1: {  	[tilespmem:$0x199B0] =	vst v25  }
0xf2: {  	[tilespmem:$0x199C0] =	vst v25  }
0xf3: {  	[tilespmem:$0x199D0] =	vst v25  }
0xf4: {  	[tilespmem:$0x199E0] =	vst v25  }
0xf5: {  	[tilespmem:$0x199F0] =	vst v25  }
0xf6: {  	[tilespmem:$0x19D80] =	vst v25  }
0xf7: {  	[tilespmem:$0x19D90] =	vst v25  }
0xf8: {  	[tilespmem:$0x19DA0] =	vst v25  }
0xf9: {  	[tilespmem:$0x19DB0] =	vst v25  }
0xfa: {  	[tilespmem:$0x19DC0] =	vst v25  }
0xfb: {  	[tilespmem:$0x19DD0] =	vst v25  }
0xfc: {  	[tilespmem:$0x19DE0] =	vst v25  }
0xfd: {  	[tilespmem:$0x19DF0] =	vst v25  }
0xfe: {  	[tilespmem:$0x1A180] =	vst v25  }
0xff: {  	[tilespmem:$0x1A190] =	vst v25  }
0x100: {  	[tilespmem:$0x1A1A0] =	vst v25  }
0x101: {  	[tilespmem:$0x1A1B0] =	vst v25  }
0x102: {  	[tilespmem:$0x1A1C0] =	vst v25  }
0x103: {  	[tilespmem:$0x1A1D0] =	vst v25  }
0x104: {  	[tilespmem:$0x1A1E0] =	vst v25  }
0x105: {  	[tilespmem:$0x1A1F0] =	vst v25  }
0x106: {  	[tilespmem:$0x18600] =	vst v25  }
0x107: {  	[tilespmem:$0x18610] =	vst v25  }
0x108: {  	[tilespmem:$0x18620] =	vst v25  }
0x109: {  	[tilespmem:$0x18630] =	vst v25  }
0x10a: {  	[tilespmem:$0x18640] =	vst v25  }
0x10b: {  	[tilespmem:$0x18650] =	vst v25  }
0x10c: {  	[tilespmem:$0x18660] =	vst v25  }
0x10d: {  	[tilespmem:$0x18670] =	vst v25  }
0x10e: {  	[tilespmem:$0x18A00] =	vst v25  }
0x10f: {  	[tilespmem:$0x18A10] =	vst v25  }
0x110: {  	[tilespmem:$0x18A20] =	vst v25  }
0x111: {  	[tilespmem:$0x18A30] =	vst v25  }
0x112: {  	[tilespmem:$0x18A40] =	vst v25  }
0x113: {  	[tilespmem:$0x18A50] =	vst v25  }
0x114: {  	[tilespmem:$0x18A60] =	vst v25  }
0x115: {  	[tilespmem:$0x18A70] =	vst v25  }
0x116: {  	[tilespmem:$0x18E00] =	vst v25  }
0x117: {  	[tilespmem:$0x18E10] =	vst v25  }
0x118: {  	[tilespmem:$0x18E20] =	vst v25  }
0x119: {  	[tilespmem:$0x18E30] =	vst v25  }
0x11a: {  	[tilespmem:$0x18E40] =	vst v25  }
0x11b: {  	[tilespmem:$0x18E50] =	vst v25  }
0x11c: {  	[tilespmem:$0x18E60] =	vst v25  }
0x11d: {  	[tilespmem:$0x18E70] =	vst v25  }
0x11e: {  	[tilespmem:$0x19200] =	vst v25  }
0x11f: {  	[tilespmem:$0x19210] =	vst v25  }
0x120: {  	[tilespmem:$0x19220] =	vst v25  }
0x121: {  	[tilespmem:$0x19230] =	vst v25  }
0x122: {  	[tilespmem:$0x19240] =	vst v25  }
0x123: {  	[tilespmem:$0x19250] =	vst v25  }
0x124: {  	[tilespmem:$0x19260] =	vst v25  }
0x125: {  	[tilespmem:$0x19270] =	vst v25  }
0x126: {  	[tilespmem:$0x19600] =	vst v25  }
0x127: {  	[tilespmem:$0x19610] =	vst v25  }
0x128: {  	[tilespmem:$0x19620] =	vst v25  }
0x129: {  	[tilespmem:$0x19630] =	vst v25  }
0x12a: {  	[tilespmem:$0x19640] =	vst v25  }
0x12b: {  	[tilespmem:$0x19650] =	vst v25  }
0x12c: {  	[tilespmem:$0x19660] =	vst v25  }
0x12d: {  	[tilespmem:$0x19670] =	vst v25  }
0x12e: {  	[tilespmem:$0x19A00] =	vst v25  }
0x12f: {  	[tilespmem:$0x19A10] =	vst v25  }
0x130: {  	[tilespmem:$0x19A20] =	vst v25  }
0x131: {  	[tilespmem:$0x19A30] =	vst v25  }
0x132: {  	[tilespmem:$0x19A40] =	vst v25  }
0x133: {  	[tilespmem:$0x19A50] =	vst v25  }
0x134: {  	[tilespmem:$0x19A60] =	vst v25  }
0x135: {  	[tilespmem:$0x19A70] =	vst v25  }
0x136: {  	[tilespmem:$0x19E00] =	vst v25  }
0x137: {  	[tilespmem:$0x19E10] =	vst v25  }
0x138: {  	[tilespmem:$0x19E20] =	vst v25  }
0x139: {  	[tilespmem:$0x19E30] =	vst v25  }
0x13a: {  	[tilespmem:$0x19E40] =	vst v25  }
0x13b: {  	[tilespmem:$0x19E50] =	vst v25  }
0x13c: {  	[tilespmem:$0x19E60] =	vst v25  }
0x13d: {  	[tilespmem:$0x19E70] =	vst v25  }
0x13e: {  	[tilespmem:$0x1A200] =	vst v25  }
0x13f: {  	[tilespmem:$0x1A210] =	vst v25  }
0x140: {  	[tilespmem:$0x1A220] =	vst v25  }
0x141: {  	[tilespmem:$0x1A230] =	vst v25  }
0x142: {  	[tilespmem:$0x1A240] =	vst v25  }
0x143: {  	[tilespmem:$0x1A250] =	vst v25  }
0x144: {  	[tilespmem:$0x1A260] =	vst v25  }
0x145: {  	[tilespmem:$0x19BE0] =	vst v25  }
0x146: {  	[tilespmem:$0x19BD0] =	vst v25  }
0x147: {  	[tilespmem:$0x19BC0] =	vst v25  }
0x148: {  	[tilespmem:$0x19BB0] =	vst v25  }
0x149: {  	[tilespmem:$0x19BA0] =	vst v25  }
0x14a: {  	[tilespmem:$0x19B90] =	vst v25  }
0x14b: {  	[tilespmem:$0x1A270] =	vst v25  }
0x14c: {  	[tilespmem:$0x18680] =	vst v25  }
0x14d: {  	[tilespmem:$0x18690] =	vst v25  }
0x14e: {  	[tilespmem:$0x186A0] =	vst v25  }
0x14f: {  	[tilespmem:$0x186B0] =	vst v25  }
0x150: {  	[tilespmem:$0x186C0] =	vst v25  }
0x151: {  	[tilespmem:$0x186D0] =	vst v25  }
0x152: {  	[tilespmem:$0x186E0] =	vst v25  }
0x153: {  	[tilespmem:$0x186F0] =	vst v25  }
0x154: {  	[tilespmem:$0x18A80] =	vst v25  }
0x155: {  	[tilespmem:$0x18A90] =	vst v25  }
0x156: {  	[tilespmem:$0x18AA0] =	vst v25  }
0x157: {  	[tilespmem:$0x18AB0] =	vst v25  }
0x158: {  	[tilespmem:$0x18AC0] =	vst v25  }
0x159: {  	[tilespmem:$0x18AD0] =	vst v25  }
0x15a: {  	[tilespmem:$0x18AE0] =	vst v25  }
0x15b: {  	[tilespmem:$0x18AF0] =	vst v25  }
0x15c: {  	[tilespmem:$0x18E80] =	vst v25  }
0x15d: {  	[tilespmem:$0x18E90] =	vst v25  }
0x15e: {  	[tilespmem:$0x18EA0] =	vst v25  }
0x15f: {  	[tilespmem:$0x18EB0] =	vst v25  }
0x160: {  	[tilespmem:$0x18EC0] =	vst v25  }
0x161: {  	[tilespmem:$0x18ED0] =	vst v25  }
0x162: {  	[tilespmem:$0x18EE0] =	vst v25  }
0x163: {  	[tilespmem:$0x18EF0] =	vst v25  }
0x164: {  	[tilespmem:$0x19280] =	vst v25  }
0x165: {  	[tilespmem:$0x19290] =	vst v25  }
0x166: {  	[tilespmem:$0x192A0] =	vst v25  }
0x167: {  	[tilespmem:$0x192B0] =	vst v25  }
0x168: {  	[tilespmem:$0x192C0] =	vst v25  }
0x169: {  	[tilespmem:$0x192D0] =	vst v25  }
0x16a: {  	[tilespmem:$0x192E0] =	vst v25  }
0x16b: {  	[tilespmem:$0x192F0] =	vst v25  }
0x16c: {  	[tilespmem:$0x19680] =	vst v25  }
0x16d: {  	[tilespmem:$0x19690] =	vst v25  }
0x16e: {  	[tilespmem:$0x196A0] =	vst v25  }
0x16f: {  	[tilespmem:$0x196B0] =	vst v25  }
0x170: {  	[tilespmem:$0x196C0] =	vst v25  }
0x171: {  	[tilespmem:$0x196D0] =	vst v25  }
0x172: {  	[tilespmem:$0x196E0] =	vst v25  }
0x173: {  	[tilespmem:$0x196F0] =	vst v25  }
0x174: {  	[tilespmem:$0x19A80] =	vst v25  }
0x175: {  	[tilespmem:$0x19A90] =	vst v25  }
0x176: {  	[tilespmem:$0x19AA0] =	vst v25  }
0x177: {  	[tilespmem:$0x19AB0] =	vst v25  }
0x178: {  	[tilespmem:$0x19AC0] =	vst v25  }
0x179: {  	[tilespmem:$0x19AD0] =	vst v25  }
0x17a: {  	[tilespmem:$0x19AE0] =	vst v25  }
0x17b: {  	[tilespmem:$0x19AF0] =	vst v25  }
0x17c: {  	[tilespmem:$0x19E80] =	vst v25  }
0x17d: {  	[tilespmem:$0x19E90] =	vst v25  }
0x17e: {  	[tilespmem:$0x19EA0] =	vst v25  }
0x17f: {  	[tilespmem:$0x19EB0] =	vst v25  }
0x180: {  	[tilespmem:$0x19EC0] =	vst v25  }
0x181: {  	[tilespmem:$0x19ED0] =	vst v25  }
0x182: {  	[tilespmem:$0x19EE0] =	vst v25  }
0x183: {  	[tilespmem:$0x19EF0] =	vst v25  }
0x184: {  	[tilespmem:$0x1A280] =	vst v25  }
0x185: {  	[tilespmem:$0x1A290] =	vst v25  }
0x186: {  	[tilespmem:$0x1A2A0] =	vst v25  }
0x187: {  	[tilespmem:$0x1A2B0] =	vst v25  }
0x188: {  	[tilespmem:$0x1A2C0] =	vst v25  }
0x189: {  	[tilespmem:$0x1A2D0] =	vst v25  }
0x18a: {  	[tilespmem:$0x1A2E0] =	vst v25  }
0x18b: {  	[tilespmem:$0x1A2F0] =	vst v25  }
0x18c: {  	[tilespmem:$0x18700] =	vst v25  }
0x18d: {  	[tilespmem:$0x18710] =	vst v25  }
0x18e: {  	[tilespmem:$0x18720] =	vst v25  }
0x18f: {  	[tilespmem:$0x18730] =	vst v25  }
0x190: {  	[tilespmem:$0x18740] =	vst v25  }
0x191: {  	[tilespmem:$0x18750] =	vst v25  }
0x192: {  	[tilespmem:$0x18760] =	vst v25  }
0x193: {  	[tilespmem:$0x18770] =	vst v25  }
0x194: {  	[tilespmem:$0x18B00] =	vst v25  }
0x195: {  	[tilespmem:$0x18B10] =	vst v25  }
0x196: {  	[tilespmem:$0x18B20] =	vst v25  }
0x197: {  	[tilespmem:$0x18B30] =	vst v25  }
0x198: {  	[tilespmem:$0x18B40] =	vst v25  }
0x199: {  	[tilespmem:$0x18B50] =	vst v25  }
0x19a: {  	[tilespmem:$0x18B60] =	vst v25  }
0x19b: {  	[tilespmem:$0x18B70] =	vst v25  }
0x19c: {  	[tilespmem:$0x18F00] =	vst v25  }
0x19d: {  	[tilespmem:$0x18F10] =	vst v25  }
0x19e: {  	[tilespmem:$0x18F20] =	vst v25  }
0x19f: {  	[tilespmem:$0x18F30] =	vst v25  }
0x1a0: {  	[tilespmem:$0x18F40] =	vst v25  }
0x1a1: {  	[tilespmem:$0x18F50] =	vst v25  }
0x1a2: {  	[tilespmem:$0x18F60] =	vst v25  }
0x1a3: {  	[tilespmem:$0x18F70] =	vst v25  }
0x1a4: {  	[tilespmem:$0x19300] =	vst v25  }
0x1a5: {  	[tilespmem:$0x19310] =	vst v25  }
0x1a6: {  	[tilespmem:$0x19320] =	vst v25  }
0x1a7: {  	[tilespmem:$0x19330] =	vst v25  }
0x1a8: {  	[tilespmem:$0x19340] =	vst v25  }
0x1a9: {  	[tilespmem:$0x19350] =	vst v25  }
0x1aa: {  	[tilespmem:$0x19360] =	vst v25  }
0x1ab: {  	[tilespmem:$0x19370] =	vst v25  }
0x1ac: {  	[tilespmem:$0x19700] =	vst v25  }
0x1ad: {  	[tilespmem:$0x19710] =	vst v25  }
0x1ae: {  	[tilespmem:$0x19720] =	vst v25  }
0x1af: {  	[tilespmem:$0x19730] =	vst v25  }
0x1b0: {  	[tilespmem:$0x19740] =	vst v25  }
0x1b1: {  	[tilespmem:$0x19750] =	vst v25  }
0x1b2: {  	[tilespmem:$0x19760] =	vst v25  }
0x1b3: {  	[tilespmem:$0x19770] =	vst v25  }
0x1b4: {  	[tilespmem:$0x19B00] =	vst v25  }
0x1b5: {  	[tilespmem:$0x19B10] =	vst v25  }
0x1b6: {  	[tilespmem:$0x19B20] =	vst v25  }
0x1b7: {  	[tilespmem:$0x19B30] =	vst v25  }
0x1b8: {  	[tilespmem:$0x19B40] =	vst v25  }
0x1b9: {  	[tilespmem:$0x19B50] =	vst v25  }
0x1ba: {  	[tilespmem:$0x19B60] =	vst v25  }
0x1bb: {  	[tilespmem:$0x19B70] =	vst v25  }
0x1bc: {  	[tilespmem:$0x19F00] =	vst v25  }
0x1bd: {  	[tilespmem:$0x19F10] =	vst v25  }
0x1be: {  	[tilespmem:$0x19F20] =	vst v25  }
0x1bf: {  	[tilespmem:$0x19F30] =	vst v25  }
0x1c0: {  	[tilespmem:$0x19F40] =	vst v25  }
0x1c1: {  	[tilespmem:$0x19F50] =	vst v25  }
0x1c2: {  	[tilespmem:$0x19F60] =	vst v25  }
0x1c3: {  	[tilespmem:$0x19F70] =	vst v25  }
0x1c4: {  	[tilespmem:$0x1A300] =	vst v25  }
0x1c5: {  	[tilespmem:$0x1A310] =	vst v25  }
0x1c6: {  	[tilespmem:$0x1A320] =	vst v25  }
0x1c7: {  	[tilespmem:$0x1A330] =	vst v25  }
0x1c8: {  	[tilespmem:$0x1A340] =	vst v25  }
0x1c9: {  	[tilespmem:$0x1A350] =	vst v25  }
0x1ca: {  	[tilespmem:$0x1A360] =	vst v25  }
0x1cb: {  	[tilespmem:$0x1A370] =	vst v25  }
0x1cc: {  	[tilespmem:$0x18780] =	vst v25  }
0x1cd: {  	[tilespmem:$0x18790] =	vst v25  }
0x1ce: {  	[tilespmem:$0x187A0] =	vst v25  }
0x1cf: {  	[tilespmem:$0x187B0] =	vst v25  }
0x1d0: {  	[tilespmem:$0x187C0] =	vst v25  }
0x1d1: {  	[tilespmem:$0x187D0] =	vst v25  }
0x1d2: {  	[tilespmem:$0x187E0] =	vst v25  }
0x1d3: {  	[tilespmem:$0x187F0] =	vst v25  }
0x1d4: {  	[tilespmem:$0x18B80] =	vst v25  }
0x1d5: {  	[tilespmem:$0x18B90] =	vst v25  }
0x1d6: {  	[tilespmem:$0x18BA0] =	vst v25  }
0x1d7: {  	[tilespmem:$0x18BB0] =	vst v25  }
0x1d8: {  	[tilespmem:$0x18BC0] =	vst v25  }
0x1d9: {  	[tilespmem:$0x18BD0] =	vst v25  }
0x1da: {  	[tilespmem:$0x18BE0] =	vst v25  }
0x1db: {  	[tilespmem:$0x18BF0] =	vst v25  }
0x1dc: {  	[tilespmem:$0x18F80] =	vst v25  }
0x1dd: {  	[tilespmem:$0x18F90] =	vst v25  }
0x1de: {  	[tilespmem:$0x18FA0] =	vst v25  }
0x1df: {  	[tilespmem:$0x18FB0] =	vst v25  }
0x1e0: {  	[tilespmem:$0x18FC0] =	vst v25  }
0x1e1: {  	[tilespmem:$0x18FD0] =	vst v25  }
0x1e2: {  	[tilespmem:$0x18FE0] =	vst v25  }
0x1e3: {  	[tilespmem:$0x18FF0] =	vst v25  }
0x1e4: {  	[tilespmem:$0x19380] =	vst v25  }
0x1e5: {  	[tilespmem:$0x19390] =	vst v25  }
0x1e6: {  	[tilespmem:$0x193A0] =	vst v25  }
0x1e7: {  	[tilespmem:$0x193B0] =	vst v25  }
0x1e8: {  	[tilespmem:$0x193C0] =	vst v25  }
0x1e9: {  	[tilespmem:$0x193D0] =	vst v25  }
0x1ea: {  	[tilespmem:$0x193E0] =	vst v25  }
0x1eb: {  	[tilespmem:$0x193F0] =	vst v25  }
0x1ec: {  	[tilespmem:$0x19780] =	vst v25  }
0x1ed: {  	[tilespmem:$0x19790] =	vst v25  }
0x1ee: {  	[tilespmem:$0x197A0] =	vst v25  }
0x1ef: {  	[tilespmem:$0x197B0] =	vst v25  }
0x1f0: {  	[tilespmem:$0x197C0] =	vst v25  }
0x1f1: {  	[tilespmem:$0x197D0] =	vst v25  }
0x1f2: {  	[tilespmem:$0x197E0] =	vst v25  }
0x1f3: {  	[tilespmem:$0x197F0] =	vst v25  }
0x1f4: {  	[tilespmem:$0x19B80] =	vst v25  }
0x1f5: {  	[tilespmem:$0x19BF0] =	vst v25  }
0x1f6: {  	v27 =	vld [tilespmem:$0x0];
	[tilespmem:$0x19F80] =	vst v25  }
0x1f7: {  	[tilespmem:$0x19F90] =	vst v25  }
0x1f8: {  	[tilespmem:$0x19FA0] =	vst v25  }
0x1f9: {  	[tilespmem:$0x19FB0] =	vst v25  }
0x1fa: {  	[tilespmem:$0x19FC0] =	vst v25  }
0x1fb: {  	[tilespmem:$0x19FD0] =	vst v25  }
0x1fc: {  	[tilespmem:$0x19FE0] =	vst v25  }
0x1fd: {  	[tilespmem:$0x19FF0] =	vst v25  }
0x1fe: {  	[tilespmem:$0x1A380] =	vst v25  }
0x1ff: {  	[tilespmem:$0x1A390] =	vst v25  }
0x200: {  	[tilespmem:$0x1A3A0] =	vst v25  }
0x201: {  	[tilespmem:$0x1A3B0] =	vst v25  }
0x202: {  	[tilespmem:$0x1A3C0] =	vst v25  }
0x203: {  	[tilespmem:$0x1A3D0] =	vst v25  }
0x204: {  	[tilespmem:$0x1A3E0] =	vst v25  }
0x205: {  	[tilespmem:$0x1A3F0] =	vst v25  }
0x206: {  	[tilespmem:$0x18800] =	vst v25  }
0x207: {  	[tilespmem:$0x18810] =	vst v25  }
0x208: {  	[tilespmem:$0x18820] =	vst v25  }
0x209: {  	[tilespmem:$0x18830] =	vst v25  }
0x20a: {  	[tilespmem:$0x18840] =	vst v25  }
0x20b: {  	[tilespmem:$0x18850] =	vst v25  }
0x20c: {  	[tilespmem:$0x18860] =	vst v25  }
0x20d: {  	[tilespmem:$0x18870] =	vst v25  }
0x20e: {  	[tilespmem:$0x18C00] =	vst v25  }
0x20f: {  	[tilespmem:$0x18C10] =	vst v25  }
0x210: {  	[tilespmem:$0x18C20] =	vst v25  }
0x211: {  	[tilespmem:$0x18C30] =	vst v25  }
0x212: {  	[tilespmem:$0x18C40] =	vst v25  }
0x213: {  	[tilespmem:$0x18C50] =	vst v25  }
0x214: {  	[tilespmem:$0x18C60] =	vst v25  }
0x215: {  	[tilespmem:$0x18C70] =	vst v25  }
0x216: {  	[tilespmem:$0x19000] =	vst v25  }
0x217: {  	[tilespmem:$0x19010] =	vst v25  }
0x218: {  	[tilespmem:$0x19020] =	vst v25  }
0x219: {  	[tilespmem:$0x19030] =	vst v25  }
0x21a: {  	[tilespmem:$0x19040] =	vst v25  }
0x21b: {  	[tilespmem:$0x19050] =	vst v25  }
0x21c: {  	[tilespmem:$0x19060] =	vst v25  }
0x21d: {  	[tilespmem:$0x19070] =	vst v25  }
0x21e: {  	[tilespmem:$0x19400] =	vst v25  }
0x21f: {  	[tilespmem:$0x19410] =	vst v25  }
0x220: {  	[tilespmem:$0x19420] =	vst v25  }
0x221: {  	[tilespmem:$0x19430] =	vst v25  }
0x222: {  	[tilespmem:$0x19440] =	vst v25  }
0x223: {  	[tilespmem:$0x19450] =	vst v25  }
0x224: {  	[tilespmem:$0x19460] =	vst v25  }
0x225: {  	[tilespmem:$0x19470] =	vst v25  }
0x226: {  	[tilespmem:$0x19800] =	vst v25  }
0x227: {  	[tilespmem:$0x19810] =	vst v25  }
0x228: {  	[tilespmem:$0x19820] =	vst v25  }
0x229: {  	[tilespmem:$0x19830] =	vst v25  }
0x22a: {  	[tilespmem:$0x19840] =	vst v25  }
0x22b: {  	[tilespmem:$0x19850] =	vst v25  }
0x22c: {  	[tilespmem:$0x19860] =	vst v25  }
0x22d: {  	[tilespmem:$0x19870] =	vst v25  }
0x22e: {  	[tilespmem:$0x19C00] =	vst v25;
	vm0 =	vlt.s32 v27, v0  }
0x22f: {  	[tilespmem:$0x19C10] =	vst v25;
	v28 =	vsel vm0, $0x0, v26  }
0x230: {  	[tilespmem:$0x19C20] =	vst v25;
	vm10 =	vgt.s32 v27, v10;
	(xrf0) =	vmin.scan.msk.f32 $0xffff, v28  }
0x231: {  	[tilespmem:$0x19C30] =	vst v25;
	v51 =	vsel vm10, $0x0, v26  }
0x232: {  	[tilespmem:$0x19C40] =	vst v25;
	(xrf0) =	vmin.scan.msk.f32 $0xffff, v51  }
0x233: {  	[tilespmem:$0x19C50] =	vst v25  }
0x234: {  	[tilespmem:$0x19C60] =	vst v25  }
0x235: {  	[tilespmem:$0x19C70] =	vst v25  }
0x236: {  	[tilespmem:$0x1A000] =	vst v25;
	v52, _, _ =	vpop (xrf0)  }
0x237: {  	[tilespmem:$0x1A010] =	vst v25;
	(v2sf) =	vpush v52, $0xF  }
0x238: {  	[tilespmem:$0x1A020] =	vst v25;
	v53, _, _ =	vpop (xrf0)  }
0x239: {  	[tilespmem:$0x1A030] =	vst v25;
	(v2sf) =	vpush v53, $0xF  }
0x23a: {  	[tilespmem:$0x1A040] =	vst v25  }
0x23b: {  	[tilespmem:$0x1A050] =	vst v25  }
0x23c: {  	[tilespmem:$0x1A060] =	vst v25  }
0x23d: {  	[tilespmem:$0x1A070] =	vst v25  }
0x23e: {  	[tilespmem:$0x1A400] =	vst v25  }
0x23f: {  	[tilespmem:$0x1A410] =	vst v25  }
0x240: {  	[tilespmem:$0x1A420] =	vst v25  }
0x241: {  	[tilespmem:$0x1A430] =	vst v25  }
0x242: {  	[tilespmem:$0x1A440] =	vst v25  }
0x243: {  	[tilespmem:$0x1A450] =	vst v25  }
0x244: {  	[tilespmem:$0x1A460] =	vst v25;
	vm12 =	vgt.s32 v9, v27  }
0x245: {  	[tilespmem:$0x1A470] =	vst v25;
	vm13 =	vgt.s32 v11, v27;
	v29 =	vsel vm12, $0x0, v9  }
0x246: {  	vm14 =	vgt.s32 v12, v27;
	v54 =	vsel vm13, $0x0, v11;
	[tilespmem:$0x90] =	vst v29;
	s26 =	spop (v2sf)  }
0x247: {  	vm11 =	vgt.s32 v8, v27;
	vm1 =	vgt.s32 v13, v27;
	v55 =	vsel vm14, $0x0, v12;
	[tilespmem:$0x100] =	vst v54;
	p0 =	sgt.f32 s26, $0.0e+00  }
0x248: {  	vm15 =	vgt.s32 v14, v27;
	vm4 =	vgt.s32 v15, v27;
	v30 =	vsel vm1, $0x0, v13;
	[tilespmem:$0x110] =	vst v55;
	s11 =	spop (v2sf)  }
0x249: {  	vm5 =	vgt.s32 v16, v27;
	vm6 =	vgt.s32 v17, v27;
	v56 =	vsel vm15, $0x0, v14;
	[tilespmem:$0x180] =	vst v30;
	p1 =	sgt.f32 @!p0 s11, $0.0e+00  }
0x24a: {  	vm7 =	vgt.s32 v18, v27;
	vm8 =	vgt.s32 v19, v27;
	v57 =	vsel vm4, $0x0, v15;
	[tilespmem:$0x190] =	vst v56  }
0x24b: {  	vm9 =	vgt.s32 v20, v27;
	v31 =	vsel vm5, $0x0, v16;
	v28 =	vsel vm11, $0x0, v8;
	[tilespmem:$0x200] =	vst v57;
	p1 =	por p1, p0  }
0x24c: {  	v58 =	vsel vm6, $0x0, v17;
	v59 =	vsel vm7, $0x0, v18;
	[tilespmem:$0x210] =	vst v31;
	v33 =	vshll.u32 @!p1 v28, $0x3  }
0x24d: {  	[tilespmem:$0x80] =	vst v28;
	v28 =	vand.u32 @!p1 $0x7, v28;
	v31 =	vand.u32 @!p1 $0xFFFFFFC0, v33;
	v33 =	vlaneseq.u32 @!p1  }
0x24e: {  	[tilespmem:$0x280] =	vst v58;
	v28 =	vor.u32 @!p1 v28, v31;
	v29 =	vand.u32 @!p1 $0x7, v33;
	v31 =	vshrl.u32 @!p1 v33, $0x3  }
0x24f: {  	v32 =	vsel vm8, $0x0, v19;
	[tilespmem:$0x290] =	vst v59;
	v30 =	vperm.xlane @!p1 v28, v29;
	v31 =	vmul.u32 @!p1 $0x8, v31  }
0x250: {  	v60 =	vsel vm9, $0x0, v20;
	vm10 =	vgt.s32 v21, v27;
	[tilespmem:$0x300] =	vst v32  }
0x251: {  	vm12 =	vgt.s32 v23, v27;
	[tilespmem:$0x310] =	vst v60;
	v61 =	vsel vm10, $0x0, v21;
	v30 =	vadd.s32 @!p1 v31, v30  }
0x252: {  	vm13 =	vgt.s32 v24, v27;
	v63 =	vsel vm12, $0x0, v23;
	[tilespmem:$0x380] =	vst v61  }
0x253: {  	vm11 =	vgt.s32 v22, v27;
	v36 =	vsel vm13, $0x0, v24;
	[tilespmem:$0x400] =	vst v63  }
0x254: {  	v62 =	vsel vm11, $0x0, v22;
	[tilespmem:$0x410] =	vst v36  }
0x255: {  	[tilespmem:$0x390] =	vst v62;
	vm0 =	vmmov @!p1 $0xffff;
	s10 =	simm.s32 @!p1 $0x0;
	s12 =	simm.s32 @!p1 $0x480  }
0x256: {  	v32 =	vor.u32 @!p1 $0x8, v33;
	[tilespmem:s12], [sflag:$0x1] =	stream.indirect_vreg.gather @!p1 [hbm4b:s2+s10], $0x80, v30, vm0, $0xb8;
	[tilespmem:$0x1A480] =	vst v63  }
0x257: {  	v28 =	vperm.xlane @!p1 v28, v32;
	s12 =	simm.s32 @!p1 $0xC80  }
0x258: {  	[tilespmem:s12], [sflag:$0x1] =	stream.indirect_vreg.gather @!p1 [hbm4b:s5+s10], $0x80, v30, vm0, $0xb8;
	[tilespmem:$0x1A480] =	vst v63  }
0x259: {  	v28 =	vadd.s32 @!p1 v31, v28;
	s12 =	simm.s32 @!p1 $0x1480  }
0x25a: {  	[tilespmem:s12], [sflag:$0x1] =	stream.indirect_vreg.gather @!p1 [hbm4b:s6+s10], $0x80, v30, vm0, $0xb8;
	[tilespmem:$0x1A480] =	vst v63  }
0x25b: {  	s12 =	simm.s32 @!p1 $0x1C80  }
0x25c: {  	[tilespmem:s12], [sflag:$0x1] =	stream.indirect_vreg.gather @!p1 [hbm4b:s7+s10], $0x80, v30, vm0, $0xb8;
	[tilespmem:$0x1A480] =	vst v63  }
0x25d: {  	s12 =	simm.s32 @!p1 $0x2480  }
0x25e: {  	[tilespmem:s12], [sflag:$0x1] =	stream.indirect_vreg.gather @!p1 [hbm4b:s2+s10], $0x80, v28, vm0, $0xb8;
	[tilespmem:$0x1A480] =	vst v63  }
0x25f: {  	vm14 =	vlt.s32 v27, v1;
	s12 =	simm.s32 @!p1 $0x2C80  }
0x260: {  	v37 =	vsel vm14, $0x0, v26;
	[tilespmem:s12], [sflag:$0x1] =	stream.indirect_vreg.gather @!p1 [hbm4b:s5+s10], $0x80, v28, vm0, $0xb8;
	[tilespmem:$0x1A480] =	vst v63  }
0x261: {  	vm15 =	vgt.s32 v27, v0;
	(xrf0) =	vmin.scan.msk.f32 $0xffff, v37;
	s12 =	simm.s32 @!p1 $0x3480  }
0x262: {  	v38 =	vsel vm15, $0x0, v26;
	[tilespmem:s12], [sflag:$0x1] =	stream.indirect_vreg.gather @!p1 [hbm4b:s6+s10], $0x80, v28, vm0, $0xb8;
	[tilespmem:$0x1A480] =	vst v63  }
0x263: {  	(xrf0) =	vmin.scan.msk.f32 $0xffff, v38;
	s12 =	simm.s32 @!p1 $0x3C80  }
0x264: {  	[tilespmem:s12], [sflag:$0x1] =	stream.indirect_vreg.gather @!p1 [hbm4b:s7+s10], $0x80, v28, vm0, $0xb8;
	[tilespmem:$0x1A480] =	vst v63  }
0x265: {  	v28 =	vld @!p1 [tilespmem:$0x90];
	_ =	sdelay $0x1  }
0x266: {  	v39, _, _ =	vpop (xrf0)  }
0x267: {  	(v2sf) =	vpush v39, $0xF  }
0x268: {  	v40, _, _ =	vpop (xrf0)  }
0x269: {  	(v2sf) =	vpush v40, $0xF;
	v30 =	vshll.u32 @!p1 v28, $0x3  }
0x26a: {  	v28 =	vand.u32 @!p1 $0x7, v28;
	v30 =	vand.u32 @!p1 $0xFFFFFFC0, v30  }
0x26b: {  	v28 =	vor.u32 @!p1 v28, v30  }
0x26c: {  	v29 =	vperm.xlane @!p1 v28, v29;
	_ =	sdelay $0x1  }
0x26d: {  	v29 =	vadd.s32 @!p1 v31, v29;
	_ =	sdelay $0x3  }
0x26e: {  	s12 =	simm.s32 @!p1 $0x4480  }
0x26f: {  	[tilespmem:s12], [sflag:$0x1] =	stream.indirect_vreg.gather @!p1 [hbm4b:s2+s10], $0x80, v29, vm0, $0xb8;
	[tilespmem:$0x1A480] =	vst v63  }
0x270: {  	v28 =	vperm.xlane @!p1 v28, v32;
	s12 =	simm.s32 @!p1 $0x4C80  }
0x271: {  	[tilespmem:s12], [sflag:$0x1] =	stream.indirect_vreg.gather @!p1 [hbm4b:s5+s10], $0x80, v29, vm0, $0xb8;
	[tilespmem:$0x1A480] =	vst v63  }
0x272: {  	s28 =	spop (v2sf);
	v28 =	vadd.s32 @!p1 v31, v28;
	s12 =	simm.s32 @!p1 $0x5480  }
0x273: {  	[tilespmem:s12], [sflag:$0x1] =	stream.indirect_vreg.gather @!p1 [hbm4b:s6+s10], $0x80, v29, vm0, $0xb8;
	[tilespmem:$0x1A480] =	vst v63  }
0x274: {  	s29 =	spop (v2sf);
	s12 =	simm.s32 @!p1 $0x5C80  }
0x275: {  	[tilespmem:s12], [sflag:$0x1] =	stream.indirect_vreg.gather @!p1 [hbm4b:s7+s10], $0x80, v29, vm0, $0xb8;
	[tilespmem:$0x1A480] =	vst v63  }
0x276: {  	p2 =	sgt.f32 s28, $0.0e+00;
	p4 =	sgt.f32 s29, $0.0e+00;
	s13 =	simm.s32 @!p1 $0x6480  }
0x277: {  	[tilespmem:s13], [sflag:$0x1] =	stream.indirect_vreg.gather @!p1 [hbm4b:s2+s10], $0x80, v28, vm0, $0xb8;
	[tilespmem:$0x1A480] =	vst v63  }
0x278: {  	s14 =	simm.s32 @!p1 $0x6C80;
	p3 =	por p2, p4  }
0x279: {  	[tilespmem:s14], [sflag:$0x1] =	stream.indirect_vreg.gather @!p1 [hbm4b:s5+s10], $0x80, v28, vm0, $0xb8;
	[tilespmem:$0x1A480] =	vst v63  }
0x27a: {  	p5 =	por !p3, !p3;
	s12 =	simm.s32 @!p1 $0x7480  }
0x27b: {  	[tilespmem:s12], [sflag:$0x1] =	stream.indirect_vreg.gather @!p1 [hbm4b:s6+s10], $0x80, v28, vm0, $0xb8;
	[tilespmem:$0x1A480] =	vst v63  }
0x27c: {  	p3 =	por !p5, p2;
	s12 =	simm.s32 @!p1 $0x7C80  }
0x27d: {  	[tilespmem:s12], [sflag:$0x1] =	stream.indirect_vreg.gather @!p1 [hbm4b:s7+s10], $0x80, v28, vm0, $0xb8;
	[tilespmem:$0x1A480] =	vst v63  }
0x27e: {  	s13 =	rddreg [dreg:$0x5];
	s10 =	simm.s32 @p0 $0x0;
	s12 =	simm.s32 @p0 $0x480  }
0x27f: {  	[tilespmem:s12], [sflag:$0x1] =	stream.linear.gather @p0 [hbm4b:s13+s10], $0x8000, $0x38;
	[tilespmem:$0x1A480] =	vst v63  }
0x280: {  	v28 =	vld @!p3 [tilespmem:$0x100];
	_ =	sdelay $0x4  }
0x281: {  	v29 =	vshll.u32 @!p3 v28, $0x3  }
0x282: {  	v30 =	vlaneseq.u32 @!p3;
	v28 =	vand.u32 @!p3 $0x7, v28;
	v29 =	vand.u32 @!p3 $0xFFFFFFC0, v29  }
0x283: {  	v31 =	vshrl.u32 @!p3 v30, $0x3;
	v28 =	vor.u32 @!p3 v28, v29;
	v29 =	vand.u32 @!p3 $0x7, v30  }
0x284: {  	v31 =	vmul.u32 @!p3 $0x8, v31;
	v32 =	vperm.xlane @!p3 v28, v29;
	_ =	sdelay $0x1  }
0x285: {  	v32 =	vadd.s32 @!p3 v31, v32;
	_ =	sdelay $0x3  }
0x286: {  	vm0 =	vmmov @!p3 $0xffff;
	s10 =	simm.s32 @!p3 $0x0;
	s12 =	simm.s32 @!p3 $0x8480  }
0x287: {  	v30 =	vor.u32 @!p3 $0x8, v30;
	[tilespmem:s12], [sflag:$0x2] =	stream.indirect_vreg.gather @!p3 [hbm4b:s2+s10], $0x80, v32, vm0, $0xb8;
	[tilespmem:$0x1A480] =	vst v63  }
0x288: {  	v28 =	vperm.xlane @!p3 v28, v30;
	s12 =	simm.s32 @!p3 $0x8C80  }
0x289: {  	[tilespmem:s12], [sflag:$0x2] =	stream.indirect_vreg.gather @!p3 [hbm4b:s5+s10], $0x80, v32, vm0, $0xb8;
	[tilespmem:$0x1A480] =	vst v63  }
0x28a: {  	v28 =	vadd.s32 @!p3 v31, v28;
	s12 =	simm.s32 @!p3 $0x9480  }
0x28b: {  	[tilespmem:s12], [sflag:$0x2] =	stream.indirect_vreg.gather @!p3 [hbm4b:s6+s10], $0x80, v32, vm0, $0xb8;
	[tilespmem:$0x1A480] =	vst v63  }
0x28c: {  	s12 =	simm.s32 @!p3 $0x9C80  }
0x28d: {  	[tilespmem:s12], [sflag:$0x2] =	stream.indirect_vreg.gather @!p3 [hbm4b:s7+s10], $0x80, v32, vm0, $0xb8;
	[tilespmem:$0x1A480] =	vst v63  }
0x28e: {  	s12 =	simm.s32 @!p3 $0xA480  }
0x28f: {  	[tilespmem:s12], [sflag:$0x2] =	stream.indirect_vreg.gather @!p3 [hbm4b:s2+s10], $0x80, v28, vm0, $0xb8;
	[tilespmem:$0x1A480] =	vst v63  }
0x290: {  	s12 =	simm.s32 @!p3 $0xAC80  }
0x291: {  	[tilespmem:s12], [sflag:$0x2] =	stream.indirect_vreg.gather @!p3 [hbm4b:s5+s10], $0x80, v28, vm0, $0xb8;
	[tilespmem:$0x1A480] =	vst v63  }
0x292: {  	vm4 =	vlt.s32 v27, v2;
	s12 =	simm.s32 @!p3 $0xB480  }
0x293: {  	v41 =	vsel vm4, $0x0, v26;
	[tilespmem:s12], [sflag:$0x2] =	stream.indirect_vreg.gather @!p3 [hbm4b:s6+s10], $0x80, v28, vm0, $0xb8;
	[tilespmem:$0x1A480] =	vst v63  }
0x294: {  	vm5 =	vgt.s32 v27, v1;
	(xrf0) =	vmin.scan.msk.f32 $0xffff, v41;
	s12 =	simm.s32 @!p3 $0xBC80  }
0x295: {  	v42 =	vsel vm5, $0x0, v26;
	[tilespmem:s12], [sflag:$0x2] =	stream.indirect_vreg.gather @!p3 [hbm4b:s7+s10], $0x80, v28, vm0, $0xb8;
	[tilespmem:$0x1A480] =	vst v63  }
0x296: {  	(xrf0) =	vmin.scan.msk.f32 $0xffff, v42;
	v28 =	vld @!p3 [tilespmem:$0x110];
	_ =	sdelay $0x3  }
0x297: {  	v43, _, _ =	vpop (xrf0)  }
0x298: {  	(v2sf) =	vpush v43, $0xF;
	v32 =	vshll.u32 @!p3 v28, $0x3  }
0x299: {  	v44, _, _ =	vpop (xrf0);
	v28 =	vand.u32 @!p3 $0x7, v28;
	v32 =	vand.u32 @!p3 $0xFFFFFFC0, v32  }
0x29a: {  	(v2sf) =	vpush v44, $0xF;
	v28 =	vor.u32 @!p3 v28, v32  }
0x29b: {  	v29 =	vperm.xlane @!p3 v28, v29;
	_ =	sdelay $0x1  }
0x29c: {  	v29 =	vadd.s32 @!p3 v31, v29;
	_ =	sdelay $0x3  }
0x29d: {  	s12 =	simm.s32 @!p3 $0xC480  }
0x29e: {  	[tilespmem:s12], [sflag:$0x2] =	stream.indirect_vreg.gather @!p3 [hbm4b:s2+s10], $0x80, v29, vm0, $0xb8;
	[tilespmem:$0x1A480] =	vst v63  }
0x29f: {  	v28 =	vperm.xlane @!p3 v28, v30;
	s12 =	simm.s32 @!p3 $0xCC80  }
0x2a0: {  	[tilespmem:s12], [sflag:$0x2] =	stream.indirect_vreg.gather @!p3 [hbm4b:s5+s10], $0x80, v29, vm0, $0xb8;
	[tilespmem:$0x1A480] =	vst v63  }
0x2a1: {  	v28 =	vadd.s32 @!p3 v31, v28;
	s12 =	simm.s32 @!p3 $0xD480  }
0x2a2: {  	[tilespmem:s12], [sflag:$0x2] =	stream.indirect_vreg.gather @!p3 [hbm4b:s6+s10], $0x80, v29, vm0, $0xb8;
	[tilespmem:$0x1A480] =	vst v63  }
0x2a3: {  	s30 =	spop (v2sf);
	s12 =	simm.s32 @!p3 $0xDC80  }
0x2a4: {  	[tilespmem:s12], [sflag:$0x2] =	stream.indirect_vreg.gather @!p3 [hbm4b:s7+s10], $0x80, v29, vm0, $0xb8;
	[tilespmem:$0x1A480] =	vst v63  }
0x2a5: {  	s31 =	spop (v2sf);
	s13 =	simm.s32 @!p3 $0xE480  }
0x2a6: {  	[tilespmem:s13], [sflag:$0x2] =	stream.indirect_vreg.gather @!p3 [hbm4b:s2+s10], $0x80, v28, vm0, $0xb8;
	[tilespmem:$0x1A480] =	vst v63  }
0x2a7: {  	p5 =	sgt.f32 s31, $0.0e+00;
	s14 =	simm.s32 @!p3 $0xEC80;
	p0 =	sgt.f32 s30, $0.0e+00  }
0x2a8: {  	[tilespmem:s14], [sflag:$0x2] =	stream.indirect_vreg.gather @!p3 [hbm4b:s5+s10], $0x80, v28, vm0, $0xb8;
	[tilespmem:$0x1A480] =	vst v63  }
0x2a9: {  	p6 =	por p0, p5;
	s12 =	simm.s32 @!p3 $0xF480  }
0x2aa: {  	[tilespmem:s12], [sflag:$0x2] =	stream.indirect_vreg.gather @!p3 [hbm4b:s6+s10], $0x80, v28, vm0, $0xb8;
	[tilespmem:$0x1A480] =	vst v63  }
0x2ab: {  	p1 =	por !p6, !p6;
	s12 =	simm.s32 @!p3 $0xFC80  }
0x2ac: {  	[tilespmem:s12], [sflag:$0x2] =	stream.indirect_vreg.gather @!p3 [hbm4b:s7+s10], $0x80, v28, vm0, $0xb8;
	[tilespmem:$0x1A480] =	vst v63  }
0x2ad: {  	s13 =	rddreg [dreg:$0x6];
	s10 =	simm.s32 @p2 $0x0;
	s12 =	simm.s32 @p2 $0x8480  }
0x2ae: {  	[tilespmem:s12], [sflag:$0x2] =	stream.linear.gather @p2 [hbm4b:s13+s10], $0x8000, $0x38;
	[tilespmem:$0x1A480] =	vst v63  }
0x2af: {  	p2 =	por !p1, p0  }
0x2b0: {  	v28 =	vld @!p2 [tilespmem:$0x180];
	_ =	sdelay $0x4  }
0x2b1: {  	v29 =	vshll.u32 @!p2 v28, $0x3  }
0x2b2: {  	v30 =	vlaneseq.u32 @!p2;
	v28 =	vand.u32 @!p2 $0x7, v28;
	v29 =	vand.u32 @!p2 $0xFFFFFFC0, v29  }
0x2b3: {  	v31 =	vshrl.u32 @!p2 v30, $0x3;
	v28 =	vor.u32 @!p2 v28, v29;
	v29 =	vand.u32 @!p2 $0x7, v30  }
0x2b4: {  	v31 =	vmul.u32 @!p2 $0x8, v31;
	v32 =	vperm.xlane @!p2 v28, v29;
	_ =	sdelay $0x1  }
0x2b5: {  	v32 =	vadd.s32 @!p2 v31, v32;
	_ =	sdelay $0x3  }
0x2b6: {  	vm0 =	vmmov @!p2 $0xffff;
	s18 =	simm.s32 @!p2 $0x0;
	s10 =	simm.s32 @!p2 $0x10480  }
0x2b7: {  	v30 =	vor.u32 @!p2 $0x8, v30;
	[tilespmem:s10], [sflag:$0x3] =	stream.indirect_vreg.gather @!p2 [hbm4b:s2+s18], $0x80, v32, vm0, $0xb8;
	[tilespmem:$0x1A480] =	vst v63  }
0x2b8: {  	v28 =	vperm.xlane @!p2 v28, v30;
	s10 =	simm.s32 @!p2 $0x10C80  }
0x2b9: {  	[tilespmem:s10], [sflag:$0x3] =	stream.indirect_vreg.gather @!p2 [hbm4b:s5+s18], $0x80, v32, vm0, $0xb8;
	[tilespmem:$0x1A480] =	vst v63  }
0x2ba: {  	vm6 =	vlt.s32 v27, v3;
	v28 =	vadd.s32 @!p2 v31, v28;
	s10 =	simm.s32 @!p2 $0x11480  }
0x2bb: {  	v45 =	vsel vm6, $0x0, v26;
	[tilespmem:s10], [sflag:$0x3] =	stream.indirect_vreg.gather @!p2 [hbm4b:s6+s18], $0x80, v32, vm0, $0xb8;
	[tilespmem:$0x1A480] =	vst v63  }
0x2bc: {  	vm7 =	vgt.s32 v27, v2;
	(xrf0) =	vmin.scan.msk.f32 $0xffff, v45;
	s10 =	simm.s32 @!p2 $0x11C80  }
0x2bd: {  	v46 =	vsel vm7, $0x0, v26;
	[tilespmem:s10], [sflag:$0x3] =	stream.indirect_vreg.gather @!p2 [hbm4b:s7+s18], $0x80, v32, vm0, $0xb8;
	[tilespmem:$0x1A480] =	vst v63  }
0x2be: {  	vm8 =	vlt.s32 v27, v4;
	(xrf0) =	vmin.scan.msk.f32 $0xffff, v46;
	s10 =	simm.s32 @!p2 $0x12480  }
0x2bf: {  	v47 =	vsel vm8, $0x0, v26;
	[tilespmem:s10], [sflag:$0x3] =	stream.indirect_vreg.gather @!p2 [hbm4b:s2+s18], $0x80, v28, vm0, $0xb8;
	[tilespmem:$0x1A480] =	vst v63  }
0x2c0: {  	vm9 =	vgt.s32 v27, v3;
	(xrf0) =	vmin.scan.msk.f32 $0xffff, v47;
	s10 =	simm.s32 @!p2 $0x12C80  }
0x2c1: {  	v48 =	vsel vm9, $0x0, v26;
	[tilespmem:s10], [sflag:$0x3] =	stream.indirect_vreg.gather @!p2 [hbm4b:s5+s18], $0x80, v28, vm0, $0xb8;
	[tilespmem:$0x1A480] =	vst v63  }
0x2c2: {  	vm10 =	vlt.s32 v27, v5;
	(xrf0) =	vmin.scan.msk.f32 $0xffff, v48;
	s10 =	simm.s32 @!p2 $0x13480  }
0x2c3: {  	v50 =	vsel vm10, $0x0, v26;
	v49, _, _ =	vpop (xrf0);
	[tilespmem:s10], [sflag:$0x3] =	stream.indirect_vreg.gather @!p2 [hbm4b:s6+s18], $0x80, v28, vm0, $0xb8;
	[tilespmem:$0x1A480] =	vst v63  }
0x2c4: {  	vm11 =	vgt.s32 v27, v4;
	(xrf0) =	vmin.scan.msk.f32 $0xffff, v50;
	v51, _, _ =	vpop (xrf0);
	(v2sf) =	vpush v49, $0xF;
	s10 =	simm.s32 @!p2 $0x13C80  }
0x2c5: {  	v52 =	vsel vm11, $0x0, v26;
	(v2sf) =	vpush v51, $0xF;
	[tilespmem:s10], [sflag:$0x3] =	stream.indirect_vreg.gather @!p2 [hbm4b:s7+s18], $0x80, v28, vm0, $0xb8;
	[tilespmem:$0x1A480] =	vst v63  }
0x2c6: {  	vm12 =	vlt.s32 v27, v6;
	(xrf0) =	vmin.scan.msk.f32 $0xffff, v52;
	v53, _, _ =	vpop (xrf0);
	v32 =	vld @!p2 [tilespmem:$0x190]  }
0x2c7: {  	v54 =	vsel vm12, $0x0, v26;
	(v2sf) =	vpush v53, $0xF  }
0x2c8: {  	vm13 =	vgt.s32 v27, v5;
	(xrf0) =	vmin.scan.msk.f32 $0xffff, v54;
	v55, _, _ =	vpop (xrf0)  }
0x2c9: {  	v56 =	vsel vm13, $0x0, v26;
	(v2sf) =	vpush v55, $0xF  }
0x2ca: {  	vm14 =	vlt.s32 v27, v7;
	v57, _, _ =	vpop (xrf0);
	(xrf0) =	vmin.scan.msk.f32 $0xffff, v56  }
0x2cb: {  	v58 =	vsel vm14, $0x0, v26;
	(v2sf) =	vpush v57, $0xF;
	v33 =	vshll.u32 @!p2 v32, $0x3  }
0x2cc: {  	v34, _, _ =	vpop (xrf0);
	(xrf0) =	vmin.scan.msk.f32 $0xffff, v58;
	v28 =	vand.u32 @!p2 $0x7, v32;
	v32 =	vand.u32 @!p2 $0xFFFFFFC0, v33  }
0x2cd: {  	(v2sf) =	vpush v34, $0xF;
	v28 =	vor.u32 @!p2 v28, v32  }
0x2ce: {  	vm15 =	vgt.s32 v27, v6;
	v59, _, _ =	vpop (xrf0);
	v27 =	vperm.xlane @!p2 v28, v29  }
0x2cf: {  	v60 =	vsel vm15, $0x0, v26;
	(v2sf) =	vpush v59, $0xF  }
0x2d0: {  	v61, _, _ =	vpop (xrf0);
	(xrf0) =	vmin.scan.msk.f32 $0xffff, v60;
	v27 =	vadd.s32 @!p2 v31, v27  }
0x2d1: {  	(v2sf) =	vpush v61, $0xF  }
0x2d2: {  	v62, _, _ =	vpop (xrf0)  }
0x2d3: {  	s19 =	spop (v2sf);
	(v2sf) =	vpush v62, $0xF  }
0x2d4: {  	s20 =	spop (v2sf);
	s10 =	simm.s32 @!p2 $0x14480  }
0x2d5: {  	[tilespmem:s10], [sflag:$0x3] =	stream.indirect_vreg.gather @!p2 [hbm4b:s2+s18], $0x80, v27, vm0, $0xb8;
	[tilespmem:$0x1A480] =	vst v63  }
0x2d6: {  	v63, _, _ =	vpop (xrf0);
	s16 =	spop (v2sf);
	v28 =	vperm.xlane @!p2 v28, v30;
	s10 =	simm.s32 @!p2 $0x14C80  }
0x2d7: {  	(v2sf) =	vpush v63, $0xF;
	[tilespmem:s10], [sflag:$0x3] =	stream.indirect_vreg.gather @!p2 [hbm4b:s5+s18], $0x80, v27, vm0, $0xb8;
	[tilespmem:$0x1A480] =	vst v63  }
0x2d8: {  	s17 =	spop (v2sf);
	v28 =	vadd.s32 @!p2 v31, v28;
	s10 =	simm.s32 @!p2 $0x15480  }
0x2d9: {  	[tilespmem:s10], [sflag:$0x3] =	stream.indirect_vreg.gather @!p2 [hbm4b:s6+s18], $0x80, v27, vm0, $0xb8;
	[tilespmem:$0x1A480] =	vst v63  }
0x2da: {  	s13 =	spop (v2sf);
	s10 =	simm.s32 @!p2 $0x15C80  }
0x2db: {  	[tilespmem:s10], [sflag:$0x3] =	stream.indirect_vreg.gather @!p2 [hbm4b:s7+s18], $0x80, v27, vm0, $0xb8;
	[tilespmem:$0x1A480] =	vst v63  }
0x2dc: {  	s15 =	spop (v2sf);
	s10 =	simm.s32 @!p2 $0x16480  }
0x2dd: {  	[tilespmem:s10], [sflag:$0x3] =	stream.indirect_vreg.gather @!p2 [hbm4b:s2+s18], $0x80, v28, vm0, $0xb8;
	[tilespmem:$0x1A480] =	vst v63  }
0x2de: {  	s24 =	spop (v2sf);
	s10 =	simm.s32 @!p2 $0x16C80  }
0x2df: {  	[tilespmem:s10], [sflag:$0x3] =	stream.indirect_vreg.gather @!p2 [hbm4b:s5+s18], $0x80, v28, vm0, $0xb8;
	[tilespmem:$0x1A480] =	vst v63  }
0x2e0: {  	s25 =	spop (v2sf);
	s10 =	simm.s32 @!p2 $0x17480  }
0x2e1: {  	[tilespmem:s10], [sflag:$0x3] =	stream.indirect_vreg.gather @!p2 [hbm4b:s6+s18], $0x80, v28, vm0, $0xb8;
	[tilespmem:$0x1A480] =	vst v63  }
0x2e2: {  	s22 =	rddreg [dreg:$0x7];
	s21 =	simm.s32 @!p2 $0x17C80;
	s26 =	spop (v2sf)  }
0x2e3: {  	[tilespmem:s21], [sflag:$0x3] =	stream.indirect_vreg.gather @!p2 [hbm4b:s7+s18], $0x80, v28, vm0, $0xb8;
	[tilespmem:$0x1A480] =	vst v63  }
0x2e4: {  	s18 =	simm.s32 @p0 $0x0;
	s21 =	simm.s32 @p0 $0x10480;
	p2 =	sgt.f32 s11, $0.0e+00  }
0x2e5: {  	[tilespmem:s21], [sflag:$0x3] =	stream.linear.gather @p0 [hbm4b:s22+s18], $0x8000, $0x38;
	[tilespmem:$0x1A480] =	vst v63  }
0x2e6: {  	s28 =	spop (v2sf);
	s18 =	simm.s32 @!p2 $0x1  }
0x2e7: {  	_ =	swait.ge @!p2 [sflag:s18], $0x8000  }
0x2e8: {  	s22 =	simm.s32 @!p2 $0x480;
	[sflag:s18] =	ssyncset.done @!p2 $0x0  }
0x2e9: {  	s21 =	rddreg [dreg:$0xb];
	[sflag:s18] =	ssyncadd.s32 @!p2 $0xFFFF8000;
	s18 =	simm.s32 @!p2 $0x0  }
0x2ea: {  	[hbm4b:s21+s18] =	stream.linear.scatter @!p2 [tilespmem:s22], [sflag:$0x4], $0x8000, $0x38;
	[tilespmem:$0x1A480] =	vst v63  }
0x2eb: {  	s18 =	simm.s32 @!p2 $0x4  }
0x2ec: {  	p3 =	sgt.f32 s20, $0.0e+00;
	p0 =	sgt.f32 s19, $0.0e+00;
	_ =	swait.ge @!p2 [sflag:s18], $0x8000  }
0x2ed: {  	s19 =	simm.s32 @!p2 $0x0;
	s21 =	simm.s32 @p2 $0x18480;
	[sflag:s18] =	ssyncset.done @!p2 $0x0  }
0x2ee: {  	s22 =	rddreg [dreg:$0x8];
	[sflag:s18] =	ssyncadd.s32 @!p2 $0xFFFF8000;
	s18 =	simm.s32 @p2 $0x0  }
0x2ef: {  	[hbm4b:s4+s18] =	stream.linear.scatter @p2 [tilespmem:s21], [sflag:$0x7], $0x2000, $0x38;
	[tilespmem:$0x1A480] =	vst v63  }
0x2f0: {  	s19 =	simm.s32 @p2 $0x1;
	p6 =	por p0, p3;
	s23 =	rddreg [dreg:$0x9]  }
0x2f1: {  	[hbm4b:s22+s18] =	stream.linear.scatter @p2 [tilespmem:s21], [sflag:$0x7], $0x2000, $0x38;
	[tilespmem:$0x1A480] =	vst v63  }
0x2f2: {  	p1 =	por !p6, !p6;
	[smem:$0x7E7] =	sst s19  }
0x2f3: {  	[hbm4b:s23+s18] =	stream.linear.scatter @p2 [tilespmem:s21], [sflag:$0x7], $0x2000, $0x38;
	[tilespmem:$0x1A480] =	vst v63  }
0x2f4: {  	p1 =	por !p1, p0;
	s19 =	rddreg [dreg:$0xa]  }
0x2f5: {  	[hbm4b:s19+s18] =	stream.linear.scatter @p2 [tilespmem:s21], [sflag:$0x7], $0x2000, $0x38;
	[tilespmem:$0x1A480] =	vst v63  }
0x2f6: {  	v27 =	vld @!p1 [tilespmem:$0x200];
	_ =	sdelay $0x4  }
0x2f7: {  	v28 =	vshll.u32 @!p1 v27, $0x3  }
0x2f8: {  	v29 =	vlaneseq.u32 @!p1;
	v27 =	vand.u32 @!p1 $0x7, v27;
	v28 =	vand.u32 @!p1 $0xFFFFFFC0, v28  }
0x2f9: {  	v30 =	vshrl.u32 @!p1 v29, $0x3;
	v27 =	vor.u32 @!p1 v27, v28;
	v28 =	vand.u32 @!p1 $0x7, v29  }
0x2fa: {  	v30 =	vmul.u32 @!p1 $0x8, v30;
	v31 =	vperm.xlane @!p1 v27, v28;
	_ =	sdelay $0x1  }
0x2fb: {  	v31 =	vadd.s32 @!p1 v30, v31;
	_ =	sdelay $0x3  }
0x2fc: {  	vm0 =	vmmov @!p1 $0xffff;
	s18 =	simm.s32 @!p1 $0x0;
	s19 =	simm.s32 @!p1 $0x480  }
0x2fd: {  	v29 =	vor.u32 @!p1 $0x8, v29;
	[tilespmem:s19], [sflag:$0x1] =	stream.indirect_vreg.gather @!p1 [hbm4b:s2+s18], $0x80, v31, vm0, $0xb8;
	[tilespmem:$0x1A480] =	vst v63  }
0x2fe: {  	v27 =	vperm.xlane @!p1 v27, v29;
	s19 =	simm.s32 @!p1 $0xC80  }
0x2ff: {  	[tilespmem:s19], [sflag:$0x1] =	stream.indirect_vreg.gather @!p1 [hbm4b:s5+s18], $0x80, v31, vm0, $0xb8;
	[tilespmem:$0x1A480] =	vst v63  }
0x300: {  	v27 =	vadd.s32 @!p1 v30, v27;
	s19 =	simm.s32 @!p1 $0x1480  }
0x301: {  	[tilespmem:s19], [sflag:$0x1] =	stream.indirect_vreg.gather @!p1 [hbm4b:s6+s18], $0x80, v31, vm0, $0xb8;
	[tilespmem:$0x1A480] =	vst v63  }
0x302: {  	s19 =	simm.s32 @!p1 $0x1C80  }
0x303: {  	[tilespmem:s19], [sflag:$0x1] =	stream.indirect_vreg.gather @!p1 [hbm4b:s7+s18], $0x80, v31, vm0, $0xb8;
	[tilespmem:$0x1A480] =	vst v63  }
0x304: {  	s19 =	simm.s32 @!p1 $0x2480  }
0x305: {  	[tilespmem:s19], [sflag:$0x1] =	stream.indirect_vreg.gather @!p1 [hbm4b:s2+s18], $0x80, v27, vm0, $0xb8;
	[tilespmem:$0x1A480] =	vst v63  }
0x306: {  	s19 =	simm.s32 @!p1 $0x2C80  }
0x307: {  	[tilespmem:s19], [sflag:$0x1] =	stream.indirect_vreg.gather @!p1 [hbm4b:s5+s18], $0x80, v27, vm0, $0xb8;
	[tilespmem:$0x1A480] =	vst v63  }
0x308: {  	s19 =	simm.s32 @!p1 $0x3480  }
0x309: {  	[tilespmem:s19], [sflag:$0x1] =	stream.indirect_vreg.gather @!p1 [hbm4b:s6+s18], $0x80, v27, vm0, $0xb8;
	[tilespmem:$0x1A480] =	vst v63  }
0x30a: {  	s19 =	simm.s32 @!p1 $0x3C80  }
0x30b: {  	[tilespmem:s19], [sflag:$0x1] =	stream.indirect_vreg.gather @!p1 [hbm4b:s7+s18], $0x80, v27, vm0, $0xb8;
	[tilespmem:$0x1A480] =	vst v63  }
0x30c: {  	v27 =	vld @!p1 [tilespmem:$0x210];
	_ =	sdelay $0x4  }
0x30d: {  	v31 =	vshll.u32 @!p1 v27, $0x3  }
0x30e: {  	v27 =	vand.u32 @!p1 $0x7, v27;
	v31 =	vand.u32 @!p1 $0xFFFFFFC0, v31  }
0x30f: {  	v27 =	vor.u32 @!p1 v27, v31  }
0x310: {  	v28 =	vperm.xlane @!p1 v27, v28;
	_ =	sdelay $0x1  }
0x311: {  	v28 =	vadd.s32 @!p1 v30, v28;
	_ =	sdelay $0x3  }
0x312: {  	s19 =	simm.s32 @!p1 $0x4480  }
0x313: {  	[tilespmem:s19], [sflag:$0x1] =	stream.indirect_vreg.gather @!p1 [hbm4b:s2+s18], $0x80, v28, vm0, $0xb8;
	[tilespmem:$0x1A480] =	vst v63  }
0x314: {  	v27 =	vperm.xlane @!p1 v27, v29;
	s19 =	simm.s32 @!p1 $0x4C80  }
0x315: {  	[tilespmem:s19], [sflag:$0x1] =	stream.indirect_vreg.gather @!p1 [hbm4b:s5+s18], $0x80, v28, vm0, $0xb8;
	[tilespmem:$0x1A480] =	vst v63  }
0x316: {  	v27 =	vadd.s32 @!p1 v30, v27;
	s19 =	simm.s32 @!p1 $0x5480  }
0x317: {  	[tilespmem:s19], [sflag:$0x1] =	stream.indirect_vreg.gather @!p1 [hbm4b:s6+s18], $0x80, v28, vm0, $0xb8;
	[tilespmem:$0x1A480] =	vst v63  }
0x318: {  	s19 =	simm.s32 @!p1 $0x5C80  }
0x319: {  	[tilespmem:s19], [sflag:$0x1] =	stream.indirect_vreg.gather @!p1 [hbm4b:s7+s18], $0x80, v28, vm0, $0xb8;
	[tilespmem:$0x1A480] =	vst v63  }
0x31a: {  	s19 =	simm.s32 @!p1 $0x6480  }
0x31b: {  	[tilespmem:s19], [sflag:$0x1] =	stream.indirect_vreg.gather @!p1 [hbm4b:s2+s18], $0x80, v27, vm0, $0xb8;
	[tilespmem:$0x1A480] =	vst v63  }
0x31c: {  	s19 =	simm.s32 @!p1 $0x6C80  }
0x31d: {  	[tilespmem:s19], [sflag:$0x1] =	stream.indirect_vreg.gather @!p1 [hbm4b:s5+s18], $0x80, v27, vm0, $0xb8;
	[tilespmem:$0x1A480] =	vst v63  }
0x31e: {  	s19 =	simm.s32 @!p1 $0x7480  }
0x31f: {  	[tilespmem:s19], [sflag:$0x1] =	stream.indirect_vreg.gather @!p1 [hbm4b:s6+s18], $0x80, v27, vm0, $0xb8;
	[tilespmem:$0x1A480] =	vst v63  }
0x320: {  	s19 =	simm.s32 @!p1 $0x7C80  }
0x321: {  	[tilespmem:s19], [sflag:$0x1] =	stream.indirect_vreg.gather @!p1 [hbm4b:s7+s18], $0x80, v27, vm0, $0xb8;
	[tilespmem:$0x1A480] =	vst v63  }
0x322: {  	s20 =	rddreg [dreg:$0xc];
	s18 =	simm.s32 @p0 $0x0;
	s19 =	simm.s32 @p0 $0x480  }
0x323: {  	[tilespmem:s19], [sflag:$0x1] =	stream.linear.gather @p0 [hbm4b:s20+s18], $0x8000, $0x38;
	[tilespmem:$0x1A480] =	vst v63  }
0x324: {  	s18 =	simm.s32 @!p4 $0x0  }
0x325: {  	s18 =	simm.s32 @p4 $0x1  }
0x326: {  	[smem:$0x7E8] =	sst s18;
	s18 =	simm.s32 @!p4 $0x2  }
0x327: {  	_ =	swait.ge @!p4 [sflag:s18], $0x8000  }
0x328: {  	s20 =	simm.s32 @!p4 $0x8480;
	[sflag:s18] =	ssyncset.done @!p4 $0x0  }
0x329: {  	s19 =	rddreg [dreg:$0x11];
	[sflag:s18] =	ssyncadd.s32 @!p4 $0xFFFF8000;
	s18 =	simm.s32 @!p4 $0x0  }
0x32a: {  	[hbm4b:s19+s18] =	stream.linear.scatter @!p4 [tilespmem:s20], [sflag:$0x5], $0x8000, $0x38;
	[tilespmem:$0x1A480] =	vst v63  }
0x32b: {  	s18 =	simm.s32 @!p4 $0x5  }
0x32c: {  	_ =	swait.ge @!p4 [sflag:s18], $0x8000  }
0x32d: {  	p0 =	sgt.f32 s16, $0.0e+00;
	s16 =	simm.s32 @p4 $0x0;
	[sflag:s18] =	ssyncset.done @!p4 $0x0  }
0x32e: {  	s19 =	rddreg [dreg:$0xd];
	[sflag:s18] =	ssyncadd.s32 @!p4 $0xFFFF8000;
	s18 =	simm.s32 @p4 $0x18480  }
0x32f: {  	[hbm4b:s19+s16] =	stream.linear.scatter @p4 [tilespmem:s18], [sflag:$0x7], $0x2000, $0x38;
	[tilespmem:$0x1A480] =	vst v63  }
0x330: {  	p2 =	por p4, p4;
	s20 =	rddreg [dreg:$0xe];
	p4 =	sgt.f32 s17, $0.0e+00  }
0x331: {  	[hbm4b:s20+s16] =	stream.linear.scatter @p2 [tilespmem:s18], [sflag:$0x7], $0x2000, $0x38;
	[tilespmem:$0x1A480] =	vst v63  }
0x332: {  	p6 =	por p0, p4  }
0x333: {  	s17 =	rddreg [dreg:$0xf];
	p1 =	por !p6, !p6  }
0x334: {  	[hbm4b:s17+s16] =	stream.linear.scatter @p2 [tilespmem:s18], [sflag:$0x7], $0x2000, $0x38;
	[tilespmem:$0x1A480] =	vst v63  }
0x335: {  	s19 =	rddreg [dreg:$0x10];
	p1 =	por !p1, p0  }
0x336: {  	[hbm4b:s19+s16] =	stream.linear.scatter @p2 [tilespmem:s18], [sflag:$0x7], $0x2000, $0x38;
	[tilespmem:$0x1A480] =	vst v63  }
0x337: {  	v27 =	vld @!p1 [tilespmem:$0x280];
	_ =	sdelay $0x4  }
0x338: {  	v28 =	vshll.u32 @!p1 v27, $0x3  }
0x339: {  	v29 =	vlaneseq.u32 @!p1;
	v27 =	vand.u32 @!p1 $0x7, v27;
	v28 =	vand.u32 @!p1 $0xFFFFFFC0, v28  }
0x33a: {  	v30 =	vshrl.u32 @!p1 v29, $0x3;
	v27 =	vor.u32 @!p1 v27, v28;
	v28 =	vand.u32 @!p1 $0x7, v29  }
0x33b: {  	v30 =	vmul.u32 @!p1 $0x8, v30;
	v31 =	vperm.xlane @!p1 v27, v28;
	_ =	sdelay $0x1  }
0x33c: {  	v31 =	vadd.s32 @!p1 v30, v31;
	_ =	sdelay $0x3  }
0x33d: {  	vm0 =	vmmov @!p1 $0xffff;
	s17 =	simm.s32 @!p1 $0x8480;
	s16 =	simm.s32 @!p1 $0x0  }
0x33e: {  	v29 =	vor.u32 @!p1 $0x8, v29;
	[tilespmem:s17], [sflag:$0x2] =	stream.indirect_vreg.gather @!p1 [hbm4b:s2+s16], $0x80, v31, vm0, $0xb8;
	[tilespmem:$0x1A480] =	vst v63  }
0x33f: {  	v27 =	vperm.xlane @!p1 v27, v29;
	s17 =	simm.s32 @!p1 $0x8C80  }
0x340: {  	[tilespmem:s17], [sflag:$0x2] =	stream.indirect_vreg.gather @!p1 [hbm4b:s5+s16], $0x80, v31, vm0, $0xb8;
	[tilespmem:$0x1A480] =	vst v63  }
0x341: {  	v27 =	vadd.s32 @!p1 v30, v27;
	s17 =	simm.s32 @!p1 $0x9480  }
0x342: {  	[tilespmem:s17], [sflag:$0x2] =	stream.indirect_vreg.gather @!p1 [hbm4b:s6+s16], $0x80, v31, vm0, $0xb8;
	[tilespmem:$0x1A480] =	vst v63  }
0x343: {  	s17 =	simm.s32 @!p1 $0x9C80  }
0x344: {  	[tilespmem:s17], [sflag:$0x2] =	stream.indirect_vreg.gather @!p1 [hbm4b:s7+s16], $0x80, v31, vm0, $0xb8;
	[tilespmem:$0x1A480] =	vst v63  }
0x345: {  	s17 =	simm.s32 @!p1 $0xA480  }
0x346: {  	[tilespmem:s17], [sflag:$0x2] =	stream.indirect_vreg.gather @!p1 [hbm4b:s2+s16], $0x80, v27, vm0, $0xb8;
	[tilespmem:$0x1A480] =	vst v63  }
0x347: {  	s17 =	simm.s32 @!p1 $0xAC80  }
0x348: {  	[tilespmem:s17], [sflag:$0x2] =	stream.indirect_vreg.gather @!p1 [hbm4b:s5+s16], $0x80, v27, vm0, $0xb8;
	[tilespmem:$0x1A480] =	vst v63  }
0x349: {  	s17 =	simm.s32 @!p1 $0xB480  }
0x34a: {  	[tilespmem:s17], [sflag:$0x2] =	stream.indirect_vreg.gather @!p1 [hbm4b:s6+s16], $0x80, v27, vm0, $0xb8;
	[tilespmem:$0x1A480] =	vst v63  }
0x34b: {  	s17 =	simm.s32 @!p1 $0xBC80  }
0x34c: {  	[tilespmem:s17], [sflag:$0x2] =	stream.indirect_vreg.gather @!p1 [hbm4b:s7+s16], $0x80, v27, vm0, $0xb8;
	[tilespmem:$0x1A480] =	vst v63  }
0x34d: {  	v27 =	vld @!p1 [tilespmem:$0x290];
	_ =	sdelay $0x4  }
0x34e: {  	v31 =	vshll.u32 @!p1 v27, $0x3  }
0x34f: {  	v27 =	vand.u32 @!p1 $0x7, v27;
	v31 =	vand.u32 @!p1 $0xFFFFFFC0, v31  }
0x350: {  	v27 =	vor.u32 @!p1 v27, v31  }
0x351: {  	v28 =	vperm.xlane @!p1 v27, v28;
	_ =	sdelay $0x1  }
0x352: {  	v28 =	vadd.s32 @!p1 v30, v28;
	_ =	sdelay $0x3  }
0x353: {  	s17 =	simm.s32 @!p1 $0xC480  }
0x354: {  	[tilespmem:s17], [sflag:$0x2] =	stream.indirect_vreg.gather @!p1 [hbm4b:s2+s16], $0x80, v28, vm0, $0xb8;
	[tilespmem:$0x1A480] =	vst v63  }
0x355: {  	v27 =	vperm.xlane @!p1 v27, v29;
	s17 =	simm.s32 @!p1 $0xCC80  }
0x356: {  	[tilespmem:s17], [sflag:$0x2] =	stream.indirect_vreg.gather @!p1 [hbm4b:s5+s16], $0x80, v28, vm0, $0xb8;
	[tilespmem:$0x1A480] =	vst v63  }
0x357: {  	v27 =	vadd.s32 @!p1 v30, v27;
	s17 =	simm.s32 @!p1 $0xD480  }
0x358: {  	[tilespmem:s17], [sflag:$0x2] =	stream.indirect_vreg.gather @!p1 [hbm4b:s6+s16], $0x80, v28, vm0, $0xb8;
	[tilespmem:$0x1A480] =	vst v63  }
0x359: {  	s17 =	simm.s32 @!p1 $0xDC80  }
0x35a: {  	[tilespmem:s17], [sflag:$0x2] =	stream.indirect_vreg.gather @!p1 [hbm4b:s7+s16], $0x80, v28, vm0, $0xb8;
	[tilespmem:$0x1A480] =	vst v63  }
0x35b: {  	s17 =	simm.s32 @!p1 $0xE480  }
0x35c: {  	[tilespmem:s17], [sflag:$0x2] =	stream.indirect_vreg.gather @!p1 [hbm4b:s2+s16], $0x80, v27, vm0, $0xb8;
	[tilespmem:$0x1A480] =	vst v63  }
0x35d: {  	s17 =	simm.s32 @!p1 $0xEC80  }
0x35e: {  	[tilespmem:s17], [sflag:$0x2] =	stream.indirect_vreg.gather @!p1 [hbm4b:s5+s16], $0x80, v27, vm0, $0xb8;
	[tilespmem:$0x1A480] =	vst v63  }
0x35f: {  	s17 =	simm.s32 @!p1 $0xF480  }
0x360: {  	[tilespmem:s17], [sflag:$0x2] =	stream.indirect_vreg.gather @!p1 [hbm4b:s6+s16], $0x80, v27, vm0, $0xb8;
	[tilespmem:$0x1A480] =	vst v63  }
0x361: {  	s17 =	simm.s32 @!p1 $0xFC80  }
0x362: {  	[tilespmem:s17], [sflag:$0x2] =	stream.indirect_vreg.gather @!p1 [hbm4b:s7+s16], $0x80, v27, vm0, $0xb8;
	[tilespmem:$0x1A480] =	vst v63  }
0x363: {  	s18 =	rddreg [dreg:$0x12];
	s16 =	simm.s32 @p0 $0x0;
	s17 =	simm.s32 @p0 $0x8480  }
0x364: {  	[tilespmem:s17], [sflag:$0x2] =	stream.linear.gather @p0 [hbm4b:s18+s16], $0x8000, $0x38;
	[tilespmem:$0x1A480] =	vst v63  }
0x365: {  	s16 =	simm.s32 @!p5 $0x3  }
0x366: {  	_ =	swait.ge @!p5 [sflag:s16], $0x8000  }
0x367: {  	s18 =	simm.s32 @!p5 $0x10480;
	[sflag:s16] =	ssyncset.done @!p5 $0x0  }
0x368: {  	s17 =	rddreg [dreg:$0x17];
	[sflag:s16] =	ssyncadd.s32 @!p5 $0xFFFF8000;
	s16 =	simm.s32 @!p5 $0x0  }
0x369: {  	[hbm4b:s17+s16] =	stream.linear.scatter @!p5 [tilespmem:s18], [sflag:$0x6], $0x8000, $0x38;
	[tilespmem:$0x1A480] =	vst v63  }
0x36a: {  	s16 =	simm.s32 @!p5 $0x6  }
0x36b: {  	_ =	swait.ge @!p5 [sflag:s16], $0x8000  }
0x36c: {  	p1 =	por p5, p5;
	s18 =	simm.s32 @p5 $0x18480;
	[sflag:s16] =	ssyncset.done @!p5 $0x0  }
0x36d: {  	s17 =	rddreg [dreg:$0x13];
	[sflag:s16] =	ssyncadd.s32 @!p5 $0xFFFF8000;
	s16 =	simm.s32 @p5 $0x0  }
0x36e: {  	[hbm4b:s17+s16] =	stream.linear.scatter @p5 [tilespmem:s18], [sflag:$0x7], $0x2000, $0x38;
	[tilespmem:$0x1A480] =	vst v63  }
0x36f: {  	s14 =	simm.s32 @!p1 $0x0;
	p0 =	sgt.f32 s13, $0.0e+00;
	s19 =	rddreg [dreg:$0x14]  }
0x370: {  	[hbm4b:s19+s16] =	stream.linear.scatter @p5 [tilespmem:s18], [sflag:$0x7], $0x2000, $0x38;
	[tilespmem:$0x1A480] =	vst v63  }
0x371: {  	s14 =	simm.s32 @p1 $0x1;
	s17 =	rddreg [dreg:$0x15];
	p5 =	sgt.f32 s15, $0.0e+00  }
0x372: {  	[hbm4b:s17+s16] =	stream.linear.scatter @p1 [tilespmem:s18], [sflag:$0x7], $0x2000, $0x38;
	[tilespmem:$0x1A480] =	vst v63  }
0x373: {  	[smem:$0x7E9] =	sst s14;
	p6 =	por p0, p5  }
0x374: {  	p2 =	por p1, p1;
	s14 =	rddreg [dreg:$0x16];
	p1 =	por !p6, !p6  }
0x375: {  	[hbm4b:s14+s16] =	stream.linear.scatter @p2 [tilespmem:s18], [sflag:$0x7], $0x2000, $0x38;
	[tilespmem:$0x1A480] =	vst v63  }
0x376: {  	p1 =	por !p1, p0  }
0x377: {  	v27 =	vld @!p1 [tilespmem:$0x300];
	_ =	sdelay $0x4  }
0x378: {  	v28 =	vshll.u32 @!p1 v27, $0x3  }
0x379: {  	v29 =	vlaneseq.u32 @!p1;
	v27 =	vand.u32 @!p1 $0x7, v27;
	v28 =	vand.u32 @!p1 $0xFFFFFFC0, v28  }
0x37a: {  	v30 =	vshrl.u32 @!p1 v29, $0x3;
	v27 =	vor.u32 @!p1 v27, v28;
	v28 =	vand.u32 @!p1 $0x7, v29  }
0x37b: {  	v30 =	vmul.u32 @!p1 $0x8, v30;
	v31 =	vperm.xlane @!p1 v27, v28;
	_ =	sdelay $0x1  }
0x37c: {  	v31 =	vadd.s32 @!p1 v30, v31;
	_ =	sdelay $0x3  }
0x37d: {  	vm0 =	vmmov @!p1 $0xffff;
	s14 =	simm.s32 @!p1 $0x0;
	s15 =	simm.s32 @!p1 $0x10480  }
0x37e: {  	v29 =	vor.u32 @!p1 $0x8, v29;
	[tilespmem:s15], [sflag:$0x3] =	stream.indirect_vreg.gather @!p1 [hbm4b:s2+s14], $0x80, v31, vm0, $0xb8;
	[tilespmem:$0x1A480] =	vst v63  }
0x37f: {  	v27 =	vperm.xlane @!p1 v27, v29;
	s15 =	simm.s32 @!p1 $0x10C80  }
0x380: {  	[tilespmem:s15], [sflag:$0x3] =	stream.indirect_vreg.gather @!p1 [hbm4b:s5+s14], $0x80, v31, vm0, $0xb8;
	[tilespmem:$0x1A480] =	vst v63  }
0x381: {  	v27 =	vadd.s32 @!p1 v30, v27;
	s15 =	simm.s32 @!p1 $0x11480  }
0x382: {  	[tilespmem:s15], [sflag:$0x3] =	stream.indirect_vreg.gather @!p1 [hbm4b:s6+s14], $0x80, v31, vm0, $0xb8;
	[tilespmem:$0x1A480] =	vst v63  }
0x383: {  	s15 =	simm.s32 @!p1 $0x11C80  }
0x384: {  	[tilespmem:s15], [sflag:$0x3] =	stream.indirect_vreg.gather @!p1 [hbm4b:s7+s14], $0x80, v31, vm0, $0xb8;
	[tilespmem:$0x1A480] =	vst v63  }
0x385: {  	s15 =	simm.s32 @!p1 $0x12480  }
0x386: {  	[tilespmem:s15], [sflag:$0x3] =	stream.indirect_vreg.gather @!p1 [hbm4b:s2+s14], $0x80, v27, vm0, $0xb8;
	[tilespmem:$0x1A480] =	vst v63  }
0x387: {  	s15 =	simm.s32 @!p1 $0x12C80  }
0x388: {  	[tilespmem:s15], [sflag:$0x3] =	stream.indirect_vreg.gather @!p1 [hbm4b:s5+s14], $0x80, v27, vm0, $0xb8;
	[tilespmem:$0x1A480] =	vst v63  }
0x389: {  	s15 =	simm.s32 @!p1 $0x13480  }
0x38a: {  	[tilespmem:s15], [sflag:$0x3] =	stream.indirect_vreg.gather @!p1 [hbm4b:s6+s14], $0x80, v27, vm0, $0xb8;
	[tilespmem:$0x1A480] =	vst v63  }
0x38b: {  	s15 =	simm.s32 @!p1 $0x13C80  }
0x38c: {  	[tilespmem:s15], [sflag:$0x3] =	stream.indirect_vreg.gather @!p1 [hbm4b:s7+s14], $0x80, v27, vm0, $0xb8;
	[tilespmem:$0x1A480] =	vst v63  }
0x38d: {  	v27 =	vld @!p1 [tilespmem:$0x310];
	_ =	sdelay $0x4  }
0x38e: {  	v31 =	vshll.u32 @!p1 v27, $0x3  }
0x38f: {  	v27 =	vand.u32 @!p1 $0x7, v27;
	v31 =	vand.u32 @!p1 $0xFFFFFFC0, v31  }
0x390: {  	v27 =	vor.u32 @!p1 v27, v31  }
0x391: {  	v28 =	vperm.xlane @!p1 v27, v28;
	_ =	sdelay $0x1  }
0x392: {  	v28 =	vadd.s32 @!p1 v30, v28;
	_ =	sdelay $0x3  }
0x393: {  	s15 =	simm.s32 @!p1 $0x14480  }
0x394: {  	[tilespmem:s15], [sflag:$0x3] =	stream.indirect_vreg.gather @!p1 [hbm4b:s2+s14], $0x80, v28, vm0, $0xb8;
	[tilespmem:$0x1A480] =	vst v63  }
0x395: {  	v27 =	vperm.xlane @!p1 v27, v29;
	s15 =	simm.s32 @!p1 $0x14C80  }
0x396: {  	[tilespmem:s15], [sflag:$0x3] =	stream.indirect_vreg.gather @!p1 [hbm4b:s5+s14], $0x80, v28, vm0, $0xb8;
	[tilespmem:$0x1A480] =	vst v63  }
0x397: {  	v27 =	vadd.s32 @!p1 v30, v27;
	s15 =	simm.s32 @!p1 $0x15480  }
0x398: {  	[tilespmem:s15], [sflag:$0x3] =	stream.indirect_vreg.gather @!p1 [hbm4b:s6+s14], $0x80, v28, vm0, $0xb8;
	[tilespmem:$0x1A480] =	vst v63  }
0x399: {  	s15 =	simm.s32 @!p1 $0x15C80  }
0x39a: {  	[tilespmem:s15], [sflag:$0x3] =	stream.indirect_vreg.gather @!p1 [hbm4b:s7+s14], $0x80, v28, vm0, $0xb8;
	[tilespmem:$0x1A480] =	vst v63  }
0x39b: {  	s15 =	simm.s32 @!p1 $0x16480  }
0x39c: {  	[tilespmem:s15], [sflag:$0x3] =	stream.indirect_vreg.gather @!p1 [hbm4b:s2+s14], $0x80, v27, vm0, $0xb8;
	[tilespmem:$0x1A480] =	vst v63  }
0x39d: {  	s15 =	simm.s32 @!p1 $0x16C80  }
0x39e: {  	[tilespmem:s15], [sflag:$0x3] =	stream.indirect_vreg.gather @!p1 [hbm4b:s5+s14], $0x80, v27, vm0, $0xb8;
	[tilespmem:$0x1A480] =	vst v63  }
0x39f: {  	s15 =	simm.s32 @!p1 $0x17480  }
0x3a0: {  	[tilespmem:s15], [sflag:$0x3] =	stream.indirect_vreg.gather @!p1 [hbm4b:s6+s14], $0x80, v27, vm0, $0xb8;
	[tilespmem:$0x1A480] =	vst v63  }
0x3a1: {  	s15 =	simm.s32 @!p1 $0x17C80  }
0x3a2: {  	[tilespmem:s15], [sflag:$0x3] =	stream.indirect_vreg.gather @!p1 [hbm4b:s7+s14], $0x80, v27, vm0, $0xb8;
	[tilespmem:$0x1A480] =	vst v63  }
0x3a3: {  	s16 =	rddreg [dreg:$0x18];
	s14 =	simm.s32 @p0 $0x0;
	s15 =	simm.s32 @p0 $0x10480  }
0x3a4: {  	[tilespmem:s15], [sflag:$0x3] =	stream.linear.gather @p0 [hbm4b:s16+s14], $0x8000, $0x38;
	[tilespmem:$0x1A480] =	vst v63  }
0x3a5: {  	s14 =	simm.s32 @!p3 $0x1  }
0x3a6: {  	_ =	swait.ge @!p3 [sflag:s14], $0x8000  }
0x3a7: {  	s16 =	simm.s32 @!p3 $0x480;
	[sflag:s14] =	ssyncset.done @!p3 $0x0  }
0x3a8: {  	s15 =	rddreg [dreg:$0x1d];
	[sflag:s14] =	ssyncadd.s32 @!p3 $0xFFFF8000;
	s14 =	simm.s32 @!p3 $0x0  }
0x3a9: {  	[hbm4b:s15+s14] =	stream.linear.scatter @!p3 [tilespmem:s16], [sflag:$0x4], $0x8000, $0x38;
	[tilespmem:$0x1A480] =	vst v63  }
0x3aa: {  	s14 =	simm.s32 @!p3 $0x4  }
0x3ab: {  	p6 =	sgt.f32 s25, $0.0e+00;
	_ =	swait.ge @!p3 [sflag:s14], $0x8000  }
0x3ac: {  	p0 =	sgt.f32 s24, $0.0e+00;
	s16 =	simm.s32 @p3 $0x18480;
	[sflag:s14] =	ssyncset.done @!p3 $0x0  }
0x3ad: {  	s15 =	rddreg [dreg:$0x19];
	[sflag:s14] =	ssyncadd.s32 @!p3 $0xFFFF8000;
	s14 =	simm.s32 @p3 $0x0  }
0x3ae: {  	[hbm4b:s15+s14] =	stream.linear.scatter @p3 [tilespmem:s16], [sflag:$0x7], $0x2000, $0x38;
	[tilespmem:$0x1A480] =	vst v63  }
0x3af: {  	p2 =	por p0, p6;
	s17 =	rddreg [dreg:$0x1a]  }
0x3b0: {  	[hbm4b:s17+s14] =	stream.linear.scatter @p3 [tilespmem:s16], [sflag:$0x7], $0x2000, $0x38;
	[tilespmem:$0x1A480] =	vst v63  }
0x3b1: {  	p1 =	por !p2, !p2;
	s15 =	rddreg [dreg:$0x1b]  }
0x3b2: {  	[hbm4b:s15+s14] =	stream.linear.scatter @p3 [tilespmem:s16], [sflag:$0x7], $0x2000, $0x38;
	[tilespmem:$0x1A480] =	vst v63  }
0x3b3: {  	p1 =	por !p1, p0;
	s12 =	rddreg [dreg:$0x1c]  }
0x3b4: {  	[hbm4b:s12+s14] =	stream.linear.scatter @p3 [tilespmem:s16], [sflag:$0x7], $0x2000, $0x38;
	[tilespmem:$0x1A480] =	vst v63  }
0x3b5: {  	v27 =	vld @!p1 [tilespmem:$0x380];
	_ =	sdelay $0x4  }
0x3b6: {  	v28 =	vshll.u32 @!p1 v27, $0x3  }
0x3b7: {  	v29 =	vlaneseq.u32 @!p1;
	v27 =	vand.u32 @!p1 $0x7, v27;
	v28 =	vand.u32 @!p1 $0xFFFFFFC0, v28  }
0x3b8: {  	v30 =	vshrl.u32 @!p1 v29, $0x3;
	v27 =	vor.u32 @!p1 v27, v28;
	v28 =	vand.u32 @!p1 $0x7, v29  }
0x3b9: {  	v30 =	vmul.u32 @!p1 $0x8, v30;
	v31 =	vperm.xlane @!p1 v27, v28;
	_ =	sdelay $0x1  }
0x3ba: {  	v31 =	vadd.s32 @!p1 v30, v31;
	_ =	sdelay $0x3  }
0x3bb: {  	vm0 =	vmmov @!p1 $0xffff;
	s13 =	simm.s32 @!p1 $0x480;
	s12 =	simm.s32 @!p1 $0x0  }
0x3bc: {  	v29 =	vor.u32 @!p1 $0x8, v29;
	[tilespmem:s13], [sflag:$0x1] =	stream.indirect_vreg.gather @!p1 [hbm4b:s2+s12], $0x80, v31, vm0, $0xb8;
	[tilespmem:$0x1A480] =	vst v63  }
0x3bd: {  	v27 =	vperm.xlane @!p1 v27, v29;
	s13 =	simm.s32 @!p1 $0xC80  }
0x3be: {  	[tilespmem:s13], [sflag:$0x1] =	stream.indirect_vreg.gather @!p1 [hbm4b:s5+s12], $0x80, v31, vm0, $0xb8;
	[tilespmem:$0x1A480] =	vst v63  }
0x3bf: {  	v27 =	vadd.s32 @!p1 v30, v27;
	s13 =	simm.s32 @!p1 $0x1480  }
0x3c0: {  	[tilespmem:s13], [sflag:$0x1] =	stream.indirect_vreg.gather @!p1 [hbm4b:s6+s12], $0x80, v31, vm0, $0xb8;
	[tilespmem:$0x1A480] =	vst v63  }
0x3c1: {  	s13 =	simm.s32 @!p1 $0x1C80  }
0x3c2: {  	[tilespmem:s13], [sflag:$0x1] =	stream.indirect_vreg.gather @!p1 [hbm4b:s7+s12], $0x80, v31, vm0, $0xb8;
	[tilespmem:$0x1A480] =	vst v63  }
0x3c3: {  	s13 =	simm.s32 @!p1 $0x2480  }
0x3c4: {  	[tilespmem:s13], [sflag:$0x1] =	stream.indirect_vreg.gather @!p1 [hbm4b:s2+s12], $0x80, v27, vm0, $0xb8;
	[tilespmem:$0x1A480] =	vst v63  }
0x3c5: {  	s13 =	simm.s32 @!p1 $0x2C80  }
0x3c6: {  	[tilespmem:s13], [sflag:$0x1] =	stream.indirect_vreg.gather @!p1 [hbm4b:s5+s12], $0x80, v27, vm0, $0xb8;
	[tilespmem:$0x1A480] =	vst v63  }
0x3c7: {  	s13 =	simm.s32 @!p1 $0x3480  }
0x3c8: {  	[tilespmem:s13], [sflag:$0x1] =	stream.indirect_vreg.gather @!p1 [hbm4b:s6+s12], $0x80, v27, vm0, $0xb8;
	[tilespmem:$0x1A480] =	vst v63  }
0x3c9: {  	s13 =	simm.s32 @!p1 $0x3C80  }
0x3ca: {  	[tilespmem:s13], [sflag:$0x1] =	stream.indirect_vreg.gather @!p1 [hbm4b:s7+s12], $0x80, v27, vm0, $0xb8;
	[tilespmem:$0x1A480] =	vst v63  }
0x3cb: {  	v27 =	vld @!p1 [tilespmem:$0x390];
	_ =	sdelay $0x4  }
0x3cc: {  	v31 =	vshll.u32 @!p1 v27, $0x3  }
0x3cd: {  	v27 =	vand.u32 @!p1 $0x7, v27;
	v31 =	vand.u32 @!p1 $0xFFFFFFC0, v31  }
0x3ce: {  	v27 =	vor.u32 @!p1 v27, v31  }
0x3cf: {  	v28 =	vperm.xlane @!p1 v27, v28;
	_ =	sdelay $0x1  }
0x3d0: {  	v28 =	vadd.s32 @!p1 v30, v28;
	_ =	sdelay $0x3  }
0x3d1: {  	s13 =	simm.s32 @!p1 $0x4480  }
0x3d2: {  	[tilespmem:s13], [sflag:$0x1] =	stream.indirect_vreg.gather @!p1 [hbm4b:s2+s12], $0x80, v28, vm0, $0xb8;
	[tilespmem:$0x1A480] =	vst v63  }
0x3d3: {  	v27 =	vperm.xlane @!p1 v27, v29;
	s13 =	simm.s32 @!p1 $0x4C80  }
0x3d4: {  	[tilespmem:s13], [sflag:$0x1] =	stream.indirect_vreg.gather @!p1 [hbm4b:s5+s12], $0x80, v28, vm0, $0xb8;
	[tilespmem:$0x1A480] =	vst v63  }
0x3d5: {  	v27 =	vadd.s32 @!p1 v30, v27;
	s13 =	simm.s32 @!p1 $0x5480  }
0x3d6: {  	[tilespmem:s13], [sflag:$0x1] =	stream.indirect_vreg.gather @!p1 [hbm4b:s6+s12], $0x80, v28, vm0, $0xb8;
	[tilespmem:$0x1A480] =	vst v63  }
0x3d7: {  	s13 =	simm.s32 @!p1 $0x5C80  }
0x3d8: {  	[tilespmem:s13], [sflag:$0x1] =	stream.indirect_vreg.gather @!p1 [hbm4b:s7+s12], $0x80, v28, vm0, $0xb8;
	[tilespmem:$0x1A480] =	vst v63  }
0x3d9: {  	s13 =	simm.s32 @!p1 $0x6480  }
0x3da: {  	[tilespmem:s13], [sflag:$0x1] =	stream.indirect_vreg.gather @!p1 [hbm4b:s2+s12], $0x80, v27, vm0, $0xb8;
	[tilespmem:$0x1A480] =	vst v63  }
0x3db: {  	s13 =	simm.s32 @!p1 $0x6C80  }
0x3dc: {  	[tilespmem:s13], [sflag:$0x1] =	stream.indirect_vreg.gather @!p1 [hbm4b:s5+s12], $0x80, v27, vm0, $0xb8;
	[tilespmem:$0x1A480] =	vst v63  }
0x3dd: {  	s13 =	simm.s32 @!p1 $0x7480  }
0x3de: {  	[tilespmem:s13], [sflag:$0x1] =	stream.indirect_vreg.gather @!p1 [hbm4b:s6+s12], $0x80, v27, vm0, $0xb8;
	[tilespmem:$0x1A480] =	vst v63  }
0x3df: {  	s13 =	simm.s32 @!p1 $0x7C80  }
0x3e0: {  	[tilespmem:s13], [sflag:$0x1] =	stream.indirect_vreg.gather @!p1 [hbm4b:s7+s12], $0x80, v27, vm0, $0xb8;
	[tilespmem:$0x1A480] =	vst v63  }
0x3e1: {  	s14 =	rddreg [dreg:$0x1e];
	s12 =	simm.s32 @p0 $0x0;
	s13 =	simm.s32 @p0 $0x480  }
0x3e2: {  	[tilespmem:s13], [sflag:$0x1] =	stream.linear.gather @p0 [hbm4b:s14+s12], $0x8000, $0x38;
	[tilespmem:$0x1A480] =	vst v63  }
0x3e3: {  	s12 =	simm.s32 @!p4 $0x2  }
0x3e4: {  	_ =	swait.ge @!p4 [sflag:s12], $0x8000  }
0x3e5: {  	s13 =	sld [smem:$0x7ED]  }
0x3e6: {  	[sflag:s12] =	ssyncset.done @!p4 $0x0  }
0x3e7: {  	s14 =	simm.s32 @!p4 $0x8480;
	[sflag:s12] =	ssyncadd.s32 @!p4 $0xFFFF8000;
	s12 =	simm.s32 @!p4 $0x0  }
0x3e8: {  	[hbm4b:s13+s12] =	stream.linear.scatter @!p4 [tilespmem:s14], [sflag:$0x5], $0x8000, $0x38;
	[tilespmem:$0x1A480] =	vst v63  }
0x3e9: {  	s12 =	simm.s32 @!p4 $0x5  }
0x3ea: {  	p2 =	sgt.f32 s26, $0.0e+00;
	p1 =	sgt.f32 s28, $0.0e+00;
	_ =	swait.ge @!p4 [sflag:s12], $0x8000  }
0x3eb: {  	s14 =	simm.s32 @p4 $0x18480;
	[sflag:s12] =	ssyncset.done @!p4 $0x0;
	s13 =	rddreg [dreg:$0x1f]  }
0x3ec: {  	s15 =	sld [smem:$0x7EA];
	[sflag:s12] =	ssyncadd.s32 @!p4 $0xFFFF8000;
	s12 =	simm.s32 @p4 $0x0  }
0x3ed: {  	[hbm4b:s13+s12] =	stream.linear.scatter @p4 [tilespmem:s14], [sflag:$0x7], $0x2000, $0x38;
	[tilespmem:$0x1A480] =	vst v63  }
0x3ee: {  	p0 =	por p2, p1;
	s13 =	sld [smem:$0x7EB]  }
0x3ef: {  	[hbm4b:s15+s12] =	stream.linear.scatter @p4 [tilespmem:s14], [sflag:$0x7], $0x2000, $0x38;
	[tilespmem:$0x1A480] =	vst v63  }
0x3f0: {  	p0 =	por !p0, !p0;
	s10 =	sld [smem:$0x7EC]  }
0x3f1: {  	[hbm4b:s13+s12] =	stream.linear.scatter @p4 [tilespmem:s14], [sflag:$0x7], $0x2000, $0x38;
	[tilespmem:$0x1A480] =	vst v63  }
0x3f2: {  	p0 =	por !p0, p2  }
0x3f3: {  	[hbm4b:s10+s12] =	stream.linear.scatter @p4 [tilespmem:s14], [sflag:$0x7], $0x2000, $0x38;
	[tilespmem:$0x1A480] =	vst v63  }
0x3f4: {  	v27 =	vld @!p0 [tilespmem:$0x400];
	_ =	sdelay $0x4  }
0x3f5: {  	v28 =	vshll.u32 @!p0 v27, $0x3  }
0x3f6: {  	v29 =	vlaneseq.u32 @!p0;
	v27 =	vand.u32 @!p0 $0x7, v27;
	v28 =	vand.u32 @!p0 $0xFFFFFFC0, v28  }
0x3f7: {  	v30 =	vshrl.u32 @!p0 v29, $0x3;
	v27 =	vor.u32 @!p0 v27, v28;
	v28 =	vand.u32 @!p0 $0x7, v29  }
0x3f8: {  	v30 =	vmul.u32 @!p0 $0x8, v30;
	v31 =	vperm.xlane @!p0 v27, v28;
	_ =	sdelay $0x1  }
0x3f9: {  	v31 =	vadd.s32 @!p0 v30, v31;
	_ =	sdelay $0x3  }
0x3fa: {  	vm0 =	vmmov @!p0 $0xffff;
	s11 =	simm.s32 @!p0 $0x8480;
	s10 =	simm.s32 @!p0 $0x0  }
0x3fb: {  	v29 =	vor.u32 @!p0 $0x8, v29;
	[tilespmem:s11], [sflag:$0x2] =	stream.indirect_vreg.gather @!p0 [hbm4b:s2+s10], $0x80, v31, vm0, $0xb8;
	[tilespmem:$0x1A480] =	vst v63  }
0x3fc: {  	v27 =	vperm.xlane @!p0 v27, v29;
	s11 =	simm.s32 @!p0 $0x8C80  }
0x3fd: {  	[tilespmem:s11], [sflag:$0x2] =	stream.indirect_vreg.gather @!p0 [hbm4b:s5+s10], $0x80, v31, vm0, $0xb8;
	[tilespmem:$0x1A480] =	vst v63  }
0x3fe: {  	v27 =	vadd.s32 @!p0 v30, v27;
	s11 =	simm.s32 @!p0 $0x9480  }
0x3ff: {  	[tilespmem:s11], [sflag:$0x2] =	stream.indirect_vreg.gather @!p0 [hbm4b:s6+s10], $0x80, v31, vm0, $0xb8;
	[tilespmem:$0x1A480] =	vst v63  }
0x400: {  	s11 =	simm.s32 @!p0 $0x9C80  }
0x401: {  	[tilespmem:s11], [sflag:$0x2] =	stream.indirect_vreg.gather @!p0 [hbm4b:s7+s10], $0x80, v31, vm0, $0xb8;
	[tilespmem:$0x1A480] =	vst v63  }
0x402: {  	s11 =	simm.s32 @!p0 $0xA480  }
0x403: {  	[tilespmem:s11], [sflag:$0x2] =	stream.indirect_vreg.gather @!p0 [hbm4b:s2+s10], $0x80, v27, vm0, $0xb8;
	[tilespmem:$0x1A480] =	vst v63  }
0x404: {  	s11 =	simm.s32 @!p0 $0xAC80  }
0x405: {  	[tilespmem:s11], [sflag:$0x2] =	stream.indirect_vreg.gather @!p0 [hbm4b:s5+s10], $0x80, v27, vm0, $0xb8;
	[tilespmem:$0x1A480] =	vst v63  }
0x406: {  	s11 =	simm.s32 @!p0 $0xB480  }
0x407: {  	[tilespmem:s11], [sflag:$0x2] =	stream.indirect_vreg.gather @!p0 [hbm4b:s6+s10], $0x80, v27, vm0, $0xb8;
	[tilespmem:$0x1A480] =	vst v63  }
0x408: {  	s11 =	simm.s32 @!p0 $0xBC80  }
0x409: {  	[tilespmem:s11], [sflag:$0x2] =	stream.indirect_vreg.gather @!p0 [hbm4b:s7+s10], $0x80, v27, vm0, $0xb8;
	[tilespmem:$0x1A480] =	vst v63  }
0x40a: {  	v27 =	vld @!p0 [tilespmem:$0x410];
	_ =	sdelay $0x4  }
0x40b: {  	v31 =	vshll.u32 @!p0 v27, $0x3  }
0x40c: {  	v27 =	vand.u32 @!p0 $0x7, v27;
	v31 =	vand.u32 @!p0 $0xFFFFFFC0, v31  }
0x40d: {  	v27 =	vor.u32 @!p0 v27, v31  }
0x40e: {  	v28 =	vperm.xlane @!p0 v27, v28;
	_ =	sdelay $0x1  }
0x40f: {  	v28 =	vadd.s32 @!p0 v30, v28;
	_ =	sdelay $0x3  }
0x410: {  	s11 =	simm.s32 @!p0 $0xC480  }
0x411: {  	[tilespmem:s11], [sflag:$0x2] =	stream.indirect_vreg.gather @!p0 [hbm4b:s2+s10], $0x80, v28, vm0, $0xb8;
	[tilespmem:$0x1A480] =	vst v63  }
0x412: {  	v27 =	vperm.xlane @!p0 v27, v29;
	s11 =	simm.s32 @!p0 $0xCC80  }
0x413: {  	[tilespmem:s11], [sflag:$0x2] =	stream.indirect_vreg.gather @!p0 [hbm4b:s5+s10], $0x80, v28, vm0, $0xb8;
	[tilespmem:$0x1A480] =	vst v63  }
0x414: {  	v27 =	vadd.s32 @!p0 v30, v27;
	s11 =	simm.s32 @!p0 $0xD480  }
0x415: {  	[tilespmem:s11], [sflag:$0x2] =	stream.indirect_vreg.gather @!p0 [hbm4b:s6+s10], $0x80, v28, vm0, $0xb8;
	[tilespmem:$0x1A480] =	vst v63  }
0x416: {  	s11 =	simm.s32 @!p0 $0xDC80  }
0x417: {  	[tilespmem:s11], [sflag:$0x2] =	stream.indirect_vreg.gather @!p0 [hbm4b:s7+s10], $0x80, v28, vm0, $0xb8;
	[tilespmem:$0x1A480] =	vst v63  }
0x418: {  	s11 =	simm.s32 @!p0 $0xE480  }
0x419: {  	[tilespmem:s11], [sflag:$0x2] =	stream.indirect_vreg.gather @!p0 [hbm4b:s2+s10], $0x80, v27, vm0, $0xb8;
	[tilespmem:$0x1A480] =	vst v63  }
0x41a: {  	s11 =	simm.s32 @!p0 $0xEC80  }
0x41b: {  	[tilespmem:s11], [sflag:$0x2] =	stream.indirect_vreg.gather @!p0 [hbm4b:s5+s10], $0x80, v27, vm0, $0xb8;
	[tilespmem:$0x1A480] =	vst v63  }
0x41c: {  	s11 =	simm.s32 @!p0 $0xF480  }
0x41d: {  	[tilespmem:s11], [sflag:$0x2] =	stream.indirect_vreg.gather @!p0 [hbm4b:s6+s10], $0x80, v27, vm0, $0xb8;
	[tilespmem:$0x1A480] =	vst v63  }
0x41e: {  	s12 =	sld [smem:$0x7EE];
	s11 =	simm.s32 @!p0 $0xFC80  }
0x41f: {  	[tilespmem:s11], [sflag:$0x2] =	stream.indirect_vreg.gather @!p0 [hbm4b:s7+s10], $0x80, v27, vm0, $0xb8;
	[tilespmem:$0x1A480] =	vst v63  }
0x420: {  	s10 =	simm.s32 @p2 $0x0;
	s11 =	simm.s32 @p2 $0x8480  }
0x421: {  	[tilespmem:s11], [sflag:$0x2] =	stream.linear.gather @p2 [hbm4b:s12+s10], $0x8000, $0x38;
	[tilespmem:$0x1A480] =	vst v63  }
0x422: {  	s10 =	simm.s32 @!p5 $0x3  }
0x423: {  	_ =	swait.ge @!p5 [sflag:s10], $0x8000  }
0x424: {  	s11 =	sld [smem:$0x7F3]  }
0x425: {  	s12 =	simm.s32 @!p5 $0x10480;
	[sflag:s10] =	ssyncset.done @!p5 $0x0  }
0x426: {  	s13 =	sld [smem:$0x7EF];
	[sflag:s10] =	ssyncadd.s32 @!p5 $0xFFFF8000;
	s10 =	simm.s32 @!p5 $0x0  }
0x427: {  	[hbm4b:s11+s10] =	stream.linear.scatter @!p5 [tilespmem:s12], [sflag:$0x6], $0x8000, $0x38;
	[tilespmem:$0x1A480] =	vst v63  }
0x428: {  	s10 =	simm.s32 @p5 $0x0;
	s11 =	simm.s32 @p5 $0x18480;
	s12 =	sld [smem:$0x7F0]  }
0x429: {  	[hbm4b:s13+s10] =	stream.linear.scatter @p5 [tilespmem:s11], [sflag:$0x7], $0x2000, $0x38;
	[tilespmem:$0x1A480] =	vst v63  }
0x42a: {  	s13 =	sld [smem:$0x7F1]  }
0x42b: {  	[hbm4b:s12+s10] =	stream.linear.scatter @p5 [tilespmem:s11], [sflag:$0x7], $0x2000, $0x38;
	[tilespmem:$0x1A480] =	vst v63  }
0x42c: {  	s12 =	sld [smem:$0x7F2]  }
0x42d: {  	[hbm4b:s13+s10] =	stream.linear.scatter @p5 [tilespmem:s11], [sflag:$0x7], $0x2000, $0x38;
	[tilespmem:$0x1A480] =	vst v63  }
0x42e: {  	_ = 	snop  }
0x42f: {  	[hbm4b:s12+s10] =	stream.linear.scatter @p5 [tilespmem:s11], [sflag:$0x7], $0x2000, $0x38;
	[tilespmem:$0x1A480] =	vst v63  }
0x430: {  	s10 =	simm.s32 @!p6 $0x1  }
0x431: {  	_ =	swait.ge @!p6 [sflag:s10], $0x8000  }
0x432: {  	s11 =	sld [smem:$0x7F8]  }
0x433: {  	s12 =	simm.s32 @!p6 $0x480;
	[sflag:s10] =	ssyncset.done @!p6 $0x0  }
0x434: {  	s13 =	sld [smem:$0x7F4];
	[sflag:s10] =	ssyncadd.s32 @!p6 $0xFFFF8000;
	s10 =	simm.s32 @!p6 $0x0  }
0x435: {  	[hbm4b:s11+s10] =	stream.linear.scatter @!p6 [tilespmem:s12], [sflag:$0x4], $0x8000, $0x38;
	[tilespmem:$0x1A480] =	vst v63  }
0x436: {  	s10 =	simm.s32 @p6 $0x0;
	s11 =	simm.s32 @p6 $0x18480;
	s12 =	sld [smem:$0x7F5]  }
0x437: {  	[hbm4b:s13+s10] =	stream.linear.scatter @p6 [tilespmem:s11], [sflag:$0x7], $0x2000, $0x38;
	[tilespmem:$0x1A480] =	vst v63  }
0x438: {  	s13 =	sld [smem:$0x7F6]  }
0x439: {  	[hbm4b:s12+s10] =	stream.linear.scatter @p6 [tilespmem:s11], [sflag:$0x7], $0x2000, $0x38;
	[tilespmem:$0x1A480] =	vst v63  }
0x43a: {  	s12 =	sld [smem:$0x7F7]  }
0x43b: {  	[hbm4b:s13+s10] =	stream.linear.scatter @p6 [tilespmem:s11], [sflag:$0x7], $0x2000, $0x38;
	[tilespmem:$0x1A480] =	vst v63  }
0x43c: {  	_ = 	snop  }
0x43d: {  	[hbm4b:s12+s10] =	stream.linear.scatter @p6 [tilespmem:s11], [sflag:$0x7], $0x2000, $0x38;
	[tilespmem:$0x1A480] =	vst v63  }
0x43e: {  	s10 =	simm.s32 @!p1 $0x2  }
0x43f: {  	_ =	swait.ge @!p1 [sflag:s10], $0x8000  }
0x440: {  	s11 =	sld [smem:$0x7FD]  }
0x441: {  	s12 =	simm.s32 @!p1 $0x8480;
	[sflag:s10] =	ssyncset.done @!p1 $0x0  }
0x442: {  	s13 =	sld [smem:$0x7F9];
	[sflag:s10] =	ssyncadd.s32 @!p1 $0xFFFF8000;
	s10 =	simm.s32 @!p1 $0x0  }
0x443: {  	[hbm4b:s11+s10] =	stream.linear.scatter @!p1 [tilespmem:s12], [sflag:$0x5], $0x8000, $0x38;
	[tilespmem:$0x1A480] =	vst v63  }
0x444: {  	s10 =	simm.s32 @p1 $0x0;
	s11 =	simm.s32 @p1 $0x18480;
	s12 =	sld [smem:$0x7FA]  }
0x445: {  	[hbm4b:s13+s10] =	stream.linear.scatter @p1 [tilespmem:s11], [sflag:$0x7], $0x2000, $0x38;
	[tilespmem:$0x1A480] =	vst v63  }
0x446: {  	s13 =	sld [smem:$0x7FB]  }
0x447: {  	[hbm4b:s12+s10] =	stream.linear.scatter @p1 [tilespmem:s11], [sflag:$0x7], $0x2000, $0x38;
	[tilespmem:$0x1A480] =	vst v63  }
0x448: {  	s12 =	sld [smem:$0x7FC]  }
0x449: {  	[hbm4b:s13+s10] =	stream.linear.scatter @p1 [tilespmem:s11], [sflag:$0x7], $0x2000, $0x38;
	[tilespmem:$0x1A480] =	vst v63  }
0x44a: {  	_ = 	snop  }
0x44b: {  	[hbm4b:s12+s10] =	stream.linear.scatter @p1 [tilespmem:s11], [sflag:$0x7], $0x2000, $0x38;
	[tilespmem:$0x1A480] =	vst v63  }
0x44c: {  	s10 =	simm.s32 @!p5 $0x6  }
0x44d: {  	_ =	swait.ge @!p5 [sflag:s10], $0x8000  }
0x44e: {  	[sflag:s10] =	ssyncset.done @!p5 $0x0  }
0x44f: {  	[sflag:s10] =	ssyncadd.s32 @!p5 $0xFFFF8000;
	s10 =	simm.s32 @!p6 $0x4  }
0x450: {  	_ =	swait.ge @!p6 [sflag:s10], $0x8000  }
0x451: {  	[sflag:s10] =	ssyncset.done @!p6 $0x0  }
0x452: {  	[sflag:s10] =	ssyncadd.s32 @!p6 $0xFFFF8000;
	s10 =	simm.s32 @!p1 $0x5  }
0x453: {  	_ =	swait.ge @!p1 [sflag:s10], $0x8000  }
0x454: {  	s29 =	sld [smem:$0x7E7];
	_ =	sdelay $0x2  }
0x455: {  	[sflag:s10] =	ssyncset.done @!p1 $0x0;
	p0 =	seq.s32 s29, $0x1  }
0x456: {  	[sflag:s10] =	ssyncadd.s32 @!p1 $0xFFFF8000;
	s10 =	simm.s32 @p0 $0x7  }
0x457: {  	_ =	swait.ge @p0 [sflag:s10], $0x2000  }
0x458: {  	[sflag:s10] =	ssyncset.done @p0 $0x0  }
0x459: {  	[sflag:s10] =	ssyncadd.s32 @p0 $0xFFFFE000  }
0x45a: {  	_ =	swait.ge @p0 [sflag:s10], $0x2000  }
0x45b: {  	[sflag:s10] =	ssyncset.done @p0 $0x0  }
0x45c: {  	[sflag:s10] =	ssyncadd.s32 @p0 $0xFFFFE000  }
0x45d: {  	_ =	swait.ge @p0 [sflag:s10], $0x2000  }
0x45e: {  	[sflag:s10] =	ssyncset.done @p0 $0x0  }
0x45f: {  	[sflag:s10] =	ssyncadd.s32 @p0 $0xFFFFE000  }
0x460: {  	_ =	swait.ge @p0 [sflag:s10], $0x2000  }
0x461: {  	s30 =	sld [smem:$0x7E8];
	_ =	sdelay $0x1  }
0x462: {  	[sflag:s10] =	ssyncset.done @p0 $0x0  }
0x463: {  	[sflag:s10] =	ssyncadd.s32 @p0 $0xFFFFE000;
	p0 =	seq.s32 s30, $0x1  }
0x464: {  	s10 =	simm.s32 @p0 $0x7  }
0x465: {  	_ =	swait.ge @p0 [sflag:s10], $0x2000  }
0x466: {  	[sflag:s10] =	ssyncset.done @p0 $0x0  }
0x467: {  	[sflag:s10] =	ssyncadd.s32 @p0 $0xFFFFE000  }
0x468: {  	_ =	swait.ge @p0 [sflag:s10], $0x2000  }
0x469: {  	[sflag:s10] =	ssyncset.done @p0 $0x0  }
0x46a: {  	[sflag:s10] =	ssyncadd.s32 @p0 $0xFFFFE000  }
0x46b: {  	_ =	swait.ge @p0 [sflag:s10], $0x2000  }
0x46c: {  	[sflag:s10] =	ssyncset.done @p0 $0x0  }
0x46d: {  	[sflag:s10] =	ssyncadd.s32 @p0 $0xFFFFE000  }
0x46e: {  	_ =	swait.ge @p0 [sflag:s10], $0x2000  }
0x46f: {  	s31 =	sld [smem:$0x7E9];
	_ =	sdelay $0x1  }
0x470: {  	[sflag:s10] =	ssyncset.done @p0 $0x0  }
0x471: {  	[sflag:s10] =	ssyncadd.s32 @p0 $0xFFFFE000;
	p0 =	seq.s32 s31, $0x1  }
0x472: {  	s10 =	simm.s32 @p0 $0x7  }
0x473: {  	_ =	swait.ge @p0 [sflag:s10], $0x2000  }
0x474: {  	[sflag:s10] =	ssyncset.done @p0 $0x0  }
0x475: {  	[sflag:s10] =	ssyncadd.s32 @p0 $0xFFFFE000  }
0x476: {  	_ =	swait.ge @p0 [sflag:s10], $0x2000  }
0x477: {  	[sflag:s10] =	ssyncset.done @p0 $0x0  }
0x478: {  	[sflag:s10] =	ssyncadd.s32 @p0 $0xFFFFE000  }
0x479: {  	_ =	swait.ge @p0 [sflag:s10], $0x2000  }
0x47a: {  	[sflag:s10] =	ssyncset.done @p0 $0x0  }
0x47b: {  	[sflag:s10] =	ssyncadd.s32 @p0 $0xFFFFE000  }
0x47c: {  	_ =	swait.ge @p0 [sflag:s10], $0x2000  }
0x47d: {  	[sflag:s10] =	ssyncset.done @p0 $0x0  }
0x47e: {  	[sflag:s10] =	ssyncadd.s32 @p0 $0xFFFFE000;
	s10 =	simm.s32 @p3 $0x7  }
0x47f: {  	_ =	swait.ge @p3 [sflag:s10], $0x2000  }
0x480: {  	[sflag:s10] =	ssyncset.done @p3 $0x0  }
0x481: {  	[sflag:s10] =	ssyncadd.s32 @p3 $0xFFFFE000  }
0x482: {  	_ =	swait.ge @p3 [sflag:s10], $0x2000  }
0x483: {  	[sflag:s10] =	ssyncset.done @p3 $0x0  }
0x484: {  	[sflag:s10] =	ssyncadd.s32 @p3 $0xFFFFE000  }
0x485: {  	_ =	swait.ge @p3 [sflag:s10], $0x2000  }
0x486: {  	[sflag:s10] =	ssyncset.done @p3 $0x0  }
0x487: {  	[sflag:s10] =	ssyncadd.s32 @p3 $0xFFFFE000  }
0x488: {  	_ =	swait.ge @p3 [sflag:s10], $0x2000  }
0x489: {  	[sflag:s10] =	ssyncset.done @p3 $0x0  }
0x48a: {  	[sflag:s10] =	ssyncadd.s32 @p3 $0xFFFFE000;
	s10 =	simm.s32 @p4 $0x7  }
0x48b: {  	_ =	swait.ge @p4 [sflag:s10], $0x2000  }
0x48c: {  	[sflag:s10] =	ssyncset.done @p4 $0x0  }
0x48d: {  	[sflag:s10] =	ssyncadd.s32 @p4 $0xFFFFE000  }
0x48e: {  	_ =	swait.ge @p4 [sflag:s10], $0x2000  }
0x48f: {  	[sflag:s10] =	ssyncset.done @p4 $0x0  }
0x490: {  	[sflag:s10] =	ssyncadd.s32 @p4 $0xFFFFE000  }
0x491: {  	_ =	swait.ge @p4 [sflag:s10], $0x2000  }
0x492: {  	[sflag:s10] =	ssyncset.done @p4 $0x0  }
0x493: {  	[sflag:s10] =	ssyncadd.s32 @p4 $0xFFFFE000  }
0x494: {  	_ =	swait.ge @p4 [sflag:s10], $0x2000  }
0x495: {  	[sflag:s10] =	ssyncset.done @p4 $0x0  }
0x496: {  	[sflag:s10] =	ssyncadd.s32 @p4 $0xFFFFE000;
	s10 =	simm.s32 @p5 $0x7  }
0x497: {  	_ =	swait.ge @p5 [sflag:s10], $0x2000  }
0x498: {  	[sflag:s10] =	ssyncset.done @p5 $0x0  }
0x499: {  	[sflag:s10] =	ssyncadd.s32 @p5 $0xFFFFE000  }
0x49a: {  	_ =	swait.ge @p5 [sflag:s10], $0x2000  }
0x49b: {  	[sflag:s10] =	ssyncset.done @p5 $0x0  }
0x49c: {  	[sflag:s10] =	ssyncadd.s32 @p5 $0xFFFFE000  }
0x49d: {  	_ =	swait.ge @p5 [sflag:s10], $0x2000  }
0x49e: {  	[sflag:s10] =	ssyncset.done @p5 $0x0  }
0x49f: {  	[sflag:s10] =	ssyncadd.s32 @p5 $0xFFFFE000  }
0x4a0: {  	_ =	swait.ge @p5 [sflag:s10], $0x2000  }
0x4a1: {  	[sflag:s10] =	ssyncset.done @p5 $0x0  }
0x4a2: {  	[sflag:s10] =	ssyncadd.s32 @p5 $0xFFFFE000;
	s10 =	simm.s32 @p6 $0x7  }
0x4a3: {  	_ =	swait.ge @p6 [sflag:s10], $0x2000  }
0x4a4: {  	[sflag:s10] =	ssyncset.done @p6 $0x0  }
0x4a5: {  	[sflag:s10] =	ssyncadd.s32 @p6 $0xFFFFE000  }
0x4a6: {  	_ =	swait.ge @p6 [sflag:s10], $0x2000  }
0x4a7: {  	[sflag:s10] =	ssyncset.done @p6 $0x0  }
0x4a8: {  	[sflag:s10] =	ssyncadd.s32 @p6 $0xFFFFE000  }
0x4a9: {  	_ =	swait.ge @p6 [sflag:s10], $0x2000  }
0x4aa: {  	[sflag:s10] =	ssyncset.done @p6 $0x0  }
0x4ab: {  	[sflag:s10] =	ssyncadd.s32 @p6 $0xFFFFE000  }
0x4ac: {  	_ =	swait.ge @p6 [sflag:s10], $0x2000  }
0x4ad: {  	[sflag:s10] =	ssyncset.done @p6 $0x0  }
0x4ae: {  	[sflag:s10] =	ssyncadd.s32 @p6 $0xFFFFE000;
	s10 =	simm.s32 @p1 $0x7  }
0x4af: {  	_ =	swait.ge @p1 [sflag:s10], $0x2000  }
0x4b0: {  	[sflag:s10] =	ssyncset.done @p1 $0x0  }
0x4b1: {  	[sflag:s10] =	ssyncadd.s32 @p1 $0xFFFFE000  }
0x4b2: {  	_ =	swait.ge @p1 [sflag:s10], $0x2000  }
0x4b3: {  	[sflag:s10] =	ssyncset.done @p1 $0x0  }
0x4b4: {  	s8 =	sadd.s32 $0xFFFFFFFF, s8;
	[sflag:s10] =	ssyncadd.s32 @p1 $0xFFFFE000  }
0x4b5: {  	p0 =	sne.s32 s8, $0x0;
	_ =	swait.ge @p1 [sflag:s10], $0x2000  }
.Ltmp0:
0x4b6: {  	[sflag:s10] =	ssyncset.done @p1 $0x0;
	(pc) =	sbr.rel @p0 .LBB2_1-.Ltmp0, $4  }
0x4b7: {  	[sflag:s10] =	ssyncadd.s32 @p1 $0xFFFFE000  }
0x4b8: {  	_ =	swait.ge @p1 [sflag:s10], $0x2000  }
0x4b9: {  	[sflag:s10] =	ssyncset.done @p1 $0x0  }
0x4ba: {  	[sflag:s10] =	ssyncadd.s32 @p1 $0xFFFFE000  }
0x4bb: {  	_ =	sfence.sel $0x180000  }
0x4bc: {  	[bflag:$0x0] =	sbarrier.arrive $0xFFFF  }
0x4bd: {  	p0 =	sne.s32 s1, $0x0;
	_ =	strace $0x90000047  }
0x4be: {  	s0 =	sadd.s32 @!p0 $0x100000, s0;
	[bflag:$0x2] =	sbarrier.arrive $0xFFFF  }
0x4bf: {  	[sflag:s0] =	ssyncadd.tile.s32 @!p0 $0x1;
	_ =	shalt  }
.Lfunc_end2:
_tile_overlayer_lowered:
.L_overlay_start_2:
0x4c0: {  	(tag) =	ssettag $0x2  }
0x4c1: {  	s0 =	rddreg [dreg:$0x0];
	s2 =	stileid.u32  }
0x4c2: {  	s1 =	rddreg [dreg:$0x1];
	p0 =	sne.s32 s2, $0x0  }
0x4c3: {  	s3 =	rddreg [dreg:$0x2];
	[bflag:$0x3] =	sbarrier.arrive $0xFFFF;
	s2 =	simm.s32 @!p0 $0x1C08  }
0x4c4: {  	[timem:s3], [sflag:s2] =	dma.local @!p0 [hbm:s0], s1  }
0x4c5: {  	s0 =	simm.s32 @!p0 $0x8  }
0x4c6: {  	_ =	swait.ge @!p0 [sflag:s0], s1  }
0x4c7: {  	s1 =	ssub.s32 @!p0 $0x0, s1;
	[sflag:s0] =	ssyncset.done @!p0 $0x0  }
0x4c8: {  	[sflag:s0] =	ssyncadd.s32 @!p0 s1  }
0x4c9: {  	[bflag:$0x3] =	sbarrier.arrive $0xFFFF  }
0x4ca: {  	_ =	shalt  }

</sc_bundles>
